<compile_context>
chip_gen: v7x
topology: tpu7x:2x2x1
jax: 0.10.2.dev20260603
libtpu: 0.0.44.dev20260713+nightly
codegen_flags: <defaults>
</compile_context>

<pallas_src>
import functools

import jax
import jax.numpy as jnp
from jax import lax
from jax.experimental import pallas as pl
from jax.experimental.pallas import tpu as pltpu
from jax.experimental.pallas import tpu_sc as plsc

N_NODES = 10000
N_EDGES = 320000
CH = 128
NPAD = 10240
NC, NS = 2, 16
EPT = N_EDGES // (NC * NS)
EPS = N_EDGES // NS
DEG_CHUNK = 2000
AGG_CHUNK = 128
EPT_PAD = 10240
ROWS_PER_TILE = NPAD // NS
OUT_CHUNK = 64

_mesh = plsc.VectorSubcoreMesh(core_axis_name="c", subcore_axis_name="s")


XROWS = NPAD // (NC * NS)
NHC = EPS // DEG_CHUNK


@functools.partial(
    pl.kernel,
    out_type=(jax.ShapeDtypeStruct((NPAD,), jnp.float32),
              jax.ShapeDtypeStruct((NPAD, CH), jnp.float32)),
    mesh=_mesh,
    scratch_types=[
        pltpu.VMEM((DEG_CHUNK,), jnp.int32),
        pltpu.VMEM((DEG_CHUNK,), jnp.int32),
        pltpu.VMEM((NPAD,), jnp.float32),
        pltpu.VMEM_SHARED((NS, NPAD), jnp.float32),
        pltpu.VMEM((ROWS_PER_TILE,), jnp.float32),
        pltpu.VMEM((ROWS_PER_TILE,), jnp.float32),
        pltpu.VMEM((ROWS_PER_TILE,), jnp.float32),
        pltpu.VMEM((XROWS, CH), jnp.float32),
        pltpu.SemaphoreType.DMA,
        pltpu.SemaphoreType.DMA,
        pltpu.SemaphoreType.DMA,
        pltpu.SemaphoreType.DMA,
        pltpu.SemaphoreType.DMA,
    ],
    compiler_params=pltpu.CompilerParams(needs_layout_passes=False),
)
def _dinv_kernel(dst_hbm, x_hbm, dinv_hbm, xs_hbm,
                 dst0, dst1, hist_v, hist_sh, acc_v, tmp0, tmp1, xrow_v,
                 hsem0, hsem1, rsem0, rsem1, xsem):
    c = lax.axis_index("c")
    s = lax.axis_index("s")
    zeros = jnp.zeros((16,), jnp.float32)
    ones = jnp.ones((16,), jnp.float32)
    base = s * ROWS_PER_TILE
    rbase = base + c * XROWS

    pltpu.async_copy(x_hbm.at[pl.ds(rbase, XROWS)], xrow_v, xsem)

    def _hstart(k, buf, sem):
        pltpu.async_copy(
            dst_hbm.at[pl.ds(s * EPS + k * DEG_CHUNK, DEG_CHUNK)], buf, sem)

    def _hwait(buf, sem):
        pltpu.make_async_copy(dst_hbm.at[pl.ds(0, DEG_CHUNK)], buf, sem).wait()

    _hstart(0, dst0, hsem0)
    _hstart(1, dst1, hsem1)

    def _zero_hist(i, carry):
        for u in range(8):
            hist_v[pl.ds((i * 8 + u) * 16, 16)] = zeros
        return carry

    lax.fori_loop(0, NPAD // 128, _zero_hist, 0)

    def _hbody(buf):
        def _grp(j, carry2):
            for u in range(5):
                idx = buf[pl.ds((j * 5 + u) * 16, 16)]
                plsc.addupdate_scatter(hist_v, [idx], ones)
            return carry2
        lax.fori_loop(0, DEG_CHUNK // 80, _grp, 0)

    def _hpair(h, carry):
        k = 2 * h
        _hwait(dst0, hsem0)
        _hbody(dst0)
        _hstart(k + 2, dst0, hsem0)
        _hwait(dst1, hsem1)
        _hbody(dst1)
        _hstart(k + 3, dst1, hsem1)
        return carry

    lax.fori_loop(0, NHC // 2 - 1, _hpair, 0)
    _hwait(dst0, hsem0)
    _hbody(dst0)
    _hwait(dst1, hsem1)
    _hbody(dst1)

    pltpu.sync_copy(hist_v, hist_sh.at[s])
    plsc.subcore_barrier()

    def _rstart(a, buf, sem):
        pltpu.async_copy(hist_sh.at[a, pl.ds(base, ROWS_PER_TILE)], buf, sem)

    def _rwait(buf, sem):
        pltpu.make_async_copy(
            hist_sh.at[0, pl.ds(base, ROWS_PER_TILE)], buf, sem).wait()

    _rstart(0, tmp0, rsem0)
    _rstart(1, tmp1, rsem1)

    def _zero_acc(i, carry):
        for u in range(8):
            acc_v[pl.ds((i * 8 + u) * 16, 16)] = zeros
        return carry

    lax.fori_loop(0, ROWS_PER_TILE // 128, _zero_acc, 0)

    def _radd(buf):
        def _addv(i, carry2):
            for u in range(5):
                o = (i * 5 + u) * 16
                acc_v[pl.ds(o, 16)] = acc_v[pl.ds(o, 16)] + buf[pl.ds(o, 16)]
            return carry2
        lax.fori_loop(0, ROWS_PER_TILE // 80, _addv, 0)

    def _rpair(h, carry):
        a = 2 * h
        _rwait(tmp0, rsem0)
        _radd(tmp0)
        _rstart(a + 2, tmp0, rsem0)
        _rwait(tmp1, rsem1)
        _radd(tmp1)
        _rstart(a + 3, tmp1, rsem1)
        return carry

    lax.fori_loop(0, NS // 2 - 1, _rpair, 0)
    _rwait(tmp0, rsem0)
    _radd(tmp0)
    _rwait(tmp1, rsem1)
    _radd(tmp1)

    def _newton(i, carry):
        d = acc_v[pl.ds(i * 16, 16)] + 1.0
        half = 0.5 * d
        y = plsc.bitcast(
            jnp.int32(0x5F3759DF) - (plsc.bitcast(d, jnp.int32) >> 1), jnp.float32)
        y = y * (1.5 - half * y * y)
        y = y * (1.5 - half * y * y)
        y = y * (1.5 - half * y * y)
        acc_v[pl.ds(i * 16, 16)] = y
        return carry

    lax.fori_loop(0, ROWS_PER_TILE // 16, _newton, 0)

    @pl.when(c == 0)
    def _write():
        pltpu.sync_copy(acc_v, dinv_hbm.at[pl.ds(base, ROWS_PER_TILE)])

    pltpu.make_async_copy(x_hbm.at[pl.ds(rbase, XROWS)], xrow_v, xsem).wait()

    def _scale(r, carry):
        dv = plsc.load_gather(
            acc_v, [jnp.full((16,), c * XROWS + r, dtype=jnp.int32)])
        for q in range(CH // 16):
            xrow_v[r, pl.ds(q * 16, 16)] = xrow_v[r, pl.ds(q * 16, 16)] * dv
        return carry

    lax.fori_loop(0, XROWS, _scale, 0)
    pltpu.sync_copy(xrow_v, xs_hbm.at[pl.ds(rbase, XROWS)])


NCHUNK = EPT_PAD // AGG_CHUNK
HALF = AGG_CHUNK // 2


@functools.partial(
    pl.kernel,
    out_type=jax.ShapeDtypeStruct((NC, NPAD, CH), jnp.float32),
    mesh=_mesh,
    scratch_types=[
        pltpu.VMEM((AGG_CHUNK,), jnp.int32),
        pltpu.VMEM((AGG_CHUNK,), jnp.int32),
        pltpu.VMEM((2, HALF), jnp.int32),
        pltpu.VMEM((2, HALF), jnp.int32),
        pltpu.VMEM((2, HALF), jnp.int32),
        pltpu.VMEM((2, HALF), jnp.int32),
        pltpu.VMEM((AGG_CHUNK, CH), jnp.float32),
        pltpu.VMEM((AGG_CHUNK, CH), jnp.float32),
        pltpu.VMEM_SHARED((NPAD, CH), jnp.float32),
        pltpu.VMEM((OUT_CHUNK, CH), jnp.float32),
        pltpu.SemaphoreType.DMA,
        pltpu.SemaphoreType.DMA,
        pltpu.SemaphoreType.DMA,
        pltpu.SemaphoreType.DMA,
        pltpu.SemaphoreType.DMA,
        pltpu.SemaphoreType.DMA,
    ],
    compiler_params=pltpu.CompilerParams(needs_layout_passes=False),
)
def _agg_kernel(src_hbm, dst_hbm, xs_hbm, out_hbm,
                si0, si1, d0, d1, d2, d3, r0, r1, acc_sh, buf_v,
                ia, ib, ga, gb, sa, sb):
    c = lax.axis_index("c")
    s = lax.axis_index("s")
    zeros = jnp.zeros((16,), jnp.float32)
    tid = c * NS + s
    tbase = tid * EPT_PAD
    si = [si0, si1]
    di = [d0, d1, d2, d3]
    rows = [r0, r1]
    isem = [ia, ib]
    gsem = [ga, gb]
    ssem = [sa, sb]

    def _start_i(g, sib, dib, sem):
        off = tbase + g * AGG_CHUNK
        pltpu.async_copy(src_hbm.at[pl.ds(off, AGG_CHUNK)], sib, sem)
        pltpu.async_copy(dst_hbm.at[pl.ds(off, HALF)], dib.at[0], sem)
        pltpu.async_copy(dst_hbm.at[pl.ds(off + HALF, HALF)], dib.at[1], sem)

    def _wait_i(sem):
        pltpu.make_async_copy(src_hbm.at[pl.ds(0, AGG_CHUNK)], si[0], sem).wait()
        pltpu.make_async_copy(dst_hbm.at[pl.ds(0, HALF)], di[0].at[0], sem).wait()
        pltpu.make_async_copy(dst_hbm.at[pl.ds(0, HALF)], di[0].at[1], sem).wait()

    def _start_g(sib, rb, sem):
        pltpu.async_copy(xs_hbm.at[sib], rb, sem)

    def _wait_g(rb, sem):
        pltpu.make_async_copy(xs_hbm.at[si0], rb, sem).wait()

    def _start_s(dib, rb, sem):
        pltpu.async_copy(rb.at[pl.ds(0, HALF)], acc_sh.at[dib.at[0]], sem, add=True)
        pltpu.async_copy(rb.at[pl.ds(HALF, HALF)], acc_sh.at[dib.at[1]], sem, add=True)

    def _wait_s(sem):
        for _ in range(2):
            pltpu.make_async_copy(
                rows[0].at[pl.ds(0, HALF)], acc_sh.at[di[0].at[0]], sem).wait()

    def _slot(g, u, do_c=True, do_d=True, do_ef=True):
        p = u % 2
        _wait_g(rows[p], gsem[p])
        _start_s(di[u], rows[p], ssem[p])
        if do_c:
            _wait_s(ssem[1 - p])
        if do_d:
            _start_i(g + 2, si[p], di[(u + 2) % 4], isem[p])
        if do_ef:
            _wait_i(isem[1 - p])
            _start_g(si[1 - p], rows[1 - p], gsem[1 - p])

    _start_i(0, si[0], di[0], isem[0])
    _start_i(1, si[1], di[1], isem[1])

    def _zero_buf(r, carry):
        def _q(q, carry2):
            buf_v[r, pl.ds(q * 16, 16)] = zeros
            return carry2
        lax.fori_loop(0, CH // 16, _q, 0)
        return carry

    lax.fori_loop(0, OUT_CHUNK, _zero_buf, 0)

    base = s * ROWS_PER_TILE
    for k in range(ROWS_PER_TILE // OUT_CHUNK):
        pltpu.sync_copy(buf_v, acc_sh.at[pl.ds(base + k * OUT_CHUNK, OUT_CHUNK)])

    _wait_i(isem[0])
    _start_g(si[0], rows[0], gsem[0])
    plsc.subcore_barrier()

    _slot(0, 0, do_c=False)

    def _body(h, carry):
        g = 4 * h + 1
        _slot(g, 1)
        _slot(g + 1, 2)
        _slot(g + 2, 3)
        _slot(g + 3, 0)
        return carry

    lax.fori_loop(0, (NCHUNK - 4) // 4, _body, 0)
    _slot(NCHUNK - 3, (NCHUNK - 3) % 4)
    _slot(NCHUNK - 2, (NCHUNK - 2) % 4, do_d=False)
    _slot(NCHUNK - 1, (NCHUNK - 1) % 4, do_c=True, do_d=False, do_ef=False)
    _wait_s(ssem[(NCHUNK - 1) % 2])
    plsc.subcore_barrier()

    for k in range(ROWS_PER_TILE // OUT_CHUNK):
        pltpu.sync_copy(acc_sh.at[pl.ds(base + k * OUT_CHUNK, OUT_CHUNK)], buf_v)
        pltpu.sync_copy(buf_v, out_hbm.at[c, pl.ds(base + k * OUT_CHUNK, OUT_CHUNK)])


def _final_body(p_ref, xs_ref, dinv_ref, w_ref, b_ref, o_ref):
    t = (p_ref[0] + p_ref[1] + xs_ref[...]) * dinv_ref[...]
    acc = jnp.dot(t, w_ref[...], preferred_element_type=jnp.float32)
    o_ref[...] = jnp.maximum(acc + b_ref[...], 0.0)


_ROWS_BLK = 400
_GRID = N_NODES // _ROWS_BLK


def kernel(x, edge_index, W, b):
    src = edge_index[0].astype(jnp.int32)
    dst = edge_index[1].astype(jnp.int32)
    x_pad = jnp.zeros((NPAD, CH), jnp.float32).at[:N_NODES].set(x)

    dinv, xs = _dinv_kernel(dst, x_pad)
    dinv2d = dinv.reshape(NPAD, 1)

    n_fill = NC * NS * EPT_PAD - N_EDGES
    fill = N_NODES + (jnp.arange(n_fill, dtype=jnp.int32) % (NPAD - N_NODES))
    src_p = jnp.concatenate([src, fill])
    dst_p = jnp.concatenate([dst, fill])
    p = _agg_kernel(src_p, dst_p, xs)

    out = pl.pallas_call(
        _final_body,
        grid=(_GRID,),
        in_specs=[
            pl.BlockSpec((NC, _ROWS_BLK, CH), lambda i: (0, i, 0)),
            pl.BlockSpec((_ROWS_BLK, CH), lambda i: (i, 0)),
            pl.BlockSpec((_ROWS_BLK, 1), lambda i: (i, 0)),
            pl.BlockSpec((CH, CH), lambda i: (0, 0)),
            pl.BlockSpec((1, CH), lambda i: (0, 0)),
        ],
        out_specs=pl.BlockSpec((_ROWS_BLK, CH), lambda i: (i, 0)),
        out_shape=jax.ShapeDtypeStruct((N_NODES, CH), jnp.float32),
    )(p, xs, dinv2d, W, b.reshape(1, CH))

    return out

# --- scband reference (transcript-rebuilt; emitter-appended) ---
"""Pipeline reference for scband-gnnlayer-16561393893518 (READ-ONLY COPY).

The authoritative reference and input builder live on the scoring server;
editing this copy changes nothing except your own understanding.
"""

import jax, jax.numpy as jnp
import numpy as np

N_NODES = 10000
N_EDGES = 320000
IN_CH = 128
OUT_CH = 128


def setup_inputs(seed: int = 0) -> dict:
    key = jax.random.key(seed)
    k1, k2, k3, k4 = jax.random.split(key, 4)
    x = jax.random.normal(k1, (N_NODES, IN_CH), dtype=jnp.float32)
    edge_index = jax.random.randint(k2, (2, N_EDGES), 0, N_NODES, dtype=jnp.int64)
    # GCNConv linear weight (in, out) and bias (out,)
    W = jax.random.normal(k3, (IN_CH, OUT_CH), dtype=jnp.float32) * (1.0 / np.sqrt(IN_CH))
    b = jnp.zeros((OUT_CH,), dtype=jnp.float32)
    return {"x": x, "edge_index": edge_index, "W": W, "b": b}


def reference(x, edge_index, W, b):
    # Faithful GCNConv (PyG defaults): add self-loops, symmetric normalization,
    # linear transform, scatter-add aggregation, bias, then outer ReLU (GNNLayer).
    N = x.shape[0]
    src = edge_index[0]
    dst = edge_index[1]
    loop = jnp.arange(N, dtype=edge_index.dtype)
    src = jnp.concatenate([src, loop])
    dst = jnp.concatenate([dst, loop])

    # degree computed on destination (col) with unit edge weights
    deg = jnp.zeros((N,), dtype=x.dtype).at[dst].add(1.0)
    deg_inv_sqrt = jnp.where(deg > 0, deg ** -0.5, 0.0)
    norm = deg_inv_sqrt[src] * deg_inv_sqrt[dst]

    h = x @ W  # linear transform first (standard GCNConv)
    msgs = h[src] * norm[:, None]  # gather + scale
    out = jax.ops.segment_sum(msgs, dst, num_segments=N)  # scatter-add
    out = out + b
    return jax.nn.relu(out)

if __name__ == "__main__":
    import jax
    _d = setup_inputs()
    print(jax.jit(kernel)(*tuple(_d.values())))

</pallas_src>

<mosaic_0001>
#map = affine_map<(d0, d1) -> (0)>
#map1 = affine_map<(d0, d1) -> (0, 0)>
module attributes {stable_mosaic.version = 14 : i64} {
  func.func @_dinv_kernel(%arg0: i32, %arg1: i32, %arg2: memref<320000xi32, #tpu.memory_space<hbm>>, %arg3: memref<10240x128xf32, #tpu.memory_space<hbm>>, %arg4: memref<10240xf32, #tpu.memory_space<hbm>>, %arg5: memref<10240x128xf32, #tpu.memory_space<hbm>>, %arg6: memref<2000xi32, #tpu.memory_space<vmem>>, %arg7: memref<2000xi32, #tpu.memory_space<vmem>>, %arg8: memref<10240xf32, #tpu.memory_space<vmem>>, %arg9: memref<16x10240xf32, #tpu.memory_space<vmem_shared>>, %arg10: memref<640xf32, #tpu.memory_space<vmem>>, %arg11: memref<640xf32, #tpu.memory_space<vmem>>, %arg12: memref<640xf32, #tpu.memory_space<vmem>>, %arg13: memref<320x128xf32, #tpu.memory_space<vmem>>, %arg14: memref<!tpu.dma_semaphore, #tpu.memory_space<semaphore_mem>>, %arg15: memref<!tpu.dma_semaphore, #tpu.memory_space<semaphore_mem>>, %arg16: memref<!tpu.dma_semaphore, #tpu.memory_space<semaphore_mem>>, %arg17: memref<!tpu.dma_semaphore, #tpu.memory_space<semaphore_mem>>, %arg18: memref<!tpu.dma_semaphore, #tpu.memory_space<semaphore_mem>>) attributes {dimension_semantics = [#tpu.dimension_semantics<core_parallel>, #tpu.dimension_semantics<subcore_parallel>], iteration_bounds = array<i64: 2, 16>, scalar_prefetch = 0 : i64, scratch_operands = 13 : i64, tpu.core_type = #tpu.core_type<sc_vector_subcore>, window_params = [{transform_indices = #map}, {transform_indices = #map1}, {transform_indices = #map}, {transform_indices = #map1}]} {
    %broadcast_in_dim3A = arith.constant 0.000000e+00 : f32
    %broadcast_in_dim3A_0 = vector.broadcast %broadcast_in_dim3A : f32 to vector<16xf32>
    %broadcast_in_dim3A_1 = arith.constant 1.000000e+00 : f32
    %broadcast_in_dim3A_2 = vector.broadcast %broadcast_in_dim3A_1 : f32 to vector<16xf32>
    %mul3A = arith.constant 640 : i32
    %mul3A_3 = arith.muli %arg1, %mul3A : i32
    %mul3A_4 = arith.constant 320 : i32
    %mul3A_5 = arith.muli %arg0, %mul3A_4 : i32
    %add3A = arith.addi %mul3A_3, %mul3A_5 : i32
    %dma_start3A = arith.constant 0 : i32
    %dma_start3A_6 = tpu.memref_slice %arg3[%add3A, %dma_start3A] : memref<10240x128xf32, #tpu.memory_space<hbm>> -> memref<320x128xf32, #tpu.memory_space<hbm>>
    %dma_start3A_7 = arith.constant 0 : i32
    %dma_start3A_8 = tpu.memref_slice %arg3[%add3A, %dma_start3A_7] : memref<10240x128xf32, #tpu.memory_space<hbm>> -> memref<320x128xf32, #tpu.memory_space<hbm>>
    tpu.enqueue_dma source(%dma_start3A_8 : memref<320x128xf32, #tpu.memory_space<hbm>>) target(%arg13 : memref<320x128xf32, #tpu.memory_space<vmem>>) target_semaphore(%arg18 : memref<!tpu.dma_semaphore, #tpu.memory_space<semaphore_mem>>)
    %mul3A_9 = arith.constant 20000 : i32
    %mul3A_10 = arith.muli %arg1, %mul3A_9 : i32
    %add3A_11 = arith.constant 0 : i32
    %add3A_12 = arith.addi %mul3A_10, %add3A_11 : i32
    %dma_start3A_13 = tpu.memref_slice %arg2[%add3A_12] : memref<320000xi32, #tpu.memory_space<hbm>> -> memref<2000xi32, #tpu.memory_space<hbm>>
    %dma_start3A_14 = tpu.memref_slice %arg2[%add3A_12] : memref<320000xi32, #tpu.memory_space<hbm>> -> memref<2000xi32, #tpu.memory_space<hbm>>
    tpu.enqueue_dma source(%dma_start3A_14 : memref<2000xi32, #tpu.memory_space<hbm>>) target(%arg6 : memref<2000xi32, #tpu.memory_space<vmem>>) target_semaphore(%arg14 : memref<!tpu.dma_semaphore, #tpu.memory_space<semaphore_mem>>)
    %mul3A_15 = arith.constant 20000 : i32
    %mul3A_16 = arith.muli %arg1, %mul3A_15 : i32
    %add3A_17 = arith.constant 2000 : i32
    %add3A_18 = arith.addi %mul3A_16, %add3A_17 : i32
    %dma_start3A_19 = tpu.memref_slice %arg2[%add3A_18] : memref<320000xi32, #tpu.memory_space<hbm>> -> memref<2000xi32, #tpu.memory_space<hbm>>
    %dma_start3A_20 = tpu.memref_slice %arg2[%add3A_18] : memref<320000xi32, #tpu.memory_space<hbm>> -> memref<2000xi32, #tpu.memory_space<hbm>>
    tpu.enqueue_dma source(%dma_start3A_20 : memref<2000xi32, #tpu.memory_space<hbm>>) target(%arg7 : memref<2000xi32, #tpu.memory_space<vmem>>) target_semaphore(%arg15 : memref<!tpu.dma_semaphore, #tpu.memory_space<semaphore_mem>>)
    %scan3A = arith.constant 0 : i32
    %scan3A_21 = arith.constant 0 : i32
    %scan3A_22 = arith.constant 80 : i32
    %scan3A_23 = arith.addi %scan3A_21, %scan3A_22 : i32
    %scan3A_24 = arith.constant 1 : i32
    scf.for %scan3A_113 = %scan3A_21 to %scan3A_23 step %scan3A_24  : i32 {
      %mul3A_114 = arith.constant 8 : i32
      %mul3A_115 = arith.muli %scan3A_113, %mul3A_114 : i32
      %add3A_116 = arith.constant 0 : i32
      %add3A_117 = arith.addi %mul3A_115, %add3A_116 : i32
      %mul3A_118 = arith.constant 16 : i32
      %mul3A_119 = arith.muli %add3A_117, %mul3A_118 : i32
      %swap3A = arith.index_cast %mul3A_119 : i32 to index
      %swap3A_120 = tpu.vector_load %arg8[%swap3A] {strides = array<i32>} : memref<10240xf32, #tpu.memory_space<vmem>>, vector<16xf32>,
      tpu.vector_store %arg8[%swap3A], %broadcast_in_dim3A_0 {strides = array<i32>} : memref<10240xf32, #tpu.memory_space<vmem>>, vector<16xf32>,
      %mul3A_121 = arith.constant 8 : i32
      %mul3A_122 = arith.muli %scan3A_113, %mul3A_121 : i32
      %add3A_123 = arith.constant 1 : i32
      %add3A_124 = arith.addi %mul3A_122, %add3A_123 : i32
      %mul3A_125 = arith.constant 16 : i32
      %mul3A_126 = arith.muli %add3A_124, %mul3A_125 : i32
      %swap3A_127 = arith.index_cast %mul3A_126 : i32 to index
      %swap3A_128 = tpu.vector_load %arg8[%swap3A_127] {strides = array<i32>} : memref<10240xf32, #tpu.memory_space<vmem>>, vector<16xf32>,
      tpu.vector_store %arg8[%swap3A_127], %broadcast_in_dim3A_0 {strides = array<i32>} : memref<10240xf32, #tpu.memory_space<vmem>>, vector<16xf32>,
      %mul3A_129 = arith.constant 8 : i32
      %mul3A_130 = arith.muli %scan3A_113, %mul3A_129 : i32
      %add3A_131 = arith.constant 2 : i32
      %add3A_132 = arith.addi %mul3A_130, %add3A_131 : i32
      %mul3A_133 = arith.constant 16 : i32
      %mul3A_134 = arith.muli %add3A_132, %mul3A_133 : i32
      %swap3A_135 = arith.index_cast %mul3A_134 : i32 to index
      %swap3A_136 = tpu.vector_load %arg8[%swap3A_135] {strides = array<i32>} : memref<10240xf32, #tpu.memory_space<vmem>>, vector<16xf32>,
      tpu.vector_store %arg8[%swap3A_135], %broadcast_in_dim3A_0 {strides = array<i32>} : memref<10240xf32, #tpu.memory_space<vmem>>, vector<16xf32>,
      %mul3A_137 = arith.constant 8 : i32
      %mul3A_138 = arith.muli %scan3A_113, %mul3A_137 : i32
      %add3A_139 = arith.constant 3 : i32
      %add3A_140 = arith.addi %mul3A_138, %add3A_139 : i32
      %mul3A_141 = arith.constant 16 : i32
      %mul3A_142 = arith.muli %add3A_140, %mul3A_141 : i32
      %swap3A_143 = arith.index_cast %mul3A_142 : i32 to index
      %swap3A_144 = tpu.vector_load %arg8[%swap3A_143] {strides = array<i32>} : memref<10240xf32, #tpu.memory_space<vmem>>, vector<16xf32>,
      tpu.vector_store %arg8[%swap3A_143], %broadcast_in_dim3A_0 {strides = array<i32>} : memref<10240xf32, #tpu.memory_space<vmem>>, vector<16xf32>,
      %mul3A_145 = arith.constant 8 : i32
      %mul3A_146 = arith.muli %scan3A_113, %mul3A_145 : i32
      %add3A_147 = arith.constant 4 : i32
      %add3A_148 = arith.addi %mul3A_146, %add3A_147 : i32
      %mul3A_149 = arith.constant 16 : i32
      %mul3A_150 = arith.muli %add3A_148, %mul3A_149 : i32
      %swap3A_151 = arith.index_cast %mul3A_150 : i32 to index
      %swap3A_152 = tpu.vector_load %arg8[%swap3A_151] {strides = array<i32>} : memref<10240xf32, #tpu.memory_space<vmem>>, vector<16xf32>,
      tpu.vector_store %arg8[%swap3A_151], %broadcast_in_dim3A_0 {strides = array<i32>} : memref<10240xf32, #tpu.memory_space<vmem>>, vector<16xf32>,
      %mul3A_153 = arith.constant 8 : i32
      %mul3A_154 = arith.muli %scan3A_113, %mul3A_153 : i32
      %add3A_155 = arith.constant 5 : i32
      %add3A_156 = arith.addi %mul3A_154, %add3A_155 : i32
      %mul3A_157 = arith.constant 16 : i32
      %mul3A_158 = arith.muli %add3A_156, %mul3A_157 : i32
      %swap3A_159 = arith.index_cast %mul3A_158 : i32 to index
      %swap3A_160 = tpu.vector_load %arg8[%swap3A_159] {strides = array<i32>} : memref<10240xf32, #tpu.memory_space<vmem>>, vector<16xf32>,
      tpu.vector_store %arg8[%swap3A_159], %broadcast_in_dim3A_0 {strides = array<i32>} : memref<10240xf32, #tpu.memory_space<vmem>>, vector<16xf32>,
      %mul3A_161 = arith.constant 8 : i32
      %mul3A_162 = arith.muli %scan3A_113, %mul3A_161 : i32
      %add3A_163 = arith.constant 6 : i32
      %add3A_164 = arith.addi %mul3A_162, %add3A_163 : i32
      %mul3A_165 = arith.constant 16 : i32
      %mul3A_166 = arith.muli %add3A_164, %mul3A_165 : i32
      %swap3A_167 = arith.index_cast %mul3A_166 : i32 to index
      %swap3A_168 = tpu.vector_load %arg8[%swap3A_167] {strides = array<i32>} : memref<10240xf32, #tpu.memory_space<vmem>>, vector<16xf32>,
      tpu.vector_store %arg8[%swap3A_167], %broadcast_in_dim3A_0 {strides = array<i32>} : memref<10240xf32, #tpu.memory_space<vmem>>, vector<16xf32>,
      %mul3A_169 = arith.constant 8 : i32
      %mul3A_170 = arith.muli %scan3A_113, %mul3A_169 : i32
      %add3A_171 = arith.constant 7 : i32
      %add3A_172 = arith.addi %mul3A_170, %add3A_171 : i32
      %mul3A_173 = arith.constant 16 : i32
      %mul3A_174 = arith.muli %add3A_172, %mul3A_173 : i32
      %swap3A_175 = arith.index_cast %mul3A_174 : i32 to index
      %swap3A_176 = tpu.vector_load %arg8[%swap3A_175] {strides = array<i32>} : memref<10240xf32, #tpu.memory_space<vmem>>, vector<16xf32>,
      tpu.vector_store %arg8[%swap3A_175], %broadcast_in_dim3A_0 {strides = array<i32>} : memref<10240xf32, #tpu.memory_space<vmem>>, vector<16xf32>,
    }
    %scan3A_25 = arith.constant 80 : i32
    %scan3A_26 = arith.constant 0 : i32
    %scan3A_27 = arith.constant 0 : i32
    %scan3A_28 = arith.constant 4 : i32
    %scan3A_29 = arith.addi %scan3A_27, %scan3A_28 : i32
    %scan3A_30 = arith.constant 1 : i32
    scf.for %scan3A_113 = %scan3A_27 to %scan3A_29 step %scan3A_30  : i32 {
      %mul3A_114 = arith.constant 2 : i32
      %mul3A_115 = arith.muli %mul3A_114, %scan3A_113 : i32
      %dma_wait3A_116 = arith.constant 0 : i32
      %dma_wait3A_117 = tpu.memref_slice %arg2[%dma_wait3A_116] : memref<320000xi32, #tpu.memory_space<hbm>> -> memref<2000xi32, #tpu.memory_space<hbm>>
      %dma_wait3A_118 = arith.constant 0 : i32
      %dma_wait3A_119 = tpu.memref_slice %arg2[%dma_wait3A_118] : memref<320000xi32, #tpu.memory_space<hbm>> -> memref<2000xi32, #tpu.memory_space<hbm>>
      tpu.wait_dma2 semaphore(%arg14 : memref<!tpu.dma_semaphore, #tpu.memory_space<semaphore_mem>>) src(%dma_wait3A_119 : memref<2000xi32, #tpu.memory_space<hbm>>) dst(%arg6 : memref<2000xi32, #tpu.memory_space<vmem>>)
      %scan3A_120 = arith.constant 0 : i32
      %scan3A_121 = arith.constant 0 : i32
      %scan3A_122 = arith.constant 25 : i32
      %scan3A_123 = arith.addi %scan3A_121, %scan3A_122 : i32
      %scan3A_124 = arith.constant 1 : i32
      scf.for %scan3A_154 = %scan3A_121 to %scan3A_123 step %scan3A_124  : i32 {
        %mul3A_155 = arith.constant 5 : i32
        %mul3A_156 = arith.muli %scan3A_154, %mul3A_155 : i32
        %add3A_157 = arith.constant 0 : i32
        %add3A_158 = arith.addi %mul3A_156, %add3A_157 : i32
        %mul3A_159 = arith.constant 16 : i32
        %mul3A_160 = arith.muli %add3A_158, %mul3A_159 : i32
        %get3A = arith.index_cast %mul3A_160 : i32 to index
        %get3A_161 = tpu.vector_load %arg6[%get3A] {strides = array<i32>} : memref<2000xi32, #tpu.memory_space<vmem>>, vector<16xi32>,
        tpu.vector_store_idx %arg8[%get3A_161], %broadcast_in_dim3A_2 {add = true} : memref<10240xf32, #tpu.memory_space<vmem>>[vector<16xi32>], vector<16xf32>,
        %mul3A_162 = arith.constant 5 : i32
        %mul3A_163 = arith.muli %scan3A_154, %mul3A_162 : i32
        %add3A_164 = arith.constant 1 : i32
        %add3A_165 = arith.addi %mul3A_163, %add3A_164 : i32
        %mul3A_166 = arith.constant 16 : i32
        %mul3A_167 = arith.muli %add3A_165, %mul3A_166 : i32
        %get3A_168 = arith.index_cast %mul3A_167 : i32 to index
        %get3A_169 = tpu.vector_load %arg6[%get3A_168] {strides = array<i32>} : memref<2000xi32, #tpu.memory_space<vmem>>, vector<16xi32>,
        tpu.vector_store_idx %arg8[%get3A_169], %broadcast_in_dim3A_2 {add = true} : memref<10240xf32, #tpu.memory_space<vmem>>[vector<16xi32>], vector<16xf32>,
        %mul3A_170 = arith.constant 5 : i32
        %mul3A_171 = arith.muli %scan3A_154, %mul3A_170 : i32
        %add3A_172 = arith.constant 2 : i32
        %add3A_173 = arith.addi %mul3A_171, %add3A_172 : i32
        %mul3A_174 = arith.constant 16 : i32
        %mul3A_175 = arith.muli %add3A_173, %mul3A_174 : i32
        %get3A_176 = arith.index_cast %mul3A_175 : i32 to index
        %get3A_177 = tpu.vector_load %arg6[%get3A_176] {strides = array<i32>} : memref<2000xi32, #tpu.memory_space<vmem>>, vector<16xi32>,
        tpu.vector_store_idx %arg8[%get3A_177], %broadcast_in_dim3A_2 {add = true} : memref<10240xf32, #tpu.memory_space<vmem>>[vector<16xi32>], vector<16xf32>,
        %mul3A_178 = arith.constant 5 : i32
        %mul3A_179 = arith.muli %scan3A_154, %mul3A_178 : i32
        %add3A_180 = arith.constant 3 : i32
        %add3A_181 = arith.addi %mul3A_179, %add3A_180 : i32
        %mul3A_182 = arith.constant 16 : i32
        %mul3A_183 = arith.muli %add3A_181, %mul3A_182 : i32
        %get3A_184 = arith.index_cast %mul3A_183 : i32 to index
        %get3A_185 = tpu.vector_load %arg6[%get3A_184] {strides = array<i32>} : memref<2000xi32, #tpu.memory_space<vmem>>, vector<16xi32>,
        tpu.vector_store_idx %arg8[%get3A_185], %broadcast_in_dim3A_2 {add = true} : memref<10240xf32, #tpu.memory_space<vmem>>[vector<16xi32>], vector<16xf32>,
        %mul3A_186 = arith.constant 5 : i32
        %mul3A_187 = arith.muli %scan3A_154, %mul3A_186 : i32
        %add3A_188 = arith.constant 4 : i32
        %add3A_189 = arith.addi %mul3A_187, %add3A_188 : i32
        %mul3A_190 = arith.constant 16 : i32
        %mul3A_191 = arith.muli %add3A_189, %mul3A_190 : i32
        %get3A_192 = arith.index_cast %mul3A_191 : i32 to index
        %get3A_193 = tpu.vector_load %arg6[%get3A_192] {strides = array<i32>} : memref<2000xi32, #tpu.memory_space<vmem>>, vector<16xi32>,
        tpu.vector_store_idx %arg8[%get3A_193], %broadcast_in_dim3A_2 {add = true} : memref<10240xf32, #tpu.memory_space<vmem>>[vector<16xi32>], vector<16xf32>,
      }
      %scan3A_125 = arith.constant 25 : i32
      %add3A_126 = arith.constant 2 : i32
      %add3A_127 = arith.addi %mul3A_115, %add3A_126 : i32
      %mul3A_128 = arith.constant 20000 : i32
      %mul3A_129 = arith.muli %arg1, %mul3A_128 : i32
      %mul3A_130 = arith.constant 2000 : i32
      %mul3A_131 = arith.muli %add3A_127, %mul3A_130 : i32
      %add3A_132 = arith.addi %mul3A_129, %mul3A_131 : i32
      %dma_start3A_133 = tpu.memref_slice %arg2[%add3A_132] : memref<320000xi32, #tpu.memory_space<hbm>> -> memref<2000xi32, #tpu.memory_space<hbm>>
      %dma_start3A_134 = tpu.memref_slice %arg2[%add3A_132] : memref<320000xi32, #tpu.memory_space<hbm>> -> memref<2000xi32, #tpu.memory_space<hbm>>
      tpu.enqueue_dma source(%dma_start3A_134 : memref<2000xi32, #tpu.memory_space<hbm>>) target(%arg6 : memref<2000xi32, #tpu.memory_space<vmem>>) target_semaphore(%arg14 : memref<!tpu.dma_semaphore, #tpu.memory_space<semaphore_mem>>)
      %dma_wait3A_135 = arith.constant 0 : i32
      %dma_wait3A_136 = tpu.memref_slice %arg2[%dma_wait3A_135] : memref<320000xi32, #tpu.memory_space<hbm>> -> memref<2000xi32, #tpu.memory_space<hbm>>
      %dma_wait3A_137 = arith.constant 0 : i32
      %dma_wait3A_138 = tpu.memref_slice %arg2[%dma_wait3A_137] : memref<320000xi32, #tpu.memory_space<hbm>> -> memref<2000xi32, #tpu.memory_space<hbm>>
      tpu.wait_dma2 semaphore(%arg15 : memref<!tpu.dma_semaphore, #tpu.memory_space<semaphore_mem>>) src(%dma_wait3A_138 : memref<2000xi32, #tpu.memory_space<hbm>>) dst(%arg7 : memref<2000xi32, #tpu.memory_space<vmem>>)
      %scan3A_139 = arith.constant 0 : i32
      %scan3A_140 = arith.constant 0 : i32
      %scan3A_141 = arith.constant 25 : i32
      %scan3A_142 = arith.addi %scan3A_140, %scan3A_141 : i32
      %scan3A_143 = arith.constant 1 : i32
      scf.for %scan3A_154 = %scan3A_140 to %scan3A_142 step %scan3A_143  : i32 {
        %mul3A_155 = arith.constant 5 : i32
        %mul3A_156 = arith.muli %scan3A_154, %mul3A_155 : i32
        %add3A_157 = arith.constant 0 : i32
        %add3A_158 = arith.addi %mul3A_156, %add3A_157 : i32
        %mul3A_159 = arith.constant 16 : i32
        %mul3A_160 = arith.muli %add3A_158, %mul3A_159 : i32
        %get3A = arith.index_cast %mul3A_160 : i32 to index
        %get3A_161 = tpu.vector_load %arg7[%get3A] {strides = array<i32>} : memref<2000xi32, #tpu.memory_space<vmem>>, vector<16xi32>,
        tpu.vector_store_idx %arg8[%get3A_161], %broadcast_in_dim3A_2 {add = true} : memref<10240xf32, #tpu.memory_space<vmem>>[vector<16xi32>], vector<16xf32>,
        %mul3A_162 = arith.constant 5 : i32
        %mul3A_163 = arith.muli %scan3A_154, %mul3A_162 : i32
        %add3A_164 = arith.constant 1 : i32
        %add3A_165 = arith.addi %mul3A_163, %add3A_164 : i32
        %mul3A_166 = arith.constant 16 : i32
        %mul3A_167 = arith.muli %add3A_165, %mul3A_166 : i32
        %get3A_168 = arith.index_cast %mul3A_167 : i32 to index
        %get3A_169 = tpu.vector_load %arg7[%get3A_168] {strides = array<i32>} : memref<2000xi32, #tpu.memory_space<vmem>>, vector<16xi32>,
        tpu.vector_store_idx %arg8[%get3A_169], %broadcast_in_dim3A_2 {add = true} : memref<10240xf32, #tpu.memory_space<vmem>>[vector<16xi32>], vector<16xf32>,
        %mul3A_170 = arith.constant 5 : i32
        %mul3A_171 = arith.muli %scan3A_154, %mul3A_170 : i32
        %add3A_172 = arith.constant 2 : i32
        %add3A_173 = arith.addi %mul3A_171, %add3A_172 : i32
        %mul3A_174 = arith.constant 16 : i32
        %mul3A_175 = arith.muli %add3A_173, %mul3A_174 : i32
        %get3A_176 = arith.index_cast %mul3A_175 : i32 to index
        %get3A_177 = tpu.vector_load %arg7[%get3A_176] {strides = array<i32>} : memref<2000xi32, #tpu.memory_space<vmem>>, vector<16xi32>,
        tpu.vector_store_idx %arg8[%get3A_177], %broadcast_in_dim3A_2 {add = true} : memref<10240xf32, #tpu.memory_space<vmem>>[vector<16xi32>], vector<16xf32>,
        %mul3A_178 = arith.constant 5 : i32
        %mul3A_179 = arith.muli %scan3A_154, %mul3A_178 : i32
        %add3A_180 = arith.constant 3 : i32
        %add3A_181 = arith.addi %mul3A_179, %add3A_180 : i32
        %mul3A_182 = arith.constant 16 : i32
        %mul3A_183 = arith.muli %add3A_181, %mul3A_182 : i32
        %get3A_184 = arith.index_cast %mul3A_183 : i32 to index
        %get3A_185 = tpu.vector_load %arg7[%get3A_184] {strides = array<i32>} : memref<2000xi32, #tpu.memory_space<vmem>>, vector<16xi32>,
        tpu.vector_store_idx %arg8[%get3A_185], %broadcast_in_dim3A_2 {add = true} : memref<10240xf32, #tpu.memory_space<vmem>>[vector<16xi32>], vector<16xf32>,
        %mul3A_186 = arith.constant 5 : i32
        %mul3A_187 = arith.muli %scan3A_154, %mul3A_186 : i32
        %add3A_188 = arith.constant 4 : i32
        %add3A_189 = arith.addi %mul3A_187, %add3A_188 : i32
        %mul3A_190 = arith.constant 16 : i32
        %mul3A_191 = arith.muli %add3A_189, %mul3A_190 : i32
        %get3A_192 = arith.index_cast %mul3A_191 : i32 to index
        %get3A_193 = tpu.vector_load %arg7[%get3A_192] {strides = array<i32>} : memref<2000xi32, #tpu.memory_space<vmem>>, vector<16xi32>,
        tpu.vector_store_idx %arg8[%get3A_193], %broadcast_in_dim3A_2 {add = true} : memref<10240xf32, #tpu.memory_space<vmem>>[vector<16xi32>], vector<16xf32>,
      }
      %scan3A_144 = arith.constant 25 : i32
      %add3A_145 = arith.constant 3 : i32
      %add3A_146 = arith.addi %mul3A_115, %add3A_145 : i32
      %mul3A_147 = arith.constant 20000 : i32
      %mul3A_148 = arith.muli %arg1, %mul3A_147 : i32
      %mul3A_149 = arith.constant 2000 : i32
      %mul3A_150 = arith.muli %add3A_146, %mul3A_149 : i32
      %add3A_151 = arith.addi %mul3A_148, %mul3A_150 : i32
      %dma_start3A_152 = tpu.memref_slice %arg2[%add3A_151] : memref<320000xi32, #tpu.memory_space<hbm>> -> memref<2000xi32, #tpu.memory_space<hbm>>
      %dma_start3A_153 = tpu.memref_slice %arg2[%add3A_151] : memref<320000xi32, #tpu.memory_space<hbm>> -> memref<2000xi32, #tpu.memory_space<hbm>>
      tpu.enqueue_dma source(%dma_start3A_153 : memref<2000xi32, #tpu.memory_space<hbm>>) target(%arg7 : memref<2000xi32, #tpu.memory_space<vmem>>) target_semaphore(%arg15 : memref<!tpu.dma_semaphore, #tpu.memory_space<semaphore_mem>>)
    }
    %scan3A_31 = arith.constant 4 : i32
    %dma_wait3A = arith.constant 0 : i32
    %dma_wait3A_32 = tpu.memref_slice %arg2[%dma_wait3A] : memref<320000xi32, #tpu.memory_space<hbm>> -> memref<2000xi32, #tpu.memory_space<hbm>>
    %dma_wait3A_33 = arith.constant 0 : i32
    %dma_wait3A_34 = tpu.memref_slice %arg2[%dma_wait3A_33] : memref<320000xi32, #tpu.memory_space<hbm>> -> memref<2000xi32, #tpu.memory_space<hbm>>
    tpu.wait_dma2 semaphore(%arg14 : memref<!tpu.dma_semaphore, #tpu.memory_space<semaphore_mem>>) src(%dma_wait3A_34 : memref<2000xi32, #tpu.memory_space<hbm>>) dst(%arg6 : memref<2000xi32, #tpu.memory_space<vmem>>)
    %scan3A_35 = arith.constant 0 : i32
    %scan3A_36 = arith.constant 0 : i32
    %scan3A_37 = arith.constant 25 : i32
    %scan3A_38 = arith.addi %scan3A_36, %scan3A_37 : i32
    %scan3A_39 = arith.constant 1 : i32
    scf.for %scan3A_113 = %scan3A_36 to %scan3A_38 step %scan3A_39  : i32 {
      %mul3A_114 = arith.constant 5 : i32
      %mul3A_115 = arith.muli %scan3A_113, %mul3A_114 : i32
      %add3A_116 = arith.constant 0 : i32
      %add3A_117 = arith.addi %mul3A_115, %add3A_116 : i32
      %mul3A_118 = arith.constant 16 : i32
      %mul3A_119 = arith.muli %add3A_117, %mul3A_118 : i32
      %get3A = arith.index_cast %mul3A_119 : i32 to index
      %get3A_120 = tpu.vector_load %arg6[%get3A] {strides = array<i32>} : memref<2000xi32, #tpu.memory_space<vmem>>, vector<16xi32>,
      tpu.vector_store_idx %arg8[%get3A_120], %broadcast_in_dim3A_2 {add = true} : memref<10240xf32, #tpu.memory_space<vmem>>[vector<16xi32>], vector<16xf32>,
      %mul3A_121 = arith.constant 5 : i32
      %mul3A_122 = arith.muli %scan3A_113, %mul3A_121 : i32
      %add3A_123 = arith.constant 1 : i32
      %add3A_124 = arith.addi %mul3A_122, %add3A_123 : i32
      %mul3A_125 = arith.constant 16 : i32
      %mul3A_126 = arith.muli %add3A_124, %mul3A_125 : i32
      %get3A_127 = arith.index_cast %mul3A_126 : i32 to index
      %get3A_128 = tpu.vector_load %arg6[%get3A_127] {strides = array<i32>} : memref<2000xi32, #tpu.memory_space<vmem>>, vector<16xi32>,
      tpu.vector_store_idx %arg8[%get3A_128], %broadcast_in_dim3A_2 {add = true} : memref<10240xf32, #tpu.memory_space<vmem>>[vector<16xi32>], vector<16xf32>,
      %mul3A_129 = arith.constant 5 : i32
      %mul3A_130 = arith.muli %scan3A_113, %mul3A_129 : i32
      %add3A_131 = arith.constant 2 : i32
      %add3A_132 = arith.addi %mul3A_130, %add3A_131 : i32
      %mul3A_133 = arith.constant 16 : i32
      %mul3A_134 = arith.muli %add3A_132, %mul3A_133 : i32
      %get3A_135 = arith.index_cast %mul3A_134 : i32 to index
      %get3A_136 = tpu.vector_load %arg6[%get3A_135] {strides = array<i32>} : memref<2000xi32, #tpu.memory_space<vmem>>, vector<16xi32>,
      tpu.vector_store_idx %arg8[%get3A_136], %broadcast_in_dim3A_2 {add = true} : memref<10240xf32, #tpu.memory_space<vmem>>[vector<16xi32>], vector<16xf32>,
      %mul3A_137 = arith.constant 5 : i32
      %mul3A_138 = arith.muli %scan3A_113, %mul3A_137 : i32
      %add3A_139 = arith.constant 3 : i32
      %add3A_140 = arith.addi %mul3A_138, %add3A_139 : i32
      %mul3A_141 = arith.constant 16 : i32
      %mul3A_142 = arith.muli %add3A_140, %mul3A_141 : i32
      %get3A_143 = arith.index_cast %mul3A_142 : i32 to index
      %get3A_144 = tpu.vector_load %arg6[%get3A_143] {strides = array<i32>} : memref<2000xi32, #tpu.memory_space<vmem>>, vector<16xi32>,
      tpu.vector_store_idx %arg8[%get3A_144], %broadcast_in_dim3A_2 {add = true} : memref<10240xf32, #tpu.memory_space<vmem>>[vector<16xi32>], vector<16xf32>,
      %mul3A_145 = arith.constant 5 : i32
      %mul3A_146 = arith.muli %scan3A_113, %mul3A_145 : i32
      %add3A_147 = arith.constant 4 : i32
      %add3A_148 = arith.addi %mul3A_146, %add3A_147 : i32
      %mul3A_149 = arith.constant 16 : i32
      %mul3A_150 = arith.muli %add3A_148, %mul3A_149 : i32
      %get3A_151 = arith.index_cast %mul3A_150 : i32 to index
      %get3A_152 = tpu.vector_load %arg6[%get3A_151] {strides = array<i32>} : memref<2000xi32, #tpu.memory_space<vmem>>, vector<16xi32>,
      tpu.vector_store_idx %arg8[%get3A_152], %broadcast_in_dim3A_2 {add = true} : memref<10240xf32, #tpu.memory_space<vmem>>[vector<16xi32>], vector<16xf32>,
    }
    %scan3A_40 = arith.constant 25 : i32
    %dma_wait3A_41 = arith.constant 0 : i32
    %dma_wait3A_42 = tpu.memref_slice %arg2[%dma_wait3A_41] : memref<320000xi32, #tpu.memory_space<hbm>> -> memref<2000xi32, #tpu.memory_space<hbm>>
    %dma_wait3A_43 = arith.constant 0 : i32
    %dma_wait3A_44 = tpu.memref_slice %arg2[%dma_wait3A_43] : memref<320000xi32, #tpu.memory_space<hbm>> -> memref<2000xi32, #tpu.memory_space<hbm>>
    tpu.wait_dma2 semaphore(%arg15 : memref<!tpu.dma_semaphore, #tpu.memory_space<semaphore_mem>>) src(%dma_wait3A_44 : memref<2000xi32, #tpu.memory_space<hbm>>) dst(%arg7 : memref<2000xi32, #tpu.memory_space<vmem>>)
    %scan3A_45 = arith.constant 0 : i32
    %scan3A_46 = arith.constant 0 : i32
    %scan3A_47 = arith.constant 25 : i32
    %scan3A_48 = arith.addi %scan3A_46, %scan3A_47 : i32
    %scan3A_49 = arith.constant 1 : i32
    scf.for %scan3A_113 = %scan3A_46 to %scan3A_48 step %scan3A_49  : i32 {
      %mul3A_114 = arith.constant 5 : i32
      %mul3A_115 = arith.muli %scan3A_113, %mul3A_114 : i32
      %add3A_116 = arith.constant 0 : i32
      %add3A_117 = arith.addi %mul3A_115, %add3A_116 : i32
      %mul3A_118 = arith.constant 16 : i32
      %mul3A_119 = arith.muli %add3A_117, %mul3A_118 : i32
      %get3A = arith.index_cast %mul3A_119 : i32 to index
      %get3A_120 = tpu.vector_load %arg7[%get3A] {strides = array<i32>} : memref<2000xi32, #tpu.memory_space<vmem>>, vector<16xi32>,
      tpu.vector_store_idx %arg8[%get3A_120], %broadcast_in_dim3A_2 {add = true} : memref<10240xf32, #tpu.memory_space<vmem>>[vector<16xi32>], vector<16xf32>,
      %mul3A_121 = arith.constant 5 : i32
      %mul3A_122 = arith.muli %scan3A_113, %mul3A_121 : i32
      %add3A_123 = arith.constant 1 : i32
      %add3A_124 = arith.addi %mul3A_122, %add3A_123 : i32
      %mul3A_125 = arith.constant 16 : i32
      %mul3A_126 = arith.muli %add3A_124, %mul3A_125 : i32
      %get3A_127 = arith.index_cast %mul3A_126 : i32 to index
      %get3A_128 = tpu.vector_load %arg7[%get3A_127] {strides = array<i32>} : memref<2000xi32, #tpu.memory_space<vmem>>, vector<16xi32>,
      tpu.vector_store_idx %arg8[%get3A_128], %broadcast_in_dim3A_2 {add = true} : memref<10240xf32, #tpu.memory_space<vmem>>[vector<16xi32>], vector<16xf32>,
      %mul3A_129 = arith.constant 5 : i32
      %mul3A_130 = arith.muli %scan3A_113, %mul3A_129 : i32
      %add3A_131 = arith.constant 2 : i32
      %add3A_132 = arith.addi %mul3A_130, %add3A_131 : i32
      %mul3A_133 = arith.constant 16 : i32
      %mul3A_134 = arith.muli %add3A_132, %mul3A_133 : i32
      %get3A_135 = arith.index_cast %mul3A_134 : i32 to index
      %get3A_136 = tpu.vector_load %arg7[%get3A_135] {strides = array<i32>} : memref<2000xi32, #tpu.memory_space<vmem>>, vector<16xi32>,
      tpu.vector_store_idx %arg8[%get3A_136], %broadcast_in_dim3A_2 {add = true} : memref<10240xf32, #tpu.memory_space<vmem>>[vector<16xi32>], vector<16xf32>,
      %mul3A_137 = arith.constant 5 : i32
      %mul3A_138 = arith.muli %scan3A_113, %mul3A_137 : i32
      %add3A_139 = arith.constant 3 : i32
      %add3A_140 = arith.addi %mul3A_138, %add3A_139 : i32
      %mul3A_141 = arith.constant 16 : i32
      %mul3A_142 = arith.muli %add3A_140, %mul3A_141 : i32
      %get3A_143 = arith.index_cast %mul3A_142 : i32 to index
      %get3A_144 = tpu.vector_load %arg7[%get3A_143] {strides = array<i32>} : memref<2000xi32, #tpu.memory_space<vmem>>, vector<16xi32>,
      tpu.vector_store_idx %arg8[%get3A_144], %broadcast_in_dim3A_2 {add = true} : memref<10240xf32, #tpu.memory_space<vmem>>[vector<16xi32>], vector<16xf32>,
      %mul3A_145 = arith.constant 5 : i32
      %mul3A_146 = arith.muli %scan3A_113, %mul3A_145 : i32
      %add3A_147 = arith.constant 4 : i32
      %add3A_148 = arith.addi %mul3A_146, %add3A_147 : i32
      %mul3A_149 = arith.constant 16 : i32
      %mul3A_150 = arith.muli %add3A_148, %mul3A_149 : i32
      %get3A_151 = arith.index_cast %mul3A_150 : i32 to index
      %get3A_152 = tpu.vector_load %arg7[%get3A_151] {strides = array<i32>} : memref<2000xi32, #tpu.memory_space<vmem>>, vector<16xi32>,
      tpu.vector_store_idx %arg8[%get3A_152], %broadcast_in_dim3A_2 {add = true} : memref<10240xf32, #tpu.memory_space<vmem>>[vector<16xi32>], vector<16xf32>,
    }
    %scan3A_50 = arith.constant 25 : i32
    "tpu.region"() ({
      %run_scoped3A = tpu.sem_alloc : memref<!tpu.dma_semaphore, #tpu.memory_space<semaphore_mem>>
      %dma_start3A_113 = arith.constant 0 : i32
      %dma_start3A_114 = tpu.memref_slice %arg9[%arg1, %dma_start3A_113] : memref<16x10240xf32, #tpu.memory_space<vmem_shared>> -> memref<1x10240xf32, #tpu.memory_space<vmem_shared>>
      %dma_start3A_115 = tpu.memref_squeeze %dma_start3A_114 : memref<1x10240xf32, #tpu.memory_space<vmem_shared>> -> memref<10240xf32, #tpu.memory_space<vmem_shared>>
      %dma_start3A_116 = arith.constant 0 : i32
      %dma_start3A_117 = tpu.memref_slice %arg9[%arg1, %dma_start3A_116] : memref<16x10240xf32, #tpu.memory_space<vmem_shared>> -> memref<1x10240xf32, #tpu.memory_space<vmem_shared>>
      %dma_start3A_118 = tpu.memref_squeeze %dma_start3A_117 : memref<1x10240xf32, #tpu.memory_space<vmem_shared>> -> memref<10240xf32, #tpu.memory_space<vmem_shared>>
      tpu.enqueue_dma source(%arg8 : memref<10240xf32, #tpu.memory_space<vmem>>) target(%dma_start3A_118 : memref<10240xf32, #tpu.memory_space<vmem_shared>>) target_semaphore(%run_scoped3A : memref<!tpu.dma_semaphore, #tpu.memory_space<semaphore_mem>>)
      %dma_wait3A_119 = arith.constant 0 : i32
      %dma_wait3A_120 = tpu.memref_slice %arg9[%arg1, %dma_wait3A_119] : memref<16x10240xf32, #tpu.memory_space<vmem_shared>> -> memref<1x10240xf32, #tpu.memory_space<vmem_shared>>
      %dma_wait3A_121 = tpu.memref_squeeze %dma_wait3A_120 : memref<1x10240xf32, #tpu.memory_space<vmem_shared>> -> memref<10240xf32, #tpu.memory_space<vmem_shared>>
      %dma_wait3A_122 = arith.constant 0 : i32
      %dma_wait3A_123 = tpu.memref_slice %arg9[%arg1, %dma_wait3A_122] : memref<16x10240xf32, #tpu.memory_space<vmem_shared>> -> memref<1x10240xf32, #tpu.memory_space<vmem_shared>>
      %dma_wait3A_124 = tpu.memref_squeeze %dma_wait3A_123 : memref<1x10240xf32, #tpu.memory_space<vmem_shared>> -> memref<10240xf32, #tpu.memory_space<vmem_shared>>
      tpu.wait_dma2 semaphore(%run_scoped3A : memref<!tpu.dma_semaphore, #tpu.memory_space<semaphore_mem>>) src(%arg8 : memref<10240xf32, #tpu.memory_space<vmem>>) dst(%dma_wait3A_124 : memref<10240xf32, #tpu.memory_space<vmem_shared>>)
      tpu.yield
    }) : () -> ()
    %barrier3A = arith.constant 0 : index
    tpu.barrier barrier_id(%barrier3A)
    %dma_start3A_51 = arith.constant 0 : i32
    %dma_start3A_52 = tpu.memref_slice %arg9[%dma_start3A_51, %mul3A_3] : memref<16x10240xf32, #tpu.memory_space<vmem_shared>> -> memref<1x640xf32, #tpu.memory_space<vmem_shared>>
    %dma_start3A_53 = tpu.memref_squeeze %dma_start3A_52 : memref<1x640xf32, #tpu.memory_space<vmem_shared>> -> memref<640xf32, #tpu.memory_space<vmem_shared>>
    %dma_start3A_54 = tpu.memref_slice %arg9[%dma_start3A_51, %mul3A_3] : memref<16x10240xf32, #tpu.memory_space<vmem_shared>> -> memref<1x640xf32, #tpu.memory_space<vmem_shared>>
    %dma_start3A_55 = tpu.memref_squeeze %dma_start3A_54 : memref<1x640xf32, #tpu.memory_space<vmem_shared>> -> memref<640xf32, #tpu.memory_space<vmem_shared>>
    tpu.enqueue_dma source(%dma_start3A_55 : memref<640xf32, #tpu.memory_space<vmem_shared>>) target(%arg11 : memref<640xf32, #tpu.memory_space<vmem>>) target_semaphore(%arg16 : memref<!tpu.dma_semaphore, #tpu.memory_space<semaphore_mem>>)
    %dma_start3A_56 = arith.constant 1 : i32
    %dma_start3A_57 = tpu.memref_slice %arg9[%dma_start3A_56, %mul3A_3] : memref<16x10240xf32, #tpu.memory_space<vmem_shared>> -> memref<1x640xf32, #tpu.memory_space<vmem_shared>>
    %dma_start3A_58 = tpu.memref_squeeze %dma_start3A_57 : memref<1x640xf32, #tpu.memory_space<vmem_shared>> -> memref<640xf32, #tpu.memory_space<vmem_shared>>
    %dma_start3A_59 = tpu.memref_slice %arg9[%dma_start3A_56, %mul3A_3] : memref<16x10240xf32, #tpu.memory_space<vmem_shared>> -> memref<1x640xf32, #tpu.memory_space<vmem_shared>>
    %dma_start3A_60 = tpu.memref_squeeze %dma_start3A_59 : memref<1x640xf32, #tpu.memory_space<vmem_shared>> -> memref<640xf32, #tpu.memory_space<vmem_shared>>
    tpu.enqueue_dma source(%dma_start3A_60 : memref<640xf32, #tpu.memory_space<vmem_shared>>) target(%arg12 : memref<640xf32, #tpu.memory_space<vmem>>) target_semaphore(%arg17 : memref<!tpu.dma_semaphore, #tpu.memory_space<semaphore_mem>>)
    %scan3A_61 = arith.constant 0 : i32
    %scan3A_62 = arith.constant 0 : i32
    %scan3A_63 = arith.constant 5 : i32
    %scan3A_64 = arith.addi %scan3A_62, %scan3A_63 : i32
    %scan3A_65 = arith.constant 1 : i32
    scf.for %scan3A_113 = %scan3A_62 to %scan3A_64 step %scan3A_65  : i32 {
      %mul3A_114 = arith.constant 8 : i32
      %mul3A_115 = arith.muli %scan3A_113, %mul3A_114 : i32
      %add3A_116 = arith.constant 0 : i32
      %add3A_117 = arith.addi %mul3A_115, %add3A_116 : i32
      %mul3A_118 = arith.constant 16 : i32
      %mul3A_119 = arith.muli %add3A_117, %mul3A_118 : i32
      %swap3A = arith.index_cast %mul3A_119 : i32 to index
      %swap3A_120 = tpu.vector_load %arg10[%swap3A] {strides = array<i32>} : memref<640xf32, #tpu.memory_space<vmem>>, vector<16xf32>,
      tpu.vector_store %arg10[%swap3A], %broadcast_in_dim3A_0 {strides = array<i32>} : memref<640xf32, #tpu.memory_space<vmem>>, vector<16xf32>,
      %mul3A_121 = arith.constant 8 : i32
      %mul3A_122 = arith.muli %scan3A_113, %mul3A_121 : i32
      %add3A_123 = arith.constant 1 : i32
      %add3A_124 = arith.addi %mul3A_122, %add3A_123 : i32
      %mul3A_125 = arith.constant 16 : i32
      %mul3A_126 = arith.muli %add3A_124, %mul3A_125 : i32
      %swap3A_127 = arith.index_cast %mul3A_126 : i32 to index
      %swap3A_128 = tpu.vector_load %arg10[%swap3A_127] {strides = array<i32>} : memref<640xf32, #tpu.memory_space<vmem>>, vector<16xf32>,
      tpu.vector_store %arg10[%swap3A_127], %broadcast_in_dim3A_0 {strides = array<i32>} : memref<640xf32, #tpu.memory_space<vmem>>, vector<16xf32>,
      %mul3A_129 = arith.constant 8 : i32
      %mul3A_130 = arith.muli %scan3A_113, %mul3A_129 : i32
      %add3A_131 = arith.constant 2 : i32
      %add3A_132 = arith.addi %mul3A_130, %add3A_131 : i32
      %mul3A_133 = arith.constant 16 : i32
      %mul3A_134 = arith.muli %add3A_132, %mul3A_133 : i32
      %swap3A_135 = arith.index_cast %mul3A_134 : i32 to index
      %swap3A_136 = tpu.vector_load %arg10[%swap3A_135] {strides = array<i32>} : memref<640xf32, #tpu.memory_space<vmem>>, vector<16xf32>,
      tpu.vector_store %arg10[%swap3A_135], %broadcast_in_dim3A_0 {strides = array<i32>} : memref<640xf32, #tpu.memory_space<vmem>>, vector<16xf32>,
      %mul3A_137 = arith.constant 8 : i32
      %mul3A_138 = arith.muli %scan3A_113, %mul3A_137 : i32
      %add3A_139 = arith.constant 3 : i32
      %add3A_140 = arith.addi %mul3A_138, %add3A_139 : i32
      %mul3A_141 = arith.constant 16 : i32
      %mul3A_142 = arith.muli %add3A_140, %mul3A_141 : i32
      %swap3A_143 = arith.index_cast %mul3A_142 : i32 to index
      %swap3A_144 = tpu.vector_load %arg10[%swap3A_143] {strides = array<i32>} : memref<640xf32, #tpu.memory_space<vmem>>, vector<16xf32>,
      tpu.vector_store %arg10[%swap3A_143], %broadcast_in_dim3A_0 {strides = array<i32>} : memref<640xf32, #tpu.memory_space<vmem>>, vector<16xf32>,
      %mul3A_145 = arith.constant 8 : i32
      %mul3A_146 = arith.muli %scan3A_113, %mul3A_145 : i32
      %add3A_147 = arith.constant 4 : i32
      %add3A_148 = arith.addi %mul3A_146, %add3A_147 : i32
      %mul3A_149 = arith.constant 16 : i32
      %mul3A_150 = arith.muli %add3A_148, %mul3A_149 : i32
      %swap3A_151 = arith.index_cast %mul3A_150 : i32 to index
      %swap3A_152 = tpu.vector_load %arg10[%swap3A_151] {strides = array<i32>} : memref<640xf32, #tpu.memory_space<vmem>>, vector<16xf32>,
      tpu.vector_store %arg10[%swap3A_151], %broadcast_in_dim3A_0 {strides = array<i32>} : memref<640xf32, #tpu.memory_space<vmem>>, vector<16xf32>,
      %mul3A_153 = arith.constant 8 : i32
      %mul3A_154 = arith.muli %scan3A_113, %mul3A_153 : i32
      %add3A_155 = arith.constant 5 : i32
      %add3A_156 = arith.addi %mul3A_154, %add3A_155 : i32
      %mul3A_157 = arith.constant 16 : i32
      %mul3A_158 = arith.muli %add3A_156, %mul3A_157 : i32
      %swap3A_159 = arith.index_cast %mul3A_158 : i32 to index
      %swap3A_160 = tpu.vector_load %arg10[%swap3A_159] {strides = array<i32>} : memref<640xf32, #tpu.memory_space<vmem>>, vector<16xf32>,
      tpu.vector_store %arg10[%swap3A_159], %broadcast_in_dim3A_0 {strides = array<i32>} : memref<640xf32, #tpu.memory_space<vmem>>, vector<16xf32>,
      %mul3A_161 = arith.constant 8 : i32
      %mul3A_162 = arith.muli %scan3A_113, %mul3A_161 : i32
      %add3A_163 = arith.constant 6 : i32
      %add3A_164 = arith.addi %mul3A_162, %add3A_163 : i32
      %mul3A_165 = arith.constant 16 : i32
      %mul3A_166 = arith.muli %add3A_164, %mul3A_165 : i32
      %swap3A_167 = arith.index_cast %mul3A_166 : i32 to index
      %swap3A_168 = tpu.vector_load %arg10[%swap3A_167] {strides = array<i32>} : memref<640xf32, #tpu.memory_space<vmem>>, vector<16xf32>,
      tpu.vector_store %arg10[%swap3A_167], %broadcast_in_dim3A_0 {strides = array<i32>} : memref<640xf32, #tpu.memory_space<vmem>>, vector<16xf32>,
      %mul3A_169 = arith.constant 8 : i32
      %mul3A_170 = arith.muli %scan3A_113, %mul3A_169 : i32
      %add3A_171 = arith.constant 7 : i32
      %add3A_172 = arith.addi %mul3A_170, %add3A_171 : i32
      %mul3A_173 = arith.constant 16 : i32
      %mul3A_174 = arith.muli %add3A_172, %mul3A_173 : i32
      %swap3A_175 = arith.index_cast %mul3A_174 : i32 to index
      %swap3A_176 = tpu.vector_load %arg10[%swap3A_175] {strides = array<i32>} : memref<640xf32, #tpu.memory_space<vmem>>, vector<16xf32>,
      tpu.vector_store %arg10[%swap3A_175], %broadcast_in_dim3A_0 {strides = array<i32>} : memref<640xf32, #tpu.memory_space<vmem>>, vector<16xf32>,
    }
    %scan3A_66 = arith.constant 5 : i32
    %scan3A_67 = arith.constant 0 : i32
    %scan3A_68 = arith.constant 0 : i32
    %scan3A_69 = arith.constant 7 : i32
    %scan3A_70 = arith.addi %scan3A_68, %scan3A_69 : i32
    %scan3A_71 = arith.constant 1 : i32
    scf.for %scan3A_113 = %scan3A_68 to %scan3A_70 step %scan3A_71  : i32 {
      %mul3A_114 = arith.constant 2 : i32
      %mul3A_115 = arith.muli %mul3A_114, %scan3A_113 : i32
      %dma_wait3A_116 = arith.constant 0 : i32
      %dma_wait3A_117 = tpu.memref_slice %arg9[%dma_wait3A_116, %mul3A_3] : memref<16x10240xf32, #tpu.memory_space<vmem_shared>> -> memref<1x640xf32, #tpu.memory_space<vmem_shared>>
      %dma_wait3A_118 = tpu.memref_squeeze %dma_wait3A_117 : memref<1x640xf32, #tpu.memory_space<vmem_shared>> -> memref<640xf32, #tpu.memory_space<vmem_shared>>
      %dma_wait3A_119 = tpu.memref_slice %arg9[%dma_wait3A_116, %mul3A_3] : memref<16x10240xf32, #tpu.memory_space<vmem_shared>> -> memref<1x640xf32, #tpu.memory_space<vmem_shared>>
      %dma_wait3A_120 = tpu.memref_squeeze %dma_wait3A_119 : memref<1x640xf32, #tpu.memory_space<vmem_shared>> -> memref<640xf32, #tpu.memory_space<vmem_shared>>
      tpu.wait_dma2 semaphore(%arg16 : memref<!tpu.dma_semaphore, #tpu.memory_space<semaphore_mem>>) src(%dma_wait3A_120 : memref<640xf32, #tpu.memory_space<vmem_shared>>) dst(%arg11 : memref<640xf32, #tpu.memory_space<vmem>>)
      %scan3A_121 = arith.constant 0 : i32
      %scan3A_122 = arith.constant 0 : i32
      %scan3A_123 = arith.constant 8 : i32
      %scan3A_124 = arith.addi %scan3A_122, %scan3A_123 : i32
      %scan3A_125 = arith.constant 1 : i32
      scf.for %scan3A_150 = %scan3A_122 to %scan3A_124 step %scan3A_125  : i32 {
        %mul3A_151 = arith.constant 5 : i32
        %mul3A_152 = arith.muli %scan3A_150, %mul3A_151 : i32
        %add3A_153 = arith.constant 0 : i32
        %add3A_154 = arith.addi %mul3A_152, %add3A_153 : i32
        %mul3A_155 = arith.constant 16 : i32
        %mul3A_156 = arith.muli %add3A_154, %mul3A_155 : i32
        %get3A = arith.index_cast %mul3A_156 : i32 to index
        %get3A_157 = tpu.vector_load %arg10[%get3A] {strides = array<i32>} : memref<640xf32, #tpu.memory_space<vmem>>, vector<16xf32>,
        %get3A_158 = arith.index_cast %mul3A_156 : i32 to index
        %get3A_159 = tpu.vector_load %arg11[%get3A_158] {strides = array<i32>} : memref<640xf32, #tpu.memory_space<vmem>>, vector<16xf32>,
        %add3A_160 = arith.addf %get3A_157, %get3A_159 : vector<16xf32>
        %swap3A = arith.index_cast %mul3A_156 : i32 to index
        %swap3A_161 = tpu.vector_load %arg10[%swap3A] {strides = array<i32>} : memref<640xf32, #tpu.memory_space<vmem>>, vector<16xf32>,
        tpu.vector_store %arg10[%swap3A], %add3A_160 {strides = array<i32>} : memref<640xf32, #tpu.memory_space<vmem>>, vector<16xf32>,
        %mul3A_162 = arith.constant 5 : i32
        %mul3A_163 = arith.muli %scan3A_150, %mul3A_162 : i32
        %add3A_164 = arith.constant 1 : i32
        %add3A_165 = arith.addi %mul3A_163, %add3A_164 : i32
        %mul3A_166 = arith.constant 16 : i32
        %mul3A_167 = arith.muli %add3A_165, %mul3A_166 : i32
        %get3A_168 = arith.index_cast %mul3A_167 : i32 to index
        %get3A_169 = tpu.vector_load %arg10[%get3A_168] {strides = array<i32>} : memref<640xf32, #tpu.memory_space<vmem>>, vector<16xf32>,
        %get3A_170 = arith.index_cast %mul3A_167 : i32 to index
        %get3A_171 = tpu.vector_load %arg11[%get3A_170] {strides = array<i32>} : memref<640xf32, #tpu.memory_space<vmem>>, vector<16xf32>,
        %add3A_172 = arith.addf %get3A_169, %get3A_171 : vector<16xf32>
        %swap3A_173 = arith.index_cast %mul3A_167 : i32 to index
        %swap3A_174 = tpu.vector_load %arg10[%swap3A_173] {strides = array<i32>} : memref<640xf32, #tpu.memory_space<vmem>>, vector<16xf32>,
        tpu.vector_store %arg10[%swap3A_173], %add3A_172 {strides = array<i32>} : memref<640xf32, #tpu.memory_space<vmem>>, vector<16xf32>,
        %mul3A_175 = arith.constant 5 : i32
        %mul3A_176 = arith.muli %scan3A_150, %mul3A_175 : i32
        %add3A_177 = arith.constant 2 : i32
        %add3A_178 = arith.addi %mul3A_176, %add3A_177 : i32
        %mul3A_179 = arith.constant 16 : i32
        %mul3A_180 = arith.muli %add3A_178, %mul3A_179 : i32
        %get3A_181 = arith.index_cast %mul3A_180 : i32 to index
        %get3A_182 = tpu.vector_load %arg10[%get3A_181] {strides = array<i32>} : memref<640xf32, #tpu.memory_space<vmem>>, vector<16xf32>,
        %get3A_183 = arith.index_cast %mul3A_180 : i32 to index
        %get3A_184 = tpu.vector_load %arg11[%get3A_183] {strides = array<i32>} : memref<640xf32, #tpu.memory_space<vmem>>, vector<16xf32>,
        %add3A_185 = arith.addf %get3A_182, %get3A_184 : vector<16xf32>
        %swap3A_186 = arith.index_cast %mul3A_180 : i32 to index
        %swap3A_187 = tpu.vector_load %arg10[%swap3A_186] {strides = array<i32>} : memref<640xf32, #tpu.memory_space<vmem>>, vector<16xf32>,
        tpu.vector_store %arg10[%swap3A_186], %add3A_185 {strides = array<i32>} : memref<640xf32, #tpu.memory_space<vmem>>, vector<16xf32>,
        %mul3A_188 = arith.constant 5 : i32
        %mul3A_189 = arith.muli %scan3A_150, %mul3A_188 : i32
        %add3A_190 = arith.constant 3 : i32
        %add3A_191 = arith.addi %mul3A_189, %add3A_190 : i32
        %mul3A_192 = arith.constant 16 : i32
        %mul3A_193 = arith.muli %add3A_191, %mul3A_192 : i32
        %get3A_194 = arith.index_cast %mul3A_193 : i32 to index
        %get3A_195 = tpu.vector_load %arg10[%get3A_194] {strides = array<i32>} : memref<640xf32, #tpu.memory_space<vmem>>, vector<16xf32>,
        %get3A_196 = arith.index_cast %mul3A_193 : i32 to index
        %get3A_197 = tpu.vector_load %arg11[%get3A_196] {strides = array<i32>} : memref<640xf32, #tpu.memory_space<vmem>>, vector<16xf32>,
        %add3A_198 = arith.addf %get3A_195, %get3A_197 : vector<16xf32>
        %swap3A_199 = arith.index_cast %mul3A_193 : i32 to index
        %swap3A_200 = tpu.vector_load %arg10[%swap3A_199] {strides = array<i32>} : memref<640xf32, #tpu.memory_space<vmem>>, vector<16xf32>,
        tpu.vector_store %arg10[%swap3A_199], %add3A_198 {strides = array<i32>} : memref<640xf32, #tpu.memory_space<vmem>>, vector<16xf32>,
        %mul3A_201 = arith.constant 5 : i32
        %mul3A_202 = arith.muli %scan3A_150, %mul3A_201 : i32
        %add3A_203 = arith.constant 4 : i32
        %add3A_204 = arith.addi %mul3A_202, %add3A_203 : i32
        %mul3A_205 = arith.constant 16 : i32
        %mul3A_206 = arith.muli %add3A_204, %mul3A_205 : i32
        %get3A_207 = arith.index_cast %mul3A_206 : i32 to index
        %get3A_208 = tpu.vector_load %arg10[%get3A_207] {strides = array<i32>} : memref<640xf32, #tpu.memory_space<vmem>>, vector<16xf32>,
        %get3A_209 = arith.index_cast %mul3A_206 : i32 to index
        %get3A_210 = tpu.vector_load %arg11[%get3A_209] {strides = array<i32>} : memref<640xf32, #tpu.memory_space<vmem>>, vector<16xf32>,
        %add3A_211 = arith.addf %get3A_208, %get3A_210 : vector<16xf32>
        %swap3A_212 = arith.index_cast %mul3A_206 : i32 to index
        %swap3A_213 = tpu.vector_load %arg10[%swap3A_212] {strides = array<i32>} : memref<640xf32, #tpu.memory_space<vmem>>, vector<16xf32>,
        tpu.vector_store %arg10[%swap3A_212], %add3A_211 {strides = array<i32>} : memref<640xf32, #tpu.memory_space<vmem>>, vector<16xf32>,
      }
      %scan3A_126 = arith.constant 8 : i32
      %add3A_127 = arith.constant 2 : i32
      %add3A_128 = arith.addi %mul3A_115, %add3A_127 : i32
      %dma_start3A_129 = tpu.memref_slice %arg9[%add3A_128, %mul3A_3] : memref<16x10240xf32, #tpu.memory_space<vmem_shared>> -> memref<1x640xf32, #tpu.memory_space<vmem_shared>>
      %dma_start3A_130 = tpu.memref_squeeze %dma_start3A_129 : memref<1x640xf32, #tpu.memory_space<vmem_shared>> -> memref<640xf32, #tpu.memory_space<vmem_shared>>
      %dma_start3A_131 = tpu.memref_slice %arg9[%add3A_128, %mul3A_3] : memref<16x10240xf32, #tpu.memory_space<vmem_shared>> -> memref<1x640xf32, #tpu.memory_space<vmem_shared>>
      %dma_start3A_132 = tpu.memref_squeeze %dma_start3A_131 : memref<1x640xf32, #tpu.memory_space<vmem_shared>> -> memref<640xf32, #tpu.memory_space<vmem_shared>>
      tpu.enqueue_dma source(%dma_start3A_132 : memref<640xf32, #tpu.memory_space<vmem_shared>>) target(%arg11 : memref<640xf32, #tpu.memory_space<vmem>>) target_semaphore(%arg16 : memref<!tpu.dma_semaphore, #tpu.memory_space<semaphore_mem>>)
      %dma_wait3A_133 = arith.constant 0 : i32
      %dma_wait3A_134 = tpu.memref_slice %arg9[%dma_wait3A_133, %mul3A_3] : memref<16x10240xf32, #tpu.memory_space<vmem_shared>> -> memref<1x640xf32, #tpu.memory_space<vmem_shared>>
      %dma_wait3A_135 = tpu.memref_squeeze %dma_wait3A_134 : memref<1x640xf32, #tpu.memory_space<vmem_shared>> -> memref<640xf32, #tpu.memory_space<vmem_shared>>
      %dma_wait3A_136 = tpu.memref_slice %arg9[%dma_wait3A_133, %mul3A_3] : memref<16x10240xf32, #tpu.memory_space<vmem_shared>> -> memref<1x640xf32, #tpu.memory_space<vmem_shared>>
      %dma_wait3A_137 = tpu.memref_squeeze %dma_wait3A_136 : memref<1x640xf32, #tpu.memory_space<vmem_shared>> -> memref<640xf32, #tpu.memory_space<vmem_shared>>
      tpu.wait_dma2 semaphore(%arg17 : memref<!tpu.dma_semaphore, #tpu.memory_space<semaphore_mem>>) src(%dma_wait3A_137 : memref<640xf32, #tpu.memory_space<vmem_shared>>) dst(%arg12 : memref<640xf32, #tpu.memory_space<vmem>>)
      %scan3A_138 = arith.constant 0 : i32
      %scan3A_139 = arith.constant 0 : i32
      %scan3A_140 = arith.constant 8 : i32
      %scan3A_141 = arith.addi %scan3A_139, %scan3A_140 : i32
      %scan3A_142 = arith.constant 1 : i32
      scf.for %scan3A_150 = %scan3A_139 to %scan3A_141 step %scan3A_142  : i32 {
        %mul3A_151 = arith.constant 5 : i32
        %mul3A_152 = arith.muli %scan3A_150, %mul3A_151 : i32
        %add3A_153 = arith.constant 0 : i32
        %add3A_154 = arith.addi %mul3A_152, %add3A_153 : i32
        %mul3A_155 = arith.constant 16 : i32
        %mul3A_156 = arith.muli %add3A_154, %mul3A_155 : i32
        %get3A = arith.index_cast %mul3A_156 : i32 to index
        %get3A_157 = tpu.vector_load %arg10[%get3A] {strides = array<i32>} : memref<640xf32, #tpu.memory_space<vmem>>, vector<16xf32>,
        %get3A_158 = arith.index_cast %mul3A_156 : i32 to index
        %get3A_159 = tpu.vector_load %arg12[%get3A_158] {strides = array<i32>} : memref<640xf32, #tpu.memory_space<vmem>>, vector<16xf32>,
        %add3A_160 = arith.addf %get3A_157, %get3A_159 : vector<16xf32>
        %swap3A = arith.index_cast %mul3A_156 : i32 to index
        %swap3A_161 = tpu.vector_load %arg10[%swap3A] {strides = array<i32>} : memref<640xf32, #tpu.memory_space<vmem>>, vector<16xf32>,
        tpu.vector_store %arg10[%swap3A], %add3A_160 {strides = array<i32>} : memref<640xf32, #tpu.memory_space<vmem>>, vector<16xf32>,
        %mul3A_162 = arith.constant 5 : i32
        %mul3A_163 = arith.muli %scan3A_150, %mul3A_162 : i32
        %add3A_164 = arith.constant 1 : i32
        %add3A_165 = arith.addi %mul3A_163, %add3A_164 : i32
        %mul3A_166 = arith.constant 16 : i32
        %mul3A_167 = arith.muli %add3A_165, %mul3A_166 : i32
        %get3A_168 = arith.index_cast %mul3A_167 : i32 to index
        %get3A_169 = tpu.vector_load %arg10[%get3A_168] {strides = array<i32>} : memref<640xf32, #tpu.memory_space<vmem>>, vector<16xf32>,
        %get3A_170 = arith.index_cast %mul3A_167 : i32 to index
        %get3A_171 = tpu.vector_load %arg12[%get3A_170] {strides = array<i32>} : memref<640xf32, #tpu.memory_space<vmem>>, vector<16xf32>,
        %add3A_172 = arith.addf %get3A_169, %get3A_171 : vector<16xf32>
        %swap3A_173 = arith.index_cast %mul3A_167 : i32 to index
        %swap3A_174 = tpu.vector_load %arg10[%swap3A_173] {strides = array<i32>} : memref<640xf32, #tpu.memory_space<vmem>>, vector<16xf32>,
        tpu.vector_store %arg10[%swap3A_173], %add3A_172 {strides = array<i32>} : memref<640xf32, #tpu.memory_space<vmem>>, vector<16xf32>,
        %mul3A_175 = arith.constant 5 : i32
        %mul3A_176 = arith.muli %scan3A_150, %mul3A_175 : i32
        %add3A_177 = arith.constant 2 : i32
        %add3A_178 = arith.addi %mul3A_176, %add3A_177 : i32
        %mul3A_179 = arith.constant 16 : i32
        %mul3A_180 = arith.muli %add3A_178, %mul3A_179 : i32
        %get3A_181 = arith.index_cast %mul3A_180 : i32 to index
        %get3A_182 = tpu.vector_load %arg10[%get3A_181] {strides = array<i32>} : memref<640xf32, #tpu.memory_space<vmem>>, vector<16xf32>,
        %get3A_183 = arith.index_cast %mul3A_180 : i32 to index
        %get3A_184 = tpu.vector_load %arg12[%get3A_183] {strides = array<i32>} : memref<640xf32, #tpu.memory_space<vmem>>, vector<16xf32>,
        %add3A_185 = arith.addf %get3A_182, %get3A_184 : vector<16xf32>
        %swap3A_186 = arith.index_cast %mul3A_180 : i32 to index
        %swap3A_187 = tpu.vector_load %arg10[%swap3A_186] {strides = array<i32>} : memref<640xf32, #tpu.memory_space<vmem>>, vector<16xf32>,
        tpu.vector_store %arg10[%swap3A_186], %add3A_185 {strides = array<i32>} : memref<640xf32, #tpu.memory_space<vmem>>, vector<16xf32>,
        %mul3A_188 = arith.constant 5 : i32
        %mul3A_189 = arith.muli %scan3A_150, %mul3A_188 : i32
        %add3A_190 = arith.constant 3 : i32
        %add3A_191 = arith.addi %mul3A_189, %add3A_190 : i32
        %mul3A_192 = arith.constant 16 : i32
        %mul3A_193 = arith.muli %add3A_191, %mul3A_192 : i32
        %get3A_194 = arith.index_cast %mul3A_193 : i32 to index
        %get3A_195 = tpu.vector_load %arg10[%get3A_194] {strides = array<i32>} : memref<640xf32, #tpu.memory_space<vmem>>, vector<16xf32>,
        %get3A_196 = arith.index_cast %mul3A_193 : i32 to index
        %get3A_197 = tpu.vector_load %arg12[%get3A_196] {strides = array<i32>} : memref<640xf32, #tpu.memory_space<vmem>>, vector<16xf32>,
        %add3A_198 = arith.addf %get3A_195, %get3A_197 : vector<16xf32>
        %swap3A_199 = arith.index_cast %mul3A_193 : i32 to index
        %swap3A_200 = tpu.vector_load %arg10[%swap3A_199] {strides = array<i32>} : memref<640xf32, #tpu.memory_space<vmem>>, vector<16xf32>,
        tpu.vector_store %arg10[%swap3A_199], %add3A_198 {strides = array<i32>} : memref<640xf32, #tpu.memory_space<vmem>>, vector<16xf32>,
        %mul3A_201 = arith.constant 5 : i32
        %mul3A_202 = arith.muli %scan3A_150, %mul3A_201 : i32
        %add3A_203 = arith.constant 4 : i32
        %add3A_204 = arith.addi %mul3A_202, %add3A_203 : i32
        %mul3A_205 = arith.constant 16 : i32
        %mul3A_206 = arith.muli %add3A_204, %mul3A_205 : i32
        %get3A_207 = arith.index_cast %mul3A_206 : i32 to index
        %get3A_208 = tpu.vector_load %arg10[%get3A_207] {strides = array<i32>} : memref<640xf32, #tpu.memory_space<vmem>>, vector<16xf32>,
        %get3A_209 = arith.index_cast %mul3A_206 : i32 to index
        %get3A_210 = tpu.vector_load %arg12[%get3A_209] {strides = array<i32>} : memref<640xf32, #tpu.memory_space<vmem>>, vector<16xf32>,
        %add3A_211 = arith.addf %get3A_208, %get3A_210 : vector<16xf32>
        %swap3A_212 = arith.index_cast %mul3A_206 : i32 to index
        %swap3A_213 = tpu.vector_load %arg10[%swap3A_212] {strides = array<i32>} : memref<640xf32, #tpu.memory_space<vmem>>, vector<16xf32>,
        tpu.vector_store %arg10[%swap3A_212], %add3A_211 {strides = array<i32>} : memref<640xf32, #tpu.memory_space<vmem>>, vector<16xf32>,
      }
      %scan3A_143 = arith.constant 8 : i32
      %add3A_144 = arith.constant 3 : i32
      %add3A_145 = arith.addi %mul3A_115, %add3A_144 : i32
      %dma_start3A_146 = tpu.memref_slice %arg9[%add3A_145, %mul3A_3] : memref<16x10240xf32, #tpu.memory_space<vmem_shared>> -> memref<1x640xf32, #tpu.memory_space<vmem_shared>>
      %dma_start3A_147 = tpu.memref_squeeze %dma_start3A_146 : memref<1x640xf32, #tpu.memory_space<vmem_shared>> -> memref<640xf32, #tpu.memory_space<vmem_shared>>
      %dma_start3A_148 = tpu.memref_slice %arg9[%add3A_145, %mul3A_3] : memref<16x10240xf32, #tpu.memory_space<vmem_shared>> -> memref<1x640xf32, #tpu.memory_space<vmem_shared>>
      %dma_start3A_149 = tpu.memref_squeeze %dma_start3A_148 : memref<1x640xf32, #tpu.memory_space<vmem_shared>> -> memref<640xf32, #tpu.memory_space<vmem_shared>>
      tpu.enqueue_dma source(%dma_start3A_149 : memref<640xf32, #tpu.memory_space<vmem_shared>>) target(%arg12 : memref<640xf32, #tpu.memory_space<vmem>>) target_semaphore(%arg17 : memref<!tpu.dma_semaphore, #tpu.memory_space<semaphore_mem>>)
    }
    %scan3A_72 = arith.constant 7 : i32
    %dma_wait3A_73 = arith.constant 0 : i32
    %dma_wait3A_74 = tpu.memref_slice %arg9[%dma_wait3A_73, %mul3A_3] : memref<16x10240xf32, #tpu.memory_space<vmem_shared>> -> memref<1x640xf32, #tpu.memory_space<vmem_shared>>
    %dma_wait3A_75 = tpu.memref_squeeze %dma_wait3A_74 : memref<1x640xf32, #tpu.memory_space<vmem_shared>> -> memref<640xf32, #tpu.memory_space<vmem_shared>>
    %dma_wait3A_76 = tpu.memref_slice %arg9[%dma_wait3A_73, %mul3A_3] : memref<16x10240xf32, #tpu.memory_space<vmem_shared>> -> memref<1x640xf32, #tpu.memory_space<vmem_shared>>
    %dma_wait3A_77 = tpu.memref_squeeze %dma_wait3A_76 : memref<1x640xf32, #tpu.memory_space<vmem_shared>> -> memref<640xf32, #tpu.memory_space<vmem_shared>>
    tpu.wait_dma2 semaphore(%arg16 : memref<!tpu.dma_semaphore, #tpu.memory_space<semaphore_mem>>) src(%dma_wait3A_77 : memref<640xf32, #tpu.memory_space<vmem_shared>>) dst(%arg11 : memref<640xf32, #tpu.memory_space<vmem>>)
    %scan3A_78 = arith.constant 0 : i32
    %scan3A_79 = arith.constant 0 : i32
    %scan3A_80 = arith.constant 8 : i32
    %scan3A_81 = arith.addi %scan3A_79, %scan3A_80 : i32
    %scan3A_82 = arith.constant 1 : i32
    scf.for %scan3A_113 = %scan3A_79 to %scan3A_81 step %scan3A_82  : i32 {
      %mul3A_114 = arith.constant 5 : i32
      %mul3A_115 = arith.muli %scan3A_113, %mul3A_114 : i32
      %add3A_116 = arith.constant 0 : i32
      %add3A_117 = arith.addi %mul3A_115, %add3A_116 : i32
      %mul3A_118 = arith.constant 16 : i32
      %mul3A_119 = arith.muli %add3A_117, %mul3A_118 : i32
      %get3A = arith.index_cast %mul3A_119 : i32 to index
      %get3A_120 = tpu.vector_load %arg10[%get3A] {strides = array<i32>} : memref<640xf32, #tpu.memory_space<vmem>>, vector<16xf32>,
      %get3A_121 = arith.index_cast %mul3A_119 : i32 to index
      %get3A_122 = tpu.vector_load %arg11[%get3A_121] {strides = array<i32>} : memref<640xf32, #tpu.memory_space<vmem>>, vector<16xf32>,
      %add3A_123 = arith.addf %get3A_120, %get3A_122 : vector<16xf32>
      %swap3A = arith.index_cast %mul3A_119 : i32 to index
      %swap3A_124 = tpu.vector_load %arg10[%swap3A] {strides = array<i32>} : memref<640xf32, #tpu.memory_space<vmem>>, vector<16xf32>,
      tpu.vector_store %arg10[%swap3A], %add3A_123 {strides = array<i32>} : memref<640xf32, #tpu.memory_space<vmem>>, vector<16xf32>,
      %mul3A_125 = arith.constant 5 : i32
      %mul3A_126 = arith.muli %scan3A_113, %mul3A_125 : i32
      %add3A_127 = arith.constant 1 : i32
      %add3A_128 = arith.addi %mul3A_126, %add3A_127 : i32
      %mul3A_129 = arith.constant 16 : i32
      %mul3A_130 = arith.muli %add3A_128, %mul3A_129 : i32
      %get3A_131 = arith.index_cast %mul3A_130 : i32 to index
      %get3A_132 = tpu.vector_load %arg10[%get3A_131] {strides = array<i32>} : memref<640xf32, #tpu.memory_space<vmem>>, vector<16xf32>,
      %get3A_133 = arith.index_cast %mul3A_130 : i32 to index
      %get3A_134 = tpu.vector_load %arg11[%get3A_133] {strides = array<i32>} : memref<640xf32, #tpu.memory_space<vmem>>, vector<16xf32>,
      %add3A_135 = arith.addf %get3A_132, %get3A_134 : vector<16xf32>
      %swap3A_136 = arith.index_cast %mul3A_130 : i32 to index
      %swap3A_137 = tpu.vector_load %arg10[%swap3A_136] {strides = array<i32>} : memref<640xf32, #tpu.memory_space<vmem>>, vector<16xf32>,
      tpu.vector_store %arg10[%swap3A_136], %add3A_135 {strides = array<i32>} : memref<640xf32, #tpu.memory_space<vmem>>, vector<16xf32>,
      %mul3A_138 = arith.constant 5 : i32
      %mul3A_139 = arith.muli %scan3A_113, %mul3A_138 : i32
      %add3A_140 = arith.constant 2 : i32
      %add3A_141 = arith.addi %mul3A_139, %add3A_140 : i32
      %mul3A_142 = arith.constant 16 : i32
      %mul3A_143 = arith.muli %add3A_141, %mul3A_142 : i32
      %get3A_144 = arith.index_cast %mul3A_143 : i32 to index
      %get3A_145 = tpu.vector_load %arg10[%get3A_144] {strides = array<i32>} : memref<640xf32, #tpu.memory_space<vmem>>, vector<16xf32>,
      %get3A_146 = arith.index_cast %mul3A_143 : i32 to index
      %get3A_147 = tpu.vector_load %arg11[%get3A_146] {strides = array<i32>} : memref<640xf32, #tpu.memory_space<vmem>>, vector<16xf32>,
      %add3A_148 = arith.addf %get3A_145, %get3A_147 : vector<16xf32>
      %swap3A_149 = arith.index_cast %mul3A_143 : i32 to index
      %swap3A_150 = tpu.vector_load %arg10[%swap3A_149] {strides = array<i32>} : memref<640xf32, #tpu.memory_space<vmem>>, vector<16xf32>,
      tpu.vector_store %arg10[%swap3A_149], %add3A_148 {strides = array<i32>} : memref<640xf32, #tpu.memory_space<vmem>>, vector<16xf32>,
      %mul3A_151 = arith.constant 5 : i32
      %mul3A_152 = arith.muli %scan3A_113, %mul3A_151 : i32
      %add3A_153 = arith.constant 3 : i32
      %add3A_154 = arith.addi %mul3A_152, %add3A_153 : i32
      %mul3A_155 = arith.constant 16 : i32
      %mul3A_156 = arith.muli %add3A_154, %mul3A_155 : i32
      %get3A_157 = arith.index_cast %mul3A_156 : i32 to index
      %get3A_158 = tpu.vector_load %arg10[%get3A_157] {strides = array<i32>} : memref<640xf32, #tpu.memory_space<vmem>>, vector<16xf32>,
      %get3A_159 = arith.index_cast %mul3A_156 : i32 to index
      %get3A_160 = tpu.vector_load %arg11[%get3A_159] {strides = array<i32>} : memref<640xf32, #tpu.memory_space<vmem>>, vector<16xf32>,
      %add3A_161 = arith.addf %get3A_158, %get3A_160 : vector<16xf32>
      %swap3A_162 = arith.index_cast %mul3A_156 : i32 to index
      %swap3A_163 = tpu.vector_load %arg10[%swap3A_162] {strides = array<i32>} : memref<640xf32, #tpu.memory_space<vmem>>, vector<16xf32>,
      tpu.vector_store %arg10[%swap3A_162], %add3A_161 {strides = array<i32>} : memref<640xf32, #tpu.memory_space<vmem>>, vector<16xf32>,
      %mul3A_164 = arith.constant 5 : i32
      %mul3A_165 = arith.muli %scan3A_113, %mul3A_164 : i32
      %add3A_166 = arith.constant 4 : i32
      %add3A_167 = arith.addi %mul3A_165, %add3A_166 : i32
      %mul3A_168 = arith.constant 16 : i32
      %mul3A_169 = arith.muli %add3A_167, %mul3A_168 : i32
      %get3A_170 = arith.index_cast %mul3A_169 : i32 to index
      %get3A_171 = tpu.vector_load %arg10[%get3A_170] {strides = array<i32>} : memref<640xf32, #tpu.memory_space<vmem>>, vector<16xf32>,
      %get3A_172 = arith.index_cast %mul3A_169 : i32 to index
      %get3A_173 = tpu.vector_load %arg11[%get3A_172] {strides = array<i32>} : memref<640xf32, #tpu.memory_space<vmem>>, vector<16xf32>,
      %add3A_174 = arith.addf %get3A_171, %get3A_173 : vector<16xf32>
      %swap3A_175 = arith.index_cast %mul3A_169 : i32 to index
      %swap3A_176 = tpu.vector_load %arg10[%swap3A_175] {strides = array<i32>} : memref<640xf32, #tpu.memory_space<vmem>>, vector<16xf32>,
      tpu.vector_store %arg10[%swap3A_175], %add3A_174 {strides = array<i32>} : memref<640xf32, #tpu.memory_space<vmem>>, vector<16xf32>,
    }
    %scan3A_83 = arith.constant 8 : i32
    %dma_wait3A_84 = arith.constant 0 : i32
    %dma_wait3A_85 = tpu.memref_slice %arg9[%dma_wait3A_84, %mul3A_3] : memref<16x10240xf32, #tpu.memory_space<vmem_shared>> -> memref<1x640xf32, #tpu.memory_space<vmem_shared>>
    %dma_wait3A_86 = tpu.memref_squeeze %dma_wait3A_85 : memref<1x640xf32, #tpu.memory_space<vmem_shared>> -> memref<640xf32, #tpu.memory_space<vmem_shared>>
    %dma_wait3A_87 = tpu.memref_slice %arg9[%dma_wait3A_84, %mul3A_3] : memref<16x10240xf32, #tpu.memory_space<vmem_shared>> -> memref<1x640xf32, #tpu.memory_space<vmem_shared>>
    %dma_wait3A_88 = tpu.memref_squeeze %dma_wait3A_87 : memref<1x640xf32, #tpu.memory_space<vmem_shared>> -> memref<640xf32, #tpu.memory_space<vmem_shared>>
    tpu.wait_dma2 semaphore(%arg17 : memref<!tpu.dma_semaphore, #tpu.memory_space<semaphore_mem>>) src(%dma_wait3A_88 : memref<640xf32, #tpu.memory_space<vmem_shared>>) dst(%arg12 : memref<640xf32, #tpu.memory_space<vmem>>)
    %scan3A_89 = arith.constant 0 : i32
    %scan3A_90 = arith.constant 0 : i32
    %scan3A_91 = arith.constant 8 : i32
    %scan3A_92 = arith.addi %scan3A_90, %scan3A_91 : i32
    %scan3A_93 = arith.constant 1 : i32
    scf.for %scan3A_113 = %scan3A_90 to %scan3A_92 step %scan3A_93  : i32 {
      %mul3A_114 = arith.constant 5 : i32
      %mul3A_115 = arith.muli %scan3A_113, %mul3A_114 : i32
      %add3A_116 = arith.constant 0 : i32
      %add3A_117 = arith.addi %mul3A_115, %add3A_116 : i32
      %mul3A_118 = arith.constant 16 : i32
      %mul3A_119 = arith.muli %add3A_117, %mul3A_118 : i32
      %get3A = arith.index_cast %mul3A_119 : i32 to index
      %get3A_120 = tpu.vector_load %arg10[%get3A] {strides = array<i32>} : memref<640xf32, #tpu.memory_space<vmem>>, vector<16xf32>,
      %get3A_121 = arith.index_cast %mul3A_119 : i32 to index
      %get3A_122 = tpu.vector_load %arg12[%get3A_121] {strides = array<i32>} : memref<640xf32, #tpu.memory_space<vmem>>, vector<16xf32>,
      %add3A_123 = arith.addf %get3A_120, %get3A_122 : vector<16xf32>
      %swap3A = arith.index_cast %mul3A_119 : i32 to index
      %swap3A_124 = tpu.vector_load %arg10[%swap3A] {strides = array<i32>} : memref<640xf32, #tpu.memory_space<vmem>>, vector<16xf32>,
      tpu.vector_store %arg10[%swap3A], %add3A_123 {strides = array<i32>} : memref<640xf32, #tpu.memory_space<vmem>>, vector<16xf32>,
      %mul3A_125 = arith.constant 5 : i32
      %mul3A_126 = arith.muli %scan3A_113, %mul3A_125 : i32
      %add3A_127 = arith.constant 1 : i32
      %add3A_128 = arith.addi %mul3A_126, %add3A_127 : i32
      %mul3A_129 = arith.constant 16 : i32
      %mul3A_130 = arith.muli %add3A_128, %mul3A_129 : i32
      %get3A_131 = arith.index_cast %mul3A_130 : i32 to index
      %get3A_132 = tpu.vector_load %arg10[%get3A_131] {strides = array<i32>} : memref<640xf32, #tpu.memory_space<vmem>>, vector<16xf32>,
      %get3A_133 = arith.index_cast %mul3A_130 : i32 to index
      %get3A_134 = tpu.vector_load %arg12[%get3A_133] {strides = array<i32>} : memref<640xf32, #tpu.memory_space<vmem>>, vector<16xf32>,
      %add3A_135 = arith.addf %get3A_132, %get3A_134 : vector<16xf32>
      %swap3A_136 = arith.index_cast %mul3A_130 : i32 to index
      %swap3A_137 = tpu.vector_load %arg10[%swap3A_136] {strides = array<i32>} : memref<640xf32, #tpu.memory_space<vmem>>, vector<16xf32>,
      tpu.vector_store %arg10[%swap3A_136], %add3A_135 {strides = array<i32>} : memref<640xf32, #tpu.memory_space<vmem>>, vector<16xf32>,
      %mul3A_138 = arith.constant 5 : i32
      %mul3A_139 = arith.muli %scan3A_113, %mul3A_138 : i32
      %add3A_140 = arith.constant 2 : i32
      %add3A_141 = arith.addi %mul3A_139, %add3A_140 : i32
      %mul3A_142 = arith.constant 16 : i32
      %mul3A_143 = arith.muli %add3A_141, %mul3A_142 : i32
      %get3A_144 = arith.index_cast %mul3A_143 : i32 to index
      %get3A_145 = tpu.vector_load %arg10[%get3A_144] {strides = array<i32>} : memref<640xf32, #tpu.memory_space<vmem>>, vector<16xf32>,
      %get3A_146 = arith.index_cast %mul3A_143 : i32 to index
      %get3A_147 = tpu.vector_load %arg12[%get3A_146] {strides = array<i32>} : memref<640xf32, #tpu.memory_space<vmem>>, vector<16xf32>,
      %add3A_148 = arith.addf %get3A_145, %get3A_147 : vector<16xf32>
      %swap3A_149 = arith.index_cast %mul3A_143 : i32 to index
      %swap3A_150 = tpu.vector_load %arg10[%swap3A_149] {strides = array<i32>} : memref<640xf32, #tpu.memory_space<vmem>>, vector<16xf32>,
      tpu.vector_store %arg10[%swap3A_149], %add3A_148 {strides = array<i32>} : memref<640xf32, #tpu.memory_space<vmem>>, vector<16xf32>,
      %mul3A_151 = arith.constant 5 : i32
      %mul3A_152 = arith.muli %scan3A_113, %mul3A_151 : i32
      %add3A_153 = arith.constant 3 : i32
      %add3A_154 = arith.addi %mul3A_152, %add3A_153 : i32
      %mul3A_155 = arith.constant 16 : i32
      %mul3A_156 = arith.muli %add3A_154, %mul3A_155 : i32
      %get3A_157 = arith.index_cast %mul3A_156 : i32 to index
      %get3A_158 = tpu.vector_load %arg10[%get3A_157] {strides = array<i32>} : memref<640xf32, #tpu.memory_space<vmem>>, vector<16xf32>,
      %get3A_159 = arith.index_cast %mul3A_156 : i32 to index
      %get3A_160 = tpu.vector_load %arg12[%get3A_159] {strides = array<i32>} : memref<640xf32, #tpu.memory_space<vmem>>, vector<16xf32>,
      %add3A_161 = arith.addf %get3A_158, %get3A_160 : vector<16xf32>
      %swap3A_162 = arith.index_cast %mul3A_156 : i32 to index
      %swap3A_163 = tpu.vector_load %arg10[%swap3A_162] {strides = array<i32>} : memref<640xf32, #tpu.memory_space<vmem>>, vector<16xf32>,
      tpu.vector_store %arg10[%swap3A_162], %add3A_161 {strides = array<i32>} : memref<640xf32, #tpu.memory_space<vmem>>, vector<16xf32>,
      %mul3A_164 = arith.constant 5 : i32
      %mul3A_165 = arith.muli %scan3A_113, %mul3A_164 : i32
      %add3A_166 = arith.constant 4 : i32
      %add3A_167 = arith.addi %mul3A_165, %add3A_166 : i32
      %mul3A_168 = arith.constant 16 : i32
      %mul3A_169 = arith.muli %add3A_167, %mul3A_168 : i32
      %get3A_170 = arith.index_cast %mul3A_169 : i32 to index
      %get3A_171 = tpu.vector_load %arg10[%get3A_170] {strides = array<i32>} : memref<640xf32, #tpu.memory_space<vmem>>, vector<16xf32>,
      %get3A_172 = arith.index_cast %mul3A_169 : i32 to index
      %get3A_173 = tpu.vector_load %arg12[%get3A_172] {strides = array<i32>} : memref<640xf32, #tpu.memory_space<vmem>>, vector<16xf32>,
      %add3A_174 = arith.addf %get3A_171, %get3A_173 : vector<16xf32>
      %swap3A_175 = arith.index_cast %mul3A_169 : i32 to index
      %swap3A_176 = tpu.vector_load %arg10[%swap3A_175] {strides = array<i32>} : memref<640xf32, #tpu.memory_space<vmem>>, vector<16xf32>,
      tpu.vector_store %arg10[%swap3A_175], %add3A_174 {strides = array<i32>} : memref<640xf32, #tpu.memory_space<vmem>>, vector<16xf32>,
    }
    %scan3A_94 = arith.constant 8 : i32
    %scan3A_95 = arith.constant 0 : i32
    %scan3A_96 = arith.constant 0 : i32
    %scan3A_97 = arith.constant 40 : i32
    %scan3A_98 = arith.addi %scan3A_96, %scan3A_97 : i32
    %scan3A_99 = arith.constant 1 : i32
    scf.for %scan3A_113 = %scan3A_96 to %scan3A_98 step %scan3A_99  : i32 {
      %mul3A_114 = arith.constant 16 : i32
      %mul3A_115 = arith.muli %scan3A_113, %mul3A_114 : i32
      %get3A = arith.index_cast %mul3A_115 : i32 to index
      %get3A_116 = tpu.vector_load %arg10[%get3A] {strides = array<i32>} : memref<640xf32, #tpu.memory_space<vmem>>, vector<16xf32>,
      %add3A_117 = arith.constant 1.000000e+00 : f32
      %add3A_118 = vector.broadcast %add3A_117 : f32 to vector<16xf32>
      %add3A_119 = arith.addf %get3A_116, %add3A_118 : vector<16xf32>
      %mul3A_120 = arith.constant 5.000000e-01 : f32
      %mul3A_121 = vector.broadcast %mul3A_120 : f32 to vector<16xf32>
      %mul3A_122 = arith.mulf %mul3A_121, %add3A_119 : vector<16xf32>
      %bitcast3A = vector.bitcast %add3A_119 : vector<16xf32> to vector<16xi32>
      %shift_right_arithmetic3A = arith.constant 1 : i32
      %shift_right_arithmetic3A_123 = vector.broadcast %shift_right_arithmetic3A : i32 to vector<16xi32>
      %shift_right_arithmetic3A_124 = arith.shrsi %bitcast3A, %shift_right_arithmetic3A_123 : vector<16xi32>
      %sub3A = arith.constant 1597463007 : i32
      %sub3A_125 = vector.broadcast %sub3A : i32 to vector<16xi32>
      %sub3A_126 = arith.subi %sub3A_125, %shift_right_arithmetic3A_124 : vector<16xi32>
      %bitcast3A_127 = vector.bitcast %sub3A_126 : vector<16xi32> to vector<16xf32>
      %mul3A_128 = arith.mulf %mul3A_122, %bitcast3A_127 : vector<16xf32>
      %mul3A_129 = arith.mulf %mul3A_128, %bitcast3A_127 : vector<16xf32>
      %sub3A_130 = arith.constant 1.500000e+00 : f32
      %sub3A_131 = vector.broadcast %sub3A_130 : f32 to vector<16xf32>
      %sub3A_132 = arith.subf %sub3A_131, %mul3A_129 : vector<16xf32>
      %mul3A_133 = arith.mulf %bitcast3A_127, %sub3A_132 : vector<16xf32>
      %mul3A_134 = arith.mulf %mul3A_122, %mul3A_133 : vector<16xf32>
      %mul3A_135 = arith.mulf %mul3A_134, %mul3A_133 : vector<16xf32>
      %sub3A_136 = arith.constant 1.500000e+00 : f32
      %sub3A_137 = vector.broadcast %sub3A_136 : f32 to vector<16xf32>
      %sub3A_138 = arith.subf %sub3A_137, %mul3A_135 : vector<16xf32>
      %mul3A_139 = arith.mulf %mul3A_133, %sub3A_138 : vector<16xf32>
      %mul3A_140 = arith.mulf %mul3A_122, %mul3A_139 : vector<16xf32>
      %mul3A_141 = arith.mulf %mul3A_140, %mul3A_139 : vector<16xf32>
      %sub3A_142 = arith.constant 1.500000e+00 : f32
      %sub3A_143 = vector.broadcast %sub3A_142 : f32 to vector<16xf32>
      %sub3A_144 = arith.subf %sub3A_143, %mul3A_141 : vector<16xf32>
      %mul3A_145 = arith.mulf %mul3A_139, %sub3A_144 : vector<16xf32>
      %mul3A_146 = arith.constant 16 : i32
      %mul3A_147 = arith.muli %scan3A_113, %mul3A_146 : i32
      %swap3A = arith.index_cast %mul3A_147 : i32 to index
      %swap3A_148 = tpu.vector_load %arg10[%swap3A] {strides = array<i32>} : memref<640xf32, #tpu.memory_space<vmem>>, vector<16xf32>,
      tpu.vector_store %arg10[%swap3A], %mul3A_145 {strides = array<i32>} : memref<640xf32, #tpu.memory_space<vmem>>, vector<16xf32>,
    }
    %scan3A_100 = arith.constant 40 : i32
    %eq3A = arith.constant 0 : i32
    %eq3A_101 = arith.cmpi eq, %arg0, %eq3A : i32
    %convert_element_type3A = arith.extui %eq3A_101 : i1 to i32
    %cond3A = arith.constant 0 : i32
    %cond3A_102 = arith.cmpi ne, %convert_element_type3A, %cond3A : i32
    scf.if %cond3A_102 {
      "tpu.region"() ({
        %run_scoped3A = tpu.sem_alloc : memref<!tpu.dma_semaphore, #tpu.memory_space<semaphore_mem>>
        %dma_start3A_113 = tpu.memref_slice %arg4[%mul3A_3] : memref<10240xf32, #tpu.memory_space<hbm>> -> memref<640xf32, #tpu.memory_space<hbm>>
        %dma_start3A_114 = tpu.memref_slice %arg4[%mul3A_3] : memref<10240xf32, #tpu.memory_space<hbm>> -> memref<640xf32, #tpu.memory_space<hbm>>
        tpu.enqueue_dma source(%arg10 : memref<640xf32, #tpu.memory_space<vmem>>) target(%dma_start3A_114 : memref<640xf32, #tpu.memory_space<hbm>>) target_semaphore(%run_scoped3A : memref<!tpu.dma_semaphore, #tpu.memory_space<semaphore_mem>>)
        %dma_wait3A_115 = tpu.memref_slice %arg4[%mul3A_3] : memref<10240xf32, #tpu.memory_space<hbm>> -> memref<640xf32, #tpu.memory_space<hbm>>
        %dma_wait3A_116 = tpu.memref_slice %arg4[%mul3A_3] : memref<10240xf32, #tpu.memory_space<hbm>> -> memref<640xf32, #tpu.memory_space<hbm>>
        tpu.wait_dma2 semaphore(%run_scoped3A : memref<!tpu.dma_semaphore, #tpu.memory_space<semaphore_mem>>) src(%arg10 : memref<640xf32, #tpu.memory_space<vmem>>) dst(%dma_wait3A_116 : memref<640xf32, #tpu.memory_space<hbm>>)
        tpu.yield
      }) : () -> ()
    } else {
    }
    %dma_wait3A_103 = arith.constant 0 : i32
    %dma_wait3A_104 = tpu.memref_slice %arg3[%add3A, %dma_wait3A_103] : memref<10240x128xf32, #tpu.memory_space<hbm>> -> memref<320x128xf32, #tpu.memory_space<hbm>>
    %dma_wait3A_105 = arith.constant 0 : i32
    %dma_wait3A_106 = tpu.memref_slice %arg3[%add3A, %dma_wait3A_105] : memref<10240x128xf32, #tpu.memory_space<hbm>> -> memref<320x128xf32, #tpu.memory_space<hbm>>
    tpu.wait_dma2 semaphore(%arg18 : memref<!tpu.dma_semaphore, #tpu.memory_space<semaphore_mem>>) src(%dma_wait3A_106 : memref<320x128xf32, #tpu.memory_space<hbm>>) dst(%arg13 : memref<320x128xf32, #tpu.memory_space<vmem>>)
    %scan3A_107 = arith.constant 0 : i32
    %scan3A_108 = arith.constant 0 : i32
    %scan3A_109 = arith.constant 320 : i32
    %scan3A_110 = arith.addi %scan3A_108, %scan3A_109 : i32
    %scan3A_111 = arith.constant 1 : i32
    scf.for %scan3A_113 = %scan3A_108 to %scan3A_110 step %scan3A_111  : i32 {
      %mul3A_114 = arith.constant 320 : i32
      %mul3A_115 = arith.muli %arg0, %mul3A_114 : i32
      %add3A_116 = arith.addi %mul3A_115, %scan3A_113 : i32
      %broadcast_in_dim3A_117 = vector.broadcast %add3A_116 : i32 to vector<16xi32>
      %gather3A = tpu.vector_load_idx %arg10[%broadcast_in_dim3A_117] : memref<640xf32, #tpu.memory_space<vmem>>[vector<16xi32>], vector<16xf32>,
      %get3A = arith.index_cast %scan3A_113 : i32 to index
      %get3A_118 = arith.constant 0 : index
      %get3A_119 = tpu.vector_load %arg13[%get3A, %get3A_118] {strides = array<i32>} : memref<320x128xf32, #tpu.memory_space<vmem>>, vector<16xf32>,
      %mul3A_120 = arith.mulf %get3A_119, %gather3A : vector<16xf32>
      %swap3A = arith.index_cast %scan3A_113 : i32 to index
      %swap3A_121 = arith.constant 0 : index
      %swap3A_122 = tpu.vector_load %arg13[%swap3A, %swap3A_121] {strides = array<i32>} : memref<320x128xf32, #tpu.memory_space<vmem>>, vector<16xf32>,
      tpu.vector_store %arg13[%swap3A, %swap3A_121], %mul3A_120 {strides = array<i32>} : memref<320x128xf32, #tpu.memory_space<vmem>>, vector<16xf32>,
      %get3A_123 = arith.index_cast %scan3A_113 : i32 to index
      %get3A_124 = arith.constant 16 : index
      %get3A_125 = tpu.vector_load %arg13[%get3A_123, %get3A_124] {strides = array<i32>} : memref<320x128xf32, #tpu.memory_space<vmem>>, vector<16xf32>,
      %mul3A_126 = arith.mulf %get3A_125, %gather3A : vector<16xf32>
      %swap3A_127 = arith.index_cast %scan3A_113 : i32 to index
      %swap3A_128 = arith.constant 16 : index
      %swap3A_129 = tpu.vector_load %arg13[%swap3A_127, %swap3A_128] {strides = array<i32>} : memref<320x128xf32, #tpu.memory_space<vmem>>, vector<16xf32>,
      tpu.vector_store %arg13[%swap3A_127, %swap3A_128], %mul3A_126 {strides = array<i32>} : memref<320x128xf32, #tpu.memory_space<vmem>>, vector<16xf32>,
      %get3A_130 = arith.index_cast %scan3A_113 : i32 to index
      %get3A_131 = arith.constant 32 : index
      %get3A_132 = tpu.vector_load %arg13[%get3A_130, %get3A_131] {strides = array<i32>} : memref<320x128xf32, #tpu.memory_space<vmem>>, vector<16xf32>,
      %mul3A_133 = arith.mulf %get3A_132, %gather3A : vector<16xf32>
      %swap3A_134 = arith.index_cast %scan3A_113 : i32 to index
      %swap3A_135 = arith.constant 32 : index
      %swap3A_136 = tpu.vector_load %arg13[%swap3A_134, %swap3A_135] {strides = array<i32>} : memref<320x128xf32, #tpu.memory_space<vmem>>, vector<16xf32>,
      tpu.vector_store %arg13[%swap3A_134, %swap3A_135], %mul3A_133 {strides = array<i32>} : memref<320x128xf32, #tpu.memory_space<vmem>>, vector<16xf32>,
      %get3A_137 = arith.index_cast %scan3A_113 : i32 to index
      %get3A_138 = arith.constant 48 : index
      %get3A_139 = tpu.vector_load %arg13[%get3A_137, %get3A_138] {strides = array<i32>} : memref<320x128xf32, #tpu.memory_space<vmem>>, vector<16xf32>,
      %mul3A_140 = arith.mulf %get3A_139, %gather3A : vector<16xf32>
      %swap3A_141 = arith.index_cast %scan3A_113 : i32 to index
      %swap3A_142 = arith.constant 48 : index
      %swap3A_143 = tpu.vector_load %arg13[%swap3A_141, %swap3A_142] {strides = array<i32>} : memref<320x128xf32, #tpu.memory_space<vmem>>, vector<16xf32>,
      tpu.vector_store %arg13[%swap3A_141, %swap3A_142], %mul3A_140 {strides = array<i32>} : memref<320x128xf32, #tpu.memory_space<vmem>>, vector<16xf32>,
      %get3A_144 = arith.index_cast %scan3A_113 : i32 to index
      %get3A_145 = arith.constant 64 : index
      %get3A_146 = tpu.vector_load %arg13[%get3A_144, %get3A_145] {strides = array<i32>} : memref<320x128xf32, #tpu.memory_space<vmem>>, vector<16xf32>,
      %mul3A_147 = arith.mulf %get3A_146, %gather3A : vector<16xf32>
      %swap3A_148 = arith.index_cast %scan3A_113 : i32 to index
      %swap3A_149 = arith.constant 64 : index
      %swap3A_150 = tpu.vector_load %arg13[%swap3A_148, %swap3A_149] {strides = array<i32>} : memref<320x128xf32, #tpu.memory_space<vmem>>, vector<16xf32>,
      tpu.vector_store %arg13[%swap3A_148, %swap3A_149], %mul3A_147 {strides = array<i32>} : memref<320x128xf32, #tpu.memory_space<vmem>>, vector<16xf32>,
      %get3A_151 = arith.index_cast %scan3A_113 : i32 to index
      %get3A_152 = arith.constant 80 : index
      %get3A_153 = tpu.vector_load %arg13[%get3A_151, %get3A_152] {strides = array<i32>} : memref<320x128xf32, #tpu.memory_space<vmem>>, vector<16xf32>,
      %mul3A_154 = arith.mulf %get3A_153, %gather3A : vector<16xf32>
      %swap3A_155 = arith.index_cast %scan3A_113 : i32 to index
      %swap3A_156 = arith.constant 80 : index
      %swap3A_157 = tpu.vector_load %arg13[%swap3A_155, %swap3A_156] {strides = array<i32>} : memref<320x128xf32, #tpu.memory_space<vmem>>, vector<16xf32>,
      tpu.vector_store %arg13[%swap3A_155, %swap3A_156], %mul3A_154 {strides = array<i32>} : memref<320x128xf32, #tpu.memory_space<vmem>>, vector<16xf32>,
      %get3A_158 = arith.index_cast %scan3A_113 : i32 to index
      %get3A_159 = arith.constant 96 : index
      %get3A_160 = tpu.vector_load %arg13[%get3A_158, %get3A_159] {strides = array<i32>} : memref<320x128xf32, #tpu.memory_space<vmem>>, vector<16xf32>,
      %mul3A_161 = arith.mulf %get3A_160, %gather3A : vector<16xf32>
      %swap3A_162 = arith.index_cast %scan3A_113 : i32 to index
      %swap3A_163 = arith.constant 96 : index
      %swap3A_164 = tpu.vector_load %arg13[%swap3A_162, %swap3A_163] {strides = array<i32>} : memref<320x128xf32, #tpu.memory_space<vmem>>, vector<16xf32>,
      tpu.vector_store %arg13[%swap3A_162, %swap3A_163], %mul3A_161 {strides = array<i32>} : memref<320x128xf32, #tpu.memory_space<vmem>>, vector<16xf32>,
      %get3A_165 = arith.index_cast %scan3A_113 : i32 to index
      %get3A_166 = arith.constant 112 : index
      %get3A_167 = tpu.vector_load %arg13[%get3A_165, %get3A_166] {strides = array<i32>} : memref<320x128xf32, #tpu.memory_space<vmem>>, vector<16xf32>,
      %mul3A_168 = arith.mulf %get3A_167, %gather3A : vector<16xf32>
      %swap3A_169 = arith.index_cast %scan3A_113 : i32 to index
      %swap3A_170 = arith.constant 112 : index
      %swap3A_171 = tpu.vector_load %arg13[%swap3A_169, %swap3A_170] {strides = array<i32>} : memref<320x128xf32, #tpu.memory_space<vmem>>, vector<16xf32>,
      tpu.vector_store %arg13[%swap3A_169, %swap3A_170], %mul3A_168 {strides = array<i32>} : memref<320x128xf32, #tpu.memory_space<vmem>>, vector<16xf32>,
    }
    %scan3A_112 = arith.constant 320 : i32
    "tpu.region"() ({
      %run_scoped3A = tpu.sem_alloc : memref<!tpu.dma_semaphore, #tpu.memory_space<semaphore_mem>>
      %dma_start3A_113 = arith.constant 0 : i32
      %dma_start3A_114 = tpu.memref_slice %arg5[%add3A, %dma_start3A_113] : memref<10240x128xf32, #tpu.memory_space<hbm>> -> memref<320x128xf32, #tpu.memory_space<hbm>>
      %dma_start3A_115 = arith.constant 0 : i32
      %dma_start3A_116 = tpu.memref_slice %arg5[%add3A, %dma_start3A_115] : memref<10240x128xf32, #tpu.memory_space<hbm>> -> memref<320x128xf32, #tpu.memory_space<hbm>>
      tpu.enqueue_dma source(%arg13 : memref<320x128xf32, #tpu.memory_space<vmem>>) target(%dma_start3A_116 : memref<320x128xf32, #tpu.memory_space<hbm>>) target_semaphore(%run_scoped3A : memref<!tpu.dma_semaphore, #tpu.memory_space<semaphore_mem>>)
      %dma_wait3A_117 = arith.constant 0 : i32
      %dma_wait3A_118 = tpu.memref_slice %arg5[%add3A, %dma_wait3A_117] : memref<10240x128xf32, #tpu.memory_space<hbm>> -> memref<320x128xf32, #tpu.memory_space<hbm>>
      %dma_wait3A_119 = arith.constant 0 : i32
      %dma_wait3A_120 = tpu.memref_slice %arg5[%add3A, %dma_wait3A_119] : memref<10240x128xf32, #tpu.memory_space<hbm>> -> memref<320x128xf32, #tpu.memory_space<hbm>>
      tpu.wait_dma2 semaphore(%run_scoped3A : memref<!tpu.dma_semaphore, #tpu.memory_space<semaphore_mem>>) src(%arg13 : memref<320x128xf32, #tpu.memory_space<vmem>>) dst(%dma_wait3A_120 : memref<320x128xf32, #tpu.memory_space<hbm>>)
      tpu.yield
    }) : () -> ()
    return
  }
}

#map = affine_map<(d0, d1) -> (0)>
#map1 = affine_map<(d0, d1) -> (0, 0)>
#map2 = affine_map<(d0, d1) -> (0, 0, 0)>
module attributes {stable_mosaic.version = 14 : i64} {
  func.func @_agg_kernel(%arg0: i32, %arg1: i32, %arg2: memref<327680xi32, #tpu.memory_space<hbm>>, %arg3: memref<327680xi32, #tpu.memory_space<hbm>>, %arg4: memref<10240x128xf32, #tpu.memory_space<hbm>>, %arg5: memref<2x10240x128xf32, #tpu.memory_space<hbm>>, %arg6: memref<128xi32, #tpu.memory_space<vmem>>, %arg7: memref<128xi32, #tpu.memory_space<vmem>>, %arg8: memref<2x64xi32, #tpu.memory_space<vmem>>, %arg9: memref<2x64xi32, #tpu.memory_space<vmem>>, %arg10: memref<2x64xi32, #tpu.memory_space<vmem>>, %arg11: memref<2x64xi32, #tpu.memory_space<vmem>>, %arg12: memref<128x128xf32, #tpu.memory_space<vmem>>, %arg13: memref<128x128xf32, #tpu.memory_space<vmem>>, %arg14: memref<10240x128xf32, #tpu.memory_space<vmem_shared>>, %arg15: memref<64x128xf32, #tpu.memory_space<vmem>>, %arg16: memref<!tpu.dma_semaphore, #tpu.memory_space<semaphore_mem>>, %arg17: memref<!tpu.dma_semaphore, #tpu.memory_space<semaphore_mem>>, %arg18: memref<!tpu.dma_semaphore, #tpu.memory_space<semaphore_mem>>, %arg19: memref<!tpu.dma_semaphore, #tpu.memory_space<semaphore_mem>>, %arg20: memref<!tpu.dma_semaphore, #tpu.memory_space<semaphore_mem>>, %arg21: memref<!tpu.dma_semaphore, #tpu.memory_space<semaphore_mem>>) attributes {dimension_semantics = [#tpu.dimension_semantics<core_parallel>, #tpu.dimension_semantics<subcore_parallel>], iteration_bounds = array<i64: 2, 16>, scalar_prefetch = 0 : i64, scratch_operands = 16 : i64, tpu.core_type = #tpu.core_type<sc_vector_subcore>, window_params = [{transform_indices = #map}, {transform_indices = #map}, {transform_indices = #map1}, {transform_indices = #map2}]} {
    %broadcast_in_dim3A = arith.constant 0.000000e+00 : f32
    %broadcast_in_dim3A_0 = vector.broadcast %broadcast_in_dim3A : f32 to vector<16xf32>
    %mul3A = arith.constant 16 : i32
    %mul3A_1 = arith.muli %arg0, %mul3A : i32
    %add3A = arith.addi %mul3A_1, %arg1 : i32
    %mul3A_2 = arith.constant 10240 : i32
    %mul3A_3 = arith.muli %add3A, %mul3A_2 : i32
    %add3A_4 = arith.constant 0 : i32
    %add3A_5 = arith.addi %mul3A_3, %add3A_4 : i32
    %dma_start3A = tpu.memref_slice %arg2[%add3A_5] : memref<327680xi32, #tpu.memory_space<hbm>> -> memref<128xi32, #tpu.memory_space<hbm>>
    %dma_start3A_6 = tpu.memref_slice %arg2[%add3A_5] : memref<327680xi32, #tpu.memory_space<hbm>> -> memref<128xi32, #tpu.memory_space<hbm>>
    tpu.enqueue_dma source(%dma_start3A_6 : memref<128xi32, #tpu.memory_space<hbm>>) target(%arg6 : memref<128xi32, #tpu.memory_space<vmem>>) target_semaphore(%arg16 : memref<!tpu.dma_semaphore, #tpu.memory_space<semaphore_mem>>)
    %dma_start3A_7 = arith.constant 0 : i32
    %dma_start3A_8 = arith.constant 0 : i32
    %dma_start3A_9 = tpu.memref_slice %arg8[%dma_start3A_7, %dma_start3A_8] : memref<2x64xi32, #tpu.memory_space<vmem>> -> memref<1x64xi32, #tpu.memory_space<vmem>>
    %dma_start3A_10 = tpu.memref_squeeze %dma_start3A_9 : memref<1x64xi32, #tpu.memory_space<vmem>> -> memref<64xi32, #tpu.memory_space<vmem>>
    %dma_start3A_11 = tpu.memref_slice %arg3[%add3A_5] : memref<327680xi32, #tpu.memory_space<hbm>> -> memref<64xi32, #tpu.memory_space<hbm>>
    %dma_start3A_12 = arith.constant 0 : i32
    %dma_start3A_13 = tpu.memref_slice %arg8[%dma_start3A_7, %dma_start3A_12] : memref<2x64xi32, #tpu.memory_space<vmem>> -> memref<1x64xi32, #tpu.memory_space<vmem>>
    %dma_start3A_14 = tpu.memref_squeeze %dma_start3A_13 : memref<1x64xi32, #tpu.memory_space<vmem>> -> memref<64xi32, #tpu.memory_space<vmem>>
    %dma_start3A_15 = tpu.memref_slice %arg3[%add3A_5] : memref<327680xi32, #tpu.memory_space<hbm>> -> memref<64xi32, #tpu.memory_space<hbm>>
    tpu.enqueue_dma source(%dma_start3A_15 : memref<64xi32, #tpu.memory_space<hbm>>) target(%dma_start3A_14 : memref<64xi32, #tpu.memory_space<vmem>>) target_semaphore(%arg16 : memref<!tpu.dma_semaphore, #tpu.memory_space<semaphore_mem>>)
    %add3A_16 = arith.constant 64 : i32
    %add3A_17 = arith.addi %add3A_5, %add3A_16 : i32
    %dma_start3A_18 = arith.constant 1 : i32
    %dma_start3A_19 = arith.constant 0 : i32
    %dma_start3A_20 = tpu.memref_slice %arg8[%dma_start3A_18, %dma_start3A_19] : memref<2x64xi32, #tpu.memory_space<vmem>> -> memref<1x64xi32, #tpu.memory_space<vmem>>
    %dma_start3A_21 = tpu.memref_squeeze %dma_start3A_20 : memref<1x64xi32, #tpu.memory_space<vmem>> -> memref<64xi32, #tpu.memory_space<vmem>>
    %dma_start3A_22 = tpu.memref_slice %arg3[%add3A_17] : memref<327680xi32, #tpu.memory_space<hbm>> -> memref<64xi32, #tpu.memory_space<hbm>>
    %dma_start3A_23 = arith.constant 0 : i32
    %dma_start3A_24 = tpu.memref_slice %arg8[%dma_start3A_18, %dma_start3A_23] : memref<2x64xi32, #tpu.memory_space<vmem>> -> memref<1x64xi32, #tpu.memory_space<vmem>>
    %dma_start3A_25 = tpu.memref_squeeze %dma_start3A_24 : memref<1x64xi32, #tpu.memory_space<vmem>> -> memref<64xi32, #tpu.memory_space<vmem>>
    %dma_start3A_26 = tpu.memref_slice %arg3[%add3A_17] : memref<327680xi32, #tpu.memory_space<hbm>> -> memref<64xi32, #tpu.memory_space<hbm>>
    tpu.enqueue_dma source(%dma_start3A_26 : memref<64xi32, #tpu.memory_space<hbm>>) target(%dma_start3A_25 : memref<64xi32, #tpu.memory_space<vmem>>) target_semaphore(%arg16 : memref<!tpu.dma_semaphore, #tpu.memory_space<semaphore_mem>>)
    %add3A_27 = arith.constant 128 : i32
    %add3A_28 = arith.addi %mul3A_3, %add3A_27 : i32
    %dma_start3A_29 = tpu.memref_slice %arg2[%add3A_28] : memref<327680xi32, #tpu.memory_space<hbm>> -> memref<128xi32, #tpu.memory_space<hbm>>
    %dma_start3A_30 = tpu.memref_slice %arg2[%add3A_28] : memref<327680xi32, #tpu.memory_space<hbm>> -> memref<128xi32, #tpu.memory_space<hbm>>
    tpu.enqueue_dma source(%dma_start3A_30 : memref<128xi32, #tpu.memory_space<hbm>>) target(%arg7 : memref<128xi32, #tpu.memory_space<vmem>>) target_semaphore(%arg17 : memref<!tpu.dma_semaphore, #tpu.memory_space<semaphore_mem>>)
    %dma_start3A_31 = arith.constant 0 : i32
    %dma_start3A_32 = arith.constant 0 : i32
    %dma_start3A_33 = tpu.memref_slice %arg9[%dma_start3A_31, %dma_start3A_32] : memref<2x64xi32, #tpu.memory_space<vmem>> -> memref<1x64xi32, #tpu.memory_space<vmem>>
    %dma_start3A_34 = tpu.memref_squeeze %dma_start3A_33 : memref<1x64xi32, #tpu.memory_space<vmem>> -> memref<64xi32, #tpu.memory_space<vmem>>
    %dma_start3A_35 = tpu.memref_slice %arg3[%add3A_28] : memref<327680xi32, #tpu.memory_space<hbm>> -> memref<64xi32, #tpu.memory_space<hbm>>
    %dma_start3A_36 = arith.constant 0 : i32
    %dma_start3A_37 = tpu.memref_slice %arg9[%dma_start3A_31, %dma_start3A_36] : memref<2x64xi32, #tpu.memory_space<vmem>> -> memref<1x64xi32, #tpu.memory_space<vmem>>
    %dma_start3A_38 = tpu.memref_squeeze %dma_start3A_37 : memref<1x64xi32, #tpu.memory_space<vmem>> -> memref<64xi32, #tpu.memory_space<vmem>>
    %dma_start3A_39 = tpu.memref_slice %arg3[%add3A_28] : memref<327680xi32, #tpu.memory_space<hbm>> -> memref<64xi32, #tpu.memory_space<hbm>>
    tpu.enqueue_dma source(%dma_start3A_39 : memref<64xi32, #tpu.memory_space<hbm>>) target(%dma_start3A_38 : memref<64xi32, #tpu.memory_space<vmem>>) target_semaphore(%arg17 : memref<!tpu.dma_semaphore, #tpu.memory_space<semaphore_mem>>)
    %add3A_40 = arith.constant 64 : i32
    %add3A_41 = arith.addi %add3A_28, %add3A_40 : i32
    %dma_start3A_42 = arith.constant 1 : i32
    %dma_start3A_43 = arith.constant 0 : i32
    %dma_start3A_44 = tpu.memref_slice %arg9[%dma_start3A_42, %dma_start3A_43] : memref<2x64xi32, #tpu.memory_space<vmem>> -> memref<1x64xi32, #tpu.memory_space<vmem>>
    %dma_start3A_45 = tpu.memref_squeeze %dma_start3A_44 : memref<1x64xi32, #tpu.memory_space<vmem>> -> memref<64xi32, #tpu.memory_space<vmem>>
    %dma_start3A_46 = tpu.memref_slice %arg3[%add3A_41] : memref<327680xi32, #tpu.memory_space<hbm>> -> memref<64xi32, #tpu.memory_space<hbm>>
    %dma_start3A_47 = arith.constant 0 : i32
    %dma_start3A_48 = tpu.memref_slice %arg9[%dma_start3A_42, %dma_start3A_47] : memref<2x64xi32, #tpu.memory_space<vmem>> -> memref<1x64xi32, #tpu.memory_space<vmem>>
    %dma_start3A_49 = tpu.memref_squeeze %dma_start3A_48 : memref<1x64xi32, #tpu.memory_space<vmem>> -> memref<64xi32, #tpu.memory_space<vmem>>
    %dma_start3A_50 = tpu.memref_slice %arg3[%add3A_41] : memref<327680xi32, #tpu.memory_space<hbm>> -> memref<64xi32, #tpu.memory_space<hbm>>
    tpu.enqueue_dma source(%dma_start3A_50 : memref<64xi32, #tpu.memory_space<hbm>>) target(%dma_start3A_49 : memref<64xi32, #tpu.memory_space<vmem>>) target_semaphore(%arg17 : memref<!tpu.dma_semaphore, #tpu.memory_space<semaphore_mem>>)
    %scan3A = arith.constant 0 : i32
    %scan3A_51 = arith.constant 0 : i32
    %scan3A_52 = arith.constant 64 : i32
    %scan3A_53 = arith.addi %scan3A_51, %scan3A_52 : i32
    %scan3A_54 = arith.constant 1 : i32
    scf.for %scan3A_460 = %scan3A_51 to %scan3A_53 step %scan3A_54  : i32 {
      %scan3A_461 = arith.constant 0 : i32
      %scan3A_462 = arith.constant 0 : i32
      %scan3A_463 = arith.constant 8 : i32
      %scan3A_464 = arith.addi %scan3A_462, %scan3A_463 : i32
      %scan3A_465 = arith.constant 1 : i32
      scf.for %scan3A_467 = %scan3A_462 to %scan3A_464 step %scan3A_465  : i32 {
        %mul3A_468 = arith.constant 16 : i32
        %mul3A_469 = arith.muli %scan3A_467, %mul3A_468 : i32
        %swap3A = arith.index_cast %scan3A_460 : i32 to index
        %swap3A_470 = arith.index_cast %mul3A_469 : i32 to index
        %swap3A_471 = tpu.vector_load %arg15[%swap3A, %swap3A_470] {strides = array<i32>} : memref<64x128xf32, #tpu.memory_space<vmem>>, vector<16xf32>,
        tpu.vector_store %arg15[%swap3A, %swap3A_470], %broadcast_in_dim3A_0 {strides = array<i32>} : memref<64x128xf32, #tpu.memory_space<vmem>>, vector<16xf32>,
      }
      %scan3A_466 = arith.constant 8 : i32
    }
    %scan3A_55 = arith.constant 64 : i32
    %mul3A_56 = arith.constant 640 : i32
    %mul3A_57 = arith.muli %arg1, %mul3A_56 : i32
    %add3A_58 = arith.constant 0 : i32
    %add3A_59 = arith.addi %mul3A_57, %add3A_58 : i32
    "tpu.region"() ({
      %run_scoped3A = tpu.sem_alloc : memref<!tpu.dma_semaphore, #tpu.memory_space<semaphore_mem>>
      %dma_start3A_460 = arith.constant 0 : i32
      %dma_start3A_461 = tpu.memref_slice %arg14[%add3A_59, %dma_start3A_460] : memref<10240x128xf32, #tpu.memory_space<vmem_shared>> -> memref<64x128xf32, #tpu.memory_space<vmem_shared>>
      %dma_start3A_462 = arith.constant 0 : i32
      %dma_start3A_463 = tpu.memref_slice %arg14[%add3A_59, %dma_start3A_462] : memref<10240x128xf32, #tpu.memory_space<vmem_shared>> -> memref<64x128xf32, #tpu.memory_space<vmem_shared>>
      tpu.enqueue_dma source(%arg15 : memref<64x128xf32, #tpu.memory_space<vmem>>) target(%dma_start3A_463 : memref<64x128xf32, #tpu.memory_space<vmem_shared>>) target_semaphore(%run_scoped3A : memref<!tpu.dma_semaphore, #tpu.memory_space<semaphore_mem>>)
      %dma_wait3A_464 = arith.constant 0 : i32
      %dma_wait3A_465 = tpu.memref_slice %arg14[%add3A_59, %dma_wait3A_464] : memref<10240x128xf32, #tpu.memory_space<vmem_shared>> -> memref<64x128xf32, #tpu.memory_space<vmem_shared>>
      %dma_wait3A_466 = arith.constant 0 : i32
      %dma_wait3A_467 = tpu.memref_slice %arg14[%add3A_59, %dma_wait3A_466] : memref<10240x128xf32, #tpu.memory_space<vmem_shared>> -> memref<64x128xf32, #tpu.memory_space<vmem_shared>>
      tpu.wait_dma2 semaphore(%run_scoped3A : memref<!tpu.dma_semaphore, #tpu.memory_space<semaphore_mem>>) src(%arg15 : memref<64x128xf32, #tpu.memory_space<vmem>>) dst(%dma_wait3A_467 : memref<64x128xf32, #tpu.memory_space<vmem_shared>>)
      tpu.yield
    }) : () -> ()
    %add3A_60 = arith.constant 64 : i32
    %add3A_61 = arith.addi %mul3A_57, %add3A_60 : i32
    "tpu.region"() ({
      %run_scoped3A = tpu.sem_alloc : memref<!tpu.dma_semaphore, #tpu.memory_space<semaphore_mem>>
      %dma_start3A_460 = arith.constant 0 : i32
      %dma_start3A_461 = tpu.memref_slice %arg14[%add3A_61, %dma_start3A_460] : memref<10240x128xf32, #tpu.memory_space<vmem_shared>> -> memref<64x128xf32, #tpu.memory_space<vmem_shared>>
      %dma_start3A_462 = arith.constant 0 : i32
      %dma_start3A_463 = tpu.memref_slice %arg14[%add3A_61, %dma_start3A_462] : memref<10240x128xf32, #tpu.memory_space<vmem_shared>> -> memref<64x128xf32, #tpu.memory_space<vmem_shared>>
      tpu.enqueue_dma source(%arg15 : memref<64x128xf32, #tpu.memory_space<vmem>>) target(%dma_start3A_463 : memref<64x128xf32, #tpu.memory_space<vmem_shared>>) target_semaphore(%run_scoped3A : memref<!tpu.dma_semaphore, #tpu.memory_space<semaphore_mem>>)
      %dma_wait3A_464 = arith.constant 0 : i32
      %dma_wait3A_465 = tpu.memref_slice %arg14[%add3A_61, %dma_wait3A_464] : memref<10240x128xf32, #tpu.memory_space<vmem_shared>> -> memref<64x128xf32, #tpu.memory_space<vmem_shared>>
      %dma_wait3A_466 = arith.constant 0 : i32
      %dma_wait3A_467 = tpu.memref_slice %arg14[%add3A_61, %dma_wait3A_466] : memref<10240x128xf32, #tpu.memory_space<vmem_shared>> -> memref<64x128xf32, #tpu.memory_space<vmem_shared>>
      tpu.wait_dma2 semaphore(%run_scoped3A : memref<!tpu.dma_semaphore, #tpu.memory_space<semaphore_mem>>) src(%arg15 : memref<64x128xf32, #tpu.memory_space<vmem>>) dst(%dma_wait3A_467 : memref<64x128xf32, #tpu.memory_space<vmem_shared>>)
      tpu.yield
    }) : () -> ()
    %add3A_62 = arith.constant 128 : i32
    %add3A_63 = arith.addi %mul3A_57, %add3A_62 : i32
    "tpu.region"() ({
      %run_scoped3A = tpu.sem_alloc : memref<!tpu.dma_semaphore, #tpu.memory_space<semaphore_mem>>
      %dma_start3A_460 = arith.constant 0 : i32
      %dma_start3A_461 = tpu.memref_slice %arg14[%add3A_63, %dma_start3A_460] : memref<10240x128xf32, #tpu.memory_space<vmem_shared>> -> memref<64x128xf32, #tpu.memory_space<vmem_shared>>
      %dma_start3A_462 = arith.constant 0 : i32
      %dma_start3A_463 = tpu.memref_slice %arg14[%add3A_63, %dma_start3A_462] : memref<10240x128xf32, #tpu.memory_space<vmem_shared>> -> memref<64x128xf32, #tpu.memory_space<vmem_shared>>
      tpu.enqueue_dma source(%arg15 : memref<64x128xf32, #tpu.memory_space<vmem>>) target(%dma_start3A_463 : memref<64x128xf32, #tpu.memory_space<vmem_shared>>) target_semaphore(%run_scoped3A : memref<!tpu.dma_semaphore, #tpu.memory_space<semaphore_mem>>)
      %dma_wait3A_464 = arith.constant 0 : i32
      %dma_wait3A_465 = tpu.memref_slice %arg14[%add3A_63, %dma_wait3A_464] : memref<10240x128xf32, #tpu.memory_space<vmem_shared>> -> memref<64x128xf32, #tpu.memory_space<vmem_shared>>
      %dma_wait3A_466 = arith.constant 0 : i32
      %dma_wait3A_467 = tpu.memref_slice %arg14[%add3A_63, %dma_wait3A_466] : memref<10240x128xf32, #tpu.memory_space<vmem_shared>> -> memref<64x128xf32, #tpu.memory_space<vmem_shared>>
      tpu.wait_dma2 semaphore(%run_scoped3A : memref<!tpu.dma_semaphore, #tpu.memory_space<semaphore_mem>>) src(%arg15 : memref<64x128xf32, #tpu.memory_space<vmem>>) dst(%dma_wait3A_467 : memref<64x128xf32, #tpu.memory_space<vmem_shared>>)
      tpu.yield
    }) : () -> ()
    %add3A_64 = arith.constant 192 : i32
    %add3A_65 = arith.addi %mul3A_57, %add3A_64 : i32
    "tpu.region"() ({
      %run_scoped3A = tpu.sem_alloc : memref<!tpu.dma_semaphore, #tpu.memory_space<semaphore_mem>>
      %dma_start3A_460 = arith.constant 0 : i32
      %dma_start3A_461 = tpu.memref_slice %arg14[%add3A_65, %dma_start3A_460] : memref<10240x128xf32, #tpu.memory_space<vmem_shared>> -> memref<64x128xf32, #tpu.memory_space<vmem_shared>>
      %dma_start3A_462 = arith.constant 0 : i32
      %dma_start3A_463 = tpu.memref_slice %arg14[%add3A_65, %dma_start3A_462] : memref<10240x128xf32, #tpu.memory_space<vmem_shared>> -> memref<64x128xf32, #tpu.memory_space<vmem_shared>>
      tpu.enqueue_dma source(%arg15 : memref<64x128xf32, #tpu.memory_space<vmem>>) target(%dma_start3A_463 : memref<64x128xf32, #tpu.memory_space<vmem_shared>>) target_semaphore(%run_scoped3A : memref<!tpu.dma_semaphore, #tpu.memory_space<semaphore_mem>>)
      %dma_wait3A_464 = arith.constant 0 : i32
      %dma_wait3A_465 = tpu.memref_slice %arg14[%add3A_65, %dma_wait3A_464] : memref<10240x128xf32, #tpu.memory_space<vmem_shared>> -> memref<64x128xf32, #tpu.memory_space<vmem_shared>>
      %dma_wait3A_466 = arith.constant 0 : i32
      %dma_wait3A_467 = tpu.memref_slice %arg14[%add3A_65, %dma_wait3A_466] : memref<10240x128xf32, #tpu.memory_space<vmem_shared>> -> memref<64x128xf32, #tpu.memory_space<vmem_shared>>
      tpu.wait_dma2 semaphore(%run_scoped3A : memref<!tpu.dma_semaphore, #tpu.memory_space<semaphore_mem>>) src(%arg15 : memref<64x128xf32, #tpu.memory_space<vmem>>) dst(%dma_wait3A_467 : memref<64x128xf32, #tpu.memory_space<vmem_shared>>)
      tpu.yield
    }) : () -> ()
    %add3A_66 = arith.constant 256 : i32
    %add3A_67 = arith.addi %mul3A_57, %add3A_66 : i32
    "tpu.region"() ({
      %run_scoped3A = tpu.sem_alloc : memref<!tpu.dma_semaphore, #tpu.memory_space<semaphore_mem>>
      %dma_start3A_460 = arith.constant 0 : i32
      %dma_start3A_461 = tpu.memref_slice %arg14[%add3A_67, %dma_start3A_460] : memref<10240x128xf32, #tpu.memory_space<vmem_shared>> -> memref<64x128xf32, #tpu.memory_space<vmem_shared>>
      %dma_start3A_462 = arith.constant 0 : i32
      %dma_start3A_463 = tpu.memref_slice %arg14[%add3A_67, %dma_start3A_462] : memref<10240x128xf32, #tpu.memory_space<vmem_shared>> -> memref<64x128xf32, #tpu.memory_space<vmem_shared>>
      tpu.enqueue_dma source(%arg15 : memref<64x128xf32, #tpu.memory_space<vmem>>) target(%dma_start3A_463 : memref<64x128xf32, #tpu.memory_space<vmem_shared>>) target_semaphore(%run_scoped3A : memref<!tpu.dma_semaphore, #tpu.memory_space<semaphore_mem>>)
      %dma_wait3A_464 = arith.constant 0 : i32
      %dma_wait3A_465 = tpu.memref_slice %arg14[%add3A_67, %dma_wait3A_464] : memref<10240x128xf32, #tpu.memory_space<vmem_shared>> -> memref<64x128xf32, #tpu.memory_space<vmem_shared>>
      %dma_wait3A_466 = arith.constant 0 : i32
      %dma_wait3A_467 = tpu.memref_slice %arg14[%add3A_67, %dma_wait3A_466] : memref<10240x128xf32, #tpu.memory_space<vmem_shared>> -> memref<64x128xf32, #tpu.memory_space<vmem_shared>>
      tpu.wait_dma2 semaphore(%run_scoped3A : memref<!tpu.dma_semaphore, #tpu.memory_space<semaphore_mem>>) src(%arg15 : memref<64x128xf32, #tpu.memory_space<vmem>>) dst(%dma_wait3A_467 : memref<64x128xf32, #tpu.memory_space<vmem_shared>>)
      tpu.yield
    }) : () -> ()
    %add3A_68 = arith.constant 320 : i32
    %add3A_69 = arith.addi %mul3A_57, %add3A_68 : i32
    "tpu.region"() ({
      %run_scoped3A = tpu.sem_alloc : memref<!tpu.dma_semaphore, #tpu.memory_space<semaphore_mem>>
      %dma_start3A_460 = arith.constant 0 : i32
      %dma_start3A_461 = tpu.memref_slice %arg14[%add3A_69, %dma_start3A_460] : memref<10240x128xf32, #tpu.memory_space<vmem_shared>> -> memref<64x128xf32, #tpu.memory_space<vmem_shared>>
      %dma_start3A_462 = arith.constant 0 : i32
      %dma_start3A_463 = tpu.memref_slice %arg14[%add3A_69, %dma_start3A_462] : memref<10240x128xf32, #tpu.memory_space<vmem_shared>> -> memref<64x128xf32, #tpu.memory_space<vmem_shared>>
      tpu.enqueue_dma source(%arg15 : memref<64x128xf32, #tpu.memory_space<vmem>>) target(%dma_start3A_463 : memref<64x128xf32, #tpu.memory_space<vmem_shared>>) target_semaphore(%run_scoped3A : memref<!tpu.dma_semaphore, #tpu.memory_space<semaphore_mem>>)
      %dma_wait3A_464 = arith.constant 0 : i32
      %dma_wait3A_465 = tpu.memref_slice %arg14[%add3A_69, %dma_wait3A_464] : memref<10240x128xf32, #tpu.memory_space<vmem_shared>> -> memref<64x128xf32, #tpu.memory_space<vmem_shared>>
      %dma_wait3A_466 = arith.constant 0 : i32
      %dma_wait3A_467 = tpu.memref_slice %arg14[%add3A_69, %dma_wait3A_466] : memref<10240x128xf32, #tpu.memory_space<vmem_shared>> -> memref<64x128xf32, #tpu.memory_space<vmem_shared>>
      tpu.wait_dma2 semaphore(%run_scoped3A : memref<!tpu.dma_semaphore, #tpu.memory_space<semaphore_mem>>) src(%arg15 : memref<64x128xf32, #tpu.memory_space<vmem>>) dst(%dma_wait3A_467 : memref<64x128xf32, #tpu.memory_space<vmem_shared>>)
      tpu.yield
    }) : () -> ()
    %add3A_70 = arith.constant 384 : i32
    %add3A_71 = arith.addi %mul3A_57, %add3A_70 : i32
    "tpu.region"() ({
      %run_scoped3A = tpu.sem_alloc : memref<!tpu.dma_semaphore, #tpu.memory_space<semaphore_mem>>
      %dma_start3A_460 = arith.constant 0 : i32
      %dma_start3A_461 = tpu.memref_slice %arg14[%add3A_71, %dma_start3A_460] : memref<10240x128xf32, #tpu.memory_space<vmem_shared>> -> memref<64x128xf32, #tpu.memory_space<vmem_shared>>
      %dma_start3A_462 = arith.constant 0 : i32
      %dma_start3A_463 = tpu.memref_slice %arg14[%add3A_71, %dma_start3A_462] : memref<10240x128xf32, #tpu.memory_space<vmem_shared>> -> memref<64x128xf32, #tpu.memory_space<vmem_shared>>
      tpu.enqueue_dma source(%arg15 : memref<64x128xf32, #tpu.memory_space<vmem>>) target(%dma_start3A_463 : memref<64x128xf32, #tpu.memory_space<vmem_shared>>) target_semaphore(%run_scoped3A : memref<!tpu.dma_semaphore, #tpu.memory_space<semaphore_mem>>)
      %dma_wait3A_464 = arith.constant 0 : i32
      %dma_wait3A_465 = tpu.memref_slice %arg14[%add3A_71, %dma_wait3A_464] : memref<10240x128xf32, #tpu.memory_space<vmem_shared>> -> memref<64x128xf32, #tpu.memory_space<vmem_shared>>
      %dma_wait3A_466 = arith.constant 0 : i32
      %dma_wait3A_467 = tpu.memref_slice %arg14[%add3A_71, %dma_wait3A_466] : memref<10240x128xf32, #tpu.memory_space<vmem_shared>> -> memref<64x128xf32, #tpu.memory_space<vmem_shared>>
      tpu.wait_dma2 semaphore(%run_scoped3A : memref<!tpu.dma_semaphore, #tpu.memory_space<semaphore_mem>>) src(%arg15 : memref<64x128xf32, #tpu.memory_space<vmem>>) dst(%dma_wait3A_467 : memref<64x128xf32, #tpu.memory_space<vmem_shared>>)
      tpu.yield
    }) : () -> ()
    %add3A_72 = arith.constant 448 : i32
    %add3A_73 = arith.addi %mul3A_57, %add3A_72 : i32
    "tpu.region"() ({
      %run_scoped3A = tpu.sem_alloc : memref<!tpu.dma_semaphore, #tpu.memory_space<semaphore_mem>>
      %dma_start3A_460 = arith.constant 0 : i32
      %dma_start3A_461 = tpu.memref_slice %arg14[%add3A_73, %dma_start3A_460] : memref<10240x128xf32, #tpu.memory_space<vmem_shared>> -> memref<64x128xf32, #tpu.memory_space<vmem_shared>>
      %dma_start3A_462 = arith.constant 0 : i32
      %dma_start3A_463 = tpu.memref_slice %arg14[%add3A_73, %dma_start3A_462] : memref<10240x128xf32, #tpu.memory_space<vmem_shared>> -> memref<64x128xf32, #tpu.memory_space<vmem_shared>>
      tpu.enqueue_dma source(%arg15 : memref<64x128xf32, #tpu.memory_space<vmem>>) target(%dma_start3A_463 : memref<64x128xf32, #tpu.memory_space<vmem_shared>>) target_semaphore(%run_scoped3A : memref<!tpu.dma_semaphore, #tpu.memory_space<semaphore_mem>>)
      %dma_wait3A_464 = arith.constant 0 : i32
      %dma_wait3A_465 = tpu.memref_slice %arg14[%add3A_73, %dma_wait3A_464] : memref<10240x128xf32, #tpu.memory_space<vmem_shared>> -> memref<64x128xf32, #tpu.memory_space<vmem_shared>>
      %dma_wait3A_466 = arith.constant 0 : i32
      %dma_wait3A_467 = tpu.memref_slice %arg14[%add3A_73, %dma_wait3A_466] : memref<10240x128xf32, #tpu.memory_space<vmem_shared>> -> memref<64x128xf32, #tpu.memory_space<vmem_shared>>
      tpu.wait_dma2 semaphore(%run_scoped3A : memref<!tpu.dma_semaphore, #tpu.memory_space<semaphore_mem>>) src(%arg15 : memref<64x128xf32, #tpu.memory_space<vmem>>) dst(%dma_wait3A_467 : memref<64x128xf32, #tpu.memory_space<vmem_shared>>)
      tpu.yield
    }) : () -> ()
    %add3A_74 = arith.constant 512 : i32
    %add3A_75 = arith.addi %mul3A_57, %add3A_74 : i32
    "tpu.region"() ({
      %run_scoped3A = tpu.sem_alloc : memref<!tpu.dma_semaphore, #tpu.memory_space<semaphore_mem>>
      %dma_start3A_460 = arith.constant 0 : i32
      %dma_start3A_461 = tpu.memref_slice %arg14[%add3A_75, %dma_start3A_460] : memref<10240x128xf32, #tpu.memory_space<vmem_shared>> -> memref<64x128xf32, #tpu.memory_space<vmem_shared>>
      %dma_start3A_462 = arith.constant 0 : i32
      %dma_start3A_463 = tpu.memref_slice %arg14[%add3A_75, %dma_start3A_462] : memref<10240x128xf32, #tpu.memory_space<vmem_shared>> -> memref<64x128xf32, #tpu.memory_space<vmem_shared>>
      tpu.enqueue_dma source(%arg15 : memref<64x128xf32, #tpu.memory_space<vmem>>) target(%dma_start3A_463 : memref<64x128xf32, #tpu.memory_space<vmem_shared>>) target_semaphore(%run_scoped3A : memref<!tpu.dma_semaphore, #tpu.memory_space<semaphore_mem>>)
      %dma_wait3A_464 = arith.constant 0 : i32
      %dma_wait3A_465 = tpu.memref_slice %arg14[%add3A_75, %dma_wait3A_464] : memref<10240x128xf32, #tpu.memory_space<vmem_shared>> -> memref<64x128xf32, #tpu.memory_space<vmem_shared>>
      %dma_wait3A_466 = arith.constant 0 : i32
      %dma_wait3A_467 = tpu.memref_slice %arg14[%add3A_75, %dma_wait3A_466] : memref<10240x128xf32, #tpu.memory_space<vmem_shared>> -> memref<64x128xf32, #tpu.memory_space<vmem_shared>>
      tpu.wait_dma2 semaphore(%run_scoped3A : memref<!tpu.dma_semaphore, #tpu.memory_space<semaphore_mem>>) src(%arg15 : memref<64x128xf32, #tpu.memory_space<vmem>>) dst(%dma_wait3A_467 : memref<64x128xf32, #tpu.memory_space<vmem_shared>>)
      tpu.yield
    }) : () -> ()
    %add3A_76 = arith.constant 576 : i32
    %add3A_77 = arith.addi %mul3A_57, %add3A_76 : i32
    "tpu.region"() ({
      %run_scoped3A = tpu.sem_alloc : memref<!tpu.dma_semaphore, #tpu.memory_space<semaphore_mem>>
      %dma_start3A_460 = arith.constant 0 : i32
      %dma_start3A_461 = tpu.memref_slice %arg14[%add3A_77, %dma_start3A_460] : memref<10240x128xf32, #tpu.memory_space<vmem_shared>> -> memref<64x128xf32, #tpu.memory_space<vmem_shared>>
      %dma_start3A_462 = arith.constant 0 : i32
      %dma_start3A_463 = tpu.memref_slice %arg14[%add3A_77, %dma_start3A_462] : memref<10240x128xf32, #tpu.memory_space<vmem_shared>> -> memref<64x128xf32, #tpu.memory_space<vmem_shared>>
      tpu.enqueue_dma source(%arg15 : memref<64x128xf32, #tpu.memory_space<vmem>>) target(%dma_start3A_463 : memref<64x128xf32, #tpu.memory_space<vmem_shared>>) target_semaphore(%run_scoped3A : memref<!tpu.dma_semaphore, #tpu.memory_space<semaphore_mem>>)
      %dma_wait3A_464 = arith.constant 0 : i32
      %dma_wait3A_465 = tpu.memref_slice %arg14[%add3A_77, %dma_wait3A_464] : memref<10240x128xf32, #tpu.memory_space<vmem_shared>> -> memref<64x128xf32, #tpu.memory_space<vmem_shared>>
      %dma_wait3A_466 = arith.constant 0 : i32
      %dma_wait3A_467 = tpu.memref_slice %arg14[%add3A_77, %dma_wait3A_466] : memref<10240x128xf32, #tpu.memory_space<vmem_shared>> -> memref<64x128xf32, #tpu.memory_space<vmem_shared>>
      tpu.wait_dma2 semaphore(%run_scoped3A : memref<!tpu.dma_semaphore, #tpu.memory_space<semaphore_mem>>) src(%arg15 : memref<64x128xf32, #tpu.memory_space<vmem>>) dst(%dma_wait3A_467 : memref<64x128xf32, #tpu.memory_space<vmem_shared>>)
      tpu.yield
    }) : () -> ()
    %dma_wait3A = arith.constant 0 : i32
    %dma_wait3A_78 = tpu.memref_slice %arg2[%dma_wait3A] : memref<327680xi32, #tpu.memory_space<hbm>> -> memref<128xi32, #tpu.memory_space<hbm>>
    %dma_wait3A_79 = arith.constant 0 : i32
    %dma_wait3A_80 = tpu.memref_slice %arg2[%dma_wait3A_79] : memref<327680xi32, #tpu.memory_space<hbm>> -> memref<128xi32, #tpu.memory_space<hbm>>
    tpu.wait_dma2 semaphore(%arg16 : memref<!tpu.dma_semaphore, #tpu.memory_space<semaphore_mem>>) src(%dma_wait3A_80 : memref<128xi32, #tpu.memory_space<hbm>>) dst(%arg6 : memref<128xi32, #tpu.memory_space<vmem>>)
    %dma_wait3A_81 = arith.constant 0 : i32
    %dma_wait3A_82 = arith.constant 0 : i32
    %dma_wait3A_83 = tpu.memref_slice %arg8[%dma_wait3A_81, %dma_wait3A_82] : memref<2x64xi32, #tpu.memory_space<vmem>> -> memref<1x64xi32, #tpu.memory_space<vmem>>
    %dma_wait3A_84 = tpu.memref_squeeze %dma_wait3A_83 : memref<1x64xi32, #tpu.memory_space<vmem>> -> memref<64xi32, #tpu.memory_space<vmem>>
    %dma_wait3A_85 = arith.constant 0 : i32
    %dma_wait3A_86 = tpu.memref_slice %arg3[%dma_wait3A_85] : memref<327680xi32, #tpu.memory_space<hbm>> -> memref<64xi32, #tpu.memory_space<hbm>>
    %dma_wait3A_87 = arith.constant 0 : i32
    %dma_wait3A_88 = tpu.memref_slice %arg8[%dma_wait3A_81, %dma_wait3A_87] : memref<2x64xi32, #tpu.memory_space<vmem>> -> memref<1x64xi32, #tpu.memory_space<vmem>>
    %dma_wait3A_89 = tpu.memref_squeeze %dma_wait3A_88 : memref<1x64xi32, #tpu.memory_space<vmem>> -> memref<64xi32, #tpu.memory_space<vmem>>
    %dma_wait3A_90 = arith.constant 0 : i32
    %dma_wait3A_91 = tpu.memref_slice %arg3[%dma_wait3A_90] : memref<327680xi32, #tpu.memory_space<hbm>> -> memref<64xi32, #tpu.memory_space<hbm>>
    tpu.wait_dma2 semaphore(%arg16 : memref<!tpu.dma_semaphore, #tpu.memory_space<semaphore_mem>>) src(%dma_wait3A_91 : memref<64xi32, #tpu.memory_space<hbm>>) dst(%dma_wait3A_89 : memref<64xi32, #tpu.memory_space<vmem>>)
    %dma_wait3A_92 = arith.constant 1 : i32
    %dma_wait3A_93 = arith.constant 0 : i32
    %dma_wait3A_94 = tpu.memref_slice %arg8[%dma_wait3A_92, %dma_wait3A_93] : memref<2x64xi32, #tpu.memory_space<vmem>> -> memref<1x64xi32, #tpu.memory_space<vmem>>
    %dma_wait3A_95 = tpu.memref_squeeze %dma_wait3A_94 : memref<1x64xi32, #tpu.memory_space<vmem>> -> memref<64xi32, #tpu.memory_space<vmem>>
    %dma_wait3A_96 = arith.constant 0 : i32
    %dma_wait3A_97 = tpu.memref_slice %arg3[%dma_wait3A_96] : memref<327680xi32, #tpu.memory_space<hbm>> -> memref<64xi32, #tpu.memory_space<hbm>>
    %dma_wait3A_98 = arith.constant 0 : i32
    %dma_wait3A_99 = tpu.memref_slice %arg8[%dma_wait3A_92, %dma_wait3A_98] : memref<2x64xi32, #tpu.memory_space<vmem>> -> memref<1x64xi32, #tpu.memory_space<vmem>>
    %dma_wait3A_100 = tpu.memref_squeeze %dma_wait3A_99 : memref<1x64xi32, #tpu.memory_space<vmem>> -> memref<64xi32, #tpu.memory_space<vmem>>
    %dma_wait3A_101 = arith.constant 0 : i32
    %dma_wait3A_102 = tpu.memref_slice %arg3[%dma_wait3A_101] : memref<327680xi32, #tpu.memory_space<hbm>> -> memref<64xi32, #tpu.memory_space<hbm>>
    tpu.wait_dma2 semaphore(%arg16 : memref<!tpu.dma_semaphore, #tpu.memory_space<semaphore_mem>>) src(%dma_wait3A_102 : memref<64xi32, #tpu.memory_space<hbm>>) dst(%dma_wait3A_100 : memref<64xi32, #tpu.memory_space<vmem>>)
    %dma_start3A_103 = arith.constant 0 : i32
    %dma_start3A_104 = arith.constant 0 : i32
    %dma_start3A_105 = tpu.memref_slice %arg4[%dma_start3A_103, %dma_start3A_104] : memref<10240x128xf32, #tpu.memory_space<hbm>> -> memref<10240x128xf32, #tpu.memory_space<hbm>>
    tpu.enqueue_indirect_dma source(%dma_start3A_105 : memref<10240x128xf32, #tpu.memory_space<hbm>>) target(%arg12 : memref<128x128xf32, #tpu.memory_space<vmem>>) offsets(%arg6 : memref<128xi32, #tpu.memory_space<vmem>>) semaphore(%arg18 : memref<!tpu.dma_semaphore, #tpu.memory_space<semaphore_mem>>)
    %barrier3A = arith.constant 0 : index
    tpu.barrier barrier_id(%barrier3A)
    %dma_wait3A_106 = arith.constant 0 : i32
    %dma_wait3A_107 = arith.constant 0 : i32
    %dma_wait3A_108 = tpu.memref_slice %arg4[%dma_wait3A_106, %dma_wait3A_107] : memref<10240x128xf32, #tpu.memory_space<hbm>> -> memref<10240x128xf32, #tpu.memory_space<hbm>>
    tpu.wait_indirect_dma semaphore(%arg18 : memref<!tpu.dma_semaphore, #tpu.memory_space<semaphore_mem>>) src(%dma_wait3A_108 : memref<10240x128xf32, #tpu.memory_space<hbm>>) dst(%arg12 : memref<128x128xf32, #tpu.memory_space<vmem>>)
    %dma_start3A_109 = arith.constant 0 : i32
    %dma_start3A_110 = arith.constant 0 : i32
    %dma_start3A_111 = arith.constant 0 : i32
    %dma_start3A_112 = tpu.memref_slice %arg12[%dma_start3A_110, %dma_start3A_111] : memref<128x128xf32, #tpu.memory_space<vmem>> -> memref<64x128xf32, #tpu.memory_space<vmem>>
    %dma_start3A_113 = arith.constant 0 : i32
    %dma_start3A_114 = tpu.memref_slice %arg8[%dma_start3A_109, %dma_start3A_113] : memref<2x64xi32, #tpu.memory_space<vmem>> -> memref<1x64xi32, #tpu.memory_space<vmem>>
    %dma_start3A_115 = tpu.memref_squeeze %dma_start3A_114 : memref<1x64xi32, #tpu.memory_space<vmem>> -> memref<64xi32, #tpu.memory_space<vmem>>
    %dma_start3A_116 = arith.constant 0 : i32
    %dma_start3A_117 = arith.constant 0 : i32
    %dma_start3A_118 = tpu.memref_slice %arg14[%dma_start3A_116, %dma_start3A_117] : memref<10240x128xf32, #tpu.memory_space<vmem_shared>> -> memref<10240x128xf32, #tpu.memory_space<vmem_shared>>
    tpu.enqueue_indirect_dma source(%dma_start3A_112 : memref<64x128xf32, #tpu.memory_space<vmem>>) target(%dma_start3A_118 : memref<10240x128xf32, #tpu.memory_space<vmem_shared>>) offsets(%dma_start3A_115 : memref<64xi32, #tpu.memory_space<vmem>>) semaphore(%arg20 : memref<!tpu.dma_semaphore, #tpu.memory_space<semaphore_mem>>) {add = true}
    %dma_start3A_119 = arith.constant 1 : i32
    %dma_start3A_120 = arith.constant 64 : i32
    %dma_start3A_121 = arith.constant 0 : i32
    %dma_start3A_122 = tpu.memref_slice %arg12[%dma_start3A_120, %dma_start3A_121] : memref<128x128xf32, #tpu.memory_space<vmem>> -> memref<64x128xf32, #tpu.memory_space<vmem>>
    %dma_start3A_123 = arith.constant 0 : i32
    %dma_start3A_124 = tpu.memref_slice %arg8[%dma_start3A_119, %dma_start3A_123] : memref<2x64xi32, #tpu.memory_space<vmem>> -> memref<1x64xi32, #tpu.memory_space<vmem>>
    %dma_start3A_125 = tpu.memref_squeeze %dma_start3A_124 : memref<1x64xi32, #tpu.memory_space<vmem>> -> memref<64xi32, #tpu.memory_space<vmem>>
    %dma_start3A_126 = arith.constant 0 : i32
    %dma_start3A_127 = arith.constant 0 : i32
    %dma_start3A_128 = tpu.memref_slice %arg14[%dma_start3A_126, %dma_start3A_127] : memref<10240x128xf32, #tpu.memory_space<vmem_shared>> -> memref<10240x128xf32, #tpu.memory_space<vmem_shared>>
    tpu.enqueue_indirect_dma source(%dma_start3A_122 : memref<64x128xf32, #tpu.memory_space<vmem>>) target(%dma_start3A_128 : memref<10240x128xf32, #tpu.memory_space<vmem_shared>>) offsets(%dma_start3A_125 : memref<64xi32, #tpu.memory_space<vmem>>) semaphore(%arg20 : memref<!tpu.dma_semaphore, #tpu.memory_space<semaphore_mem>>) {add = true}
    %add3A_129 = arith.constant 256 : i32
    %add3A_130 = arith.addi %mul3A_3, %add3A_129 : i32
    %dma_start3A_131 = tpu.memref_slice %arg2[%add3A_130] : memref<327680xi32, #tpu.memory_space<hbm>> -> memref<128xi32, #tpu.memory_space<hbm>>
    %dma_start3A_132 = tpu.memref_slice %arg2[%add3A_130] : memref<327680xi32, #tpu.memory_space<hbm>> -> memref<128xi32, #tpu.memory_space<hbm>>
    tpu.enqueue_dma source(%dma_start3A_132 : memref<128xi32, #tpu.memory_space<hbm>>) target(%arg6 : memref<128xi32, #tpu.memory_space<vmem>>) target_semaphore(%arg16 : memref<!tpu.dma_semaphore, #tpu.memory_space<semaphore_mem>>)
    %dma_start3A_133 = arith.constant 0 : i32
    %dma_start3A_134 = arith.constant 0 : i32
    %dma_start3A_135 = tpu.memref_slice %arg10[%dma_start3A_133, %dma_start3A_134] : memref<2x64xi32, #tpu.memory_space<vmem>> -> memref<1x64xi32, #tpu.memory_space<vmem>>
    %dma_start3A_136 = tpu.memref_squeeze %dma_start3A_135 : memref<1x64xi32, #tpu.memory_space<vmem>> -> memref<64xi32, #tpu.memory_space<vmem>>
    %dma_start3A_137 = tpu.memref_slice %arg3[%add3A_130] : memref<327680xi32, #tpu.memory_space<hbm>> -> memref<64xi32, #tpu.memory_space<hbm>>
    %dma_start3A_138 = arith.constant 0 : i32
    %dma_start3A_139 = tpu.memref_slice %arg10[%dma_start3A_133, %dma_start3A_138] : memref<2x64xi32, #tpu.memory_space<vmem>> -> memref<1x64xi32, #tpu.memory_space<vmem>>
    %dma_start3A_140 = tpu.memref_squeeze %dma_start3A_139 : memref<1x64xi32, #tpu.memory_space<vmem>> -> memref<64xi32, #tpu.memory_space<vmem>>
    %dma_start3A_141 = tpu.memref_slice %arg3[%add3A_130] : memref<327680xi32, #tpu.memory_space<hbm>> -> memref<64xi32, #tpu.memory_space<hbm>>
    tpu.enqueue_dma source(%dma_start3A_141 : memref<64xi32, #tpu.memory_space<hbm>>) target(%dma_start3A_140 : memref<64xi32, #tpu.memory_space<vmem>>) target_semaphore(%arg16 : memref<!tpu.dma_semaphore, #tpu.memory_space<semaphore_mem>>)
    %add3A_142 = arith.constant 64 : i32
    %add3A_143 = arith.addi %add3A_130, %add3A_142 : i32
    %dma_start3A_144 = arith.constant 1 : i32
    %dma_start3A_145 = arith.constant 0 : i32
    %dma_start3A_146 = tpu.memref_slice %arg10[%dma_start3A_144, %dma_start3A_145] : memref<2x64xi32, #tpu.memory_space<vmem>> -> memref<1x64xi32, #tpu.memory_space<vmem>>
    %dma_start3A_147 = tpu.memref_squeeze %dma_start3A_146 : memref<1x64xi32, #tpu.memory_space<vmem>> -> memref<64xi32, #tpu.memory_space<vmem>>
    %dma_start3A_148 = tpu.memref_slice %arg3[%add3A_143] : memref<327680xi32, #tpu.memory_space<hbm>> -> memref<64xi32, #tpu.memory_space<hbm>>
    %dma_start3A_149 = arith.constant 0 : i32
    %dma_start3A_150 = tpu.memref_slice %arg10[%dma_start3A_144, %dma_start3A_149] : memref<2x64xi32, #tpu.memory_space<vmem>> -> memref<1x64xi32, #tpu.memory_space<vmem>>
    %dma_start3A_151 = tpu.memref_squeeze %dma_start3A_150 : memref<1x64xi32, #tpu.memory_space<vmem>> -> memref<64xi32, #tpu.memory_space<vmem>>
    %dma_start3A_152 = tpu.memref_slice %arg3[%add3A_143] : memref<327680xi32, #tpu.memory_space<hbm>> -> memref<64xi32, #tpu.memory_space<hbm>>
    tpu.enqueue_dma source(%dma_start3A_152 : memref<64xi32, #tpu.memory_space<hbm>>) target(%dma_start3A_151 : memref<64xi32, #tpu.memory_space<vmem>>) target_semaphore(%arg16 : memref<!tpu.dma_semaphore, #tpu.memory_space<semaphore_mem>>)
    %dma_wait3A_153 = arith.constant 0 : i32
    %dma_wait3A_154 = tpu.memref_slice %arg2[%dma_wait3A_153] : memref<327680xi32, #tpu.memory_space<hbm>> -> memref<128xi32, #tpu.memory_space<hbm>>
    %dma_wait3A_155 = arith.constant 0 : i32
    %dma_wait3A_156 = tpu.memref_slice %arg2[%dma_wait3A_155] : memref<327680xi32, #tpu.memory_space<hbm>> -> memref<128xi32, #tpu.memory_space<hbm>>
    tpu.wait_dma2 semaphore(%arg17 : memref<!tpu.dma_semaphore, #tpu.memory_space<semaphore_mem>>) src(%dma_wait3A_156 : memref<128xi32, #tpu.memory_space<hbm>>) dst(%arg6 : memref<128xi32, #tpu.memory_space<vmem>>)
    %dma_wait3A_157 = arith.constant 0 : i32
    %dma_wait3A_158 = arith.constant 0 : i32
    %dma_wait3A_159 = tpu.memref_slice %arg8[%dma_wait3A_157, %dma_wait3A_158] : memref<2x64xi32, #tpu.memory_space<vmem>> -> memref<1x64xi32, #tpu.memory_space<vmem>>
    %dma_wait3A_160 = tpu.memref_squeeze %dma_wait3A_159 : memref<1x64xi32, #tpu.memory_space<vmem>> -> memref<64xi32, #tpu.memory_space<vmem>>
    %dma_wait3A_161 = arith.constant 0 : i32
    %dma_wait3A_162 = tpu.memref_slice %arg3[%dma_wait3A_161] : memref<327680xi32, #tpu.memory_space<hbm>> -> memref<64xi32, #tpu.memory_space<hbm>>
    %dma_wait3A_163 = arith.constant 0 : i32
    %dma_wait3A_164 = tpu.memref_slice %arg8[%dma_wait3A_157, %dma_wait3A_163] : memref<2x64xi32, #tpu.memory_space<vmem>> -> memref<1x64xi32, #tpu.memory_space<vmem>>
    %dma_wait3A_165 = tpu.memref_squeeze %dma_wait3A_164 : memref<1x64xi32, #tpu.memory_space<vmem>> -> memref<64xi32, #tpu.memory_space<vmem>>
    %dma_wait3A_166 = arith.constant 0 : i32
    %dma_wait3A_167 = tpu.memref_slice %arg3[%dma_wait3A_166] : memref<327680xi32, #tpu.memory_space<hbm>> -> memref<64xi32, #tpu.memory_space<hbm>>
    tpu.wait_dma2 semaphore(%arg17 : memref<!tpu.dma_semaphore, #tpu.memory_space<semaphore_mem>>) src(%dma_wait3A_167 : memref<64xi32, #tpu.memory_space<hbm>>) dst(%dma_wait3A_165 : memref<64xi32, #tpu.memory_space<vmem>>)
    %dma_wait3A_168 = arith.constant 1 : i32
    %dma_wait3A_169 = arith.constant 0 : i32
    %dma_wait3A_170 = tpu.memref_slice %arg8[%dma_wait3A_168, %dma_wait3A_169] : memref<2x64xi32, #tpu.memory_space<vmem>> -> memref<1x64xi32, #tpu.memory_space<vmem>>
    %dma_wait3A_171 = tpu.memref_squeeze %dma_wait3A_170 : memref<1x64xi32, #tpu.memory_space<vmem>> -> memref<64xi32, #tpu.memory_space<vmem>>
    %dma_wait3A_172 = arith.constant 0 : i32
    %dma_wait3A_173 = tpu.memref_slice %arg3[%dma_wait3A_172] : memref<327680xi32, #tpu.memory_space<hbm>> -> memref<64xi32, #tpu.memory_space<hbm>>
    %dma_wait3A_174 = arith.constant 0 : i32
    %dma_wait3A_175 = tpu.memref_slice %arg8[%dma_wait3A_168, %dma_wait3A_174] : memref<2x64xi32, #tpu.memory_space<vmem>> -> memref<1x64xi32, #tpu.memory_space<vmem>>
    %dma_wait3A_176 = tpu.memref_squeeze %dma_wait3A_175 : memref<1x64xi32, #tpu.memory_space<vmem>> -> memref<64xi32, #tpu.memory_space<vmem>>
    %dma_wait3A_177 = arith.constant 0 : i32
    %dma_wait3A_178 = tpu.memref_slice %arg3[%dma_wait3A_177] : memref<327680xi32, #tpu.memory_space<hbm>> -> memref<64xi32, #tpu.memory_space<hbm>>
    tpu.wait_dma2 semaphore(%arg17 : memref<!tpu.dma_semaphore, #tpu.memory_space<semaphore_mem>>) src(%dma_wait3A_178 : memref<64xi32, #tpu.memory_space<hbm>>) dst(%dma_wait3A_176 : memref<64xi32, #tpu.memory_space<vmem>>)
    %dma_start3A_179 = arith.constant 0 : i32
    %dma_start3A_180 = arith.constant 0 : i32
    %dma_start3A_181 = tpu.memref_slice %arg4[%dma_start3A_179, %dma_start3A_180] : memref<10240x128xf32, #tpu.memory_space<hbm>> -> memref<10240x128xf32, #tpu.memory_space<hbm>>
    tpu.enqueue_indirect_dma source(%dma_start3A_181 : memref<10240x128xf32, #tpu.memory_space<hbm>>) target(%arg13 : memref<128x128xf32, #tpu.memory_space<vmem>>) offsets(%arg7 : memref<128xi32, #tpu.memory_space<vmem>>) semaphore(%arg19 : memref<!tpu.dma_semaphore, #tpu.memory_space<semaphore_mem>>)
    %scan3A_182 = arith.constant 0 : i32
    %scan3A_183 = arith.constant 0 : i32
    %scan3A_184 = arith.constant 19 : i32
    %scan3A_185 = arith.addi %scan3A_183, %scan3A_184 : i32
    %scan3A_186 = arith.constant 1 : i32
    scf.for %scan3A_460 = %scan3A_183 to %scan3A_185 step %scan3A_186  : i32 {
      %mul3A_461 = arith.constant 4 : i32
      %mul3A_462 = arith.muli %mul3A_461, %scan3A_460 : i32
      %add3A_463 = arith.constant 1 : i32
      %add3A_464 = arith.addi %mul3A_462, %add3A_463 : i32
      %dma_wait3A_465 = arith.constant 0 : i32
      %dma_wait3A_466 = arith.constant 0 : i32
      %dma_wait3A_467 = tpu.memref_slice %arg4[%dma_wait3A_465, %dma_wait3A_466] : memref<10240x128xf32, #tpu.memory_space<hbm>> -> memref<10240x128xf32, #tpu.memory_space<hbm>>
      tpu.wait_indirect_dma semaphore(%arg19 : memref<!tpu.dma_semaphore, #tpu.memory_space<semaphore_mem>>) src(%dma_wait3A_467 : memref<10240x128xf32, #tpu.memory_space<hbm>>) dst(%arg13 : memref<128x128xf32, #tpu.memory_space<vmem>>)
      %dma_start3A_468 = arith.constant 0 : i32
      %dma_start3A_469 = arith.constant 0 : i32
      %dma_start3A_470 = arith.constant 0 : i32
      %dma_start3A_471 = tpu.memref_slice %arg13[%dma_start3A_469, %dma_start3A_470] : memref<128x128xf32, #tpu.memory_space<vmem>> -> memref<64x128xf32, #tpu.memory_space<vmem>>
      %dma_start3A_472 = arith.constant 0 : i32
      %dma_start3A_473 = tpu.memref_slice %arg9[%dma_start3A_468, %dma_start3A_472] : memref<2x64xi32, #tpu.memory_space<vmem>> -> memref<1x64xi32, #tpu.memory_space<vmem>>
      %dma_start3A_474 = tpu.memref_squeeze %dma_start3A_473 : memref<1x64xi32, #tpu.memory_space<vmem>> -> memref<64xi32, #tpu.memory_space<vmem>>
      %dma_start3A_475 = arith.constant 0 : i32
      %dma_start3A_476 = arith.constant 0 : i32
      %dma_start3A_477 = tpu.memref_slice %arg14[%dma_start3A_475, %dma_start3A_476] : memref<10240x128xf32, #tpu.memory_space<vmem_shared>> -> memref<10240x128xf32, #tpu.memory_space<vmem_shared>>
      tpu.enqueue_indirect_dma source(%dma_start3A_471 : memref<64x128xf32, #tpu.memory_space<vmem>>) target(%dma_start3A_477 : memref<10240x128xf32, #tpu.memory_space<vmem_shared>>) offsets(%dma_start3A_474 : memref<64xi32, #tpu.memory_space<vmem>>) semaphore(%arg21 : memref<!tpu.dma_semaphore, #tpu.memory_space<semaphore_mem>>) {add = true}
      %dma_start3A_478 = arith.constant 1 : i32
      %dma_start3A_479 = arith.constant 64 : i32
      %dma_start3A_480 = arith.constant 0 : i32
      %dma_start3A_481 = tpu.memref_slice %arg13[%dma_start3A_479, %dma_start3A_480] : memref<128x128xf32, #tpu.memory_space<vmem>> -> memref<64x128xf32, #tpu.memory_space<vmem>>
      %dma_start3A_482 = arith.constant 0 : i32
      %dma_start3A_483 = tpu.memref_slice %arg9[%dma_start3A_478, %dma_start3A_482] : memref<2x64xi32, #tpu.memory_space<vmem>> -> memref<1x64xi32, #tpu.memory_space<vmem>>
      %dma_start3A_484 = tpu.memref_squeeze %dma_start3A_483 : memref<1x64xi32, #tpu.memory_space<vmem>> -> memref<64xi32, #tpu.memory_space<vmem>>
      %dma_start3A_485 = arith.constant 0 : i32
      %dma_start3A_486 = arith.constant 0 : i32
      %dma_start3A_487 = tpu.memref_slice %arg14[%dma_start3A_485, %dma_start3A_486] : memref<10240x128xf32, #tpu.memory_space<vmem_shared>> -> memref<10240x128xf32, #tpu.memory_space<vmem_shared>>
      tpu.enqueue_indirect_dma source(%dma_start3A_481 : memref<64x128xf32, #tpu.memory_space<vmem>>) target(%dma_start3A_487 : memref<10240x128xf32, #tpu.memory_space<vmem_shared>>) offsets(%dma_start3A_484 : memref<64xi32, #tpu.memory_space<vmem>>) semaphore(%arg21 : memref<!tpu.dma_semaphore, #tpu.memory_space<semaphore_mem>>) {add = true}
      %dma_wait3A_488 = arith.constant 0 : i32
      %dma_wait3A_489 = arith.constant 0 : i32
      %dma_wait3A_490 = arith.constant 0 : i32
      %dma_wait3A_491 = tpu.memref_slice %arg12[%dma_wait3A_489, %dma_wait3A_490] : memref<128x128xf32, #tpu.memory_space<vmem>> -> memref<64x128xf32, #tpu.memory_space<vmem>>
      %dma_wait3A_492 = arith.constant 0 : i32
      %dma_wait3A_493 = tpu.memref_slice %arg8[%dma_wait3A_488, %dma_wait3A_492] : memref<2x64xi32, #tpu.memory_space<vmem>> -> memref<1x64xi32, #tpu.memory_space<vmem>>
      %dma_wait3A_494 = tpu.memref_squeeze %dma_wait3A_493 : memref<1x64xi32, #tpu.memory_space<vmem>> -> memref<64xi32, #tpu.memory_space<vmem>>
      %dma_wait3A_495 = arith.constant 0 : i32
      %dma_wait3A_496 = arith.constant 0 : i32
      %dma_wait3A_497 = tpu.memref_slice %arg14[%dma_wait3A_495, %dma_wait3A_496] : memref<10240x128xf32, #tpu.memory_space<vmem_shared>> -> memref<10240x128xf32, #tpu.memory_space<vmem_shared>>
      tpu.wait_indirect_dma semaphore(%arg20 : memref<!tpu.dma_semaphore, #tpu.memory_space<semaphore_mem>>) src(%dma_wait3A_491 : memref<64x128xf32, #tpu.memory_space<vmem>>) dst(%dma_wait3A_497 : memref<10240x128xf32, #tpu.memory_space<vmem_shared>>)
      %dma_wait3A_498 = arith.constant 0 : i32
      %dma_wait3A_499 = arith.constant 0 : i32
      %dma_wait3A_500 = arith.constant 0 : i32
      %dma_wait3A_501 = tpu.memref_slice %arg12[%dma_wait3A_499, %dma_wait3A_500] : memref<128x128xf32, #tpu.memory_space<vmem>> -> memref<64x128xf32, #tpu.memory_space<vmem>>
      %dma_wait3A_502 = arith.constant 0 : i32
      %dma_wait3A_503 = tpu.memref_slice %arg8[%dma_wait3A_498, %dma_wait3A_502] : memref<2x64xi32, #tpu.memory_space<vmem>> -> memref<1x64xi32, #tpu.memory_space<vmem>>
      %dma_wait3A_504 = tpu.memref_squeeze %dma_wait3A_503 : memref<1x64xi32, #tpu.memory_space<vmem>> -> memref<64xi32, #tpu.memory_space<vmem>>
      %dma_wait3A_505 = arith.constant 0 : i32
      %dma_wait3A_506 = arith.constant 0 : i32
      %dma_wait3A_507 = tpu.memref_slice %arg14[%dma_wait3A_505, %dma_wait3A_506] : memref<10240x128xf32, #tpu.memory_space<vmem_shared>> -> memref<10240x128xf32, #tpu.memory_space<vmem_shared>>
      tpu.wait_indirect_dma semaphore(%arg20 : memref<!tpu.dma_semaphore, #tpu.memory_space<semaphore_mem>>) src(%dma_wait3A_501 : memref<64x128xf32, #tpu.memory_space<vmem>>) dst(%dma_wait3A_507 : memref<10240x128xf32, #tpu.memory_space<vmem_shared>>)
      %add3A_508 = arith.constant 2 : i32
      %add3A_509 = arith.addi %add3A_464, %add3A_508 : i32
      %mul3A_510 = arith.constant 128 : i32
      %mul3A_511 = arith.muli %add3A_509, %mul3A_510 : i32
      %add3A_512 = arith.addi %mul3A_3, %mul3A_511 : i32
      %dma_start3A_513 = tpu.memref_slice %arg2[%add3A_512] : memref<327680xi32, #tpu.memory_space<hbm>> -> memref<128xi32, #tpu.memory_space<hbm>>
      %dma_start3A_514 = tpu.memref_slice %arg2[%add3A_512] : memref<327680xi32, #tpu.memory_space<hbm>> -> memref<128xi32, #tpu.memory_space<hbm>>
      tpu.enqueue_dma source(%dma_start3A_514 : memref<128xi32, #tpu.memory_space<hbm>>) target(%arg7 : memref<128xi32, #tpu.memory_space<vmem>>) target_semaphore(%arg17 : memref<!tpu.dma_semaphore, #tpu.memory_space<semaphore_mem>>)
      %dma_start3A_515 = arith.constant 0 : i32
      %dma_start3A_516 = arith.constant 0 : i32
      %dma_start3A_517 = tpu.memref_slice %arg11[%dma_start3A_515, %dma_start3A_516] : memref<2x64xi32, #tpu.memory_space<vmem>> -> memref<1x64xi32, #tpu.memory_space<vmem>>
      %dma_start3A_518 = tpu.memref_squeeze %dma_start3A_517 : memref<1x64xi32, #tpu.memory_space<vmem>> -> memref<64xi32, #tpu.memory_space<vmem>>
      %dma_start3A_519 = tpu.memref_slice %arg3[%add3A_512] : memref<327680xi32, #tpu.memory_space<hbm>> -> memref<64xi32, #tpu.memory_space<hbm>>
      %dma_start3A_520 = arith.constant 0 : i32
      %dma_start3A_521 = tpu.memref_slice %arg11[%dma_start3A_515, %dma_start3A_520] : memref<2x64xi32, #tpu.memory_space<vmem>> -> memref<1x64xi32, #tpu.memory_space<vmem>>
      %dma_start3A_522 = tpu.memref_squeeze %dma_start3A_521 : memref<1x64xi32, #tpu.memory_space<vmem>> -> memref<64xi32, #tpu.memory_space<vmem>>
      %dma_start3A_523 = tpu.memref_slice %arg3[%add3A_512] : memref<327680xi32, #tpu.memory_space<hbm>> -> memref<64xi32, #tpu.memory_space<hbm>>
      tpu.enqueue_dma source(%dma_start3A_523 : memref<64xi32, #tpu.memory_space<hbm>>) target(%dma_start3A_522 : memref<64xi32, #tpu.memory_space<vmem>>) target_semaphore(%arg17 : memref<!tpu.dma_semaphore, #tpu.memory_space<semaphore_mem>>)
      %add3A_524 = arith.constant 64 : i32
      %add3A_525 = arith.addi %add3A_512, %add3A_524 : i32
      %dma_start3A_526 = arith.constant 1 : i32
      %dma_start3A_527 = arith.constant 0 : i32
      %dma_start3A_528 = tpu.memref_slice %arg11[%dma_start3A_526, %dma_start3A_527] : memref<2x64xi32, #tpu.memory_space<vmem>> -> memref<1x64xi32, #tpu.memory_space<vmem>>
      %dma_start3A_529 = tpu.memref_squeeze %dma_start3A_528 : memref<1x64xi32, #tpu.memory_space<vmem>> -> memref<64xi32, #tpu.memory_space<vmem>>
      %dma_start3A_530 = tpu.memref_slice %arg3[%add3A_525] : memref<327680xi32, #tpu.memory_space<hbm>> -> memref<64xi32, #tpu.memory_space<hbm>>
      %dma_start3A_531 = arith.constant 0 : i32
      %dma_start3A_532 = tpu.memref_slice %arg11[%dma_start3A_526, %dma_start3A_531] : memref<2x64xi32, #tpu.memory_space<vmem>> -> memref<1x64xi32, #tpu.memory_space<vmem>>
      %dma_start3A_533 = tpu.memref_squeeze %dma_start3A_532 : memref<1x64xi32, #tpu.memory_space<vmem>> -> memref<64xi32, #tpu.memory_space<vmem>>
      %dma_start3A_534 = tpu.memref_slice %arg3[%add3A_525] : memref<327680xi32, #tpu.memory_space<hbm>> -> memref<64xi32, #tpu.memory_space<hbm>>
      tpu.enqueue_dma source(%dma_start3A_534 : memref<64xi32, #tpu.memory_space<hbm>>) target(%dma_start3A_533 : memref<64xi32, #tpu.memory_space<vmem>>) target_semaphore(%arg17 : memref<!tpu.dma_semaphore, #tpu.memory_space<semaphore_mem>>)
      %dma_wait3A_535 = arith.constant 0 : i32
      %dma_wait3A_536 = tpu.memref_slice %arg2[%dma_wait3A_535] : memref<327680xi32, #tpu.memory_space<hbm>> -> memref<128xi32, #tpu.memory_space<hbm>>
      %dma_wait3A_537 = arith.constant 0 : i32
      %dma_wait3A_538 = tpu.memref_slice %arg2[%dma_wait3A_537] : memref<327680xi32, #tpu.memory_space<hbm>> -> memref<128xi32, #tpu.memory_space<hbm>>
      tpu.wait_dma2 semaphore(%arg16 : memref<!tpu.dma_semaphore, #tpu.memory_space<semaphore_mem>>) src(%dma_wait3A_538 : memref<128xi32, #tpu.memory_space<hbm>>) dst(%arg6 : memref<128xi32, #tpu.memory_space<vmem>>)
      %dma_wait3A_539 = arith.constant 0 : i32
      %dma_wait3A_540 = arith.constant 0 : i32
      %dma_wait3A_541 = tpu.memref_slice %arg8[%dma_wait3A_539, %dma_wait3A_540] : memref<2x64xi32, #tpu.memory_space<vmem>> -> memref<1x64xi32, #tpu.memory_space<vmem>>
      %dma_wait3A_542 = tpu.memref_squeeze %dma_wait3A_541 : memref<1x64xi32, #tpu.memory_space<vmem>> -> memref<64xi32, #tpu.memory_space<vmem>>
      %dma_wait3A_543 = arith.constant 0 : i32
      %dma_wait3A_544 = tpu.memref_slice %arg3[%dma_wait3A_543] : memref<327680xi32, #tpu.memory_space<hbm>> -> memref<64xi32, #tpu.memory_space<hbm>>
      %dma_wait3A_545 = arith.constant 0 : i32
      %dma_wait3A_546 = tpu.memref_slice %arg8[%dma_wait3A_539, %dma_wait3A_545] : memref<2x64xi32, #tpu.memory_space<vmem>> -> memref<1x64xi32, #tpu.memory_space<vmem>>
      %dma_wait3A_547 = tpu.memref_squeeze %dma_wait3A_546 : memref<1x64xi32, #tpu.memory_space<vmem>> -> memref<64xi32, #tpu.memory_space<vmem>>
      %dma_wait3A_548 = arith.constant 0 : i32
      %dma_wait3A_549 = tpu.memref_slice %arg3[%dma_wait3A_548] : memref<327680xi32, #tpu.memory_space<hbm>> -> memref<64xi32, #tpu.memory_space<hbm>>
      tpu.wait_dma2 semaphore(%arg16 : memref<!tpu.dma_semaphore, #tpu.memory_space<semaphore_mem>>) src(%dma_wait3A_549 : memref<64xi32, #tpu.memory_space<hbm>>) dst(%dma_wait3A_547 : memref<64xi32, #tpu.memory_space<vmem>>)
      %dma_wait3A_550 = arith.constant 1 : i32
      %dma_wait3A_551 = arith.constant 0 : i32
      %dma_wait3A_552 = tpu.memref_slice %arg8[%dma_wait3A_550, %dma_wait3A_551] : memref<2x64xi32, #tpu.memory_space<vmem>> -> memref<1x64xi32, #tpu.memory_space<vmem>>
      %dma_wait3A_553 = tpu.memref_squeeze %dma_wait3A_552 : memref<1x64xi32, #tpu.memory_space<vmem>> -> memref<64xi32, #tpu.memory_space<vmem>>
      %dma_wait3A_554 = arith.constant 0 : i32
      %dma_wait3A_555 = tpu.memref_slice %arg3[%dma_wait3A_554] : memref<327680xi32, #tpu.memory_space<hbm>> -> memref<64xi32, #tpu.memory_space<hbm>>
      %dma_wait3A_556 = arith.constant 0 : i32
      %dma_wait3A_557 = tpu.memref_slice %arg8[%dma_wait3A_550, %dma_wait3A_556] : memref<2x64xi32, #tpu.memory_space<vmem>> -> memref<1x64xi32, #tpu.memory_space<vmem>>
      %dma_wait3A_558 = tpu.memref_squeeze %dma_wait3A_557 : memref<1x64xi32, #tpu.memory_space<vmem>> -> memref<64xi32, #tpu.memory_space<vmem>>
      %dma_wait3A_559 = arith.constant 0 : i32
      %dma_wait3A_560 = tpu.memref_slice %arg3[%dma_wait3A_559] : memref<327680xi32, #tpu.memory_space<hbm>> -> memref<64xi32, #tpu.memory_space<hbm>>
      tpu.wait_dma2 semaphore(%arg16 : memref<!tpu.dma_semaphore, #tpu.memory_space<semaphore_mem>>) src(%dma_wait3A_560 : memref<64xi32, #tpu.memory_space<hbm>>) dst(%dma_wait3A_558 : memref<64xi32, #tpu.memory_space<vmem>>)
      %dma_start3A_561 = arith.constant 0 : i32
      %dma_start3A_562 = arith.constant 0 : i32
      %dma_start3A_563 = tpu.memref_slice %arg4[%dma_start3A_561, %dma_start3A_562] : memref<10240x128xf32, #tpu.memory_space<hbm>> -> memref<10240x128xf32, #tpu.memory_space<hbm>>
      tpu.enqueue_indirect_dma source(%dma_start3A_563 : memref<10240x128xf32, #tpu.memory_space<hbm>>) target(%arg12 : memref<128x128xf32, #tpu.memory_space<vmem>>) offsets(%arg6 : memref<128xi32, #tpu.memory_space<vmem>>) semaphore(%arg18 : memref<!tpu.dma_semaphore, #tpu.memory_space<semaphore_mem>>)
      %add3A_564 = arith.constant 1 : i32
      %add3A_565 = arith.addi %add3A_464, %add3A_564 : i32
      %dma_wait3A_566 = arith.constant 0 : i32
      %dma_wait3A_567 = arith.constant 0 : i32
      %dma_wait3A_568 = tpu.memref_slice %arg4[%dma_wait3A_566, %dma_wait3A_567] : memref<10240x128xf32, #tpu.memory_space<hbm>> -> memref<10240x128xf32, #tpu.memory_space<hbm>>
      tpu.wait_indirect_dma semaphore(%arg18 : memref<!tpu.dma_semaphore, #tpu.memory_space<semaphore_mem>>) src(%dma_wait3A_568 : memref<10240x128xf32, #tpu.memory_space<hbm>>) dst(%arg12 : memref<128x128xf32, #tpu.memory_space<vmem>>)
      %dma_start3A_569 = arith.constant 0 : i32
      %dma_start3A_570 = arith.constant 0 : i32
      %dma_start3A_571 = arith.constant 0 : i32
      %dma_start3A_572 = tpu.memref_slice %arg12[%dma_start3A_570, %dma_start3A_571] : memref<128x128xf32, #tpu.memory_space<vmem>> -> memref<64x128xf32, #tpu.memory_space<vmem>>
      %dma_start3A_573 = arith.constant 0 : i32
      %dma_start3A_574 = tpu.memref_slice %arg10[%dma_start3A_569, %dma_start3A_573] : memref<2x64xi32, #tpu.memory_space<vmem>> -> memref<1x64xi32, #tpu.memory_space<vmem>>
      %dma_start3A_575 = tpu.memref_squeeze %dma_start3A_574 : memref<1x64xi32, #tpu.memory_space<vmem>> -> memref<64xi32, #tpu.memory_space<vmem>>
      %dma_start3A_576 = arith.constant 0 : i32
      %dma_start3A_577 = arith.constant 0 : i32
      %dma_start3A_578 = tpu.memref_slice %arg14[%dma_start3A_576, %dma_start3A_577] : memref<10240x128xf32, #tpu.memory_space<vmem_shared>> -> memref<10240x128xf32, #tpu.memory_space<vmem_shared>>
      tpu.enqueue_indirect_dma source(%dma_start3A_572 : memref<64x128xf32, #tpu.memory_space<vmem>>) target(%dma_start3A_578 : memref<10240x128xf32, #tpu.memory_space<vmem_shared>>) offsets(%dma_start3A_575 : memref<64xi32, #tpu.memory_space<vmem>>) semaphore(%arg20 : memref<!tpu.dma_semaphore, #tpu.memory_space<semaphore_mem>>) {add = true}
      %dma_start3A_579 = arith.constant 1 : i32
      %dma_start3A_580 = arith.constant 64 : i32
      %dma_start3A_581 = arith.constant 0 : i32
      %dma_start3A_582 = tpu.memref_slice %arg12[%dma_start3A_580, %dma_start3A_581] : memref<128x128xf32, #tpu.memory_space<vmem>> -> memref<64x128xf32, #tpu.memory_space<vmem>>
      %dma_start3A_583 = arith.constant 0 : i32
      %dma_start3A_584 = tpu.memref_slice %arg10[%dma_start3A_579, %dma_start3A_583] : memref<2x64xi32, #tpu.memory_space<vmem>> -> memref<1x64xi32, #tpu.memory_space<vmem>>
      %dma_start3A_585 = tpu.memref_squeeze %dma_start3A_584 : memref<1x64xi32, #tpu.memory_space<vmem>> -> memref<64xi32, #tpu.memory_space<vmem>>
      %dma_start3A_586 = arith.constant 0 : i32
      %dma_start3A_587 = arith.constant 0 : i32
      %dma_start3A_588 = tpu.memref_slice %arg14[%dma_start3A_586, %dma_start3A_587] : memref<10240x128xf32, #tpu.memory_space<vmem_shared>> -> memref<10240x128xf32, #tpu.memory_space<vmem_shared>>
      tpu.enqueue_indirect_dma source(%dma_start3A_582 : memref<64x128xf32, #tpu.memory_space<vmem>>) target(%dma_start3A_588 : memref<10240x128xf32, #tpu.memory_space<vmem_shared>>) offsets(%dma_start3A_585 : memref<64xi32, #tpu.memory_space<vmem>>) semaphore(%arg20 : memref<!tpu.dma_semaphore, #tpu.memory_space<semaphore_mem>>) {add = true}
      %dma_wait3A_589 = arith.constant 0 : i32
      %dma_wait3A_590 = arith.constant 0 : i32
      %dma_wait3A_591 = arith.constant 0 : i32
      %dma_wait3A_592 = tpu.memref_slice %arg12[%dma_wait3A_590, %dma_wait3A_591] : memref<128x128xf32, #tpu.memory_space<vmem>> -> memref<64x128xf32, #tpu.memory_space<vmem>>
      %dma_wait3A_593 = arith.constant 0 : i32
      %dma_wait3A_594 = tpu.memref_slice %arg8[%dma_wait3A_589, %dma_wait3A_593] : memref<2x64xi32, #tpu.memory_space<vmem>> -> memref<1x64xi32, #tpu.memory_space<vmem>>
      %dma_wait3A_595 = tpu.memref_squeeze %dma_wait3A_594 : memref<1x64xi32, #tpu.memory_space<vmem>> -> memref<64xi32, #tpu.memory_space<vmem>>
      %dma_wait3A_596 = arith.constant 0 : i32
      %dma_wait3A_597 = arith.constant 0 : i32
      %dma_wait3A_598 = tpu.memref_slice %arg14[%dma_wait3A_596, %dma_wait3A_597] : memref<10240x128xf32, #tpu.memory_space<vmem_shared>> -> memref<10240x128xf32, #tpu.memory_space<vmem_shared>>
      tpu.wait_indirect_dma semaphore(%arg21 : memref<!tpu.dma_semaphore, #tpu.memory_space<semaphore_mem>>) src(%dma_wait3A_592 : memref<64x128xf32, #tpu.memory_space<vmem>>) dst(%dma_wait3A_598 : memref<10240x128xf32, #tpu.memory_space<vmem_shared>>)
      %dma_wait3A_599 = arith.constant 0 : i32
      %dma_wait3A_600 = arith.constant 0 : i32
      %dma_wait3A_601 = arith.constant 0 : i32
      %dma_wait3A_602 = tpu.memref_slice %arg12[%dma_wait3A_600, %dma_wait3A_601] : memref<128x128xf32, #tpu.memory_space<vmem>> -> memref<64x128xf32, #tpu.memory_space<vmem>>
      %dma_wait3A_603 = arith.constant 0 : i32
      %dma_wait3A_604 = tpu.memref_slice %arg8[%dma_wait3A_599, %dma_wait3A_603] : memref<2x64xi32, #tpu.memory_space<vmem>> -> memref<1x64xi32, #tpu.memory_space<vmem>>
      %dma_wait3A_605 = tpu.memref_squeeze %dma_wait3A_604 : memref<1x64xi32, #tpu.memory_space<vmem>> -> memref<64xi32, #tpu.memory_space<vmem>>
      %dma_wait3A_606 = arith.constant 0 : i32
      %dma_wait3A_607 = arith.constant 0 : i32
      %dma_wait3A_608 = tpu.memref_slice %arg14[%dma_wait3A_606, %dma_wait3A_607] : memref<10240x128xf32, #tpu.memory_space<vmem_shared>> -> memref<10240x128xf32, #tpu.memory_space<vmem_shared>>
      tpu.wait_indirect_dma semaphore(%arg21 : memref<!tpu.dma_semaphore, #tpu.memory_space<semaphore_mem>>) src(%dma_wait3A_602 : memref<64x128xf32, #tpu.memory_space<vmem>>) dst(%dma_wait3A_608 : memref<10240x128xf32, #tpu.memory_space<vmem_shared>>)
      %add3A_609 = arith.constant 2 : i32
      %add3A_610 = arith.addi %add3A_565, %add3A_609 : i32
      %mul3A_611 = arith.constant 128 : i32
      %mul3A_612 = arith.muli %add3A_610, %mul3A_611 : i32
      %add3A_613 = arith.addi %mul3A_3, %mul3A_612 : i32
      %dma_start3A_614 = tpu.memref_slice %arg2[%add3A_613] : memref<327680xi32, #tpu.memory_space<hbm>> -> memref<128xi32, #tpu.memory_space<hbm>>
      %dma_start3A_615 = tpu.memref_slice %arg2[%add3A_613] : memref<327680xi32, #tpu.memory_space<hbm>> -> memref<128xi32, #tpu.memory_space<hbm>>
      tpu.enqueue_dma source(%dma_start3A_615 : memref<128xi32, #tpu.memory_space<hbm>>) target(%arg6 : memref<128xi32, #tpu.memory_space<vmem>>) target_semaphore(%arg16 : memref<!tpu.dma_semaphore, #tpu.memory_space<semaphore_mem>>)
      %dma_start3A_616 = arith.constant 0 : i32
      %dma_start3A_617 = arith.constant 0 : i32
      %dma_start3A_618 = tpu.memref_slice %arg8[%dma_start3A_616, %dma_start3A_617] : memref<2x64xi32, #tpu.memory_space<vmem>> -> memref<1x64xi32, #tpu.memory_space<vmem>>
      %dma_start3A_619 = tpu.memref_squeeze %dma_start3A_618 : memref<1x64xi32, #tpu.memory_space<vmem>> -> memref<64xi32, #tpu.memory_space<vmem>>
      %dma_start3A_620 = tpu.memref_slice %arg3[%add3A_613] : memref<327680xi32, #tpu.memory_space<hbm>> -> memref<64xi32, #tpu.memory_space<hbm>>
      %dma_start3A_621 = arith.constant 0 : i32
      %dma_start3A_622 = tpu.memref_slice %arg8[%dma_start3A_616, %dma_start3A_621] : memref<2x64xi32, #tpu.memory_space<vmem>> -> memref<1x64xi32, #tpu.memory_space<vmem>>
      %dma_start3A_623 = tpu.memref_squeeze %dma_start3A_622 : memref<1x64xi32, #tpu.memory_space<vmem>> -> memref<64xi32, #tpu.memory_space<vmem>>
      %dma_start3A_624 = tpu.memref_slice %arg3[%add3A_613] : memref<327680xi32, #tpu.memory_space<hbm>> -> memref<64xi32, #tpu.memory_space<hbm>>
      tpu.enqueue_dma source(%dma_start3A_624 : memref<64xi32, #tpu.memory_space<hbm>>) target(%dma_start3A_623 : memref<64xi32, #tpu.memory_space<vmem>>) target_semaphore(%arg16 : memref<!tpu.dma_semaphore, #tpu.memory_space<semaphore_mem>>)
      %add3A_625 = arith.constant 64 : i32
      %add3A_626 = arith.addi %add3A_613, %add3A_625 : i32
      %dma_start3A_627 = arith.constant 1 : i32
      %dma_start3A_628 = arith.constant 0 : i32
      %dma_start3A_629 = tpu.memref_slice %arg8[%dma_start3A_627, %dma_start3A_628] : memref<2x64xi32, #tpu.memory_space<vmem>> -> memref<1x64xi32, #tpu.memory_space<vmem>>
      %dma_start3A_630 = tpu.memref_squeeze %dma_start3A_629 : memref<1x64xi32, #tpu.memory_space<vmem>> -> memref<64xi32, #tpu.memory_space<vmem>>
      %dma_start3A_631 = tpu.memref_slice %arg3[%add3A_626] : memref<327680xi32, #tpu.memory_space<hbm>> -> memref<64xi32, #tpu.memory_space<hbm>>
      %dma_start3A_632 = arith.constant 0 : i32
      %dma_start3A_633 = tpu.memref_slice %arg8[%dma_start3A_627, %dma_start3A_632] : memref<2x64xi32, #tpu.memory_space<vmem>> -> memref<1x64xi32, #tpu.memory_space<vmem>>
      %dma_start3A_634 = tpu.memref_squeeze %dma_start3A_633 : memref<1x64xi32, #tpu.memory_space<vmem>> -> memref<64xi32, #tpu.memory_space<vmem>>
      %dma_start3A_635 = tpu.memref_slice %arg3[%add3A_626] : memref<327680xi32, #tpu.memory_space<hbm>> -> memref<64xi32, #tpu.memory_space<hbm>>
      tpu.enqueue_dma source(%dma_start3A_635 : memref<64xi32, #tpu.memory_space<hbm>>) target(%dma_start3A_634 : memref<64xi32, #tpu.memory_space<vmem>>) target_semaphore(%arg16 : memref<!tpu.dma_semaphore, #tpu.memory_space<semaphore_mem>>)
      %dma_wait3A_636 = arith.constant 0 : i32
      %dma_wait3A_637 = tpu.memref_slice %arg2[%dma_wait3A_636] : memref<327680xi32, #tpu.memory_space<hbm>> -> memref<128xi32, #tpu.memory_space<hbm>>
      %dma_wait3A_638 = arith.constant 0 : i32
      %dma_wait3A_639 = tpu.memref_slice %arg2[%dma_wait3A_638] : memref<327680xi32, #tpu.memory_space<hbm>> -> memref<128xi32, #tpu.memory_space<hbm>>
      tpu.wait_dma2 semaphore(%arg17 : memref<!tpu.dma_semaphore, #tpu.memory_space<semaphore_mem>>) src(%dma_wait3A_639 : memref<128xi32, #tpu.memory_space<hbm>>) dst(%arg6 : memref<128xi32, #tpu.memory_space<vmem>>)
      %dma_wait3A_640 = arith.constant 0 : i32
      %dma_wait3A_641 = arith.constant 0 : i32
      %dma_wait3A_642 = tpu.memref_slice %arg8[%dma_wait3A_640, %dma_wait3A_641] : memref<2x64xi32, #tpu.memory_space<vmem>> -> memref<1x64xi32, #tpu.memory_space<vmem>>
      %dma_wait3A_643 = tpu.memref_squeeze %dma_wait3A_642 : memref<1x64xi32, #tpu.memory_space<vmem>> -> memref<64xi32, #tpu.memory_space<vmem>>
      %dma_wait3A_644 = arith.constant 0 : i32
      %dma_wait3A_645 = tpu.memref_slice %arg3[%dma_wait3A_644] : memref<327680xi32, #tpu.memory_space<hbm>> -> memref<64xi32, #tpu.memory_space<hbm>>
      %dma_wait3A_646 = arith.constant 0 : i32
      %dma_wait3A_647 = tpu.memref_slice %arg8[%dma_wait3A_640, %dma_wait3A_646] : memref<2x64xi32, #tpu.memory_space<vmem>> -> memref<1x64xi32, #tpu.memory_space<vmem>>
      %dma_wait3A_648 = tpu.memref_squeeze %dma_wait3A_647 : memref<1x64xi32, #tpu.memory_space<vmem>> -> memref<64xi32, #tpu.memory_space<vmem>>
      %dma_wait3A_649 = arith.constant 0 : i32
      %dma_wait3A_650 = tpu.memref_slice %arg3[%dma_wait3A_649] : memref<327680xi32, #tpu.memory_space<hbm>> -> memref<64xi32, #tpu.memory_space<hbm>>
      tpu.wait_dma2 semaphore(%arg17 : memref<!tpu.dma_semaphore, #tpu.memory_space<semaphore_mem>>) src(%dma_wait3A_650 : memref<64xi32, #tpu.memory_space<hbm>>) dst(%dma_wait3A_648 : memref<64xi32, #tpu.memory_space<vmem>>)
      %dma_wait3A_651 = arith.constant 1 : i32
      %dma_wait3A_652 = arith.constant 0 : i32
      %dma_wait3A_653 = tpu.memref_slice %arg8[%dma_wait3A_651, %dma_wait3A_652] : memref<2x64xi32, #tpu.memory_space<vmem>> -> memref<1x64xi32, #tpu.memory_space<vmem>>
      %dma_wait3A_654 = tpu.memref_squeeze %dma_wait3A_653 : memref<1x64xi32, #tpu.memory_space<vmem>> -> memref<64xi32, #tpu.memory_space<vmem>>
      %dma_wait3A_655 = arith.constant 0 : i32
      %dma_wait3A_656 = tpu.memref_slice %arg3[%dma_wait3A_655] : memref<327680xi32, #tpu.memory_space<hbm>> -> memref<64xi32, #tpu.memory_space<hbm>>
      %dma_wait3A_657 = arith.constant 0 : i32
      %dma_wait3A_658 = tpu.memref_slice %arg8[%dma_wait3A_651, %dma_wait3A_657] : memref<2x64xi32, #tpu.memory_space<vmem>> -> memref<1x64xi32, #tpu.memory_space<vmem>>
      %dma_wait3A_659 = tpu.memref_squeeze %dma_wait3A_658 : memref<1x64xi32, #tpu.memory_space<vmem>> -> memref<64xi32, #tpu.memory_space<vmem>>
      %dma_wait3A_660 = arith.constant 0 : i32
      %dma_wait3A_661 = tpu.memref_slice %arg3[%dma_wait3A_660] : memref<327680xi32, #tpu.memory_space<hbm>> -> memref<64xi32, #tpu.memory_space<hbm>>
      tpu.wait_dma2 semaphore(%arg17 : memref<!tpu.dma_semaphore, #tpu.memory_space<semaphore_mem>>) src(%dma_wait3A_661 : memref<64xi32, #tpu.memory_space<hbm>>) dst(%dma_wait3A_659 : memref<64xi32, #tpu.memory_space<vmem>>)
      %dma_start3A_662 = arith.constant 0 : i32
      %dma_start3A_663 = arith.constant 0 : i32
      %dma_start3A_664 = tpu.memref_slice %arg4[%dma_start3A_662, %dma_start3A_663] : memref<10240x128xf32, #tpu.memory_space<hbm>> -> memref<10240x128xf32, #tpu.memory_space<hbm>>
      tpu.enqueue_indirect_dma source(%dma_start3A_664 : memref<10240x128xf32, #tpu.memory_space<hbm>>) target(%arg13 : memref<128x128xf32, #tpu.memory_space<vmem>>) offsets(%arg7 : memref<128xi32, #tpu.memory_space<vmem>>) semaphore(%arg19 : memref<!tpu.dma_semaphore, #tpu.memory_space<semaphore_mem>>)
      %add3A_665 = arith.constant 2 : i32
      %add3A_666 = arith.addi %add3A_464, %add3A_665 : i32
      %dma_wait3A_667 = arith.constant 0 : i32
      %dma_wait3A_668 = arith.constant 0 : i32
      %dma_wait3A_669 = tpu.memref_slice %arg4[%dma_wait3A_667, %dma_wait3A_668] : memref<10240x128xf32, #tpu.memory_space<hbm>> -> memref<10240x128xf32, #tpu.memory_space<hbm>>
      tpu.wait_indirect_dma semaphore(%arg19 : memref<!tpu.dma_semaphore, #tpu.memory_space<semaphore_mem>>) src(%dma_wait3A_669 : memref<10240x128xf32, #tpu.memory_space<hbm>>) dst(%arg13 : memref<128x128xf32, #tpu.memory_space<vmem>>)
      %dma_start3A_670 = arith.constant 0 : i32
      %dma_start3A_671 = arith.constant 0 : i32
      %dma_start3A_672 = arith.constant 0 : i32
      %dma_start3A_673 = tpu.memref_slice %arg13[%dma_start3A_671, %dma_start3A_672] : memref<128x128xf32, #tpu.memory_space<vmem>> -> memref<64x128xf32, #tpu.memory_space<vmem>>
      %dma_start3A_674 = arith.constant 0 : i32
      %dma_start3A_675 = tpu.memref_slice %arg11[%dma_start3A_670, %dma_start3A_674] : memref<2x64xi32, #tpu.memory_space<vmem>> -> memref<1x64xi32, #tpu.memory_space<vmem>>
      %dma_start3A_676 = tpu.memref_squeeze %dma_start3A_675 : memref<1x64xi32, #tpu.memory_space<vmem>> -> memref<64xi32, #tpu.memory_space<vmem>>
      %dma_start3A_677 = arith.constant 0 : i32
      %dma_start3A_678 = arith.constant 0 : i32
      %dma_start3A_679 = tpu.memref_slice %arg14[%dma_start3A_677, %dma_start3A_678] : memref<10240x128xf32, #tpu.memory_space<vmem_shared>> -> memref<10240x128xf32, #tpu.memory_space<vmem_shared>>
      tpu.enqueue_indirect_dma source(%dma_start3A_673 : memref<64x128xf32, #tpu.memory_space<vmem>>) target(%dma_start3A_679 : memref<10240x128xf32, #tpu.memory_space<vmem_shared>>) offsets(%dma_start3A_676 : memref<64xi32, #tpu.memory_space<vmem>>) semaphore(%arg21 : memref<!tpu.dma_semaphore, #tpu.memory_space<semaphore_mem>>) {add = true}
      %dma_start3A_680 = arith.constant 1 : i32
      %dma_start3A_681 = arith.constant 64 : i32
      %dma_start3A_682 = arith.constant 0 : i32
      %dma_start3A_683 = tpu.memref_slice %arg13[%dma_start3A_681, %dma_start3A_682] : memref<128x128xf32, #tpu.memory_space<vmem>> -> memref<64x128xf32, #tpu.memory_space<vmem>>
      %dma_start3A_684 = arith.constant 0 : i32
      %dma_start3A_685 = tpu.memref_slice %arg11[%dma_start3A_680, %dma_start3A_684] : memref<2x64xi32, #tpu.memory_space<vmem>> -> memref<1x64xi32, #tpu.memory_space<vmem>>
      %dma_start3A_686 = tpu.memref_squeeze %dma_start3A_685 : memref<1x64xi32, #tpu.memory_space<vmem>> -> memref<64xi32, #tpu.memory_space<vmem>>
      %dma_start3A_687 = arith.constant 0 : i32
      %dma_start3A_688 = arith.constant 0 : i32
      %dma_start3A_689 = tpu.memref_slice %arg14[%dma_start3A_687, %dma_start3A_688] : memref<10240x128xf32, #tpu.memory_space<vmem_shared>> -> memref<10240x128xf32, #tpu.memory_space<vmem_shared>>
      tpu.enqueue_indirect_dma source(%dma_start3A_683 : memref<64x128xf32, #tpu.memory_space<vmem>>) target(%dma_start3A_689 : memref<10240x128xf32, #tpu.memory_space<vmem_shared>>) offsets(%dma_start3A_686 : memref<64xi32, #tpu.memory_space<vmem>>) semaphore(%arg21 : memref<!tpu.dma_semaphore, #tpu.memory_space<semaphore_mem>>) {add = true}
      %dma_wait3A_690 = arith.constant 0 : i32
      %dma_wait3A_691 = arith.constant 0 : i32
      %dma_wait3A_692 = arith.constant 0 : i32
      %dma_wait3A_693 = tpu.memref_slice %arg12[%dma_wait3A_691, %dma_wait3A_692] : memref<128x128xf32, #tpu.memory_space<vmem>> -> memref<64x128xf32, #tpu.memory_space<vmem>>
      %dma_wait3A_694 = arith.constant 0 : i32
      %dma_wait3A_695 = tpu.memref_slice %arg8[%dma_wait3A_690, %dma_wait3A_694] : memref<2x64xi32, #tpu.memory_space<vmem>> -> memref<1x64xi32, #tpu.memory_space<vmem>>
      %dma_wait3A_696 = tpu.memref_squeeze %dma_wait3A_695 : memref<1x64xi32, #tpu.memory_space<vmem>> -> memref<64xi32, #tpu.memory_space<vmem>>
      %dma_wait3A_697 = arith.constant 0 : i32
      %dma_wait3A_698 = arith.constant 0 : i32
      %dma_wait3A_699 = tpu.memref_slice %arg14[%dma_wait3A_697, %dma_wait3A_698] : memref<10240x128xf32, #tpu.memory_space<vmem_shared>> -> memref<10240x128xf32, #tpu.memory_space<vmem_shared>>
      tpu.wait_indirect_dma semaphore(%arg20 : memref<!tpu.dma_semaphore, #tpu.memory_space<semaphore_mem>>) src(%dma_wait3A_693 : memref<64x128xf32, #tpu.memory_space<vmem>>) dst(%dma_wait3A_699 : memref<10240x128xf32, #tpu.memory_space<vmem_shared>>)
      %dma_wait3A_700 = arith.constant 0 : i32
      %dma_wait3A_701 = arith.constant 0 : i32
      %dma_wait3A_702 = arith.constant 0 : i32
      %dma_wait3A_703 = tpu.memref_slice %arg12[%dma_wait3A_701, %dma_wait3A_702] : memref<128x128xf32, #tpu.memory_space<vmem>> -> memref<64x128xf32, #tpu.memory_space<vmem>>
      %dma_wait3A_704 = arith.constant 0 : i32
      %dma_wait3A_705 = tpu.memref_slice %arg8[%dma_wait3A_700, %dma_wait3A_704] : memref<2x64xi32, #tpu.memory_space<vmem>> -> memref<1x64xi32, #tpu.memory_space<vmem>>
      %dma_wait3A_706 = tpu.memref_squeeze %dma_wait3A_705 : memref<1x64xi32, #tpu.memory_space<vmem>> -> memref<64xi32, #tpu.memory_space<vmem>>
      %dma_wait3A_707 = arith.constant 0 : i32
      %dma_wait3A_708 = arith.constant 0 : i32
      %dma_wait3A_709 = tpu.memref_slice %arg14[%dma_wait3A_707, %dma_wait3A_708] : memref<10240x128xf32, #tpu.memory_space<vmem_shared>> -> memref<10240x128xf32, #tpu.memory_space<vmem_shared>>
      tpu.wait_indirect_dma semaphore(%arg20 : memref<!tpu.dma_semaphore, #tpu.memory_space<semaphore_mem>>) src(%dma_wait3A_703 : memref<64x128xf32, #tpu.memory_space<vmem>>) dst(%dma_wait3A_709 : memref<10240x128xf32, #tpu.memory_space<vmem_shared>>)
      %add3A_710 = arith.constant 2 : i32
      %add3A_711 = arith.addi %add3A_666, %add3A_710 : i32
      %mul3A_712 = arith.constant 128 : i32
      %mul3A_713 = arith.muli %add3A_711, %mul3A_712 : i32
      %add3A_714 = arith.addi %mul3A_3, %mul3A_713 : i32
      %dma_start3A_715 = tpu.memref_slice %arg2[%add3A_714] : memref<327680xi32, #tpu.memory_space<hbm>> -> memref<128xi32, #tpu.memory_space<hbm>>
      %dma_start3A_716 = tpu.memref_slice %arg2[%add3A_714] : memref<327680xi32, #tpu.memory_space<hbm>> -> memref<128xi32, #tpu.memory_space<hbm>>
      tpu.enqueue_dma source(%dma_start3A_716 : memref<128xi32, #tpu.memory_space<hbm>>) target(%arg7 : memref<128xi32, #tpu.memory_space<vmem>>) target_semaphore(%arg17 : memref<!tpu.dma_semaphore, #tpu.memory_space<semaphore_mem>>)
      %dma_start3A_717 = arith.constant 0 : i32
      %dma_start3A_718 = arith.constant 0 : i32
      %dma_start3A_719 = tpu.memref_slice %arg9[%dma_start3A_717, %dma_start3A_718] : memref<2x64xi32, #tpu.memory_space<vmem>> -> memref<1x64xi32, #tpu.memory_space<vmem>>
      %dma_start3A_720 = tpu.memref_squeeze %dma_start3A_719 : memref<1x64xi32, #tpu.memory_space<vmem>> -> memref<64xi32, #tpu.memory_space<vmem>>
      %dma_start3A_721 = tpu.memref_slice %arg3[%add3A_714] : memref<327680xi32, #tpu.memory_space<hbm>> -> memref<64xi32, #tpu.memory_space<hbm>>
      %dma_start3A_722 = arith.constant 0 : i32
      %dma_start3A_723 = tpu.memref_slice %arg9[%dma_start3A_717, %dma_start3A_722] : memref<2x64xi32, #tpu.memory_space<vmem>> -> memref<1x64xi32, #tpu.memory_space<vmem>>
      %dma_start3A_724 = tpu.memref_squeeze %dma_start3A_723 : memref<1x64xi32, #tpu.memory_space<vmem>> -> memref<64xi32, #tpu.memory_space<vmem>>
      %dma_start3A_725 = tpu.memref_slice %arg3[%add3A_714] : memref<327680xi32, #tpu.memory_space<hbm>> -> memref<64xi32, #tpu.memory_space<hbm>>
      tpu.enqueue_dma source(%dma_start3A_725 : memref<64xi32, #tpu.memory_space<hbm>>) target(%dma_start3A_724 : memref<64xi32, #tpu.memory_space<vmem>>) target_semaphore(%arg17 : memref<!tpu.dma_semaphore, #tpu.memory_space<semaphore_mem>>)
      %add3A_726 = arith.constant 64 : i32
      %add3A_727 = arith.addi %add3A_714, %add3A_726 : i32
      %dma_start3A_728 = arith.constant 1 : i32
      %dma_start3A_729 = arith.constant 0 : i32
      %dma_start3A_730 = tpu.memref_slice %arg9[%dma_start3A_728, %dma_start3A_729] : memref<2x64xi32, #tpu.memory_space<vmem>> -> memref<1x64xi32, #tpu.memory_space<vmem>>
      %dma_start3A_731 = tpu.memref_squeeze %dma_start3A_730 : memref<1x64xi32, #tpu.memory_space<vmem>> -> memref<64xi32, #tpu.memory_space<vmem>>
      %dma_start3A_732 = tpu.memref_slice %arg3[%add3A_727] : memref<327680xi32, #tpu.memory_space<hbm>> -> memref<64xi32, #tpu.memory_space<hbm>>
      %dma_start3A_733 = arith.constant 0 : i32
      %dma_start3A_734 = tpu.memref_slice %arg9[%dma_start3A_728, %dma_start3A_733] : memref<2x64xi32, #tpu.memory_space<vmem>> -> memref<1x64xi32, #tpu.memory_space<vmem>>
      %dma_start3A_735 = tpu.memref_squeeze %dma_start3A_734 : memref<1x64xi32, #tpu.memory_space<vmem>> -> memref<64xi32, #tpu.memory_space<vmem>>
      %dma_start3A_736 = tpu.memref_slice %arg3[%add3A_727] : memref<327680xi32, #tpu.memory_space<hbm>> -> memref<64xi32, #tpu.memory_space<hbm>>
      tpu.enqueue_dma source(%dma_start3A_736 : memref<64xi32, #tpu.memory_space<hbm>>) target(%dma_start3A_735 : memref<64xi32, #tpu.memory_space<vmem>>) target_semaphore(%arg17 : memref<!tpu.dma_semaphore, #tpu.memory_space<semaphore_mem>>)
      %dma_wait3A_737 = arith.constant 0 : i32
      %dma_wait3A_738 = tpu.memref_slice %arg2[%dma_wait3A_737] : memref<327680xi32, #tpu.memory_space<hbm>> -> memref<128xi32, #tpu.memory_space<hbm>>
      %dma_wait3A_739 = arith.constant 0 : i32
      %dma_wait3A_740 = tpu.memref_slice %arg2[%dma_wait3A_739] : memref<327680xi32, #tpu.memory_space<hbm>> -> memref<128xi32, #tpu.memory_space<hbm>>
      tpu.wait_dma2 semaphore(%arg16 : memref<!tpu.dma_semaphore, #tpu.memory_space<semaphore_mem>>) src(%dma_wait3A_740 : memref<128xi32, #tpu.memory_space<hbm>>) dst(%arg6 : memref<128xi32, #tpu.memory_space<vmem>>)
      %dma_wait3A_741 = arith.constant 0 : i32
      %dma_wait3A_742 = arith.constant 0 : i32
      %dma_wait3A_743 = tpu.memref_slice %arg8[%dma_wait3A_741, %dma_wait3A_742] : memref<2x64xi32, #tpu.memory_space<vmem>> -> memref<1x64xi32, #tpu.memory_space<vmem>>
      %dma_wait3A_744 = tpu.memref_squeeze %dma_wait3A_743 : memref<1x64xi32, #tpu.memory_space<vmem>> -> memref<64xi32, #tpu.memory_space<vmem>>
      %dma_wait3A_745 = arith.constant 0 : i32
      %dma_wait3A_746 = tpu.memref_slice %arg3[%dma_wait3A_745] : memref<327680xi32, #tpu.memory_space<hbm>> -> memref<64xi32, #tpu.memory_space<hbm>>
      %dma_wait3A_747 = arith.constant 0 : i32
      %dma_wait3A_748 = tpu.memref_slice %arg8[%dma_wait3A_741, %dma_wait3A_747] : memref<2x64xi32, #tpu.memory_space<vmem>> -> memref<1x64xi32, #tpu.memory_space<vmem>>
      %dma_wait3A_749 = tpu.memref_squeeze %dma_wait3A_748 : memref<1x64xi32, #tpu.memory_space<vmem>> -> memref<64xi32, #tpu.memory_space<vmem>>
      %dma_wait3A_750 = arith.constant 0 : i32
      %dma_wait3A_751 = tpu.memref_slice %arg3[%dma_wait3A_750] : memref<327680xi32, #tpu.memory_space<hbm>> -> memref<64xi32, #tpu.memory_space<hbm>>
      tpu.wait_dma2 semaphore(%arg16 : memref<!tpu.dma_semaphore, #tpu.memory_space<semaphore_mem>>) src(%dma_wait3A_751 : memref<64xi32, #tpu.memory_space<hbm>>) dst(%dma_wait3A_749 : memref<64xi32, #tpu.memory_space<vmem>>)
      %dma_wait3A_752 = arith.constant 1 : i32
      %dma_wait3A_753 = arith.constant 0 : i32
      %dma_wait3A_754 = tpu.memref_slice %arg8[%dma_wait3A_752, %dma_wait3A_753] : memref<2x64xi32, #tpu.memory_space<vmem>> -> memref<1x64xi32, #tpu.memory_space<vmem>>
      %dma_wait3A_755 = tpu.memref_squeeze %dma_wait3A_754 : memref<1x64xi32, #tpu.memory_space<vmem>> -> memref<64xi32, #tpu.memory_space<vmem>>
      %dma_wait3A_756 = arith.constant 0 : i32
      %dma_wait3A_757 = tpu.memref_slice %arg3[%dma_wait3A_756] : memref<327680xi32, #tpu.memory_space<hbm>> -> memref<64xi32, #tpu.memory_space<hbm>>
      %dma_wait3A_758 = arith.constant 0 : i32
      %dma_wait3A_759 = tpu.memref_slice %arg8[%dma_wait3A_752, %dma_wait3A_758] : memref<2x64xi32, #tpu.memory_space<vmem>> -> memref<1x64xi32, #tpu.memory_space<vmem>>
      %dma_wait3A_760 = tpu.memref_squeeze %dma_wait3A_759 : memref<1x64xi32, #tpu.memory_space<vmem>> -> memref<64xi32, #tpu.memory_space<vmem>>
      %dma_wait3A_761 = arith.constant 0 : i32
      %dma_wait3A_762 = tpu.memref_slice %arg3[%dma_wait3A_761] : memref<327680xi32, #tpu.memory_space<hbm>> -> memref<64xi32, #tpu.memory_space<hbm>>
      tpu.wait_dma2 semaphore(%arg16 : memref<!tpu.dma_semaphore, #tpu.memory_space<semaphore_mem>>) src(%dma_wait3A_762 : memref<64xi32, #tpu.memory_space<hbm>>) dst(%dma_wait3A_760 : memref<64xi32, #tpu.memory_space<vmem>>)
      %dma_start3A_763 = arith.constant 0 : i32
      %dma_start3A_764 = arith.constant 0 : i32
      %dma_start3A_765 = tpu.memref_slice %arg4[%dma_start3A_763, %dma_start3A_764] : memref<10240x128xf32, #tpu.memory_space<hbm>> -> memref<10240x128xf32, #tpu.memory_space<hbm>>
      tpu.enqueue_indirect_dma source(%dma_start3A_765 : memref<10240x128xf32, #tpu.memory_space<hbm>>) target(%arg12 : memref<128x128xf32, #tpu.memory_space<vmem>>) offsets(%arg6 : memref<128xi32, #tpu.memory_space<vmem>>) semaphore(%arg18 : memref<!tpu.dma_semaphore, #tpu.memory_space<semaphore_mem>>)
      %add3A_766 = arith.constant 3 : i32
      %add3A_767 = arith.addi %add3A_464, %add3A_766 : i32
      %dma_wait3A_768 = arith.constant 0 : i32
      %dma_wait3A_769 = arith.constant 0 : i32
      %dma_wait3A_770 = tpu.memref_slice %arg4[%dma_wait3A_768, %dma_wait3A_769] : memref<10240x128xf32, #tpu.memory_space<hbm>> -> memref<10240x128xf32, #tpu.memory_space<hbm>>
      tpu.wait_indirect_dma semaphore(%arg18 : memref<!tpu.dma_semaphore, #tpu.memory_space<semaphore_mem>>) src(%dma_wait3A_770 : memref<10240x128xf32, #tpu.memory_space<hbm>>) dst(%arg12 : memref<128x128xf32, #tpu.memory_space<vmem>>)
      %dma_start3A_771 = arith.constant 0 : i32
      %dma_start3A_772 = arith.constant 0 : i32
      %dma_start3A_773 = arith.constant 0 : i32
      %dma_start3A_774 = tpu.memref_slice %arg12[%dma_start3A_772, %dma_start3A_773] : memref<128x128xf32, #tpu.memory_space<vmem>> -> memref<64x128xf32, #tpu.memory_space<vmem>>
      %dma_start3A_775 = arith.constant 0 : i32
      %dma_start3A_776 = tpu.memref_slice %arg8[%dma_start3A_771, %dma_start3A_775] : memref<2x64xi32, #tpu.memory_space<vmem>> -> memref<1x64xi32, #tpu.memory_space<vmem>>
      %dma_start3A_777 = tpu.memref_squeeze %dma_start3A_776 : memref<1x64xi32, #tpu.memory_space<vmem>> -> memref<64xi32, #tpu.memory_space<vmem>>
      %dma_start3A_778 = arith.constant 0 : i32
      %dma_start3A_779 = arith.constant 0 : i32
      %dma_start3A_780 = tpu.memref_slice %arg14[%dma_start3A_778, %dma_start3A_779] : memref<10240x128xf32, #tpu.memory_space<vmem_shared>> -> memref<10240x128xf32, #tpu.memory_space<vmem_shared>>
      tpu.enqueue_indirect_dma source(%dma_start3A_774 : memref<64x128xf32, #tpu.memory_space<vmem>>) target(%dma_start3A_780 : memref<10240x128xf32, #tpu.memory_space<vmem_shared>>) offsets(%dma_start3A_777 : memref<64xi32, #tpu.memory_space<vmem>>) semaphore(%arg20 : memref<!tpu.dma_semaphore, #tpu.memory_space<semaphore_mem>>) {add = true}
      %dma_start3A_781 = arith.constant 1 : i32
      %dma_start3A_782 = arith.constant 64 : i32
      %dma_start3A_783 = arith.constant 0 : i32
      %dma_start3A_784 = tpu.memref_slice %arg12[%dma_start3A_782, %dma_start3A_783] : memref<128x128xf32, #tpu.memory_space<vmem>> -> memref<64x128xf32, #tpu.memory_space<vmem>>
      %dma_start3A_785 = arith.constant 0 : i32
      %dma_start3A_786 = tpu.memref_slice %arg8[%dma_start3A_781, %dma_start3A_785] : memref<2x64xi32, #tpu.memory_space<vmem>> -> memref<1x64xi32, #tpu.memory_space<vmem>>
      %dma_start3A_787 = tpu.memref_squeeze %dma_start3A_786 : memref<1x64xi32, #tpu.memory_space<vmem>> -> memref<64xi32, #tpu.memory_space<vmem>>
      %dma_start3A_788 = arith.constant 0 : i32
      %dma_start3A_789 = arith.constant 0 : i32
      %dma_start3A_790 = tpu.memref_slice %arg14[%dma_start3A_788, %dma_start3A_789] : memref<10240x128xf32, #tpu.memory_space<vmem_shared>> -> memref<10240x128xf32, #tpu.memory_space<vmem_shared>>
      tpu.enqueue_indirect_dma source(%dma_start3A_784 : memref<64x128xf32, #tpu.memory_space<vmem>>) target(%dma_start3A_790 : memref<10240x128xf32, #tpu.memory_space<vmem_shared>>) offsets(%dma_start3A_787 : memref<64xi32, #tpu.memory_space<vmem>>) semaphore(%arg20 : memref<!tpu.dma_semaphore, #tpu.memory_space<semaphore_mem>>) {add = true}
      %dma_wait3A_791 = arith.constant 0 : i32
      %dma_wait3A_792 = arith.constant 0 : i32
      %dma_wait3A_793 = arith.constant 0 : i32
      %dma_wait3A_794 = tpu.memref_slice %arg12[%dma_wait3A_792, %dma_wait3A_793] : memref<128x128xf32, #tpu.memory_space<vmem>> -> memref<64x128xf32, #tpu.memory_space<vmem>>
      %dma_wait3A_795 = arith.constant 0 : i32
      %dma_wait3A_796 = tpu.memref_slice %arg8[%dma_wait3A_791, %dma_wait3A_795] : memref<2x64xi32, #tpu.memory_space<vmem>> -> memref<1x64xi32, #tpu.memory_space<vmem>>
      %dma_wait3A_797 = tpu.memref_squeeze %dma_wait3A_796 : memref<1x64xi32, #tpu.memory_space<vmem>> -> memref<64xi32, #tpu.memory_space<vmem>>
      %dma_wait3A_798 = arith.constant 0 : i32
      %dma_wait3A_799 = arith.constant 0 : i32
      %dma_wait3A_800 = tpu.memref_slice %arg14[%dma_wait3A_798, %dma_wait3A_799] : memref<10240x128xf32, #tpu.memory_space<vmem_shared>> -> memref<10240x128xf32, #tpu.memory_space<vmem_shared>>
      tpu.wait_indirect_dma semaphore(%arg21 : memref<!tpu.dma_semaphore, #tpu.memory_space<semaphore_mem>>) src(%dma_wait3A_794 : memref<64x128xf32, #tpu.memory_space<vmem>>) dst(%dma_wait3A_800 : memref<10240x128xf32, #tpu.memory_space<vmem_shared>>)
      %dma_wait3A_801 = arith.constant 0 : i32
      %dma_wait3A_802 = arith.constant 0 : i32
      %dma_wait3A_803 = arith.constant 0 : i32
      %dma_wait3A_804 = tpu.memref_slice %arg12[%dma_wait3A_802, %dma_wait3A_803] : memref<128x128xf32, #tpu.memory_space<vmem>> -> memref<64x128xf32, #tpu.memory_space<vmem>>
      %dma_wait3A_805 = arith.constant 0 : i32
      %dma_wait3A_806 = tpu.memref_slice %arg8[%dma_wait3A_801, %dma_wait3A_805] : memref<2x64xi32, #tpu.memory_space<vmem>> -> memref<1x64xi32, #tpu.memory_space<vmem>>
      %dma_wait3A_807 = tpu.memref_squeeze %dma_wait3A_806 : memref<1x64xi32, #tpu.memory_space<vmem>> -> memref<64xi32, #tpu.memory_space<vmem>>
      %dma_wait3A_808 = arith.constant 0 : i32
      %dma_wait3A_809 = arith.constant 0 : i32
      %dma_wait3A_810 = tpu.memref_slice %arg14[%dma_wait3A_808, %dma_wait3A_809] : memref<10240x128xf32, #tpu.memory_space<vmem_shared>> -> memref<10240x128xf32, #tpu.memory_space<vmem_shared>>
      tpu.wait_indirect_dma semaphore(%arg21 : memref<!tpu.dma_semaphore, #tpu.memory_space<semaphore_mem>>) src(%dma_wait3A_804 : memref<64x128xf32, #tpu.memory_space<vmem>>) dst(%dma_wait3A_810 : memref<10240x128xf32, #tpu.memory_space<vmem_shared>>)
      %add3A_811 = arith.constant 2 : i32
      %add3A_812 = arith.addi %add3A_767, %add3A_811 : i32
      %mul3A_813 = arith.constant 128 : i32
      %mul3A_814 = arith.muli %add3A_812, %mul3A_813 : i32
      %add3A_815 = arith.addi %mul3A_3, %mul3A_814 : i32
      %dma_start3A_816 = tpu.memref_slice %arg2[%add3A_815] : memref<327680xi32, #tpu.memory_space<hbm>> -> memref<128xi32, #tpu.memory_space<hbm>>
      %dma_start3A_817 = tpu.memref_slice %arg2[%add3A_815] : memref<327680xi32, #tpu.memory_space<hbm>> -> memref<128xi32, #tpu.memory_space<hbm>>
      tpu.enqueue_dma source(%dma_start3A_817 : memref<128xi32, #tpu.memory_space<hbm>>) target(%arg6 : memref<128xi32, #tpu.memory_space<vmem>>) target_semaphore(%arg16 : memref<!tpu.dma_semaphore, #tpu.memory_space<semaphore_mem>>)
      %dma_start3A_818 = arith.constant 0 : i32
      %dma_start3A_819 = arith.constant 0 : i32
      %dma_start3A_820 = tpu.memref_slice %arg10[%dma_start3A_818, %dma_start3A_819] : memref<2x64xi32, #tpu.memory_space<vmem>> -> memref<1x64xi32, #tpu.memory_space<vmem>>
      %dma_start3A_821 = tpu.memref_squeeze %dma_start3A_820 : memref<1x64xi32, #tpu.memory_space<vmem>> -> memref<64xi32, #tpu.memory_space<vmem>>
      %dma_start3A_822 = tpu.memref_slice %arg3[%add3A_815] : memref<327680xi32, #tpu.memory_space<hbm>> -> memref<64xi32, #tpu.memory_space<hbm>>
      %dma_start3A_823 = arith.constant 0 : i32
      %dma_start3A_824 = tpu.memref_slice %arg10[%dma_start3A_818, %dma_start3A_823] : memref<2x64xi32, #tpu.memory_space<vmem>> -> memref<1x64xi32, #tpu.memory_space<vmem>>
      %dma_start3A_825 = tpu.memref_squeeze %dma_start3A_824 : memref<1x64xi32, #tpu.memory_space<vmem>> -> memref<64xi32, #tpu.memory_space<vmem>>
      %dma_start3A_826 = tpu.memref_slice %arg3[%add3A_815] : memref<327680xi32, #tpu.memory_space<hbm>> -> memref<64xi32, #tpu.memory_space<hbm>>
      tpu.enqueue_dma source(%dma_start3A_826 : memref<64xi32, #tpu.memory_space<hbm>>) target(%dma_start3A_825 : memref<64xi32, #tpu.memory_space<vmem>>) target_semaphore(%arg16 : memref<!tpu.dma_semaphore, #tpu.memory_space<semaphore_mem>>)
      %add3A_827 = arith.constant 64 : i32
      %add3A_828 = arith.addi %add3A_815, %add3A_827 : i32
      %dma_start3A_829 = arith.constant 1 : i32
      %dma_start3A_830 = arith.constant 0 : i32
      %dma_start3A_831 = tpu.memref_slice %arg10[%dma_start3A_829, %dma_start3A_830] : memref<2x64xi32, #tpu.memory_space<vmem>> -> memref<1x64xi32, #tpu.memory_space<vmem>>
      %dma_start3A_832 = tpu.memref_squeeze %dma_start3A_831 : memref<1x64xi32, #tpu.memory_space<vmem>> -> memref<64xi32, #tpu.memory_space<vmem>>
      %dma_start3A_833 = tpu.memref_slice %arg3[%add3A_828] : memref<327680xi32, #tpu.memory_space<hbm>> -> memref<64xi32, #tpu.memory_space<hbm>>
      %dma_start3A_834 = arith.constant 0 : i32
      %dma_start3A_835 = tpu.memref_slice %arg10[%dma_start3A_829, %dma_start3A_834] : memref<2x64xi32, #tpu.memory_space<vmem>> -> memref<1x64xi32, #tpu.memory_space<vmem>>
      %dma_start3A_836 = tpu.memref_squeeze %dma_start3A_835 : memref<1x64xi32, #tpu.memory_space<vmem>> -> memref<64xi32, #tpu.memory_space<vmem>>
      %dma_start3A_837 = tpu.memref_slice %arg3[%add3A_828] : memref<327680xi32, #tpu.memory_space<hbm>> -> memref<64xi32, #tpu.memory_space<hbm>>
      tpu.enqueue_dma source(%dma_start3A_837 : memref<64xi32, #tpu.memory_space<hbm>>) target(%dma_start3A_836 : memref<64xi32, #tpu.memory_space<vmem>>) target_semaphore(%arg16 : memref<!tpu.dma_semaphore, #tpu.memory_space<semaphore_mem>>)
      %dma_wait3A_838 = arith.constant 0 : i32
      %dma_wait3A_839 = tpu.memref_slice %arg2[%dma_wait3A_838] : memref<327680xi32, #tpu.memory_space<hbm>> -> memref<128xi32, #tpu.memory_space<hbm>>
      %dma_wait3A_840 = arith.constant 0 : i32
      %dma_wait3A_841 = tpu.memref_slice %arg2[%dma_wait3A_840] : memref<327680xi32, #tpu.memory_space<hbm>> -> memref<128xi32, #tpu.memory_space<hbm>>
      tpu.wait_dma2 semaphore(%arg17 : memref<!tpu.dma_semaphore, #tpu.memory_space<semaphore_mem>>) src(%dma_wait3A_841 : memref<128xi32, #tpu.memory_space<hbm>>) dst(%arg6 : memref<128xi32, #tpu.memory_space<vmem>>)
      %dma_wait3A_842 = arith.constant 0 : i32
      %dma_wait3A_843 = arith.constant 0 : i32
      %dma_wait3A_844 = tpu.memref_slice %arg8[%dma_wait3A_842, %dma_wait3A_843] : memref<2x64xi32, #tpu.memory_space<vmem>> -> memref<1x64xi32, #tpu.memory_space<vmem>>
      %dma_wait3A_845 = tpu.memref_squeeze %dma_wait3A_844 : memref<1x64xi32, #tpu.memory_space<vmem>> -> memref<64xi32, #tpu.memory_space<vmem>>
      %dma_wait3A_846 = arith.constant 0 : i32
      %dma_wait3A_847 = tpu.memref_slice %arg3[%dma_wait3A_846] : memref<327680xi32, #tpu.memory_space<hbm>> -> memref<64xi32, #tpu.memory_space<hbm>>
      %dma_wait3A_848 = arith.constant 0 : i32
      %dma_wait3A_849 = tpu.memref_slice %arg8[%dma_wait3A_842, %dma_wait3A_848] : memref<2x64xi32, #tpu.memory_space<vmem>> -> memref<1x64xi32, #tpu.memory_space<vmem>>
      %dma_wait3A_850 = tpu.memref_squeeze %dma_wait3A_849 : memref<1x64xi32, #tpu.memory_space<vmem>> -> memref<64xi32, #tpu.memory_space<vmem>>
      %dma_wait3A_851 = arith.constant 0 : i32
      %dma_wait3A_852 = tpu.memref_slice %arg3[%dma_wait3A_851] : memref<327680xi32, #tpu.memory_space<hbm>> -> memref<64xi32, #tpu.memory_space<hbm>>
      tpu.wait_dma2 semaphore(%arg17 : memref<!tpu.dma_semaphore, #tpu.memory_space<semaphore_mem>>) src(%dma_wait3A_852 : memref<64xi32, #tpu.memory_space<hbm>>) dst(%dma_wait3A_850 : memref<64xi32, #tpu.memory_space<vmem>>)
      %dma_wait3A_853 = arith.constant 1 : i32
      %dma_wait3A_854 = arith.constant 0 : i32
      %dma_wait3A_855 = tpu.memref_slice %arg8[%dma_wait3A_853, %dma_wait3A_854] : memref<2x64xi32, #tpu.memory_space<vmem>> -> memref<1x64xi32, #tpu.memory_space<vmem>>
      %dma_wait3A_856 = tpu.memref_squeeze %dma_wait3A_855 : memref<1x64xi32, #tpu.memory_space<vmem>> -> memref<64xi32, #tpu.memory_space<vmem>>
      %dma_wait3A_857 = arith.constant 0 : i32
      %dma_wait3A_858 = tpu.memref_slice %arg3[%dma_wait3A_857] : memref<327680xi32, #tpu.memory_space<hbm>> -> memref<64xi32, #tpu.memory_space<hbm>>
      %dma_wait3A_859 = arith.constant 0 : i32
      %dma_wait3A_860 = tpu.memref_slice %arg8[%dma_wait3A_853, %dma_wait3A_859] : memref<2x64xi32, #tpu.memory_space<vmem>> -> memref<1x64xi32, #tpu.memory_space<vmem>>
      %dma_wait3A_861 = tpu.memref_squeeze %dma_wait3A_860 : memref<1x64xi32, #tpu.memory_space<vmem>> -> memref<64xi32, #tpu.memory_space<vmem>>
      %dma_wait3A_862 = arith.constant 0 : i32
      %dma_wait3A_863 = tpu.memref_slice %arg3[%dma_wait3A_862] : memref<327680xi32, #tpu.memory_space<hbm>> -> memref<64xi32, #tpu.memory_space<hbm>>
      tpu.wait_dma2 semaphore(%arg17 : memref<!tpu.dma_semaphore, #tpu.memory_space<semaphore_mem>>) src(%dma_wait3A_863 : memref<64xi32, #tpu.memory_space<hbm>>) dst(%dma_wait3A_861 : memref<64xi32, #tpu.memory_space<vmem>>)
      %dma_start3A_864 = arith.constant 0 : i32
      %dma_start3A_865 = arith.constant 0 : i32
      %dma_start3A_866 = tpu.memref_slice %arg4[%dma_start3A_864, %dma_start3A_865] : memref<10240x128xf32, #tpu.memory_space<hbm>> -> memref<10240x128xf32, #tpu.memory_space<hbm>>
      tpu.enqueue_indirect_dma source(%dma_start3A_866 : memref<10240x128xf32, #tpu.memory_space<hbm>>) target(%arg13 : memref<128x128xf32, #tpu.memory_space<vmem>>) offsets(%arg7 : memref<128xi32, #tpu.memory_space<vmem>>) semaphore(%arg19 : memref<!tpu.dma_semaphore, #tpu.memory_space<semaphore_mem>>)
    }
    %scan3A_187 = arith.constant 19 : i32
    %dma_wait3A_188 = arith.constant 0 : i32
    %dma_wait3A_189 = arith.constant 0 : i32
    %dma_wait3A_190 = tpu.memref_slice %arg4[%dma_wait3A_188, %dma_wait3A_189] : memref<10240x128xf32, #tpu.memory_space<hbm>> -> memref<10240x128xf32, #tpu.memory_space<hbm>>
    tpu.wait_indirect_dma semaphore(%arg19 : memref<!tpu.dma_semaphore, #tpu.memory_space<semaphore_mem>>) src(%dma_wait3A_190 : memref<10240x128xf32, #tpu.memory_space<hbm>>) dst(%arg13 : memref<128x128xf32, #tpu.memory_space<vmem>>)
    %dma_start3A_191 = arith.constant 0 : i32
    %dma_start3A_192 = arith.constant 0 : i32
    %dma_start3A_193 = arith.constant 0 : i32
    %dma_start3A_194 = tpu.memref_slice %arg13[%dma_start3A_192, %dma_start3A_193] : memref<128x128xf32, #tpu.memory_space<vmem>> -> memref<64x128xf32, #tpu.memory_space<vmem>>
    %dma_start3A_195 = arith.constant 0 : i32
    %dma_start3A_196 = tpu.memref_slice %arg9[%dma_start3A_191, %dma_start3A_195] : memref<2x64xi32, #tpu.memory_space<vmem>> -> memref<1x64xi32, #tpu.memory_space<vmem>>
    %dma_start3A_197 = tpu.memref_squeeze %dma_start3A_196 : memref<1x64xi32, #tpu.memory_space<vmem>> -> memref<64xi32, #tpu.memory_space<vmem>>
    %dma_start3A_198 = arith.constant 0 : i32
    %dma_start3A_199 = arith.constant 0 : i32
    %dma_start3A_200 = tpu.memref_slice %arg14[%dma_start3A_198, %dma_start3A_199] : memref<10240x128xf32, #tpu.memory_space<vmem_shared>> -> memref<10240x128xf32, #tpu.memory_space<vmem_shared>>
    tpu.enqueue_indirect_dma source(%dma_start3A_194 : memref<64x128xf32, #tpu.memory_space<vmem>>) target(%dma_start3A_200 : memref<10240x128xf32, #tpu.memory_space<vmem_shared>>) offsets(%dma_start3A_197 : memref<64xi32, #tpu.memory_space<vmem>>) semaphore(%arg21 : memref<!tpu.dma_semaphore, #tpu.memory_space<semaphore_mem>>) {add = true}
    %dma_start3A_201 = arith.constant 1 : i32
    %dma_start3A_202 = arith.constant 64 : i32
    %dma_start3A_203 = arith.constant 0 : i32
    %dma_start3A_204 = tpu.memref_slice %arg13[%dma_start3A_202, %dma_start3A_203] : memref<128x128xf32, #tpu.memory_space<vmem>> -> memref<64x128xf32, #tpu.memory_space<vmem>>
    %dma_start3A_205 = arith.constant 0 : i32
    %dma_start3A_206 = tpu.memref_slice %arg9[%dma_start3A_201, %dma_start3A_205] : memref<2x64xi32, #tpu.memory_space<vmem>> -> memref<1x64xi32, #tpu.memory_space<vmem>>
    %dma_start3A_207 = tpu.memref_squeeze %dma_start3A_206 : memref<1x64xi32, #tpu.memory_space<vmem>> -> memref<64xi32, #tpu.memory_space<vmem>>
    %dma_start3A_208 = arith.constant 0 : i32
    %dma_start3A_209 = arith.constant 0 : i32
    %dma_start3A_210 = tpu.memref_slice %arg14[%dma_start3A_208, %dma_start3A_209] : memref<10240x128xf32, #tpu.memory_space<vmem_shared>> -> memref<10240x128xf32, #tpu.memory_space<vmem_shared>>
    tpu.enqueue_indirect_dma source(%dma_start3A_204 : memref<64x128xf32, #tpu.memory_space<vmem>>) target(%dma_start3A_210 : memref<10240x128xf32, #tpu.memory_space<vmem_shared>>) offsets(%dma_start3A_207 : memref<64xi32, #tpu.memory_space<vmem>>) semaphore(%arg21 : memref<!tpu.dma_semaphore, #tpu.memory_space<semaphore_mem>>) {add = true}
    %dma_wait3A_211 = arith.constant 0 : i32
    %dma_wait3A_212 = arith.constant 0 : i32
    %dma_wait3A_213 = arith.constant 0 : i32
    %dma_wait3A_214 = tpu.memref_slice %arg12[%dma_wait3A_212, %dma_wait3A_213] : memref<128x128xf32, #tpu.memory_space<vmem>> -> memref<64x128xf32, #tpu.memory_space<vmem>>
    %dma_wait3A_215 = arith.constant 0 : i32
    %dma_wait3A_216 = tpu.memref_slice %arg8[%dma_wait3A_211, %dma_wait3A_215] : memref<2x64xi32, #tpu.memory_space<vmem>> -> memref<1x64xi32, #tpu.memory_space<vmem>>
    %dma_wait3A_217 = tpu.memref_squeeze %dma_wait3A_216 : memref<1x64xi32, #tpu.memory_space<vmem>> -> memref<64xi32, #tpu.memory_space<vmem>>
    %dma_wait3A_218 = arith.constant 0 : i32
    %dma_wait3A_219 = arith.constant 0 : i32
    %dma_wait3A_220 = tpu.memref_slice %arg14[%dma_wait3A_218, %dma_wait3A_219] : memref<10240x128xf32, #tpu.memory_space<vmem_shared>> -> memref<10240x128xf32, #tpu.memory_space<vmem_shared>>
    tpu.wait_indirect_dma semaphore(%arg20 : memref<!tpu.dma_semaphore, #tpu.memory_space<semaphore_mem>>) src(%dma_wait3A_214 : memref<64x128xf32, #tpu.memory_space<vmem>>) dst(%dma_wait3A_220 : memref<10240x128xf32, #tpu.memory_space<vmem_shared>>)
    %dma_wait3A_221 = arith.constant 0 : i32
    %dma_wait3A_222 = arith.constant 0 : i32
    %dma_wait3A_223 = arith.constant 0 : i32
    %dma_wait3A_224 = tpu.memref_slice %arg12[%dma_wait3A_222, %dma_wait3A_223] : memref<128x128xf32, #tpu.memory_space<vmem>> -> memref<64x128xf32, #tpu.memory_space<vmem>>
    %dma_wait3A_225 = arith.constant 0 : i32
    %dma_wait3A_226 = tpu.memref_slice %arg8[%dma_wait3A_221, %dma_wait3A_225] : memref<2x64xi32, #tpu.memory_space<vmem>> -> memref<1x64xi32, #tpu.memory_space<vmem>>
    %dma_wait3A_227 = tpu.memref_squeeze %dma_wait3A_226 : memref<1x64xi32, #tpu.memory_space<vmem>> -> memref<64xi32, #tpu.memory_space<vmem>>
    %dma_wait3A_228 = arith.constant 0 : i32
    %dma_wait3A_229 = arith.constant 0 : i32
    %dma_wait3A_230 = tpu.memref_slice %arg14[%dma_wait3A_228, %dma_wait3A_229] : memref<10240x128xf32, #tpu.memory_space<vmem_shared>> -> memref<10240x128xf32, #tpu.memory_space<vmem_shared>>
    tpu.wait_indirect_dma semaphore(%arg20 : memref<!tpu.dma_semaphore, #tpu.memory_space<semaphore_mem>>) src(%dma_wait3A_224 : memref<64x128xf32, #tpu.memory_space<vmem>>) dst(%dma_wait3A_230 : memref<10240x128xf32, #tpu.memory_space<vmem_shared>>)
    %add3A_231 = arith.constant 10112 : i32
    %add3A_232 = arith.addi %mul3A_3, %add3A_231 : i32
    %dma_start3A_233 = tpu.memref_slice %arg2[%add3A_232] : memref<327680xi32, #tpu.memory_space<hbm>> -> memref<128xi32, #tpu.memory_space<hbm>>
    %dma_start3A_234 = tpu.memref_slice %arg2[%add3A_232] : memref<327680xi32, #tpu.memory_space<hbm>> -> memref<128xi32, #tpu.memory_space<hbm>>
    tpu.enqueue_dma source(%dma_start3A_234 : memref<128xi32, #tpu.memory_space<hbm>>) target(%arg7 : memref<128xi32, #tpu.memory_space<vmem>>) target_semaphore(%arg17 : memref<!tpu.dma_semaphore, #tpu.memory_space<semaphore_mem>>)
    %dma_start3A_235 = arith.constant 0 : i32
    %dma_start3A_236 = arith.constant 0 : i32
    %dma_start3A_237 = tpu.memref_slice %arg11[%dma_start3A_235, %dma_start3A_236] : memref<2x64xi32, #tpu.memory_space<vmem>> -> memref<1x64xi32, #tpu.memory_space<vmem>>
    %dma_start3A_238 = tpu.memref_squeeze %dma_start3A_237 : memref<1x64xi32, #tpu.memory_space<vmem>> -> memref<64xi32, #tpu.memory_space<vmem>>
    %dma_start3A_239 = tpu.memref_slice %arg3[%add3A_232] : memref<327680xi32, #tpu.memory_space<hbm>> -> memref<64xi32, #tpu.memory_space<hbm>>
    %dma_start3A_240 = arith.constant 0 : i32
    %dma_start3A_241 = tpu.memref_slice %arg11[%dma_start3A_235, %dma_start3A_240] : memref<2x64xi32, #tpu.memory_space<vmem>> -> memref<1x64xi32, #tpu.memory_space<vmem>>
    %dma_start3A_242 = tpu.memref_squeeze %dma_start3A_241 : memref<1x64xi32, #tpu.memory_space<vmem>> -> memref<64xi32, #tpu.memory_space<vmem>>
    %dma_start3A_243 = tpu.memref_slice %arg3[%add3A_232] : memref<327680xi32, #tpu.memory_space<hbm>> -> memref<64xi32, #tpu.memory_space<hbm>>
    tpu.enqueue_dma source(%dma_start3A_243 : memref<64xi32, #tpu.memory_space<hbm>>) target(%dma_start3A_242 : memref<64xi32, #tpu.memory_space<vmem>>) target_semaphore(%arg17 : memref<!tpu.dma_semaphore, #tpu.memory_space<semaphore_mem>>)
    %add3A_244 = arith.constant 64 : i32
    %add3A_245 = arith.addi %add3A_232, %add3A_244 : i32
    %dma_start3A_246 = arith.constant 1 : i32
    %dma_start3A_247 = arith.constant 0 : i32
    %dma_start3A_248 = tpu.memref_slice %arg11[%dma_start3A_246, %dma_start3A_247] : memref<2x64xi32, #tpu.memory_space<vmem>> -> memref<1x64xi32, #tpu.memory_space<vmem>>
    %dma_start3A_249 = tpu.memref_squeeze %dma_start3A_248 : memref<1x64xi32, #tpu.memory_space<vmem>> -> memref<64xi32, #tpu.memory_space<vmem>>
    %dma_start3A_250 = tpu.memref_slice %arg3[%add3A_245] : memref<327680xi32, #tpu.memory_space<hbm>> -> memref<64xi32, #tpu.memory_space<hbm>>
    %dma_start3A_251 = arith.constant 0 : i32
    %dma_start3A_252 = tpu.memref_slice %arg11[%dma_start3A_246, %dma_start3A_251] : memref<2x64xi32, #tpu.memory_space<vmem>> -> memref<1x64xi32, #tpu.memory_space<vmem>>
    %dma_start3A_253 = tpu.memref_squeeze %dma_start3A_252 : memref<1x64xi32, #tpu.memory_space<vmem>> -> memref<64xi32, #tpu.memory_space<vmem>>
    %dma_start3A_254 = tpu.memref_slice %arg3[%add3A_245] : memref<327680xi32, #tpu.memory_space<hbm>> -> memref<64xi32, #tpu.memory_space<hbm>>
    tpu.enqueue_dma source(%dma_start3A_254 : memref<64xi32, #tpu.memory_space<hbm>>) target(%dma_start3A_253 : memref<64xi32, #tpu.memory_space<vmem>>) target_semaphore(%arg17 : memref<!tpu.dma_semaphore, #tpu.memory_space<semaphore_mem>>)
    %dma_wait3A_255 = arith.constant 0 : i32
    %dma_wait3A_256 = tpu.memref_slice %arg2[%dma_wait3A_255] : memref<327680xi32, #tpu.memory_space<hbm>> -> memref<128xi32, #tpu.memory_space<hbm>>
    %dma_wait3A_257 = arith.constant 0 : i32
    %dma_wait3A_258 = tpu.memref_slice %arg2[%dma_wait3A_257] : memref<327680xi32, #tpu.memory_space<hbm>> -> memref<128xi32, #tpu.memory_space<hbm>>
    tpu.wait_dma2 semaphore(%arg16 : memref<!tpu.dma_semaphore, #tpu.memory_space<semaphore_mem>>) src(%dma_wait3A_258 : memref<128xi32, #tpu.memory_space<hbm>>) dst(%arg6 : memref<128xi32, #tpu.memory_space<vmem>>)
    %dma_wait3A_259 = arith.constant 0 : i32
    %dma_wait3A_260 = arith.constant 0 : i32
    %dma_wait3A_261 = tpu.memref_slice %arg8[%dma_wait3A_259, %dma_wait3A_260] : memref<2x64xi32, #tpu.memory_space<vmem>> -> memref<1x64xi32, #tpu.memory_space<vmem>>
    %dma_wait3A_262 = tpu.memref_squeeze %dma_wait3A_261 : memref<1x64xi32, #tpu.memory_space<vmem>> -> memref<64xi32, #tpu.memory_space<vmem>>
    %dma_wait3A_263 = arith.constant 0 : i32
    %dma_wait3A_264 = tpu.memref_slice %arg3[%dma_wait3A_263] : memref<327680xi32, #tpu.memory_space<hbm>> -> memref<64xi32, #tpu.memory_space<hbm>>
    %dma_wait3A_265 = arith.constant 0 : i32
    %dma_wait3A_266 = tpu.memref_slice %arg8[%dma_wait3A_259, %dma_wait3A_265] : memref<2x64xi32, #tpu.memory_space<vmem>> -> memref<1x64xi32, #tpu.memory_space<vmem>>
    %dma_wait3A_267 = tpu.memref_squeeze %dma_wait3A_266 : memref<1x64xi32, #tpu.memory_space<vmem>> -> memref<64xi32, #tpu.memory_space<vmem>>
    %dma_wait3A_268 = arith.constant 0 : i32
    %dma_wait3A_269 = tpu.memref_slice %arg3[%dma_wait3A_268] : memref<327680xi32, #tpu.memory_space<hbm>> -> memref<64xi32, #tpu.memory_space<hbm>>
    tpu.wait_dma2 semaphore(%arg16 : memref<!tpu.dma_semaphore, #tpu.memory_space<semaphore_mem>>) src(%dma_wait3A_269 : memref<64xi32, #tpu.memory_space<hbm>>) dst(%dma_wait3A_267 : memref<64xi32, #tpu.memory_space<vmem>>)
    %dma_wait3A_270 = arith.constant 1 : i32
    %dma_wait3A_271 = arith.constant 0 : i32
    %dma_wait3A_272 = tpu.memref_slice %arg8[%dma_wait3A_270, %dma_wait3A_271] : memref<2x64xi32, #tpu.memory_space<vmem>> -> memref<1x64xi32, #tpu.memory_space<vmem>>
    %dma_wait3A_273 = tpu.memref_squeeze %dma_wait3A_272 : memref<1x64xi32, #tpu.memory_space<vmem>> -> memref<64xi32, #tpu.memory_space<vmem>>
    %dma_wait3A_274 = arith.constant 0 : i32
    %dma_wait3A_275 = tpu.memref_slice %arg3[%dma_wait3A_274] : memref<327680xi32, #tpu.memory_space<hbm>> -> memref<64xi32, #tpu.memory_space<hbm>>
    %dma_wait3A_276 = arith.constant 0 : i32
    %dma_wait3A_277 = tpu.memref_slice %arg8[%dma_wait3A_270, %dma_wait3A_276] : memref<2x64xi32, #tpu.memory_space<vmem>> -> memref<1x64xi32, #tpu.memory_space<vmem>>
    %dma_wait3A_278 = tpu.memref_squeeze %dma_wait3A_277 : memref<1x64xi32, #tpu.memory_space<vmem>> -> memref<64xi32, #tpu.memory_space<vmem>>
    %dma_wait3A_279 = arith.constant 0 : i32
    %dma_wait3A_280 = tpu.memref_slice %arg3[%dma_wait3A_279] : memref<327680xi32, #tpu.memory_space<hbm>> -> memref<64xi32, #tpu.memory_space<hbm>>
    tpu.wait_dma2 semaphore(%arg16 : memref<!tpu.dma_semaphore, #tpu.memory_space<semaphore_mem>>) src(%dma_wait3A_280 : memref<64xi32, #tpu.memory_space<hbm>>) dst(%dma_wait3A_278 : memref<64xi32, #tpu.memory_space<vmem>>)
    %dma_start3A_281 = arith.constant 0 : i32
    %dma_start3A_282 = arith.constant 0 : i32
    %dma_start3A_283 = tpu.memref_slice %arg4[%dma_start3A_281, %dma_start3A_282] : memref<10240x128xf32, #tpu.memory_space<hbm>> -> memref<10240x128xf32, #tpu.memory_space<hbm>>
    tpu.enqueue_indirect_dma source(%dma_start3A_283 : memref<10240x128xf32, #tpu.memory_space<hbm>>) target(%arg12 : memref<128x128xf32, #tpu.memory_space<vmem>>) offsets(%arg6 : memref<128xi32, #tpu.memory_space<vmem>>) semaphore(%arg18 : memref<!tpu.dma_semaphore, #tpu.memory_space<semaphore_mem>>)
    %dma_wait3A_284 = arith.constant 0 : i32
    %dma_wait3A_285 = arith.constant 0 : i32
    %dma_wait3A_286 = tpu.memref_slice %arg4[%dma_wait3A_284, %dma_wait3A_285] : memref<10240x128xf32, #tpu.memory_space<hbm>> -> memref<10240x128xf32, #tpu.memory_space<hbm>>
    tpu.wait_indirect_dma semaphore(%arg18 : memref<!tpu.dma_semaphore, #tpu.memory_space<semaphore_mem>>) src(%dma_wait3A_286 : memref<10240x128xf32, #tpu.memory_space<hbm>>) dst(%arg12 : memref<128x128xf32, #tpu.memory_space<vmem>>)
    %dma_start3A_287 = arith.constant 0 : i32
    %dma_start3A_288 = arith.constant 0 : i32
    %dma_start3A_289 = arith.constant 0 : i32
    %dma_start3A_290 = tpu.memref_slice %arg12[%dma_start3A_288, %dma_start3A_289] : memref<128x128xf32, #tpu.memory_space<vmem>> -> memref<64x128xf32, #tpu.memory_space<vmem>>
    %dma_start3A_291 = arith.constant 0 : i32
    %dma_start3A_292 = tpu.memref_slice %arg10[%dma_start3A_287, %dma_start3A_291] : memref<2x64xi32, #tpu.memory_space<vmem>> -> memref<1x64xi32, #tpu.memory_space<vmem>>
    %dma_start3A_293 = tpu.memref_squeeze %dma_start3A_292 : memref<1x64xi32, #tpu.memory_space<vmem>> -> memref<64xi32, #tpu.memory_space<vmem>>
    %dma_start3A_294 = arith.constant 0 : i32
    %dma_start3A_295 = arith.constant 0 : i32
    %dma_start3A_296 = tpu.memref_slice %arg14[%dma_start3A_294, %dma_start3A_295] : memref<10240x128xf32, #tpu.memory_space<vmem_shared>> -> memref<10240x128xf32, #tpu.memory_space<vmem_shared>>
    tpu.enqueue_indirect_dma source(%dma_start3A_290 : memref<64x128xf32, #tpu.memory_space<vmem>>) target(%dma_start3A_296 : memref<10240x128xf32, #tpu.memory_space<vmem_shared>>) offsets(%dma_start3A_293 : memref<64xi32, #tpu.memory_space<vmem>>) semaphore(%arg20 : memref<!tpu.dma_semaphore, #tpu.memory_space<semaphore_mem>>) {add = true}
    %dma_start3A_297 = arith.constant 1 : i32
    %dma_start3A_298 = arith.constant 64 : i32
    %dma_start3A_299 = arith.constant 0 : i32
    %dma_start3A_300 = tpu.memref_slice %arg12[%dma_start3A_298, %dma_start3A_299] : memref<128x128xf32, #tpu.memory_space<vmem>> -> memref<64x128xf32, #tpu.memory_space<vmem>>
    %dma_start3A_301 = arith.constant 0 : i32
    %dma_start3A_302 = tpu.memref_slice %arg10[%dma_start3A_297, %dma_start3A_301] : memref<2x64xi32, #tpu.memory_space<vmem>> -> memref<1x64xi32, #tpu.memory_space<vmem>>
    %dma_start3A_303 = tpu.memref_squeeze %dma_start3A_302 : memref<1x64xi32, #tpu.memory_space<vmem>> -> memref<64xi32, #tpu.memory_space<vmem>>
    %dma_start3A_304 = arith.constant 0 : i32
    %dma_start3A_305 = arith.constant 0 : i32
    %dma_start3A_306 = tpu.memref_slice %arg14[%dma_start3A_304, %dma_start3A_305] : memref<10240x128xf32, #tpu.memory_space<vmem_shared>> -> memref<10240x128xf32, #tpu.memory_space<vmem_shared>>
    tpu.enqueue_indirect_dma source(%dma_start3A_300 : memref<64x128xf32, #tpu.memory_space<vmem>>) target(%dma_start3A_306 : memref<10240x128xf32, #tpu.memory_space<vmem_shared>>) offsets(%dma_start3A_303 : memref<64xi32, #tpu.memory_space<vmem>>) semaphore(%arg20 : memref<!tpu.dma_semaphore, #tpu.memory_space<semaphore_mem>>) {add = true}
    %dma_wait3A_307 = arith.constant 0 : i32
    %dma_wait3A_308 = arith.constant 0 : i32
    %dma_wait3A_309 = arith.constant 0 : i32
    %dma_wait3A_310 = tpu.memref_slice %arg12[%dma_wait3A_308, %dma_wait3A_309] : memref<128x128xf32, #tpu.memory_space<vmem>> -> memref<64x128xf32, #tpu.memory_space<vmem>>
    %dma_wait3A_311 = arith.constant 0 : i32
    %dma_wait3A_312 = tpu.memref_slice %arg8[%dma_wait3A_307, %dma_wait3A_311] : memref<2x64xi32, #tpu.memory_space<vmem>> -> memref<1x64xi32, #tpu.memory_space<vmem>>
    %dma_wait3A_313 = tpu.memref_squeeze %dma_wait3A_312 : memref<1x64xi32, #tpu.memory_space<vmem>> -> memref<64xi32, #tpu.memory_space<vmem>>
    %dma_wait3A_314 = arith.constant 0 : i32
    %dma_wait3A_315 = arith.constant 0 : i32
    %dma_wait3A_316 = tpu.memref_slice %arg14[%dma_wait3A_314, %dma_wait3A_315] : memref<10240x128xf32, #tpu.memory_space<vmem_shared>> -> memref<10240x128xf32, #tpu.memory_space<vmem_shared>>
    tpu.wait_indirect_dma semaphore(%arg21 : memref<!tpu.dma_semaphore, #tpu.memory_space<semaphore_mem>>) src(%dma_wait3A_310 : memref<64x128xf32, #tpu.memory_space<vmem>>) dst(%dma_wait3A_316 : memref<10240x128xf32, #tpu.memory_space<vmem_shared>>)
    %dma_wait3A_317 = arith.constant 0 : i32
    %dma_wait3A_318 = arith.constant 0 : i32
    %dma_wait3A_319 = arith.constant 0 : i32
    %dma_wait3A_320 = tpu.memref_slice %arg12[%dma_wait3A_318, %dma_wait3A_319] : memref<128x128xf32, #tpu.memory_space<vmem>> -> memref<64x128xf32, #tpu.memory_space<vmem>>
    %dma_wait3A_321 = arith.constant 0 : i32
    %dma_wait3A_322 = tpu.memref_slice %arg8[%dma_wait3A_317, %dma_wait3A_321] : memref<2x64xi32, #tpu.memory_space<vmem>> -> memref<1x64xi32, #tpu.memory_space<vmem>>
    %dma_wait3A_323 = tpu.memref_squeeze %dma_wait3A_322 : memref<1x64xi32, #tpu.memory_space<vmem>> -> memref<64xi32, #tpu.memory_space<vmem>>
    %dma_wait3A_324 = arith.constant 0 : i32
    %dma_wait3A_325 = arith.constant 0 : i32
    %dma_wait3A_326 = tpu.memref_slice %arg14[%dma_wait3A_324, %dma_wait3A_325] : memref<10240x128xf32, #tpu.memory_space<vmem_shared>> -> memref<10240x128xf32, #tpu.memory_space<vmem_shared>>
    tpu.wait_indirect_dma semaphore(%arg21 : memref<!tpu.dma_semaphore, #tpu.memory_space<semaphore_mem>>) src(%dma_wait3A_320 : memref<64x128xf32, #tpu.memory_space<vmem>>) dst(%dma_wait3A_326 : memref<10240x128xf32, #tpu.memory_space<vmem_shared>>)
    %dma_wait3A_327 = arith.constant 0 : i32
    %dma_wait3A_328 = tpu.memref_slice %arg2[%dma_wait3A_327] : memref<327680xi32, #tpu.memory_space<hbm>> -> memref<128xi32, #tpu.memory_space<hbm>>
    %dma_wait3A_329 = arith.constant 0 : i32
    %dma_wait3A_330 = tpu.memref_slice %arg2[%dma_wait3A_329] : memref<327680xi32, #tpu.memory_space<hbm>> -> memref<128xi32, #tpu.memory_space<hbm>>
    tpu.wait_dma2 semaphore(%arg17 : memref<!tpu.dma_semaphore, #tpu.memory_space<semaphore_mem>>) src(%dma_wait3A_330 : memref<128xi32, #tpu.memory_space<hbm>>) dst(%arg6 : memref<128xi32, #tpu.memory_space<vmem>>)
    %dma_wait3A_331 = arith.constant 0 : i32
    %dma_wait3A_332 = arith.constant 0 : i32
    %dma_wait3A_333 = tpu.memref_slice %arg8[%dma_wait3A_331, %dma_wait3A_332] : memref<2x64xi32, #tpu.memory_space<vmem>> -> memref<1x64xi32, #tpu.memory_space<vmem>>
    %dma_wait3A_334 = tpu.memref_squeeze %dma_wait3A_333 : memref<1x64xi32, #tpu.memory_space<vmem>> -> memref<64xi32, #tpu.memory_space<vmem>>
    %dma_wait3A_335 = arith.constant 0 : i32
    %dma_wait3A_336 = tpu.memref_slice %arg3[%dma_wait3A_335] : memref<327680xi32, #tpu.memory_space<hbm>> -> memref<64xi32, #tpu.memory_space<hbm>>
    %dma_wait3A_337 = arith.constant 0 : i32
    %dma_wait3A_338 = tpu.memref_slice %arg8[%dma_wait3A_331, %dma_wait3A_337] : memref<2x64xi32, #tpu.memory_space<vmem>> -> memref<1x64xi32, #tpu.memory_space<vmem>>
    %dma_wait3A_339 = tpu.memref_squeeze %dma_wait3A_338 : memref<1x64xi32, #tpu.memory_space<vmem>> -> memref<64xi32, #tpu.memory_space<vmem>>
    %dma_wait3A_340 = arith.constant 0 : i32
    %dma_wait3A_341 = tpu.memref_slice %arg3[%dma_wait3A_340] : memref<327680xi32, #tpu.memory_space<hbm>> -> memref<64xi32, #tpu.memory_space<hbm>>
    tpu.wait_dma2 semaphore(%arg17 : memref<!tpu.dma_semaphore, #tpu.memory_space<semaphore_mem>>) src(%dma_wait3A_341 : memref<64xi32, #tpu.memory_space<hbm>>) dst(%dma_wait3A_339 : memref<64xi32, #tpu.memory_space<vmem>>)
    %dma_wait3A_342 = arith.constant 1 : i32
    %dma_wait3A_343 = arith.constant 0 : i32
    %dma_wait3A_344 = tpu.memref_slice %arg8[%dma_wait3A_342, %dma_wait3A_343] : memref<2x64xi32, #tpu.memory_space<vmem>> -> memref<1x64xi32, #tpu.memory_space<vmem>>
    %dma_wait3A_345 = tpu.memref_squeeze %dma_wait3A_344 : memref<1x64xi32, #tpu.memory_space<vmem>> -> memref<64xi32, #tpu.memory_space<vmem>>
    %dma_wait3A_346 = arith.constant 0 : i32
    %dma_wait3A_347 = tpu.memref_slice %arg3[%dma_wait3A_346] : memref<327680xi32, #tpu.memory_space<hbm>> -> memref<64xi32, #tpu.memory_space<hbm>>
    %dma_wait3A_348 = arith.constant 0 : i32
    %dma_wait3A_349 = tpu.memref_slice %arg8[%dma_wait3A_342, %dma_wait3A_348] : memref<2x64xi32, #tpu.memory_space<vmem>> -> memref<1x64xi32, #tpu.memory_space<vmem>>
    %dma_wait3A_350 = tpu.memref_squeeze %dma_wait3A_349 : memref<1x64xi32, #tpu.memory_space<vmem>> -> memref<64xi32, #tpu.memory_space<vmem>>
    %dma_wait3A_351 = arith.constant 0 : i32
    %dma_wait3A_352 = tpu.memref_slice %arg3[%dma_wait3A_351] : memref<327680xi32, #tpu.memory_space<hbm>> -> memref<64xi32, #tpu.memory_space<hbm>>
    tpu.wait_dma2 semaphore(%arg17 : memref<!tpu.dma_semaphore, #tpu.memory_space<semaphore_mem>>) src(%dma_wait3A_352 : memref<64xi32, #tpu.memory_space<hbm>>) dst(%dma_wait3A_350 : memref<64xi32, #tpu.memory_space<vmem>>)
    %dma_start3A_353 = arith.constant 0 : i32
    %dma_start3A_354 = arith.constant 0 : i32
    %dma_start3A_355 = tpu.memref_slice %arg4[%dma_start3A_353, %dma_start3A_354] : memref<10240x128xf32, #tpu.memory_space<hbm>> -> memref<10240x128xf32, #tpu.memory_space<hbm>>
    tpu.enqueue_indirect_dma source(%dma_start3A_355 : memref<10240x128xf32, #tpu.memory_space<hbm>>) target(%arg13 : memref<128x128xf32, #tpu.memory_space<vmem>>) offsets(%arg7 : memref<128xi32, #tpu.memory_space<vmem>>) semaphore(%arg19 : memref<!tpu.dma_semaphore, #tpu.memory_space<semaphore_mem>>)
    %dma_wait3A_356 = arith.constant 0 : i32
    %dma_wait3A_357 = arith.constant 0 : i32
    %dma_wait3A_358 = tpu.memref_slice %arg4[%dma_wait3A_356, %dma_wait3A_357] : memref<10240x128xf32, #tpu.memory_space<hbm>> -> memref<10240x128xf32, #tpu.memory_space<hbm>>
    tpu.wait_indirect_dma semaphore(%arg19 : memref<!tpu.dma_semaphore, #tpu.memory_space<semaphore_mem>>) src(%dma_wait3A_358 : memref<10240x128xf32, #tpu.memory_space<hbm>>) dst(%arg13 : memref<128x128xf32, #tpu.memory_space<vmem>>)
    %dma_start3A_359 = arith.constant 0 : i32
    %dma_start3A_360 = arith.constant 0 : i32
    %dma_start3A_361 = arith.constant 0 : i32
    %dma_start3A_362 = tpu.memref_slice %arg13[%dma_start3A_360, %dma_start3A_361] : memref<128x128xf32, #tpu.memory_space<vmem>> -> memref<64x128xf32, #tpu.memory_space<vmem>>
    %dma_start3A_363 = arith.constant 0 : i32
    %dma_start3A_364 = tpu.memref_slice %arg11[%dma_start3A_359, %dma_start3A_363] : memref<2x64xi32, #tpu.memory_space<vmem>> -> memref<1x64xi32, #tpu.memory_space<vmem>>
    %dma_start3A_365 = tpu.memref_squeeze %dma_start3A_364 : memref<1x64xi32, #tpu.memory_space<vmem>> -> memref<64xi32, #tpu.memory_space<vmem>>
    %dma_start3A_366 = arith.constant 0 : i32
    %dma_start3A_367 = arith.constant 0 : i32
    %dma_start3A_368 = tpu.memref_slice %arg14[%dma_start3A_366, %dma_start3A_367] : memref<10240x128xf32, #tpu.memory_space<vmem_shared>> -> memref<10240x128xf32, #tpu.memory_space<vmem_shared>>
    tpu.enqueue_indirect_dma source(%dma_start3A_362 : memref<64x128xf32, #tpu.memory_space<vmem>>) target(%dma_start3A_368 : memref<10240x128xf32, #tpu.memory_space<vmem_shared>>) offsets(%dma_start3A_365 : memref<64xi32, #tpu.memory_space<vmem>>) semaphore(%arg21 : memref<!tpu.dma_semaphore, #tpu.memory_space<semaphore_mem>>) {add = true}
    %dma_start3A_369 = arith.constant 1 : i32
    %dma_start3A_370 = arith.constant 64 : i32
    %dma_start3A_371 = arith.constant 0 : i32
    %dma_start3A_372 = tpu.memref_slice %arg13[%dma_start3A_370, %dma_start3A_371] : memref<128x128xf32, #tpu.memory_space<vmem>> -> memref<64x128xf32, #tpu.memory_space<vmem>>
    %dma_start3A_373 = arith.constant 0 : i32
    %dma_start3A_374 = tpu.memref_slice %arg11[%dma_start3A_369, %dma_start3A_373] : memref<2x64xi32, #tpu.memory_space<vmem>> -> memref<1x64xi32, #tpu.memory_space<vmem>>
    %dma_start3A_375 = tpu.memref_squeeze %dma_start3A_374 : memref<1x64xi32, #tpu.memory_space<vmem>> -> memref<64xi32, #tpu.memory_space<vmem>>
    %dma_start3A_376 = arith.constant 0 : i32
    %dma_start3A_377 = arith.constant 0 : i32
    %dma_start3A_378 = tpu.memref_slice %arg14[%dma_start3A_376, %dma_start3A_377] : memref<10240x128xf32, #tpu.memory_space<vmem_shared>> -> memref<10240x128xf32, #tpu.memory_space<vmem_shared>>
    tpu.enqueue_indirect_dma source(%dma_start3A_372 : memref<64x128xf32, #tpu.memory_space<vmem>>) target(%dma_start3A_378 : memref<10240x128xf32, #tpu.memory_space<vmem_shared>>) offsets(%dma_start3A_375 : memref<64xi32, #tpu.memory_space<vmem>>) semaphore(%arg21 : memref<!tpu.dma_semaphore, #tpu.memory_space<semaphore_mem>>) {add = true}
    %dma_wait3A_379 = arith.constant 0 : i32
    %dma_wait3A_380 = arith.constant 0 : i32
    %dma_wait3A_381 = arith.constant 0 : i32
    %dma_wait3A_382 = tpu.memref_slice %arg12[%dma_wait3A_380, %dma_wait3A_381] : memref<128x128xf32, #tpu.memory_space<vmem>> -> memref<64x128xf32, #tpu.memory_space<vmem>>
    %dma_wait3A_383 = arith.constant 0 : i32
    %dma_wait3A_384 = tpu.memref_slice %arg8[%dma_wait3A_379, %dma_wait3A_383] : memref<2x64xi32, #tpu.memory_space<vmem>> -> memref<1x64xi32, #tpu.memory_space<vmem>>
    %dma_wait3A_385 = tpu.memref_squeeze %dma_wait3A_384 : memref<1x64xi32, #tpu.memory_space<vmem>> -> memref<64xi32, #tpu.memory_space<vmem>>
    %dma_wait3A_386 = arith.constant 0 : i32
    %dma_wait3A_387 = arith.constant 0 : i32
    %dma_wait3A_388 = tpu.memref_slice %arg14[%dma_wait3A_386, %dma_wait3A_387] : memref<10240x128xf32, #tpu.memory_space<vmem_shared>> -> memref<10240x128xf32, #tpu.memory_space<vmem_shared>>
    tpu.wait_indirect_dma semaphore(%arg20 : memref<!tpu.dma_semaphore, #tpu.memory_space<semaphore_mem>>) src(%dma_wait3A_382 : memref<64x128xf32, #tpu.memory_space<vmem>>) dst(%dma_wait3A_388 : memref<10240x128xf32, #tpu.memory_space<vmem_shared>>)
    %dma_wait3A_389 = arith.constant 0 : i32
    %dma_wait3A_390 = arith.constant 0 : i32
    %dma_wait3A_391 = arith.constant 0 : i32
    %dma_wait3A_392 = tpu.memref_slice %arg12[%dma_wait3A_390, %dma_wait3A_391] : memref<128x128xf32, #tpu.memory_space<vmem>> -> memref<64x128xf32, #tpu.memory_space<vmem>>
    %dma_wait3A_393 = arith.constant 0 : i32
    %dma_wait3A_394 = tpu.memref_slice %arg8[%dma_wait3A_389, %dma_wait3A_393] : memref<2x64xi32, #tpu.memory_space<vmem>> -> memref<1x64xi32, #tpu.memory_space<vmem>>
    %dma_wait3A_395 = tpu.memref_squeeze %dma_wait3A_394 : memref<1x64xi32, #tpu.memory_space<vmem>> -> memref<64xi32, #tpu.memory_space<vmem>>
    %dma_wait3A_396 = arith.constant 0 : i32
    %dma_wait3A_397 = arith.constant 0 : i32
    %dma_wait3A_398 = tpu.memref_slice %arg14[%dma_wait3A_396, %dma_wait3A_397] : memref<10240x128xf32, #tpu.memory_space<vmem_shared>> -> memref<10240x128xf32, #tpu.memory_space<vmem_shared>>
    tpu.wait_indirect_dma semaphore(%arg20 : memref<!tpu.dma_semaphore, #tpu.memory_space<semaphore_mem>>) src(%dma_wait3A_392 : memref<64x128xf32, #tpu.memory_space<vmem>>) dst(%dma_wait3A_398 : memref<10240x128xf32, #tpu.memory_space<vmem_shared>>)
    %dma_wait3A_399 = arith.constant 0 : i32
    %dma_wait3A_400 = arith.constant 0 : i32
    %dma_wait3A_401 = arith.constant 0 : i32
    %dma_wait3A_402 = tpu.memref_slice %arg12[%dma_wait3A_400, %dma_wait3A_401] : memref<128x128xf32, #tpu.memory_space<vmem>> -> memref<64x128xf32, #tpu.memory_space<vmem>>
    %dma_wait3A_403 = arith.constant 0 : i32
    %dma_wait3A_404 = tpu.memref_slice %arg8[%dma_wait3A_399, %dma_wait3A_403] : memref<2x64xi32, #tpu.memory_space<vmem>> -> memref<1x64xi32, #tpu.memory_space<vmem>>
    %dma_wait3A_405 = tpu.memref_squeeze %dma_wait3A_404 : memref<1x64xi32, #tpu.memory_space<vmem>> -> memref<64xi32, #tpu.memory_space<vmem>>
    %dma_wait3A_406 = arith.constant 0 : i32
    %dma_wait3A_407 = arith.constant 0 : i32
    %dma_wait3A_408 = tpu.memref_slice %arg14[%dma_wait3A_406, %dma_wait3A_407] : memref<10240x128xf32, #tpu.memory_space<vmem_shared>> -> memref<10240x128xf32, #tpu.memory_space<vmem_shared>>
    tpu.wait_indirect_dma semaphore(%arg21 : memref<!tpu.dma_semaphore, #tpu.memory_space<semaphore_mem>>) src(%dma_wait3A_402 : memref<64x128xf32, #tpu.memory_space<vmem>>) dst(%dma_wait3A_408 : memref<10240x128xf32, #tpu.memory_space<vmem_shared>>)
    %dma_wait3A_409 = arith.constant 0 : i32
    %dma_wait3A_410 = arith.constant 0 : i32
    %dma_wait3A_411 = arith.constant 0 : i32
    %dma_wait3A_412 = tpu.memref_slice %arg12[%dma_wait3A_410, %dma_wait3A_411] : memref<128x128xf32, #tpu.memory_space<vmem>> -> memref<64x128xf32, #tpu.memory_space<vmem>>
    %dma_wait3A_413 = arith.constant 0 : i32
    %dma_wait3A_414 = tpu.memref_slice %arg8[%dma_wait3A_409, %dma_wait3A_413] : memref<2x64xi32, #tpu.memory_space<vmem>> -> memref<1x64xi32, #tpu.memory_space<vmem>>
    %dma_wait3A_415 = tpu.memref_squeeze %dma_wait3A_414 : memref<1x64xi32, #tpu.memory_space<vmem>> -> memref<64xi32, #tpu.memory_space<vmem>>
    %dma_wait3A_416 = arith.constant 0 : i32
    %dma_wait3A_417 = arith.constant 0 : i32
    %dma_wait3A_418 = tpu.memref_slice %arg14[%dma_wait3A_416, %dma_wait3A_417] : memref<10240x128xf32, #tpu.memory_space<vmem_shared>> -> memref<10240x128xf32, #tpu.memory_space<vmem_shared>>
    tpu.wait_indirect_dma semaphore(%arg21 : memref<!tpu.dma_semaphore, #tpu.memory_space<semaphore_mem>>) src(%dma_wait3A_412 : memref<64x128xf32, #tpu.memory_space<vmem>>) dst(%dma_wait3A_418 : memref<10240x128xf32, #tpu.memory_space<vmem_shared>>)
    %barrier3A_419 = arith.constant 0 : index
    tpu.barrier barrier_id(%barrier3A_419)
    %add3A_420 = arith.constant 0 : i32
    %add3A_421 = arith.addi %mul3A_57, %add3A_420 : i32
    "tpu.region"() ({
      %run_scoped3A = tpu.sem_alloc : memref<!tpu.dma_semaphore, #tpu.memory_space<semaphore_mem>>
      %dma_start3A_460 = arith.constant 0 : i32
      %dma_start3A_461 = tpu.memref_slice %arg14[%add3A_421, %dma_start3A_460] : memref<10240x128xf32, #tpu.memory_space<vmem_shared>> -> memref<64x128xf32, #tpu.memory_space<vmem_shared>>
      %dma_start3A_462 = arith.constant 0 : i32
      %dma_start3A_463 = tpu.memref_slice %arg14[%add3A_421, %dma_start3A_462] : memref<10240x128xf32, #tpu.memory_space<vmem_shared>> -> memref<64x128xf32, #tpu.memory_space<vmem_shared>>
      tpu.enqueue_dma source(%dma_start3A_463 : memref<64x128xf32, #tpu.memory_space<vmem_shared>>) target(%arg15 : memref<64x128xf32, #tpu.memory_space<vmem>>) target_semaphore(%run_scoped3A : memref<!tpu.dma_semaphore, #tpu.memory_space<semaphore_mem>>)
      %dma_wait3A_464 = arith.constant 0 : i32
      %dma_wait3A_465 = tpu.memref_slice %arg14[%add3A_421, %dma_wait3A_464] : memref<10240x128xf32, #tpu.memory_space<vmem_shared>> -> memref<64x128xf32, #tpu.memory_space<vmem_shared>>
      %dma_wait3A_466 = arith.constant 0 : i32
      %dma_wait3A_467 = tpu.memref_slice %arg14[%add3A_421, %dma_wait3A_466] : memref<10240x128xf32, #tpu.memory_space<vmem_shared>> -> memref<64x128xf32, #tpu.memory_space<vmem_shared>>
      tpu.wait_dma2 semaphore(%run_scoped3A : memref<!tpu.dma_semaphore, #tpu.memory_space<semaphore_mem>>) src(%dma_wait3A_467 : memref<64x128xf32, #tpu.memory_space<vmem_shared>>) dst(%arg15 : memref<64x128xf32, #tpu.memory_space<vmem>>)
      tpu.yield
    }) : () -> ()
    %add3A_422 = arith.constant 0 : i32
    %add3A_423 = arith.addi %mul3A_57, %add3A_422 : i32
    "tpu.region"() ({
      %run_scoped3A = tpu.sem_alloc : memref<!tpu.dma_semaphore, #tpu.memory_space<semaphore_mem>>
      %dma_start3A_460 = arith.constant 0 : i32
      %dma_start3A_461 = tpu.memref_slice %arg5[%arg0, %add3A_423, %dma_start3A_460] : memref<2x10240x128xf32, #tpu.memory_space<hbm>> -> memref<1x64x128xf32, #tpu.memory_space<hbm>>
      %dma_start3A_462 = tpu.memref_squeeze %dma_start3A_461 : memref<1x64x128xf32, #tpu.memory_space<hbm>> -> memref<64x128xf32, #tpu.memory_space<hbm>>
      %dma_start3A_463 = arith.constant 0 : i32
      %dma_start3A_464 = tpu.memref_slice %arg5[%arg0, %add3A_423, %dma_start3A_463] : memref<2x10240x128xf32, #tpu.memory_space<hbm>> -> memref<1x64x128xf32, #tpu.memory_space<hbm>>
      %dma_start3A_465 = tpu.memref_squeeze %dma_start3A_464 : memref<1x64x128xf32, #tpu.memory_space<hbm>> -> memref<64x128xf32, #tpu.memory_space<hbm>>
      tpu.enqueue_dma source(%arg15 : memref<64x128xf32, #tpu.memory_space<vmem>>) target(%dma_start3A_465 : memref<64x128xf32, #tpu.memory_space<hbm>>) target_semaphore(%run_scoped3A : memref<!tpu.dma_semaphore, #tpu.memory_space<semaphore_mem>>)
      %dma_wait3A_466 = arith.constant 0 : i32
      %dma_wait3A_467 = tpu.memref_slice %arg5[%arg0, %add3A_423, %dma_wait3A_466] : memref<2x10240x128xf32, #tpu.memory_space<hbm>> -> memref<1x64x128xf32, #tpu.memory_space<hbm>>
      %dma_wait3A_468 = tpu.memref_squeeze %dma_wait3A_467 : memref<1x64x128xf32, #tpu.memory_space<hbm>> -> memref<64x128xf32, #tpu.memory_space<hbm>>
      %dma_wait3A_469 = arith.constant 0 : i32
      %dma_wait3A_470 = tpu.memref_slice %arg5[%arg0, %add3A_423, %dma_wait3A_469] : memref<2x10240x128xf32, #tpu.memory_space<hbm>> -> memref<1x64x128xf32, #tpu.memory_space<hbm>>
      %dma_wait3A_471 = tpu.memref_squeeze %dma_wait3A_470 : memref<1x64x128xf32, #tpu.memory_space<hbm>> -> memref<64x128xf32, #tpu.memory_space<hbm>>
      tpu.wait_dma2 semaphore(%run_scoped3A : memref<!tpu.dma_semaphore, #tpu.memory_space<semaphore_mem>>) src(%arg15 : memref<64x128xf32, #tpu.memory_space<vmem>>) dst(%dma_wait3A_471 : memref<64x128xf32, #tpu.memory_space<hbm>>)
      tpu.yield
    }) : () -> ()
    %add3A_424 = arith.constant 64 : i32
    %add3A_425 = arith.addi %mul3A_57, %add3A_424 : i32
    "tpu.region"() ({
      %run_scoped3A = tpu.sem_alloc : memref<!tpu.dma_semaphore, #tpu.memory_space<semaphore_mem>>
      %dma_start3A_460 = arith.constant 0 : i32
      %dma_start3A_461 = tpu.memref_slice %arg14[%add3A_425, %dma_start3A_460] : memref<10240x128xf32, #tpu.memory_space<vmem_shared>> -> memref<64x128xf32, #tpu.memory_space<vmem_shared>>
      %dma_start3A_462 = arith.constant 0 : i32
      %dma_start3A_463 = tpu.memref_slice %arg14[%add3A_425, %dma_start3A_462] : memref<10240x128xf32, #tpu.memory_space<vmem_shared>> -> memref<64x128xf32, #tpu.memory_space<vmem_shared>>
      tpu.enqueue_dma source(%dma_start3A_463 : memref<64x128xf32, #tpu.memory_space<vmem_shared>>) target(%arg15 : memref<64x128xf32, #tpu.memory_space<vmem>>) target_semaphore(%run_scoped3A : memref<!tpu.dma_semaphore, #tpu.memory_space<semaphore_mem>>)
      %dma_wait3A_464 = arith.constant 0 : i32
      %dma_wait3A_465 = tpu.memref_slice %arg14[%add3A_425, %dma_wait3A_464] : memref<10240x128xf32, #tpu.memory_space<vmem_shared>> -> memref<64x128xf32, #tpu.memory_space<vmem_shared>>
      %dma_wait3A_466 = arith.constant 0 : i32
      %dma_wait3A_467 = tpu.memref_slice %arg14[%add3A_425, %dma_wait3A_466] : memref<10240x128xf32, #tpu.memory_space<vmem_shared>> -> memref<64x128xf32, #tpu.memory_space<vmem_shared>>
      tpu.wait_dma2 semaphore(%run_scoped3A : memref<!tpu.dma_semaphore, #tpu.memory_space<semaphore_mem>>) src(%dma_wait3A_467 : memref<64x128xf32, #tpu.memory_space<vmem_shared>>) dst(%arg15 : memref<64x128xf32, #tpu.memory_space<vmem>>)
      tpu.yield
    }) : () -> ()
    %add3A_426 = arith.constant 64 : i32
    %add3A_427 = arith.addi %mul3A_57, %add3A_426 : i32
    "tpu.region"() ({
      %run_scoped3A = tpu.sem_alloc : memref<!tpu.dma_semaphore, #tpu.memory_space<semaphore_mem>>
      %dma_start3A_460 = arith.constant 0 : i32
      %dma_start3A_461 = tpu.memref_slice %arg5[%arg0, %add3A_427, %dma_start3A_460] : memref<2x10240x128xf32, #tpu.memory_space<hbm>> -> memref<1x64x128xf32, #tpu.memory_space<hbm>>
      %dma_start3A_462 = tpu.memref_squeeze %dma_start3A_461 : memref<1x64x128xf32, #tpu.memory_space<hbm>> -> memref<64x128xf32, #tpu.memory_space<hbm>>
      %dma_start3A_463 = arith.constant 0 : i32
      %dma_start3A_464 = tpu.memref_slice %arg5[%arg0, %add3A_427, %dma_start3A_463] : memref<2x10240x128xf32, #tpu.memory_space<hbm>> -> memref<1x64x128xf32, #tpu.memory_space<hbm>>
      %dma_start3A_465 = tpu.memref_squeeze %dma_start3A_464 : memref<1x64x128xf32, #tpu.memory_space<hbm>> -> memref<64x128xf32, #tpu.memory_space<hbm>>
      tpu.enqueue_dma source(%arg15 : memref<64x128xf32, #tpu.memory_space<vmem>>) target(%dma_start3A_465 : memref<64x128xf32, #tpu.memory_space<hbm>>) target_semaphore(%run_scoped3A : memref<!tpu.dma_semaphore, #tpu.memory_space<semaphore_mem>>)
      %dma_wait3A_466 = arith.constant 0 : i32
      %dma_wait3A_467 = tpu.memref_slice %arg5[%arg0, %add3A_427, %dma_wait3A_466] : memref<2x10240x128xf32, #tpu.memory_space<hbm>> -> memref<1x64x128xf32, #tpu.memory_space<hbm>>
      %dma_wait3A_468 = tpu.memref_squeeze %dma_wait3A_467 : memref<1x64x128xf32, #tpu.memory_space<hbm>> -> memref<64x128xf32, #tpu.memory_space<hbm>>
      %dma_wait3A_469 = arith.constant 0 : i32
      %dma_wait3A_470 = tpu.memref_slice %arg5[%arg0, %add3A_427, %dma_wait3A_469] : memref<2x10240x128xf32, #tpu.memory_space<hbm>> -> memref<1x64x128xf32, #tpu.memory_space<hbm>>
      %dma_wait3A_471 = tpu.memref_squeeze %dma_wait3A_470 : memref<1x64x128xf32, #tpu.memory_space<hbm>> -> memref<64x128xf32, #tpu.memory_space<hbm>>
      tpu.wait_dma2 semaphore(%run_scoped3A : memref<!tpu.dma_semaphore, #tpu.memory_space<semaphore_mem>>) src(%arg15 : memref<64x128xf32, #tpu.memory_space<vmem>>) dst(%dma_wait3A_471 : memref<64x128xf32, #tpu.memory_space<hbm>>)
      tpu.yield
    }) : () -> ()
    %add3A_428 = arith.constant 128 : i32
    %add3A_429 = arith.addi %mul3A_57, %add3A_428 : i32
    "tpu.region"() ({
      %run_scoped3A = tpu.sem_alloc : memref<!tpu.dma_semaphore, #tpu.memory_space<semaphore_mem>>
      %dma_start3A_460 = arith.constant 0 : i32
      %dma_start3A_461 = tpu.memref_slice %arg14[%add3A_429, %dma_start3A_460] : memref<10240x128xf32, #tpu.memory_space<vmem_shared>> -> memref<64x128xf32, #tpu.memory_space<vmem_shared>>
      %dma_start3A_462 = arith.constant 0 : i32
      %dma_start3A_463 = tpu.memref_slice %arg14[%add3A_429, %dma_start3A_462] : memref<10240x128xf32, #tpu.memory_space<vmem_shared>> -> memref<64x128xf32, #tpu.memory_space<vmem_shared>>
      tpu.enqueue_dma source(%dma_start3A_463 : memref<64x128xf32, #tpu.memory_space<vmem_shared>>) target(%arg15 : memref<64x128xf32, #tpu.memory_space<vmem>>) target_semaphore(%run_scoped3A : memref<!tpu.dma_semaphore, #tpu.memory_space<semaphore_mem>>)
      %dma_wait3A_464 = arith.constant 0 : i32
      %dma_wait3A_465 = tpu.memref_slice %arg14[%add3A_429, %dma_wait3A_464] : memref<10240x128xf32, #tpu.memory_space<vmem_shared>> -> memref<64x128xf32, #tpu.memory_space<vmem_shared>>
      %dma_wait3A_466 = arith.constant 0 : i32
      %dma_wait3A_467 = tpu.memref_slice %arg14[%add3A_429, %dma_wait3A_466] : memref<10240x128xf32, #tpu.memory_space<vmem_shared>> -> memref<64x128xf32, #tpu.memory_space<vmem_shared>>
      tpu.wait_dma2 semaphore(%run_scoped3A : memref<!tpu.dma_semaphore, #tpu.memory_space<semaphore_mem>>) src(%dma_wait3A_467 : memref<64x128xf32, #tpu.memory_space<vmem_shared>>) dst(%arg15 : memref<64x128xf32, #tpu.memory_space<vmem>>)
      tpu.yield
    }) : () -> ()
    %add3A_430 = arith.constant 128 : i32
    %add3A_431 = arith.addi %mul3A_57, %add3A_430 : i32
    "tpu.region"() ({
      %run_scoped3A = tpu.sem_alloc : memref<!tpu.dma_semaphore, #tpu.memory_space<semaphore_mem>>
      %dma_start3A_460 = arith.constant 0 : i32
      %dma_start3A_461 = tpu.memref_slice %arg5[%arg0, %add3A_431, %dma_start3A_460] : memref<2x10240x128xf32, #tpu.memory_space<hbm>> -> memref<1x64x128xf32, #tpu.memory_space<hbm>>
      %dma_start3A_462 = tpu.memref_squeeze %dma_start3A_461 : memref<1x64x128xf32, #tpu.memory_space<hbm>> -> memref<64x128xf32, #tpu.memory_space<hbm>>
      %dma_start3A_463 = arith.constant 0 : i32
      %dma_start3A_464 = tpu.memref_slice %arg5[%arg0, %add3A_431, %dma_start3A_463] : memref<2x10240x128xf32, #tpu.memory_space<hbm>> -> memref<1x64x128xf32, #tpu.memory_space<hbm>>
      %dma_start3A_465 = tpu.memref_squeeze %dma_start3A_464 : memref<1x64x128xf32, #tpu.memory_space<hbm>> -> memref<64x128xf32, #tpu.memory_space<hbm>>
      tpu.enqueue_dma source(%arg15 : memref<64x128xf32, #tpu.memory_space<vmem>>) target(%dma_start3A_465 : memref<64x128xf32, #tpu.memory_space<hbm>>) target_semaphore(%run_scoped3A : memref<!tpu.dma_semaphore, #tpu.memory_space<semaphore_mem>>)
      %dma_wait3A_466 = arith.constant 0 : i32
      %dma_wait3A_467 = tpu.memref_slice %arg5[%arg0, %add3A_431, %dma_wait3A_466] : memref<2x10240x128xf32, #tpu.memory_space<hbm>> -> memref<1x64x128xf32, #tpu.memory_space<hbm>>
      %dma_wait3A_468 = tpu.memref_squeeze %dma_wait3A_467 : memref<1x64x128xf32, #tpu.memory_space<hbm>> -> memref<64x128xf32, #tpu.memory_space<hbm>>
      %dma_wait3A_469 = arith.constant 0 : i32
      %dma_wait3A_470 = tpu.memref_slice %arg5[%arg0, %add3A_431, %dma_wait3A_469] : memref<2x10240x128xf32, #tpu.memory_space<hbm>> -> memref<1x64x128xf32, #tpu.memory_space<hbm>>
      %dma_wait3A_471 = tpu.memref_squeeze %dma_wait3A_470 : memref<1x64x128xf32, #tpu.memory_space<hbm>> -> memref<64x128xf32, #tpu.memory_space<hbm>>
      tpu.wait_dma2 semaphore(%run_scoped3A : memref<!tpu.dma_semaphore, #tpu.memory_space<semaphore_mem>>) src(%arg15 : memref<64x128xf32, #tpu.memory_space<vmem>>) dst(%dma_wait3A_471 : memref<64x128xf32, #tpu.memory_space<hbm>>)
      tpu.yield
    }) : () -> ()
    %add3A_432 = arith.constant 192 : i32
    %add3A_433 = arith.addi %mul3A_57, %add3A_432 : i32
    "tpu.region"() ({
      %run_scoped3A = tpu.sem_alloc : memref<!tpu.dma_semaphore, #tpu.memory_space<semaphore_mem>>
      %dma_start3A_460 = arith.constant 0 : i32
      %dma_start3A_461 = tpu.memref_slice %arg14[%add3A_433, %dma_start3A_460] : memref<10240x128xf32, #tpu.memory_space<vmem_shared>> -> memref<64x128xf32, #tpu.memory_space<vmem_shared>>
      %dma_start3A_462 = arith.constant 0 : i32
      %dma_start3A_463 = tpu.memref_slice %arg14[%add3A_433, %dma_start3A_462] : memref<10240x128xf32, #tpu.memory_space<vmem_shared>> -> memref<64x128xf32, #tpu.memory_space<vmem_shared>>
      tpu.enqueue_dma source(%dma_start3A_463 : memref<64x128xf32, #tpu.memory_space<vmem_shared>>) target(%arg15 : memref<64x128xf32, #tpu.memory_space<vmem>>) target_semaphore(%run_scoped3A : memref<!tpu.dma_semaphore, #tpu.memory_space<semaphore_mem>>)
      %dma_wait3A_464 = arith.constant 0 : i32
      %dma_wait3A_465 = tpu.memref_slice %arg14[%add3A_433, %dma_wait3A_464] : memref<10240x128xf32, #tpu.memory_space<vmem_shared>> -> memref<64x128xf32, #tpu.memory_space<vmem_shared>>
      %dma_wait3A_466 = arith.constant 0 : i32
      %dma_wait3A_467 = tpu.memref_slice %arg14[%add3A_433, %dma_wait3A_466] : memref<10240x128xf32, #tpu.memory_space<vmem_shared>> -> memref<64x128xf32, #tpu.memory_space<vmem_shared>>
      tpu.wait_dma2 semaphore(%run_scoped3A : memref<!tpu.dma_semaphore, #tpu.memory_space<semaphore_mem>>) src(%dma_wait3A_467 : memref<64x128xf32, #tpu.memory_space<vmem_shared>>) dst(%arg15 : memref<64x128xf32, #tpu.memory_space<vmem>>)
      tpu.yield
    }) : () -> ()
    %add3A_434 = arith.constant 192 : i32
    %add3A_435 = arith.addi %mul3A_57, %add3A_434 : i32
    "tpu.region"() ({
      %run_scoped3A = tpu.sem_alloc : memref<!tpu.dma_semaphore, #tpu.memory_space<semaphore_mem>>
      %dma_start3A_460 = arith.constant 0 : i32
      %dma_start3A_461 = tpu.memref_slice %arg5[%arg0, %add3A_435, %dma_start3A_460] : memref<2x10240x128xf32, #tpu.memory_space<hbm>> -> memref<1x64x128xf32, #tpu.memory_space<hbm>>
      %dma_start3A_462 = tpu.memref_squeeze %dma_start3A_461 : memref<1x64x128xf32, #tpu.memory_space<hbm>> -> memref<64x128xf32, #tpu.memory_space<hbm>>
      %dma_start3A_463 = arith.constant 0 : i32
      %dma_start3A_464 = tpu.memref_slice %arg5[%arg0, %add3A_435, %dma_start3A_463] : memref<2x10240x128xf32, #tpu.memory_space<hbm>> -> memref<1x64x128xf32, #tpu.memory_space<hbm>>
      %dma_start3A_465 = tpu.memref_squeeze %dma_start3A_464 : memref<1x64x128xf32, #tpu.memory_space<hbm>> -> memref<64x128xf32, #tpu.memory_space<hbm>>
      tpu.enqueue_dma source(%arg15 : memref<64x128xf32, #tpu.memory_space<vmem>>) target(%dma_start3A_465 : memref<64x128xf32, #tpu.memory_space<hbm>>) target_semaphore(%run_scoped3A : memref<!tpu.dma_semaphore, #tpu.memory_space<semaphore_mem>>)
      %dma_wait3A_466 = arith.constant 0 : i32
      %dma_wait3A_467 = tpu.memref_slice %arg5[%arg0, %add3A_435, %dma_wait3A_466] : memref<2x10240x128xf32, #tpu.memory_space<hbm>> -> memref<1x64x128xf32, #tpu.memory_space<hbm>>
      %dma_wait3A_468 = tpu.memref_squeeze %dma_wait3A_467 : memref<1x64x128xf32, #tpu.memory_space<hbm>> -> memref<64x128xf32, #tpu.memory_space<hbm>>
      %dma_wait3A_469 = arith.constant 0 : i32
      %dma_wait3A_470 = tpu.memref_slice %arg5[%arg0, %add3A_435, %dma_wait3A_469] : memref<2x10240x128xf32, #tpu.memory_space<hbm>> -> memref<1x64x128xf32, #tpu.memory_space<hbm>>
      %dma_wait3A_471 = tpu.memref_squeeze %dma_wait3A_470 : memref<1x64x128xf32, #tpu.memory_space<hbm>> -> memref<64x128xf32, #tpu.memory_space<hbm>>
      tpu.wait_dma2 semaphore(%run_scoped3A : memref<!tpu.dma_semaphore, #tpu.memory_space<semaphore_mem>>) src(%arg15 : memref<64x128xf32, #tpu.memory_space<vmem>>) dst(%dma_wait3A_471 : memref<64x128xf32, #tpu.memory_space<hbm>>)
      tpu.yield
    }) : () -> ()
    %add3A_436 = arith.constant 256 : i32
    %add3A_437 = arith.addi %mul3A_57, %add3A_436 : i32
    "tpu.region"() ({
      %run_scoped3A = tpu.sem_alloc : memref<!tpu.dma_semaphore, #tpu.memory_space<semaphore_mem>>
      %dma_start3A_460 = arith.constant 0 : i32
      %dma_start3A_461 = tpu.memref_slice %arg14[%add3A_437, %dma_start3A_460] : memref<10240x128xf32, #tpu.memory_space<vmem_shared>> -> memref<64x128xf32, #tpu.memory_space<vmem_shared>>
      %dma_start3A_462 = arith.constant 0 : i32
      %dma_start3A_463 = tpu.memref_slice %arg14[%add3A_437, %dma_start3A_462] : memref<10240x128xf32, #tpu.memory_space<vmem_shared>> -> memref<64x128xf32, #tpu.memory_space<vmem_shared>>
      tpu.enqueue_dma source(%dma_start3A_463 : memref<64x128xf32, #tpu.memory_space<vmem_shared>>) target(%arg15 : memref<64x128xf32, #tpu.memory_space<vmem>>) target_semaphore(%run_scoped3A : memref<!tpu.dma_semaphore, #tpu.memory_space<semaphore_mem>>)
      %dma_wait3A_464 = arith.constant 0 : i32
      %dma_wait3A_465 = tpu.memref_slice %arg14[%add3A_437, %dma_wait3A_464] : memref<10240x128xf32, #tpu.memory_space<vmem_shared>> -> memref<64x128xf32, #tpu.memory_space<vmem_shared>>
      %dma_wait3A_466 = arith.constant 0 : i32
      %dma_wait3A_467 = tpu.memref_slice %arg14[%add3A_437, %dma_wait3A_466] : memref<10240x128xf32, #tpu.memory_space<vmem_shared>> -> memref<64x128xf32, #tpu.memory_space<vmem_shared>>
      tpu.wait_dma2 semaphore(%run_scoped3A : memref<!tpu.dma_semaphore, #tpu.memory_space<semaphore_mem>>) src(%dma_wait3A_467 : memref<64x128xf32, #tpu.memory_space<vmem_shared>>) dst(%arg15 : memref<64x128xf32, #tpu.memory_space<vmem>>)
      tpu.yield
    }) : () -> ()
    %add3A_438 = arith.constant 256 : i32
    %add3A_439 = arith.addi %mul3A_57, %add3A_438 : i32
    "tpu.region"() ({
      %run_scoped3A = tpu.sem_alloc : memref<!tpu.dma_semaphore, #tpu.memory_space<semaphore_mem>>
      %dma_start3A_460 = arith.constant 0 : i32
      %dma_start3A_461 = tpu.memref_slice %arg5[%arg0, %add3A_439, %dma_start3A_460] : memref<2x10240x128xf32, #tpu.memory_space<hbm>> -> memref<1x64x128xf32, #tpu.memory_space<hbm>>
      %dma_start3A_462 = tpu.memref_squeeze %dma_start3A_461 : memref<1x64x128xf32, #tpu.memory_space<hbm>> -> memref<64x128xf32, #tpu.memory_space<hbm>>
      %dma_start3A_463 = arith.constant 0 : i32
      %dma_start3A_464 = tpu.memref_slice %arg5[%arg0, %add3A_439, %dma_start3A_463] : memref<2x10240x128xf32, #tpu.memory_space<hbm>> -> memref<1x64x128xf32, #tpu.memory_space<hbm>>
      %dma_start3A_465 = tpu.memref_squeeze %dma_start3A_464 : memref<1x64x128xf32, #tpu.memory_space<hbm>> -> memref<64x128xf32, #tpu.memory_space<hbm>>
      tpu.enqueue_dma source(%arg15 : memref<64x128xf32, #tpu.memory_space<vmem>>) target(%dma_start3A_465 : memref<64x128xf32, #tpu.memory_space<hbm>>) target_semaphore(%run_scoped3A : memref<!tpu.dma_semaphore, #tpu.memory_space<semaphore_mem>>)
      %dma_wait3A_466 = arith.constant 0 : i32
      %dma_wait3A_467 = tpu.memref_slice %arg5[%arg0, %add3A_439, %dma_wait3A_466] : memref<2x10240x128xf32, #tpu.memory_space<hbm>> -> memref<1x64x128xf32, #tpu.memory_space<hbm>>
      %dma_wait3A_468 = tpu.memref_squeeze %dma_wait3A_467 : memref<1x64x128xf32, #tpu.memory_space<hbm>> -> memref<64x128xf32, #tpu.memory_space<hbm>>
      %dma_wait3A_469 = arith.constant 0 : i32
      %dma_wait3A_470 = tpu.memref_slice %arg5[%arg0, %add3A_439, %dma_wait3A_469] : memref<2x10240x128xf32, #tpu.memory_space<hbm>> -> memref<1x64x128xf32, #tpu.memory_space<hbm>>
      %dma_wait3A_471 = tpu.memref_squeeze %dma_wait3A_470 : memref<1x64x128xf32, #tpu.memory_space<hbm>> -> memref<64x128xf32, #tpu.memory_space<hbm>>
      tpu.wait_dma2 semaphore(%run_scoped3A : memref<!tpu.dma_semaphore, #tpu.memory_space<semaphore_mem>>) src(%arg15 : memref<64x128xf32, #tpu.memory_space<vmem>>) dst(%dma_wait3A_471 : memref<64x128xf32, #tpu.memory_space<hbm>>)
      tpu.yield
    }) : () -> ()
    %add3A_440 = arith.constant 320 : i32
    %add3A_441 = arith.addi %mul3A_57, %add3A_440 : i32
    "tpu.region"() ({
      %run_scoped3A = tpu.sem_alloc : memref<!tpu.dma_semaphore, #tpu.memory_space<semaphore_mem>>
      %dma_start3A_460 = arith.constant 0 : i32
      %dma_start3A_461 = tpu.memref_slice %arg14[%add3A_441, %dma_start3A_460] : memref<10240x128xf32, #tpu.memory_space<vmem_shared>> -> memref<64x128xf32, #tpu.memory_space<vmem_shared>>
      %dma_start3A_462 = arith.constant 0 : i32
      %dma_start3A_463 = tpu.memref_slice %arg14[%add3A_441, %dma_start3A_462] : memref<10240x128xf32, #tpu.memory_space<vmem_shared>> -> memref<64x128xf32, #tpu.memory_space<vmem_shared>>
      tpu.enqueue_dma source(%dma_start3A_463 : memref<64x128xf32, #tpu.memory_space<vmem_shared>>) target(%arg15 : memref<64x128xf32, #tpu.memory_space<vmem>>) target_semaphore(%run_scoped3A : memref<!tpu.dma_semaphore, #tpu.memory_space<semaphore_mem>>)
      %dma_wait3A_464 = arith.constant 0 : i32
      %dma_wait3A_465 = tpu.memref_slice %arg14[%add3A_441, %dma_wait3A_464] : memref<10240x128xf32, #tpu.memory_space<vmem_shared>> -> memref<64x128xf32, #tpu.memory_space<vmem_shared>>
      %dma_wait3A_466 = arith.constant 0 : i32
      %dma_wait3A_467 = tpu.memref_slice %arg14[%add3A_441, %dma_wait3A_466] : memref<10240x128xf32, #tpu.memory_space<vmem_shared>> -> memref<64x128xf32, #tpu.memory_space<vmem_shared>>
      tpu.wait_dma2 semaphore(%run_scoped3A : memref<!tpu.dma_semaphore, #tpu.memory_space<semaphore_mem>>) src(%dma_wait3A_467 : memref<64x128xf32, #tpu.memory_space<vmem_shared>>) dst(%arg15 : memref<64x128xf32, #tpu.memory_space<vmem>>)
      tpu.yield
    }) : () -> ()
    %add3A_442 = arith.constant 320 : i32
    %add3A_443 = arith.addi %mul3A_57, %add3A_442 : i32
    "tpu.region"() ({
      %run_scoped3A = tpu.sem_alloc : memref<!tpu.dma_semaphore, #tpu.memory_space<semaphore_mem>>
      %dma_start3A_460 = arith.constant 0 : i32
      %dma_start3A_461 = tpu.memref_slice %arg5[%arg0, %add3A_443, %dma_start3A_460] : memref<2x10240x128xf32, #tpu.memory_space<hbm>> -> memref<1x64x128xf32, #tpu.memory_space<hbm>>
      %dma_start3A_462 = tpu.memref_squeeze %dma_start3A_461 : memref<1x64x128xf32, #tpu.memory_space<hbm>> -> memref<64x128xf32, #tpu.memory_space<hbm>>
      %dma_start3A_463 = arith.constant 0 : i32
      %dma_start3A_464 = tpu.memref_slice %arg5[%arg0, %add3A_443, %dma_start3A_463] : memref<2x10240x128xf32, #tpu.memory_space<hbm>> -> memref<1x64x128xf32, #tpu.memory_space<hbm>>
      %dma_start3A_465 = tpu.memref_squeeze %dma_start3A_464 : memref<1x64x128xf32, #tpu.memory_space<hbm>> -> memref<64x128xf32, #tpu.memory_space<hbm>>
      tpu.enqueue_dma source(%arg15 : memref<64x128xf32, #tpu.memory_space<vmem>>) target(%dma_start3A_465 : memref<64x128xf32, #tpu.memory_space<hbm>>) target_semaphore(%run_scoped3A : memref<!tpu.dma_semaphore, #tpu.memory_space<semaphore_mem>>)
      %dma_wait3A_466 = arith.constant 0 : i32
      %dma_wait3A_467 = tpu.memref_slice %arg5[%arg0, %add3A_443, %dma_wait3A_466] : memref<2x10240x128xf32, #tpu.memory_space<hbm>> -> memref<1x64x128xf32, #tpu.memory_space<hbm>>
      %dma_wait3A_468 = tpu.memref_squeeze %dma_wait3A_467 : memref<1x64x128xf32, #tpu.memory_space<hbm>> -> memref<64x128xf32, #tpu.memory_space<hbm>>
      %dma_wait3A_469 = arith.constant 0 : i32
      %dma_wait3A_470 = tpu.memref_slice %arg5[%arg0, %add3A_443, %dma_wait3A_469] : memref<2x10240x128xf32, #tpu.memory_space<hbm>> -> memref<1x64x128xf32, #tpu.memory_space<hbm>>
      %dma_wait3A_471 = tpu.memref_squeeze %dma_wait3A_470 : memref<1x64x128xf32, #tpu.memory_space<hbm>> -> memref<64x128xf32, #tpu.memory_space<hbm>>
      tpu.wait_dma2 semaphore(%run_scoped3A : memref<!tpu.dma_semaphore, #tpu.memory_space<semaphore_mem>>) src(%arg15 : memref<64x128xf32, #tpu.memory_space<vmem>>) dst(%dma_wait3A_471 : memref<64x128xf32, #tpu.memory_space<hbm>>)
      tpu.yield
    }) : () -> ()
    %add3A_444 = arith.constant 384 : i32
    %add3A_445 = arith.addi %mul3A_57, %add3A_444 : i32
    "tpu.region"() ({
      %run_scoped3A = tpu.sem_alloc : memref<!tpu.dma_semaphore, #tpu.memory_space<semaphore_mem>>
      %dma_start3A_460 = arith.constant 0 : i32
      %dma_start3A_461 = tpu.memref_slice %arg14[%add3A_445, %dma_start3A_460] : memref<10240x128xf32, #tpu.memory_space<vmem_shared>> -> memref<64x128xf32, #tpu.memory_space<vmem_shared>>
      %dma_start3A_462 = arith.constant 0 : i32
      %dma_start3A_463 = tpu.memref_slice %arg14[%add3A_445, %dma_start3A_462] : memref<10240x128xf32, #tpu.memory_space<vmem_shared>> -> memref<64x128xf32, #tpu.memory_space<vmem_shared>>
      tpu.enqueue_dma source(%dma_start3A_463 : memref<64x128xf32, #tpu.memory_space<vmem_shared>>) target(%arg15 : memref<64x128xf32, #tpu.memory_space<vmem>>) target_semaphore(%run_scoped3A : memref<!tpu.dma_semaphore, #tpu.memory_space<semaphore_mem>>)
      %dma_wait3A_464 = arith.constant 0 : i32
      %dma_wait3A_465 = tpu.memref_slice %arg14[%add3A_445, %dma_wait3A_464] : memref<10240x128xf32, #tpu.memory_space<vmem_shared>> -> memref<64x128xf32, #tpu.memory_space<vmem_shared>>
      %dma_wait3A_466 = arith.constant 0 : i32
      %dma_wait3A_467 = tpu.memref_slice %arg14[%add3A_445, %dma_wait3A_466] : memref<10240x128xf32, #tpu.memory_space<vmem_shared>> -> memref<64x128xf32, #tpu.memory_space<vmem_shared>>
      tpu.wait_dma2 semaphore(%run_scoped3A : memref<!tpu.dma_semaphore, #tpu.memory_space<semaphore_mem>>) src(%dma_wait3A_467 : memref<64x128xf32, #tpu.memory_space<vmem_shared>>) dst(%arg15 : memref<64x128xf32, #tpu.memory_space<vmem>>)
      tpu.yield
    }) : () -> ()
    %add3A_446 = arith.constant 384 : i32
    %add3A_447 = arith.addi %mul3A_57, %add3A_446 : i32
    "tpu.region"() ({
      %run_scoped3A = tpu.sem_alloc : memref<!tpu.dma_semaphore, #tpu.memory_space<semaphore_mem>>
      %dma_start3A_460 = arith.constant 0 : i32
      %dma_start3A_461 = tpu.memref_slice %arg5[%arg0, %add3A_447, %dma_start3A_460] : memref<2x10240x128xf32, #tpu.memory_space<hbm>> -> memref<1x64x128xf32, #tpu.memory_space<hbm>>
      %dma_start3A_462 = tpu.memref_squeeze %dma_start3A_461 : memref<1x64x128xf32, #tpu.memory_space<hbm>> -> memref<64x128xf32, #tpu.memory_space<hbm>>
      %dma_start3A_463 = arith.constant 0 : i32
      %dma_start3A_464 = tpu.memref_slice %arg5[%arg0, %add3A_447, %dma_start3A_463] : memref<2x10240x128xf32, #tpu.memory_space<hbm>> -> memref<1x64x128xf32, #tpu.memory_space<hbm>>
      %dma_start3A_465 = tpu.memref_squeeze %dma_start3A_464 : memref<1x64x128xf32, #tpu.memory_space<hbm>> -> memref<64x128xf32, #tpu.memory_space<hbm>>
      tpu.enqueue_dma source(%arg15 : memref<64x128xf32, #tpu.memory_space<vmem>>) target(%dma_start3A_465 : memref<64x128xf32, #tpu.memory_space<hbm>>) target_semaphore(%run_scoped3A : memref<!tpu.dma_semaphore, #tpu.memory_space<semaphore_mem>>)
      %dma_wait3A_466 = arith.constant 0 : i32
      %dma_wait3A_467 = tpu.memref_slice %arg5[%arg0, %add3A_447, %dma_wait3A_466] : memref<2x10240x128xf32, #tpu.memory_space<hbm>> -> memref<1x64x128xf32, #tpu.memory_space<hbm>>
      %dma_wait3A_468 = tpu.memref_squeeze %dma_wait3A_467 : memref<1x64x128xf32, #tpu.memory_space<hbm>> -> memref<64x128xf32, #tpu.memory_space<hbm>>
      %dma_wait3A_469 = arith.constant 0 : i32
      %dma_wait3A_470 = tpu.memref_slice %arg5[%arg0, %add3A_447, %dma_wait3A_469] : memref<2x10240x128xf32, #tpu.memory_space<hbm>> -> memref<1x64x128xf32, #tpu.memory_space<hbm>>
      %dma_wait3A_471 = tpu.memref_squeeze %dma_wait3A_470 : memref<1x64x128xf32, #tpu.memory_space<hbm>> -> memref<64x128xf32, #tpu.memory_space<hbm>>
      tpu.wait_dma2 semaphore(%run_scoped3A : memref<!tpu.dma_semaphore, #tpu.memory_space<semaphore_mem>>) src(%arg15 : memref<64x128xf32, #tpu.memory_space<vmem>>) dst(%dma_wait3A_471 : memref<64x128xf32, #tpu.memory_space<hbm>>)
      tpu.yield
    }) : () -> ()
    %add3A_448 = arith.constant 448 : i32
    %add3A_449 = arith.addi %mul3A_57, %add3A_448 : i32
    "tpu.region"() ({
      %run_scoped3A = tpu.sem_alloc : memref<!tpu.dma_semaphore, #tpu.memory_space<semaphore_mem>>
      %dma_start3A_460 = arith.constant 0 : i32
      %dma_start3A_461 = tpu.memref_slice %arg14[%add3A_449, %dma_start3A_460] : memref<10240x128xf32, #tpu.memory_space<vmem_shared>> -> memref<64x128xf32, #tpu.memory_space<vmem_shared>>
      %dma_start3A_462 = arith.constant 0 : i32
      %dma_start3A_463 = tpu.memref_slice %arg14[%add3A_449, %dma_start3A_462] : memref<10240x128xf32, #tpu.memory_space<vmem_shared>> -> memref<64x128xf32, #tpu.memory_space<vmem_shared>>
      tpu.enqueue_dma source(%dma_start3A_463 : memref<64x128xf32, #tpu.memory_space<vmem_shared>>) target(%arg15 : memref<64x128xf32, #tpu.memory_space<vmem>>) target_semaphore(%run_scoped3A : memref<!tpu.dma_semaphore, #tpu.memory_space<semaphore_mem>>)
      %dma_wait3A_464 = arith.constant 0 : i32
      %dma_wait3A_465 = tpu.memref_slice %arg14[%add3A_449, %dma_wait3A_464] : memref<10240x128xf32, #tpu.memory_space<vmem_shared>> -> memref<64x128xf32, #tpu.memory_space<vmem_shared>>
      %dma_wait3A_466 = arith.constant 0 : i32
      %dma_wait3A_467 = tpu.memref_slice %arg14[%add3A_449, %dma_wait3A_466] : memref<10240x128xf32, #tpu.memory_space<vmem_shared>> -> memref<64x128xf32, #tpu.memory_space<vmem_shared>>
      tpu.wait_dma2 semaphore(%run_scoped3A : memref<!tpu.dma_semaphore, #tpu.memory_space<semaphore_mem>>) src(%dma_wait3A_467 : memref<64x128xf32, #tpu.memory_space<vmem_shared>>) dst(%arg15 : memref<64x128xf32, #tpu.memory_space<vmem>>)
      tpu.yield
    }) : () -> ()
    %add3A_450 = arith.constant 448 : i32
    %add3A_451 = arith.addi %mul3A_57, %add3A_450 : i32
    "tpu.region"() ({
      %run_scoped3A = tpu.sem_alloc : memref<!tpu.dma_semaphore, #tpu.memory_space<semaphore_mem>>
      %dma_start3A_460 = arith.constant 0 : i32
      %dma_start3A_461 = tpu.memref_slice %arg5[%arg0, %add3A_451, %dma_start3A_460] : memref<2x10240x128xf32, #tpu.memory_space<hbm>> -> memref<1x64x128xf32, #tpu.memory_space<hbm>>
      %dma_start3A_462 = tpu.memref_squeeze %dma_start3A_461 : memref<1x64x128xf32, #tpu.memory_space<hbm>> -> memref<64x128xf32, #tpu.memory_space<hbm>>
      %dma_start3A_463 = arith.constant 0 : i32
      %dma_start3A_464 = tpu.memref_slice %arg5[%arg0, %add3A_451, %dma_start3A_463] : memref<2x10240x128xf32, #tpu.memory_space<hbm>> -> memref<1x64x128xf32, #tpu.memory_space<hbm>>
      %dma_start3A_465 = tpu.memref_squeeze %dma_start3A_464 : memref<1x64x128xf32, #tpu.memory_space<hbm>> -> memref<64x128xf32, #tpu.memory_space<hbm>>
      tpu.enqueue_dma source(%arg15 : memref<64x128xf32, #tpu.memory_space<vmem>>) target(%dma_start3A_465 : memref<64x128xf32, #tpu.memory_space<hbm>>) target_semaphore(%run_scoped3A : memref<!tpu.dma_semaphore, #tpu.memory_space<semaphore_mem>>)
      %dma_wait3A_466 = arith.constant 0 : i32
      %dma_wait3A_467 = tpu.memref_slice %arg5[%arg0, %add3A_451, %dma_wait3A_466] : memref<2x10240x128xf32, #tpu.memory_space<hbm>> -> memref<1x64x128xf32, #tpu.memory_space<hbm>>
      %dma_wait3A_468 = tpu.memref_squeeze %dma_wait3A_467 : memref<1x64x128xf32, #tpu.memory_space<hbm>> -> memref<64x128xf32, #tpu.memory_space<hbm>>
      %dma_wait3A_469 = arith.constant 0 : i32
      %dma_wait3A_470 = tpu.memref_slice %arg5[%arg0, %add3A_451, %dma_wait3A_469] : memref<2x10240x128xf32, #tpu.memory_space<hbm>> -> memref<1x64x128xf32, #tpu.memory_space<hbm>>
      %dma_wait3A_471 = tpu.memref_squeeze %dma_wait3A_470 : memref<1x64x128xf32, #tpu.memory_space<hbm>> -> memref<64x128xf32, #tpu.memory_space<hbm>>
      tpu.wait_dma2 semaphore(%run_scoped3A : memref<!tpu.dma_semaphore, #tpu.memory_space<semaphore_mem>>) src(%arg15 : memref<64x128xf32, #tpu.memory_space<vmem>>) dst(%dma_wait3A_471 : memref<64x128xf32, #tpu.memory_space<hbm>>)
      tpu.yield
    }) : () -> ()
    %add3A_452 = arith.constant 512 : i32
    %add3A_453 = arith.addi %mul3A_57, %add3A_452 : i32
    "tpu.region"() ({
      %run_scoped3A = tpu.sem_alloc : memref<!tpu.dma_semaphore, #tpu.memory_space<semaphore_mem>>
      %dma_start3A_460 = arith.constant 0 : i32
      %dma_start3A_461 = tpu.memref_slice %arg14[%add3A_453, %dma_start3A_460] : memref<10240x128xf32, #tpu.memory_space<vmem_shared>> -> memref<64x128xf32, #tpu.memory_space<vmem_shared>>
      %dma_start3A_462 = arith.constant 0 : i32
      %dma_start3A_463 = tpu.memref_slice %arg14[%add3A_453, %dma_start3A_462] : memref<10240x128xf32, #tpu.memory_space<vmem_shared>> -> memref<64x128xf32, #tpu.memory_space<vmem_shared>>
      tpu.enqueue_dma source(%dma_start3A_463 : memref<64x128xf32, #tpu.memory_space<vmem_shared>>) target(%arg15 : memref<64x128xf32, #tpu.memory_space<vmem>>) target_semaphore(%run_scoped3A : memref<!tpu.dma_semaphore, #tpu.memory_space<semaphore_mem>>)
      %dma_wait3A_464 = arith.constant 0 : i32
      %dma_wait3A_465 = tpu.memref_slice %arg14[%add3A_453, %dma_wait3A_464] : memref<10240x128xf32, #tpu.memory_space<vmem_shared>> -> memref<64x128xf32, #tpu.memory_space<vmem_shared>>
      %dma_wait3A_466 = arith.constant 0 : i32
      %dma_wait3A_467 = tpu.memref_slice %arg14[%add3A_453, %dma_wait3A_466] : memref<10240x128xf32, #tpu.memory_space<vmem_shared>> -> memref<64x128xf32, #tpu.memory_space<vmem_shared>>
      tpu.wait_dma2 semaphore(%run_scoped3A : memref<!tpu.dma_semaphore, #tpu.memory_space<semaphore_mem>>) src(%dma_wait3A_467 : memref<64x128xf32, #tpu.memory_space<vmem_shared>>) dst(%arg15 : memref<64x128xf32, #tpu.memory_space<vmem>>)
      tpu.yield
    }) : () -> ()
    %add3A_454 = arith.constant 512 : i32
    %add3A_455 = arith.addi %mul3A_57, %add3A_454 : i32
    "tpu.region"() ({
      %run_scoped3A = tpu.sem_alloc : memref<!tpu.dma_semaphore, #tpu.memory_space<semaphore_mem>>
      %dma_start3A_460 = arith.constant 0 : i32
      %dma_start3A_461 = tpu.memref_slice %arg5[%arg0, %add3A_455, %dma_start3A_460] : memref<2x10240x128xf32, #tpu.memory_space<hbm>> -> memref<1x64x128xf32, #tpu.memory_space<hbm>>
      %dma_start3A_462 = tpu.memref_squeeze %dma_start3A_461 : memref<1x64x128xf32, #tpu.memory_space<hbm>> -> memref<64x128xf32, #tpu.memory_space<hbm>>
      %dma_start3A_463 = arith.constant 0 : i32
      %dma_start3A_464 = tpu.memref_slice %arg5[%arg0, %add3A_455, %dma_start3A_463] : memref<2x10240x128xf32, #tpu.memory_space<hbm>> -> memref<1x64x128xf32, #tpu.memory_space<hbm>>
      %dma_start3A_465 = tpu.memref_squeeze %dma_start3A_464 : memref<1x64x128xf32, #tpu.memory_space<hbm>> -> memref<64x128xf32, #tpu.memory_space<hbm>>
      tpu.enqueue_dma source(%arg15 : memref<64x128xf32, #tpu.memory_space<vmem>>) target(%dma_start3A_465 : memref<64x128xf32, #tpu.memory_space<hbm>>) target_semaphore(%run_scoped3A : memref<!tpu.dma_semaphore, #tpu.memory_space<semaphore_mem>>)
      %dma_wait3A_466 = arith.constant 0 : i32
      %dma_wait3A_467 = tpu.memref_slice %arg5[%arg0, %add3A_455, %dma_wait3A_466] : memref<2x10240x128xf32, #tpu.memory_space<hbm>> -> memref<1x64x128xf32, #tpu.memory_space<hbm>>
      %dma_wait3A_468 = tpu.memref_squeeze %dma_wait3A_467 : memref<1x64x128xf32, #tpu.memory_space<hbm>> -> memref<64x128xf32, #tpu.memory_space<hbm>>
      %dma_wait3A_469 = arith.constant 0 : i32
      %dma_wait3A_470 = tpu.memref_slice %arg5[%arg0, %add3A_455, %dma_wait3A_469] : memref<2x10240x128xf32, #tpu.memory_space<hbm>> -> memref<1x64x128xf32, #tpu.memory_space<hbm>>
      %dma_wait3A_471 = tpu.memref_squeeze %dma_wait3A_470 : memref<1x64x128xf32, #tpu.memory_space<hbm>> -> memref<64x128xf32, #tpu.memory_space<hbm>>
      tpu.wait_dma2 semaphore(%run_scoped3A : memref<!tpu.dma_semaphore, #tpu.memory_space<semaphore_mem>>) src(%arg15 : memref<64x128xf32, #tpu.memory_space<vmem>>) dst(%dma_wait3A_471 : memref<64x128xf32, #tpu.memory_space<hbm>>)
      tpu.yield
    }) : () -> ()
    %add3A_456 = arith.constant 576 : i32
    %add3A_457 = arith.addi %mul3A_57, %add3A_456 : i32
    "tpu.region"() ({
      %run_scoped3A = tpu.sem_alloc : memref<!tpu.dma_semaphore, #tpu.memory_space<semaphore_mem>>
      %dma_start3A_460 = arith.constant 0 : i32
      %dma_start3A_461 = tpu.memref_slice %arg14[%add3A_457, %dma_start3A_460] : memref<10240x128xf32, #tpu.memory_space<vmem_shared>> -> memref<64x128xf32, #tpu.memory_space<vmem_shared>>
      %dma_start3A_462 = arith.constant 0 : i32
      %dma_start3A_463 = tpu.memref_slice %arg14[%add3A_457, %dma_start3A_462] : memref<10240x128xf32, #tpu.memory_space<vmem_shared>> -> memref<64x128xf32, #tpu.memory_space<vmem_shared>>
      tpu.enqueue_dma source(%dma_start3A_463 : memref<64x128xf32, #tpu.memory_space<vmem_shared>>) target(%arg15 : memref<64x128xf32, #tpu.memory_space<vmem>>) target_semaphore(%run_scoped3A : memref<!tpu.dma_semaphore, #tpu.memory_space<semaphore_mem>>)
      %dma_wait3A_464 = arith.constant 0 : i32
      %dma_wait3A_465 = tpu.memref_slice %arg14[%add3A_457, %dma_wait3A_464] : memref<10240x128xf32, #tpu.memory_space<vmem_shared>> -> memref<64x128xf32, #tpu.memory_space<vmem_shared>>
      %dma_wait3A_466 = arith.constant 0 : i32
      %dma_wait3A_467 = tpu.memref_slice %arg14[%add3A_457, %dma_wait3A_466] : memref<10240x128xf32, #tpu.memory_space<vmem_shared>> -> memref<64x128xf32, #tpu.memory_space<vmem_shared>>
      tpu.wait_dma2 semaphore(%run_scoped3A : memref<!tpu.dma_semaphore, #tpu.memory_space<semaphore_mem>>) src(%dma_wait3A_467 : memref<64x128xf32, #tpu.memory_space<vmem_shared>>) dst(%arg15 : memref<64x128xf32, #tpu.memory_space<vmem>>)
      tpu.yield
    }) : () -> ()
    %add3A_458 = arith.constant 576 : i32
    %add3A_459 = arith.addi %mul3A_57, %add3A_458 : i32
    "tpu.region"() ({
      %run_scoped3A = tpu.sem_alloc : memref<!tpu.dma_semaphore, #tpu.memory_space<semaphore_mem>>
      %dma_start3A_460 = arith.constant 0 : i32
      %dma_start3A_461 = tpu.memref_slice %arg5[%arg0, %add3A_459, %dma_start3A_460] : memref<2x10240x128xf32, #tpu.memory_space<hbm>> -> memref<1x64x128xf32, #tpu.memory_space<hbm>>
      %dma_start3A_462 = tpu.memref_squeeze %dma_start3A_461 : memref<1x64x128xf32, #tpu.memory_space<hbm>> -> memref<64x128xf32, #tpu.memory_space<hbm>>
      %dma_start3A_463 = arith.constant 0 : i32
      %dma_start3A_464 = tpu.memref_slice %arg5[%arg0, %add3A_459, %dma_start3A_463] : memref<2x10240x128xf32, #tpu.memory_space<hbm>> -> memref<1x64x128xf32, #tpu.memory_space<hbm>>
      %dma_start3A_465 = tpu.memref_squeeze %dma_start3A_464 : memref<1x64x128xf32, #tpu.memory_space<hbm>> -> memref<64x128xf32, #tpu.memory_space<hbm>>
      tpu.enqueue_dma source(%arg15 : memref<64x128xf32, #tpu.memory_space<vmem>>) target(%dma_start3A_465 : memref<64x128xf32, #tpu.memory_space<hbm>>) target_semaphore(%run_scoped3A : memref<!tpu.dma_semaphore, #tpu.memory_space<semaphore_mem>>)
      %dma_wait3A_466 = arith.constant 0 : i32
      %dma_wait3A_467 = tpu.memref_slice %arg5[%arg0, %add3A_459, %dma_wait3A_466] : memref<2x10240x128xf32, #tpu.memory_space<hbm>> -> memref<1x64x128xf32, #tpu.memory_space<hbm>>
      %dma_wait3A_468 = tpu.memref_squeeze %dma_wait3A_467 : memref<1x64x128xf32, #tpu.memory_space<hbm>> -> memref<64x128xf32, #tpu.memory_space<hbm>>
      %dma_wait3A_469 = arith.constant 0 : i32
      %dma_wait3A_470 = tpu.memref_slice %arg5[%arg0, %add3A_459, %dma_wait3A_469] : memref<2x10240x128xf32, #tpu.memory_space<hbm>> -> memref<1x64x128xf32, #tpu.memory_space<hbm>>
      %dma_wait3A_471 = tpu.memref_squeeze %dma_wait3A_470 : memref<1x64x128xf32, #tpu.memory_space<hbm>> -> memref<64x128xf32, #tpu.memory_space<hbm>>
      tpu.wait_dma2 semaphore(%run_scoped3A : memref<!tpu.dma_semaphore, #tpu.memory_space<semaphore_mem>>) src(%arg15 : memref<64x128xf32, #tpu.memory_space<vmem>>) dst(%dma_wait3A_471 : memref<64x128xf32, #tpu.memory_space<hbm>>)
      tpu.yield
    }) : () -> ()
    return
  }
}

module attributes {stable_mosaic.version = 14 : i64} {
  func.func @_final_body(%arg0: i32, %arg1: memref<2x400x128xf32, #tpu.memory_space<vmem>>, %arg2: memref<400x128xf32, #tpu.memory_space<vmem>>, %arg3: memref<400x1xf32, #tpu.memory_space<vmem>>, %arg4: memref<128x128xf32, #tpu.memory_space<vmem>>, %arg5: memref<1x128xf32, #tpu.memory_space<vmem>>, %arg6: memref<400x128xf32, #tpu.memory_space<vmem>>) attributes {dimension_semantics = [#tpu.dimension_semantics<arbitrary>], iteration_bounds = array<i64: 25>, scalar_prefetch = 0 : i64, scratch_operands = 0 : i64, tpu.core_type = #tpu.core_type<tc>, window_params = [{transform_indices = @transform_0, window_bounds = array<i64: 2, 400, 128>}, {transform_indices = @transform_1, window_bounds = array<i64: 400, 128>}, {transform_indices = @transform_2, window_bounds = array<i64: 400, 1>}, {pipeline_mode = #tpu.pipeline_mode<synchronous>, transform_indices = @transform_3, window_bounds = array<i64: 128, 128>}, {pipeline_mode = #tpu.pipeline_mode<synchronous>, transform_indices = @transform_4, window_bounds = array<i64: 1, 128>}, {transform_indices = @transform_5, window_bounds = array<i64: 400, 128>}]} {
    %get3A = arith.constant 0 : index
    %get3A_0 = arith.constant 0 : index
    %get3A_1 = arith.constant 0 : index
    %get3A_2 = vector.load %arg1[%get3A, %get3A_0, %get3A_1] : memref<2x400x128xf32, #tpu.memory_space<vmem>>, vector<1x400x128xf32>
    %get3A_3 = vector.shape_cast %get3A_2 : vector<1x400x128xf32> to vector<400x128xf32>
    %get3A_4 = arith.constant 1 : index
    %get3A_5 = arith.constant 0 : index
    %get3A_6 = arith.constant 0 : index
    %get3A_7 = vector.load %arg1[%get3A_4, %get3A_5, %get3A_6] : memref<2x400x128xf32, #tpu.memory_space<vmem>>, vector<1x400x128xf32>
    %get3A_8 = vector.shape_cast %get3A_7 : vector<1x400x128xf32> to vector<400x128xf32>
    %add3A = arith.addf %get3A_3, %get3A_8 : vector<400x128xf32>
    %get3A_9 = arith.constant 0 : index
    %get3A_10 = arith.constant 0 : index
    %get3A_11 = vector.load %arg2[%get3A_9, %get3A_10] : memref<400x128xf32, #tpu.memory_space<vmem>>, vector<400x128xf32>
    %add3A_12 = arith.addf %add3A, %get3A_11 : vector<400x128xf32>
    %get3A_13 = arith.constant 0 : index
    %get3A_14 = arith.constant 0 : index
    %get3A_15 = vector.load %arg3[%get3A_13, %get3A_14] : memref<400x1xf32, #tpu.memory_space<vmem>>, vector<400x1xf32>
    %mul3A = vector.broadcast %get3A_15 : vector<400x1xf32> to vector<400x128xf32>
    %mul3A_16 = arith.mulf %add3A_12, %mul3A : vector<400x128xf32>
    %get3A_17 = arith.constant 0 : index
    %get3A_18 = arith.constant 0 : index
    %get3A_19 = vector.load %arg4[%get3A_17, %get3A_18] : memref<128x128xf32, #tpu.memory_space<vmem>>, vector<128x128xf32>
    %dot_general3A = arith.constant dense<0.000000e+00> : vector<400x128xf32>
    %dot_general3A_20 = tpu.matmul %mul3A_16, %get3A_19, %dot_general3A {dimension_numbers = #tpu.dot_dimension_numbers<[1], [0], [0], [1], [0, 0, 1, 1], [], []>, transpose_lhs_hint = false} : vector<400x128xf32>, vector<128x128xf32>, vector<400x128xf32> -> vector<400x128xf32>
    %get3A_21 = arith.constant 0 : index
    %get3A_22 = arith.constant 0 : index
    %get3A_23 = vector.load %arg5[%get3A_21, %get3A_22] : memref<1x128xf32, #tpu.memory_space<vmem>>, vector<1x128xf32>
    %add3A_24 = vector.broadcast %get3A_23 : vector<1x128xf32> to vector<400x128xf32>
    %add3A_25 = arith.addf %dot_general3A_20, %add3A_24 : vector<400x128xf32>
    %max3A = arith.constant 0.000000e+00 : f32
    %max3A_26 = vector.broadcast %max3A : f32 to vector<400x128xf32>
    %max3A_27 = arith.maximumf %add3A_25, %max3A_26 : vector<400x128xf32>
    %swap3A = arith.constant 0 : index
    %swap3A_28 = arith.constant 0 : index
    %swap3A_29 = vector.load %arg6[%swap3A, %swap3A_28] : memref<400x128xf32, #tpu.memory_space<vmem>>, vector<400x128xf32>
    tpu.vector_store %arg6[%swap3A, %swap3A_28], %max3A_27 {strides = array<i32>} : memref<400x128xf32, #tpu.memory_space<vmem>>, vector<400x128xf32>,
    return
  }
  func.func @transform_0(%arg0: i32) -> (i32, i32, i32) {
    %c0_i32 = arith.constant 0 : i32
    %c0_i32_0 = arith.constant 0 : i32
    %c0_i32_1 = arith.constant 0 : i32
    return %c0_i32, %arg0, %c0_i32_0 : i32, i32, i32
  }
  func.func @transform_1(%arg0: i32) -> (i32, i32) {
    %c0_i32 = arith.constant 0 : i32
    %c0_i32_0 = arith.constant 0 : i32
    return %arg0, %c0_i32 : i32, i32
  }
  func.func @transform_2(%arg0: i32) -> (i32, i32) {
    %c0_i32 = arith.constant 0 : i32
    %c0_i32_0 = arith.constant 0 : i32
    return %arg0, %c0_i32 : i32, i32
  }
  func.func @transform_3(%arg0: i32) -> (i32, i32) {
    %c0_i32 = arith.constant 0 : i32
    %c0_i32_0 = arith.constant 0 : i32
    %c0_i32_1 = arith.constant 0 : i32
    return %c0_i32, %c0_i32_0 : i32, i32
  }
  func.func @transform_4(%arg0: i32) -> (i32, i32) {
    %c0_i32 = arith.constant 0 : i32
    %c0_i32_0 = arith.constant 0 : i32
    %c0_i32_1 = arith.constant 0 : i32
    return %c0_i32, %c0_i32_0 : i32, i32
  }
  func.func @transform_5(%arg0: i32) -> (i32, i32) {
    %c0_i32 = arith.constant 0 : i32
    %c0_i32_0 = arith.constant 0 : i32
    return %arg0, %c0_i32 : i32, i32
  }
}

</mosaic_0001>

<sc_bundles>
// kernel: kernel.5.cloned.1.call-start
scs
__scs_entry_jumppad:
0x0: {  	(pc) =	sbr.rel $0x88, $3  }
0x1: {  	(tag) =	ssettag $0x0;
	lr =	simm.s32 $0x1  }
0x2: {  	[smem:$0x3F9D] =	sst lr;
	_ =	strace $0xD0000000  }
0x3: {  	_ = 	snop  }
0x4: {  	_ = 	snop  }
0x5: {  	_ = 	snop  }
0x6: {  	_ = 	snop  }
0x7: {  	_ = 	snop  }
__scs_overlays_trampoline_lowered:
0x8: {  	[smem:$0x3FAC] =	sst s0  }
0x9: {  	[smem:$0x3FAD] =	sst s1  }
0xa: {  	[smem:$0x3FAE] =	sst s2  }
0xb: {  	[smem:$0x3FAF] =	sst s3  }
0xc: {  	[smem:$0x3FB0] =	sst s4  }
0xd: {  	[smem:$0x3FB1] =	sst s5  }
0xe: {  	[smem:$0x3FB2] =	sst s6  }
0xf: {  	[smem:$0x3FB3] =	sst s7  }
0x10: {  	[smem:$0x3FB4] =	sst s8  }
0x11: {  	[smem:$0x3FB5] =	sst s9;
	s0 =	simm.s32 @!p0 $0x0  }
0x12: {  	s1 =	sld [smem:$0x3F9B];
	s0 =	simm.s32 @p0 $0x1  }
0x13: {  	[smem:$0x3FB6] =	sst s0;
	s0 =	simm.s32 @!p1 $0x0  }
0x14: {  	s2 =	sld [smem:$0x3F9A];
	s0 =	simm.s32 @p1 $0x1  }
0x15: {  	[smem:$0x3FB7] =	sst s0;
	s0 =	simm.s32 @!p2 $0x0  }
0x16: {  	s3 =	sld [smem:$0x3FDB];
	s0 =	simm.s32 @p2 $0x1  }
0x17: {  	s4 =	simm.s32 $0x1BF5;
	[smem:$0x3FB9] =	sst s0  }
0x18: {  	s0 =	sld [smem:$0x3F9C];
	_ =	swait.ge [sflag:s4], $0x0  }
0x19: {  	s7 =	sld [smem:$0x3F9D]  }
0x1a: {  	s8 =	sadd.s32 $0xFFFFE003, lr  }
0x1b: {  	s9 =	sadd.s32 $0xFFFFFEF7, lr;
	s5 =	simm.s32 $0xFFFFFFFF;
	p2 =	slt.u32 s8, $0xFFFFF086  }
0x1c: {  	p1 =	slt.u32 s9, $0xF7A;
	s5 =	simm.s32 @!p2 $0x0  }
0x1d: {  	s5 =	simm.s32 @p1 $0x1;
	p0 =	seq.s32 s7, s2  }
0x1e: {  	s7 =	smul.u32 @!p0 $0xF7A, s2;
	p2 =	seq.s32 @!p0 s5, $0x0  }
0x1f: {  	s9 =	smul.u32 $0xF7A, s1;
	s8 =	simm.s32 @!p0 $0x1BF5;
	p2 =	por !p2, p0  }
0x20: {  	[sflag:s8] =	ssyncset.s32 @!p0 $0xFFFFF086;
	s6 =	sadd.s32 @!p0 s3, s7;
	s7 =	simm.s32 @!p0 $0x108  }
0x21: {  	s3 =	sadd.s32 s3, s9;
	s6 =	sadd.s32 @!p0 $0x88, s6;
	s7 =	simm.s32 @p2 $0x1082  }
0x22: {  	[simem:s7], [sflag:s8] =	dma.local @!p0 [hbm:s6], $0xF7A  }
0x23: {  	s9 =	sor.u32 $0xD0000000, s2;
	s6 =	simm.s32 $0x108;
	_ =	swait.ge @!p0 [sflag:s8], $0x0  }
0x24: {  	s3 =	sadd.s32 $0x88, s3;
	s6 =	simm.s32 @!p1 $0x1082;
	[sflag:s4] =	ssyncset.s32 $0xFFFFF086  }
0x25: {  	[simem:s6], [sflag:s4] =	dma.local [hbm:s3], $0xF7A  }
0x26: {  	[smem:$0x3F9D] =	sst s1;
	(tag) =	ssettag s2;
	_ =	strace s9  }
0x27: {  	s1 =	sld [smem:$0x3FAD]  }
0x28: {  	s2 =	sld [smem:$0x3FAE]  }
0x29: {  	s4 =	sld [smem:$0x3FB0]  }
0x2a: {  	p0 =	seq.s32 s5, $0x0;
	s5 =	sld [smem:$0x3FB1]  }
0x2b: {  	s6 =	sld [smem:$0x3FB2]  }
0x2c: {  	s7 =	sld [smem:$0x3FB3]  }
0x2d: {  	s3 =	simm.s32 $0x108;
	s8 =	sld [smem:$0x3FB4]  }
0x2e: {  	s3 =	simm.s32 @!p0 $0x1082;
	s9 =	sld [smem:$0x3FB5]  }
0x2f: {  	lr =	sadd.s32 s0, s3;
	s0 =	sld [smem:$0x3FAC]  }
0x30: {  	s3 =	sld [smem:$0x3FAF]  }
0x31: {  	[smem:$0x3FB8] =	sst s10  }
0x32: {  	s10 =	sld [smem:$0x3FB6];
	_ =	sdelay $0x3  }
0x33: {  	p0 =	seq.s32 s10, $0x1;
	s10 =	sld [smem:$0x3FB8];
	_ =	sdelay $0x3  }
0x34: {  	[smem:$0x3FB8] =	sst s10  }
0x35: {  	s10 =	sld [smem:$0x3FB7];
	_ =	sdelay $0x3  }
0x36: {  	p1 =	seq.s32 s10, $0x1;
	s10 =	sld [smem:$0x3FB8];
	_ =	sdelay $0x3  }
0x37: {  	[smem:$0x3FB8] =	sst s10  }
0x38: {  	s10 =	sld [smem:$0x3FB9]  }
0x39: {  	_ = 	snop;
	(pc) =	sbr.ind lr, $3  }
0x3a: {  	_ = 	snop  }
0x3b: {  	_ = 	snop  }
0x3c: {  	p2 =	seq.s32 s10, $0x1;
	s10 =	sld [smem:$0x3FB8]  }
0x3d: {  	_ =	shalt  }
0x3e: {  	_ =	shalt  }
0x3f: {  	_ =	shalt  }
0x40: {  	_ =	shalt  }
0x41: {  	_ =	shalt  }
0x42: {  	_ =	shalt  }
0x43: {  	_ =	shalt  }
0x44: {  	_ =	shalt  }
0x45: {  	_ =	shalt  }
0x46: {  	_ =	shalt  }
0x47: {  	_ =	shalt  }
0x48: {  	_ =	shalt  }
0x49: {  	_ =	shalt  }
0x4a: {  	_ =	shalt  }
0x4b: {  	_ =	shalt  }
0x4c: {  	_ =	shalt  }
0x4d: {  	_ =	shalt  }
0x4e: {  	_ =	shalt  }
0x4f: {  	_ =	shalt  }
0x50: {  	_ =	shalt  }
0x51: {  	_ =	shalt  }
0x52: {  	_ =	shalt  }
0x53: {  	_ =	shalt  }
0x54: {  	_ =	shalt  }
0x55: {  	_ =	shalt  }
0x56: {  	_ =	shalt  }
0x57: {  	_ =	shalt  }
0x58: {  	_ =	shalt  }
0x59: {  	_ =	shalt  }
0x5a: {  	_ =	shalt  }
0x5b: {  	_ =	shalt  }
0x5c: {  	_ =	shalt  }
0x5d: {  	_ =	shalt  }
0x5e: {  	_ =	shalt  }
0x5f: {  	_ =	shalt  }
0x60: {  	_ =	shalt  }
0x61: {  	_ =	shalt  }
0x62: {  	_ =	shalt  }
0x63: {  	_ =	shalt  }
0x64: {  	_ =	shalt  }
0x65: {  	_ =	shalt  }
0x66: {  	_ =	shalt  }
0x67: {  	_ =	shalt  }
0x68: {  	_ =	shalt  }
0x69: {  	_ =	shalt  }
0x6a: {  	_ =	shalt  }
0x6b: {  	_ =	shalt  }
0x6c: {  	_ =	shalt  }
0x6d: {  	_ =	shalt  }
0x6e: {  	_ =	shalt  }
0x6f: {  	_ =	shalt  }
0x70: {  	_ =	shalt  }
0x71: {  	_ =	shalt  }
0x72: {  	_ =	shalt  }
0x73: {  	_ =	shalt  }
0x74: {  	_ =	shalt  }
0x75: {  	_ =	shalt  }
0x76: {  	_ =	shalt  }
0x77: {  	_ =	shalt  }
0x78: {  	_ =	shalt  }
0x79: {  	_ =	shalt  }
0x7a: {  	_ =	shalt  }
0x7b: {  	_ =	shalt  }
0x7c: {  	_ =	shalt  }
0x7d: {  	_ =	shalt  }
0x7e: {  	_ =	shalt  }
0x7f: {  	_ =	shalt  }
0x80: {  	_ =	shalt  }
0x81: {  	_ =	shalt  }
0x82: {  	_ =	shalt  }
0x83: {  	_ =	shalt  }
0x84: {  	_ =	shalt  }
0x85: {  	_ =	shalt  }
0x86: {  	_ =	shalt  }
0x87: {  	_ =	shalt  }
.Lfunc_end0:
.L_simem_size_0:
called_computation_lowered:
.L_overlay_start_0:
0x88: {  	s2 =	sld [smem:$0x3FD9]  }
0x89: {  	s3 =	sld [smem:$0x3FFE];
	_ =	sdelay $0x1  }
0x8a: {  	s1 =	srdreg.scid  }
0x8b: {  	s0 =	sand.u32 $0x1, s1  }
0x8c: {  	s16 =	sshll.u32 s0, $0xA;
	s2 =	sadd.s32 s3, s2  }
0x8d: {  	s2 =	sadd.s32 s2, s16  }
0x8e: {  	[smem:$0x3FC4] =	sst s2  }
0x8f: {  	_ = 	snop  }
0x90: {  	(tm) =	ssettm $0x1  }
0x91: {  	s17 =	sld [smem:$0x3FFB];
	_ =	sdelay $0x3  }
0x92: {  	_ =	strace s17  }
0x93: {  	s2 =	sld [smem:$0x3FFC];
	_ =	sdelay $0x3  }
0x94: {  	_ =	strace s2  }
0x95: {  	s2 =	sld [smem:$0x3FFD];
	_ =	sdelay $0x3  }
0x96: {  	_ =	strace s2  }
0x97: {  	_ =	strace $0x8FFFFFFF  }
0x98: {  	s18 =	sld [smem:$0x3FDB];
	_ =	sdelay $0x1  }
0x99: {  	s19 =	simm.s32 $_scs_section_size  }
0x9a: {  	s4 =	simm.s32 $_size__tile_overlayer_lowered;
	s5 =	simm.s32 $_tile_overlayer_lowered  }
0x9b: {  	s22 =	simm.s32 $0x1BFF;
	s21 =	sshll.u32 s5, $0x1;
	s2 =	sadd.s32 s19, s18  }
0x9c: {  	s6 =	simm.s32 $0x0;
	s20 =	sshll.u32 s4, $0x1;
	s4 =	sadd.s32 s21, s2  }
0x9d: {  	[timem:s6], [sflag:s22] =	dma.local [hbm:s4], s20  }
0x9e: {  	_ =	swait.ge [sflag:s22], s20  }
0x9f: {  	s3 =	ssub.s32 $0x0, s20;
	[sflag:s22] =	ssyncset.done $0x0  }
0xa0: {  	[sflag:s22] =	ssyncadd.s32 s3;
	_ =	sdelay $0x1  }
0xa1: {  	s23 =	simm.s32 $0x1B8B  }
0xa2: {  	_ =	swait.ge [sflag:s23], $0x1  }
0xa3: {  	[sflag:s23] =	ssyncset.done $0x0  }
0xa4: {  	s25 =	simm.s32 $0x1B8E;
	s24 =	sld [smem:$0x3FFE];
	[sflag:s23] =	ssyncadd.s32 $0xFFFFFFFF  }
0xa5: {  	s26 =	simm.s32 $execute0_lowered;
	[smem:$0x3FD2] =	sst s25  }
0xa6: {  	s4 =	sshll.u32 s26, $0x1;
	_ =	strace $0x80000046;
	[dreg:$0x1] =	wrdreg $0xFFFFFFFF  }
0xa7: {  	s28 =	simm.s32 $_size_execute0_lowered;
	s2 =	sadd.s32 s2, s4;
	[dreg:$0x0] =	wrdreg $0x0  }
0xa8: {  	s4 =	sshll.u32 s28, $0x1;
	[dreg:$0x2] =	wrdreg s2  }
0xa9: {  	[dreg:$0x3] =	wrdreg s4  }
0xaa: {  	[dreg:$0x4] =	wrdreg $0xC0  }
0xab: {  	_ =	task [dreg:s6], $0x5FFFF  }
0xac: {  	[dreg:$0x1] =	wrdreg $0xFFFFFFFF  }
0xad: {  	[dreg:$0x0] =	wrdreg $0x60  }
0xae: {  	[dreg:$0x2] =	wrdreg s24  }
0xaf: {  	[dreg:$0x3] =	wrdreg $0x38000  }
0xb0: {  	[dreg:$0x4] =	wrdreg $0x9  }
0xb1: {  	_ =	task.clear_ibuf [dreg:s6], $0x5FFFF;
	_ =	strace $0x90000046  }
0xb2: {  	s29 =	simm.s32 $0x9;
	_ =	strace $0x80000048  }
0xb3: {  	_ =	swait.ge [sflag:s29], $0x1  }
0xb4: {  	[sflag:s29] =	ssyncadd.s32 $0xFFFFFFFF  }
0xb5: {  	_ =	strace $0x90000048  }
0xb6: {  	_ =	sfence  }
0xb7: {  	s30 =	sld [smem:$0x0];
	_ =	sdelay $0x2  }
0xb8: {  	s31 =	sshll.u32 s1, $0xD;
	s1 =	sshrl.u32 s1, $0x2  }
0xb9: {  	s3 =	sand.u32 $0x4000, s31;
	s1 =	sadd.s32 s1, s30  }
0xba: {  	s0 =	sor.u32 s3, s0;
	s1 =	sshll.u32 s1, $0x11  }
0xbb: {  	s0 =	sor.u32 s1, s0  }
0xbc: {  	s0 =	sadd.s32 $0x8F2B, s0  }
0xbd: {  	[sflag:s0] =	ssyncadd.remote.s32 $0x1  }
0xbe: {  	_ =	sfence.sel $0xFFFF  }
0xbf: {  	[dreg:$0x0] =	wrdreg $0xFFFFFFFF;
	(pc) =	sbr.abs _section_cstart, $3  }
0xc0: {  	[dreg:$0x1] =	wrdreg $0xFFFFFFFF  }
0xc1: {  	_ =	task.clear_ibuf [dreg:s6], $0x2FFFF;
	_ =	strace $0x9FFFFFFF  }
0xc2: {  	(tm) =	ssettm $0x7FFFFFFF  }
0xc3: {  	_ =	shalt  }
tec
execute0_lowered:
.L_overlay_start_1:
0x0: {  	(tag) =	ssettag $0x1  }
0x1: {  	s0 =	rddreg [dreg:$0x0]  }
0x2: {  	s1 =	rddreg [dreg:$0x1];
	s12 =	stileid.u32  }
0x3: {  	s3 =	srdreg.scid;
	s2 =	simm.s32 $0x0;
	s17 =	simm.s32 $0x800  }
0x4: {  	s18 =	simm.s32 $0x1;
	s19 =	simm.s32 $0x1000;
	s20 =	simm.s32 $0x2  }
0x5: {  	s21 =	simm.s32 $0x80;
	s28 =	simm.s32 $0x4;
	s29 =	simm.s32 $0x5  }
0x6: {  	s30 =	simm.s32 $0x6000;
	s31 =	simm.s32 $0x0;
	s5 =	smul.u32 $0x280, s12  }
0x7: {  	s25 =	sand.u32 $0x1, s3;
	[smem:$0x7FF] =	sst s2;
	s9 =	smul.u32 $0x4E20, s12  }
0x8: {  	s4 =	sadd.s32 $0x1400, s0;
	s7 =	sshrl.u32 s12, $0x3;
	s11 =	smul.u32 $0x5000, s12  }
0x9: {  	s12 =	sshll.u32 s12, $0x7;
	s3 =	smul.u32 $0x140, s25;
	_ =	strace $0x80000047  }
0xa: {  	s22 =	ssub.s32 $0x2, s25;
	s10 =	smul.u32 $0x50000, s7;
	s12 =	sand.u32 $0x380, s12  }
0xb: {  	p0 =	sne.s32 s25, $0x0;
	s25 =	simm.s32 $0x6500;
	s6 =	sshrl.u32 s5, $0x3  }
0xc: {  	s23 =	sshrl.u32 s22, $0x1;
	s24 =	sshrl.u32 s9, $0x3;
	s8 =	sadd.s32 $0xFA0, s9  }
0xd: {  	s9 =	sadd.s32 $0x1770, s9;
	s11 =	sshrl.u32 s11, $0x2;
	s13 =	sadd.s32 s6, s0  }
0xe: {  	s5 =	sadd.s32 s3, s5;
	s6 =	sadd.s32 s4, s24;
	s10 =	sshrl.u32 s10, $0x2  }
0xf: {  	s24 =	simm.s32 $0x6280;
	s5 =	sshll.u32 s5, $0x4;
	s7 =	sadd.s32 $0xFA, s6  }
0x10: {  	s14 =	sadd.s32 s10, s1;
	s10 =	sadd.s32 s11, s1;
	s13 =	sadd.s32 $0x33200, s13  }
0x11: {  	s1 =	simm.s32 $0x6780;
	s0 =	sadd.s32 s5, s0;
	s5 =	ssub.s32 s22, s23  }
0x12: {  	s11 =	sadd.s32 s12, s14;
	s12 =	sadd.s32 $0x80, s10;
	s22 =	simm.s32 $0x400  }
0x13: {  	s23 =	simm.s32 $0x6;
	s26 =	sadd.s32 $0xB200, s0;
	s14 =	sadd.s32 $0x33800, s0  }
0x14: {  	v0 =	vimm.f32 $0.0e+00;
	v1 =	vimm.f32 $1.000000000e+00;
	s15 =	smax.u32 s5, $0x1;
	[dreg:$0x3] =	wrdreg s26;
	s26 =	simm.s32 $0x3  }
.LBB2_1:
0x15: {  	s0 =	rddreg [dreg:$0x3]  }
0x16: {  	[tilespmem:s1], [sflag:$0x5] =	stream.linear.gather [hbm4b:s0+s2], $0xA000, $0x38;
	[tilespmem:$0x10780] =	vst v63  }
0x17: {  	_ = 	snop  }
0x18: {  	[tilespmem:s2], [sflag:$0x1] =	stream.linear.gather [hbm4b:s6+s2], $0x7D0, $0x38;
	[tilespmem:$0x10780] =	vst v63  }
0x19: {  	s1 =	simm.s32 $0x0;
	s0 =	simm.s32 $0x200  }
0x1a: {  	[tilespmem:s17], [sflag:$0x2] =	stream.linear.gather [hbm4b:s7+s2], $0x7D0, $0x38;
	[tilespmem:$0x10780] =	vst v63  }
.LBB2_2:
0x1b: {  	p1 =	sne.s32 s0, $0x9E00;
	[tilespmem:s1+$0x1070] =	vst v0  }
0x1c: {  	[tilespmem:s1+$0x1000] =	vst v0  }
0x1d: {  	[tilespmem:s1+$0x1010] =	vst v0  }
.Ltmp0:
0x1e: {  	[tilespmem:s1+$0x1020] =	vst v0;
	(pc) =	sbr.rel @p1 .LBB2_2-.Ltmp0, $4  }
0x1f: {  	[tilespmem:s1+$0x1030] =	vst v0  }
0x20: {  	[tilespmem:s1+$0x1040] =	vst v0  }
0x21: {  	[tilespmem:s1+$0x1050] =	vst v0  }
0x22: {  	[tilespmem:s1+$0x1060] =	vst v0;
	s1 =	sshra.s32 s0, $0x2;
	s0 =	sadd.s32 $0x200, s0  }
0x23: {  	[tilespmem:s1+$0x1070] =	vst v0  }
0x24: {  	[tilespmem:s1+$0x1000] =	vst v0  }
0x25: {  	[tilespmem:s1+$0x1010] =	vst v0  }
0x26: {  	[tilespmem:s1+$0x1020] =	vst v0  }
0x27: {  	[tilespmem:s1+$0x1030] =	vst v0  }
0x28: {  	[tilespmem:s1+$0x1040] =	vst v0  }
0x29: {  	[tilespmem:s1+$0x1050] =	vst v0  }
0x2a: {  	s0 =	simm.s32 $0x0;
	[tilespmem:s1+$0x1060] =	vst v0  }
.LBB2_4:
0x2b: {  	_ =	swait.ge [sflag:s18], $0x7D0  }
0x2c: {  	[sflag:s18] =	ssyncset.done $0x0  }
0x2d: {  	s1 =	simm.s32 $0x0;
	[sflag:s18] =	ssyncadd.s32 $0xFFFFF830  }
.LBB2_5:
0x2e: {  	s5 =	sshra.s32 s1, $0x2  }
0x2f: {  	v2 =	vld [tilespmem:s5+$0x0];
	_ =	sdelay $0x7  }
0x30: {  	[tilespmem:v2+s19+$0x0] =	vst.idx.add.f32.msk $0xffff, v1  }
0x31: {  	v2 =	vld [tilespmem:s5+$0x10];
	_ =	sdelay $0x7  }
0x32: {  	[tilespmem:v2+s19+$0x0] =	vst.idx.add.f32.msk $0xffff, v1  }
0x33: {  	v2 =	vld [tilespmem:s5+$0x20];
	_ =	sdelay $0x7  }
0x34: {  	[tilespmem:v2+s19+$0x0] =	vst.idx.add.f32.msk $0xffff, v1  }
0x35: {  	v2 =	vld [tilespmem:s5+$0x30];
	_ =	sdelay $0x7  }
0x36: {  	[tilespmem:v2+s19+$0x0] =	vst.idx.add.f32.msk $0xffff, v1  }
0x37: {  	v2 =	vld [tilespmem:s5+$0x40];
	_ =	sdelay $0x2  }
0x38: {  	p1 =	sne.s32 s1, $0x1E00  }
.Ltmp1:
0x39: {  	_ = 	snop;
	(pc) =	sbr.rel @p1 .LBB2_5-.Ltmp1, $2  }
0x3a: {  	_ =	sdelay $0x2  }
0x3b: {  	s1 =	sadd.s32 $0x140, s1;
	[tilespmem:v2+s19+$0x0] =	vst.idx.add.f32.msk $0xffff, v1  }
0x3c: {  	s1 =	smul.u32 $0xFA0, s0;
	_ =	sdelay $0x1  }
0x3d: {  	s5 =	sadd.s32 s1, s8  }
0x3e: {  	s5 =	sshrl.u32 s5, $0x3  }
0x3f: {  	s16 =	sadd.s32 s4, s5;
	s5 =	simm.s32 $0x0  }
0x40: {  	[tilespmem:s5], [sflag:$0x1] =	stream.linear.gather [hbm4b:s16+s5], $0x7D0, $0x38;
	[tilespmem:$0x10780] =	vst v63  }
0x41: {  	_ =	swait.ge [sflag:s20], $0x7D0  }
0x42: {  	[sflag:s20] =	ssyncset.done $0x0  }
0x43: {  	[sflag:s20] =	ssyncadd.s32 $0xFFFFF830  }
.LBB2_7:
0x44: {  	s16 =	sshra.s32 s5, $0x2  }
0x45: {  	v2 =	vld [tilespmem:s16+$0x800];
	_ =	sdelay $0x7  }
0x46: {  	[tilespmem:v2+s19+$0x0] =	vst.idx.add.f32.msk $0xffff, v1  }
0x47: {  	v2 =	vld [tilespmem:s16+$0x810];
	_ =	sdelay $0x7  }
0x48: {  	[tilespmem:v2+s19+$0x0] =	vst.idx.add.f32.msk $0xffff, v1  }
0x49: {  	v2 =	vld [tilespmem:s16+$0x820];
	_ =	sdelay $0x7  }
0x4a: {  	[tilespmem:v2+s19+$0x0] =	vst.idx.add.f32.msk $0xffff, v1  }
0x4b: {  	v2 =	vld [tilespmem:s16+$0x830];
	_ =	sdelay $0x7  }
0x4c: {  	[tilespmem:v2+s19+$0x0] =	vst.idx.add.f32.msk $0xffff, v1  }
0x4d: {  	v2 =	vld [tilespmem:s16+$0x840];
	_ =	sdelay $0x2  }
0x4e: {  	p1 =	sne.s32 s5, $0x1E00  }
.Ltmp2:
0x4f: {  	_ = 	snop;
	(pc) =	sbr.rel @p1 .LBB2_7-.Ltmp2, $2  }
0x50: {  	_ =	sdelay $0x2  }
0x51: {  	s5 =	sadd.s32 $0x140, s5;
	[tilespmem:v2+s19+$0x0] =	vst.idx.add.f32.msk $0xffff, v1  }
0x52: {  	s0 =	sadd.s32 $0x1, s0  }
0x53: {  	p1 =	sne.s32 s0, $0x4  }
.Ltmp3:
0x54: {  	_ = 	snop;
	(pc) =	sbr.rel @p1 .LBB2_4-.Ltmp3, $4  }
0x55: {  	s1 =	sadd.s32 s1, s9  }
0x56: {  	s1 =	sshrl.u32 s1, $0x3  }
0x57: {  	s1 =	sadd.s32 s4, s1  }
0x58: {  	[tilespmem:s17], [sflag:$0x2] =	stream.linear.gather [hbm4b:s1+s2], $0x7D0, $0x38;
	[tilespmem:$0x10780] =	vst v63  }
0x59: {  	_ =	swait.ge [sflag:s18], $0x7D0  }
0x5a: {  	[sflag:s18] =	ssyncset.done $0x0  }
0x5b: {  	s0 =	simm.s32 $0x0;
	[sflag:s18] =	ssyncadd.s32 $0xFFFFF830  }
.LBB2_10:
0x5c: {  	s1 =	sshra.s32 s0, $0x2  }
0x5d: {  	v2 =	vld [tilespmem:s1+$0x0];
	_ =	sdelay $0x7  }
0x5e: {  	[tilespmem:v2+s19+$0x0] =	vst.idx.add.f32.msk $0xffff, v1  }
0x5f: {  	v2 =	vld [tilespmem:s1+$0x10];
	_ =	sdelay $0x7  }
0x60: {  	[tilespmem:v2+s19+$0x0] =	vst.idx.add.f32.msk $0xffff, v1  }
0x61: {  	v2 =	vld [tilespmem:s1+$0x20];
	_ =	sdelay $0x7  }
0x62: {  	[tilespmem:v2+s19+$0x0] =	vst.idx.add.f32.msk $0xffff, v1  }
0x63: {  	v2 =	vld [tilespmem:s1+$0x30];
	_ =	sdelay $0x7  }
0x64: {  	[tilespmem:v2+s19+$0x0] =	vst.idx.add.f32.msk $0xffff, v1  }
0x65: {  	v2 =	vld [tilespmem:s1+$0x40];
	_ =	sdelay $0x2  }
0x66: {  	p1 =	sne.s32 s0, $0x1E00  }
.Ltmp4:
0x67: {  	_ = 	snop;
	(pc) =	sbr.rel @p1 .LBB2_10-.Ltmp4, $2  }
0x68: {  	_ =	sdelay $0x2  }
0x69: {  	s0 =	sadd.s32 $0x140, s0;
	[tilespmem:v2+s19+$0x0] =	vst.idx.add.f32.msk $0xffff, v1  }
0x6a: {  	_ =	swait.ge [sflag:s20], $0x7D0  }
0x6b: {  	[sflag:s20] =	ssyncset.done $0x0  }
0x6c: {  	s0 =	simm.s32 $0x0;
	[sflag:s20] =	ssyncadd.s32 $0xFFFFF830  }
.LBB2_12:
0x6d: {  	s1 =	sshra.s32 s0, $0x2  }
0x6e: {  	v2 =	vld [tilespmem:s1+$0x800];
	_ =	sdelay $0x7  }
0x6f: {  	[tilespmem:v2+s19+$0x0] =	vst.idx.add.f32.msk $0xffff, v1  }
0x70: {  	v2 =	vld [tilespmem:s1+$0x810];
	_ =	sdelay $0x7  }
0x71: {  	[tilespmem:v2+s19+$0x0] =	vst.idx.add.f32.msk $0xffff, v1  }
0x72: {  	v2 =	vld [tilespmem:s1+$0x820];
	_ =	sdelay $0x7  }
0x73: {  	[tilespmem:v2+s19+$0x0] =	vst.idx.add.f32.msk $0xffff, v1  }
0x74: {  	v2 =	vld [tilespmem:s1+$0x830];
	_ =	sdelay $0x7  }
0x75: {  	[tilespmem:v2+s19+$0x0] =	vst.idx.add.f32.msk $0xffff, v1  }
0x76: {  	v2 =	vld [tilespmem:s1+$0x840];
	_ =	sdelay $0x2  }
0x77: {  	p1 =	sne.s32 s0, $0x1E00  }
.Ltmp5:
0x78: {  	_ = 	snop;
	(pc) =	sbr.rel @p1 .LBB2_12-.Ltmp5, $2  }
0x79: {  	_ =	sdelay $0x2  }
0x7a: {  	s0 =	sadd.s32 $0x140, s0;
	[tilespmem:v2+s19+$0x0] =	vst.idx.add.f32.msk $0xffff, v1  }
0x7b: {  	[spmem:s11] =	stream.strided.scatter [tilespmem:s19], [sflag:$0x6], $0x2800, s22, s21, $0x38;
	[tilespmem:$0x10780] =	vst v63  }
0x7c: {  	_ =	swait.ge [sflag:s23], $0x2800  }
0x7d: {  	[sflag:s23] =	ssyncset.done $0x0  }
0x7e: {  	[sflag:s23] =	ssyncadd.s32 $0xFFFFD800  }
0x7f: {  	[bflag:$0x0] =	sbarrier.arrive $0xFFFF  }
0x80: {  	[tilespmem:s24], [sflag:$0x3] =	stream.strided.gather [spmem:s10], $0x280, s22, s21, $0x38;
	[tilespmem:$0x10780] =	vst v63  }
0x81: {  	_ = 	snop  }
0x82: {  	[tilespmem:s25], [sflag:$0x4] =	stream.strided.gather [spmem:s12], $0x280, s22, s21, $0x38;
	[tilespmem:$0x10780] =	vst v63  }
0x83: {  	[tilespmem:$0x6000] =	vst v0  }
0x84: {  	[tilespmem:$0x6010] =	vst v0  }
0x85: {  	[tilespmem:$0x6020] =	vst v0  }
0x86: {  	[tilespmem:$0x6030] =	vst v0  }
0x87: {  	[tilespmem:$0x6040] =	vst v0  }
0x88: {  	[tilespmem:$0x6050] =	vst v0  }
0x89: {  	[tilespmem:$0x6060] =	vst v0  }
0x8a: {  	[tilespmem:$0x6070] =	vst v0  }
0x8b: {  	[tilespmem:$0x6080] =	vst v0  }
0x8c: {  	[tilespmem:$0x6090] =	vst v0  }
0x8d: {  	[tilespmem:$0x60A0] =	vst v0  }
0x8e: {  	[tilespmem:$0x60B0] =	vst v0  }
0x8f: {  	[tilespmem:$0x60C0] =	vst v0  }
0x90: {  	[tilespmem:$0x60D0] =	vst v0  }
0x91: {  	[tilespmem:$0x60E0] =	vst v0  }
0x92: {  	[tilespmem:$0x60F0] =	vst v0  }
0x93: {  	[tilespmem:$0x6100] =	vst v0  }
0x94: {  	[tilespmem:$0x6110] =	vst v0  }
0x95: {  	[tilespmem:$0x6120] =	vst v0  }
0x96: {  	[tilespmem:$0x6130] =	vst v0  }
0x97: {  	[tilespmem:$0x6140] =	vst v0  }
0x98: {  	[tilespmem:$0x6150] =	vst v0  }
0x99: {  	[tilespmem:$0x6160] =	vst v0  }
0x9a: {  	[tilespmem:$0x6170] =	vst v0  }
0x9b: {  	[tilespmem:$0x6180] =	vst v0  }
0x9c: {  	[tilespmem:$0x6190] =	vst v0  }
0x9d: {  	[tilespmem:$0x61A0] =	vst v0  }
0x9e: {  	[tilespmem:$0x61B0] =	vst v0  }
0x9f: {  	[tilespmem:$0x61C0] =	vst v0  }
0xa0: {  	[tilespmem:$0x61D0] =	vst v0  }
0xa1: {  	[tilespmem:$0x61E0] =	vst v0  }
0xa2: {  	[tilespmem:$0x61F0] =	vst v0  }
0xa3: {  	[tilespmem:$0x6200] =	vst v0  }
0xa4: {  	[tilespmem:$0x6210] =	vst v0  }
0xa5: {  	[tilespmem:$0x6220] =	vst v0  }
0xa6: {  	[tilespmem:$0x6230] =	vst v0  }
0xa7: {  	[tilespmem:$0x6240] =	vst v0  }
0xa8: {  	[tilespmem:$0x6250] =	vst v0  }
0xa9: {  	[tilespmem:$0x6260] =	vst v0  }
0xaa: {  	s0 =	simm.s32 $0x3;
	s1 =	simm.s32 $0x180;
	[tilespmem:$0x6270] =	vst v0  }
.LBB2_14:
0xab: {  	_ =	swait.ge [sflag:s26], $0x280  }
0xac: {  	[sflag:s26] =	ssyncset.done $0x0  }
0xad: {  	[sflag:s26] =	ssyncadd.s32 $0xFFFFFD80  }
0xae: {  	v2 =	vld [tilespmem:$0x6000]  }
0xaf: {  	v3 =	vld [tilespmem:$0x6280]  }
0xb0: {  	v4 =	vld [tilespmem:$0x6010]  }
0xb1: {  	v5 =	vld [tilespmem:$0x6290]  }
0xb2: {  	v6 =	vld [tilespmem:$0x6020]  }
0xb3: {  	v7 =	vld [tilespmem:$0x62A0]  }
0xb4: {  	v8 =	vld [tilespmem:$0x6030]  }
0xb5: {  	v9 =	vld [tilespmem:$0x62B0]  }
0xb6: {  	v10 =	vld [tilespmem:$0x6040]  }
0xb7: {  	v11 =	vld [tilespmem:$0x62C0]  }
0xb8: {  	v12 =	vld [tilespmem:$0x6050]  }
0xb9: {  	v13 =	vld [tilespmem:$0x62D0]  }
0xba: {  	v14 =	vld [tilespmem:$0x6060]  }
0xbb: {  	v15 =	vld [tilespmem:$0x62E0]  }
0xbc: {  	v16 =	vld [tilespmem:$0x6070]  }
0xbd: {  	v17 =	vld [tilespmem:$0x62F0]  }
0xbe: {  	v18 =	vld [tilespmem:$0x6080]  }
0xbf: {  	v19 =	vld [tilespmem:$0x6300]  }
0xc0: {  	v20 =	vld [tilespmem:$0x6090]  }
0xc1: {  	v21 =	vld [tilespmem:$0x6310]  }
0xc2: {  	v22 =	vld [tilespmem:$0x60A0]  }
0xc3: {  	v23 =	vld [tilespmem:$0x6320]  }
0xc4: {  	v24 =	vld [tilespmem:$0x60B0]  }
0xc5: {  	v25 =	vld [tilespmem:$0x6330]  }
0xc6: {  	v26 =	vld [tilespmem:$0x60C0]  }
0xc7: {  	v27 =	vld [tilespmem:$0x6340]  }
0xc8: {  	v28 =	vld [tilespmem:$0x60D0]  }
0xc9: {  	v29 =	vld [tilespmem:$0x6350]  }
0xca: {  	v30 =	vld [tilespmem:$0x60E0]  }
0xcb: {  	v31 =	vld [tilespmem:$0x6360]  }
0xcc: {  	v32 =	vld [tilespmem:$0x60F0]  }
0xcd: {  	v33 =	vld [tilespmem:$0x6370]  }
0xce: {  	v34 =	vld [tilespmem:$0x6100]  }
0xcf: {  	v35 =	vld [tilespmem:$0x6380]  }
0xd0: {  	v36 =	vld [tilespmem:$0x6110]  }
0xd1: {  	v37 =	vld [tilespmem:$0x6390]  }
0xd2: {  	v38 =	vld [tilespmem:$0x6120]  }
0xd3: {  	v39 =	vld [tilespmem:$0x63A0]  }
0xd4: {  	v40 =	vld [tilespmem:$0x6130]  }
0xd5: {  	v41 =	vld [tilespmem:$0x63B0]  }
0xd6: {  	v42 =	vld [tilespmem:$0x6140]  }
0xd7: {  	v43 =	vld [tilespmem:$0x63C0]  }
0xd8: {  	v44 =	vld [tilespmem:$0x6150]  }
0xd9: {  	v45 =	vld [tilespmem:$0x63D0]  }
0xda: {  	v46 =	vld [tilespmem:$0x6160]  }
0xdb: {  	v48 =	vld [tilespmem:$0x61B0];
	v2 =	vadd.f32 v3, v2  }
0xdc: {  	v49 =	vld [tilespmem:$0x6430];
	v4 =	vadd.f32 v5, v4  }
0xdd: {  	v51 =	vld [tilespmem:$0x61C0];
	v63 =	vadd.f32 v9, v8;
	[tilespmem:$0x6000] =	vst v2  }
0xde: {  	v52 =	vld [tilespmem:$0x6440];
	v2 =	vadd.f32 v7, v6;
	[tilespmem:$0x6010] =	vst v4  }
0xdf: {  	v54 =	vld [tilespmem:$0x61D0];
	v13 =	vadd.f32 v13, v12;
	[tilespmem:$0x6030] =	vst v63  }
0xe0: {  	v55 =	vld [tilespmem:$0x6450];
	[tilespmem:$0x6020] =	vst v2;
	v2 =	vadd.f32 v11, v10  }
0xe1: {  	v57 =	vld [tilespmem:$0x61E0];
	v17 =	vadd.f32 v17, v16;
	[tilespmem:$0x6050] =	vst v13  }
0xe2: {  	v58 =	vld [tilespmem:$0x6460];
	[tilespmem:$0x6040] =	vst v2;
	v2 =	vadd.f32 v15, v14  }
0xe3: {  	v60 =	vld [tilespmem:$0x61F0];
	v47 =	vadd.f32 v21, v20;
	[tilespmem:$0x6070] =	vst v17  }
0xe4: {  	v61 =	vld [tilespmem:$0x6470];
	[tilespmem:$0x6060] =	vst v2;
	v2 =	vadd.f32 v19, v18  }
0xe5: {  	v3 =	vld [tilespmem:$0x63E0];
	v50 =	vadd.f32 v25, v24;
	[tilespmem:$0x6090] =	vst v47  }
0xe6: {  	v5 =	vld [tilespmem:$0x6170];
	[tilespmem:$0x6080] =	vst v2;
	v2 =	vadd.f32 v23, v22  }
0xe7: {  	v8 =	vld [tilespmem:$0x6400];
	v53 =	vadd.f32 v29, v28;
	[tilespmem:$0x60B0] =	vst v50  }
0xe8: {  	v9 =	vld [tilespmem:$0x6190];
	[tilespmem:$0x60A0] =	vst v2;
	v2 =	vadd.f32 v27, v26  }
0xe9: {  	v12 =	vld [tilespmem:$0x6420];
	v56 =	vadd.f32 v33, v32;
	[tilespmem:$0x60D0] =	vst v53  }
0xea: {  	v28 =	vld [tilespmem:$0x6480];
	[tilespmem:$0x60C0] =	vst v2;
	v2 =	vadd.f32 v31, v30  }
0xeb: {  	v59 =	vadd.f32 v37, v36;
	v32 =	vld [tilespmem:$0x6220];
	[tilespmem:$0x60F0] =	vst v56  }
0xec: {  	v33 =	vld [tilespmem:$0x64A0];
	[tilespmem:$0x60E0] =	vst v2;
	v2 =	vadd.f32 v35, v34  }
0xed: {  	v62 =	vadd.f32 v41, v40;
	v36 =	vld [tilespmem:$0x64B0];
	[tilespmem:$0x6110] =	vst v59  }
0xee: {  	v41 =	vld [tilespmem:$0x6250];
	[tilespmem:$0x6100] =	vst v2;
	v2 =	vadd.f32 v39, v38  }
0xef: {  	v29 =	vadd.f32 v45, v44;
	v7 =	vld [tilespmem:$0x6180];
	[tilespmem:$0x6130] =	vst v62  }
0xf0: {  	v6 =	vld [tilespmem:$0x63F0];
	[tilespmem:$0x6120] =	vst v2;
	v2 =	vadd.f32 v43, v42  }
0xf1: {  	v37 =	vadd.f32 v49, v48;
	[tilespmem:$0x6150] =	vst v29;
	v11 =	vld [tilespmem:$0x61A0]  }
0xf2: {  	v10 =	vld [tilespmem:$0x6410];
	[tilespmem:$0x6140] =	vst v2;
	v2 =	vadd.f32 v3, v46  }
0xf3: {  	v40 =	vadd.f32 v55, v54;
	v44 =	vld [tilespmem:$0x6260];
	[tilespmem:$0x61B0] =	vst v37  }
0xf4: {  	v63 =	vld [tilespmem:$0x6200];
	[tilespmem:$0x6160] =	vst v2;
	v2 =	vadd.f32 v8, v7  }
0xf5: {  	[tilespmem:$0x61D0] =	vst v40;
	v30 =	vld [tilespmem:$0x6210];
	v31 =	vadd.f32 v6, v5  }
0xf6: {  	v3 =	vld [tilespmem:$0x6490];
	[tilespmem:$0x6180] =	vst v2;
	v2 =	vadd.f32 v12, v11  }
0xf7: {  	v47 =	vld [tilespmem:$0x64F0];
	[tilespmem:$0x6170] =	vst v31;
	v34 =	vadd.f32 v10, v9  }
0xf8: {  	v35 =	vld [tilespmem:$0x6230];
	[tilespmem:$0x61A0] =	vst v2;
	v2 =	vadd.f32 v52, v51  }
0xf9: {  	[tilespmem:$0x6190] =	vst v34;
	v38 =	vld [tilespmem:$0x6240];
	v43 =	vadd.f32 v61, v60  }
0xfa: {  	v42 =	vld [tilespmem:$0x64D0];
	[tilespmem:$0x61C0] =	vst v2;
	v2 =	vadd.f32 v58, v57  }
0xfb: {  	v39 =	vld [tilespmem:$0x64C0];
	[tilespmem:$0x61F0] =	vst v43;
	v3 =	vadd.f32 v3, v30  }
0xfc: {  	v46 =	vld [tilespmem:$0x6270];
	[tilespmem:$0x61E0] =	vst v2;
	v2 =	vadd.f32 v28, v63  }
0xfd: {  	v45 =	vld [tilespmem:$0x64E0];
	[tilespmem:$0x6210] =	vst v3;
	v3 =	vadd.f32 v36, v35  }
0xfe: {  	s5 =	sadd.s32 $0xFFFFFFFF, s0;
	[tilespmem:$0x6200] =	vst v2;
	v2 =	vadd.f32 v33, v32  }
0xff: {  	s5 =	sshrl.u32 s5, $0x3;
	[tilespmem:$0x6230] =	vst v3;
	v3 =	vadd.f32 v42, v41  }
0x100: {  	s5 =	smul.u32 $0x50000, s5;
	[tilespmem:$0x6220] =	vst v2;
	v2 =	vadd.f32 v39, v38  }
0x101: {  	[tilespmem:$0x6250] =	vst v3;
	v3 =	vadd.f32 v47, v46  }
0x102: {  	s16 =	sadd.s32 $0xFFFFFF80, s1;
	s5 =	sshra.s32 s5, $0x2;
	[tilespmem:$0x6240] =	vst v2;
	v2 =	vadd.f32 v45, v44  }
0x103: {  	s16 =	sand.u32 $0x300, s16;
	s5 =	sadd.s32 s5, s10;
	[tilespmem:$0x6270] =	vst v3  }
0x104: {  	s5 =	sadd.s32 s16, s5;
	[tilespmem:$0x6260] =	vst v2  }
0x105: {  	[tilespmem:s24], [sflag:$0x3] =	stream.strided.gather [spmem:s5], $0x280, s22, s21, $0x38;
	[tilespmem:$0x10780] =	vst v63  }
0x106: {  	_ =	swait.ge [sflag:s28], $0x280  }
0x107: {  	[sflag:s28] =	ssyncset.done $0x0  }
0x108: {  	[sflag:s28] =	ssyncadd.s32 $0xFFFFFD80  }
0x109: {  	v2 =	vld [tilespmem:$0x6000]  }
0x10a: {  	v3 =	vld [tilespmem:$0x6500]  }
0x10b: {  	v4 =	vld [tilespmem:$0x6010]  }
0x10c: {  	v5 =	vld [tilespmem:$0x6510]  }
0x10d: {  	v6 =	vld [tilespmem:$0x6020]  }
0x10e: {  	v48 =	vld [tilespmem:$0x6520]  }
0x10f: {  	v49 =	vld [tilespmem:$0x6030]  }
0x110: {  	v50 =	vld [tilespmem:$0x6530]  }
0x111: {  	v10 =	vld [tilespmem:$0x6040]  }
0x112: {  	v51 =	vld [tilespmem:$0x6540]  }
0x113: {  	v52 =	vld [tilespmem:$0x6050]  }
0x114: {  	v53 =	vld [tilespmem:$0x6550]  }
0x115: {  	v14 =	vld [tilespmem:$0x6060]  }
0x116: {  	v54 =	vld [tilespmem:$0x6560]  }
0x117: {  	v55 =	vld [tilespmem:$0x6070]  }
0x118: {  	v56 =	vld [tilespmem:$0x6570]  }
0x119: {  	v18 =	vld [tilespmem:$0x6080]  }
0x11a: {  	v57 =	vld [tilespmem:$0x6580]  }
0x11b: {  	v58 =	vld [tilespmem:$0x6090]  }
0x11c: {  	v59 =	vld [tilespmem:$0x6590]  }
0x11d: {  	v22 =	vld [tilespmem:$0x60A0]  }
0x11e: {  	v60 =	vld [tilespmem:$0x65A0]  }
0x11f: {  	v61 =	vld [tilespmem:$0x60B0]  }
0x120: {  	v62 =	vld [tilespmem:$0x65B0]  }
0x121: {  	v26 =	vld [tilespmem:$0x60C0]  }
0x122: {  	v63 =	vld [tilespmem:$0x65C0]  }
0x123: {  	v28 =	vld [tilespmem:$0x60D0]  }
0x124: {  	v29 =	vld [tilespmem:$0x65D0]  }
0x125: {  	v30 =	vld [tilespmem:$0x60E0]  }
0x126: {  	v31 =	vld [tilespmem:$0x65E0]  }
0x127: {  	v32 =	vld [tilespmem:$0x60F0]  }
0x128: {  	v33 =	vld [tilespmem:$0x65F0]  }
0x129: {  	v34 =	vld [tilespmem:$0x6100]  }
0x12a: {  	v35 =	vld [tilespmem:$0x6600]  }
0x12b: {  	v36 =	vld [tilespmem:$0x6110]  }
0x12c: {  	v37 =	vld [tilespmem:$0x6610]  }
0x12d: {  	v38 =	vld [tilespmem:$0x6120]  }
0x12e: {  	v39 =	vld [tilespmem:$0x6620]  }
0x12f: {  	v40 =	vld [tilespmem:$0x6130]  }
0x130: {  	v41 =	vld [tilespmem:$0x6630]  }
0x131: {  	v42 =	vld [tilespmem:$0x6140]  }
0x132: {  	v43 =	vld [tilespmem:$0x6640]  }
0x133: {  	v44 =	vld [tilespmem:$0x6150]  }
0x134: {  	v45 =	vld [tilespmem:$0x6650]  }
0x135: {  	v46 =	vld [tilespmem:$0x6160]  }
0x136: {  	v47 =	vld [tilespmem:$0x6170];
	v2 =	vadd.f32 v3, v2  }
0x137: {  	v3 =	vld [tilespmem:$0x6660];
	v4 =	vadd.f32 v5, v4  }
0x138: {  	v49 =	vadd.f32 v50, v49;
	v50 =	vld [tilespmem:$0x6180];
	[tilespmem:$0x6000] =	vst v2;
	v2 =	vadd.f32 v48, v6  }
0x139: {  	v52 =	vadd.f32 v53, v52;
	v53 =	vld [tilespmem:$0x6190];
	[tilespmem:$0x6010] =	vst v4  }
0x13a: {  	v55 =	vadd.f32 v56, v55;
	v56 =	vld [tilespmem:$0x61A0];
	[tilespmem:$0x6020] =	vst v2;
	v2 =	vadd.f32 v51, v10  }
0x13b: {  	v58 =	vadd.f32 v59, v58;
	v59 =	vld [tilespmem:$0x61B0];
	[tilespmem:$0x6030] =	vst v49  }
0x13c: {  	v61 =	vadd.f32 v62, v61;
	v62 =	vld [tilespmem:$0x61C0];
	[tilespmem:$0x6040] =	vst v2;
	v2 =	vadd.f32 v54, v14  }
0x13d: {  	v28 =	vadd.f32 v29, v28;
	v29 =	vld [tilespmem:$0x61D0];
	[tilespmem:$0x6050] =	vst v52  }
0x13e: {  	v32 =	vadd.f32 v33, v32;
	v33 =	vld [tilespmem:$0x61E0];
	[tilespmem:$0x6060] =	vst v2;
	v2 =	vadd.f32 v57, v18  }
0x13f: {  	v36 =	vadd.f32 v37, v36;
	v37 =	vld [tilespmem:$0x61F0];
	[tilespmem:$0x6070] =	vst v55  }
0x140: {  	v40 =	vadd.f32 v41, v40;
	v41 =	vld [tilespmem:$0x6200];
	[tilespmem:$0x6080] =	vst v2;
	v2 =	vadd.f32 v60, v22  }
0x141: {  	v44 =	vadd.f32 v45, v44;
	v45 =	vld [tilespmem:$0x6210];
	[tilespmem:$0x6090] =	vst v58  }
0x142: {  	v48 =	vld [tilespmem:$0x6670];
	[tilespmem:$0x60A0] =	vst v2;
	v2 =	vadd.f32 v63, v26  }
0x143: {  	[tilespmem:$0x60B0] =	vst v61;
	v49 =	vld [tilespmem:$0x6720]  }
0x144: {  	v52 =	vld [tilespmem:$0x6730];
	[tilespmem:$0x60C0] =	vst v2;
	v2 =	vadd.f32 v31, v30  }
0x145: {  	[tilespmem:$0x60D0] =	vst v28;
	v55 =	vld [tilespmem:$0x6740]  }
0x146: {  	v58 =	vld [tilespmem:$0x6750];
	[tilespmem:$0x60E0] =	vst v2;
	v2 =	vadd.f32 v35, v34  }
0x147: {  	[tilespmem:$0x60F0] =	vst v32;
	v61 =	vld [tilespmem:$0x6760]  }
0x148: {  	v51 =	vld [tilespmem:$0x6680];
	[tilespmem:$0x6100] =	vst v2;
	v2 =	vadd.f32 v39, v38  }
0x149: {  	[tilespmem:$0x6110] =	vst v36;
	v54 =	vld [tilespmem:$0x6690]  }
0x14a: {  	v47 =	vadd.f32 v48, v47;
	v48 =	vld [tilespmem:$0x6220];
	[tilespmem:$0x6120] =	vst v2;
	v2 =	vadd.f32 v43, v42  }
0x14b: {  	[tilespmem:$0x6130] =	vst v40;
	v60 =	vld [tilespmem:$0x66B0]  }
0x14c: {  	v57 =	vld [tilespmem:$0x66A0];
	[tilespmem:$0x6140] =	vst v2;
	v2 =	vadd.f32 v3, v46  }
0x14d: {  	[tilespmem:$0x6150] =	vst v44;
	v39 =	vld [tilespmem:$0x66F0]  }
0x14e: {  	v63 =	vld [tilespmem:$0x66C0];
	[tilespmem:$0x6160] =	vst v2;
	v2 =	vadd.f32 v51, v50  }
0x14f: {  	[tilespmem:$0x6170] =	vst v47;
	v31 =	vld [tilespmem:$0x66D0];
	v50 =	vadd.f32 v54, v53  }
0x150: {  	v35 =	vld [tilespmem:$0x66E0];
	v53 =	vadd.f32 v60, v59;
	[tilespmem:$0x6180] =	vst v2  }
0x151: {  	v3 =	vld [tilespmem:$0x6710];
	v2 =	vadd.f32 v57, v56;
	[tilespmem:$0x6190] =	vst v50  }
0x152: {  	v43 =	vld [tilespmem:$0x6700];
	v59 =	vadd.f32 v39, v37;
	[tilespmem:$0x61B0] =	vst v53  }
0x153: {  	v51 =	vld [tilespmem:$0x6230];
	[tilespmem:$0x61A0] =	vst v2;
	v2 =	vadd.f32 v63, v62  }
0x154: {  	v54 =	vld [tilespmem:$0x6240];
	v56 =	vadd.f32 v31, v29;
	[tilespmem:$0x61F0] =	vst v59  }
0x155: {  	v57 =	vld [tilespmem:$0x6250];
	[tilespmem:$0x61C0] =	vst v2;
	v2 =	vadd.f32 v35, v33  }
0x156: {  	v3 =	vadd.f32 v3, v45;
	[tilespmem:$0x61D0] =	vst v56;
	v62 =	vld [tilespmem:$0x6270]  }
0x157: {  	v63 =	vld [tilespmem:$0x6770];
	[tilespmem:$0x61E0] =	vst v2;
	v2 =	vadd.f32 v43, v41  }
0x158: {  	v60 =	vld [tilespmem:$0x6260];
	[tilespmem:$0x6210] =	vst v3;
	v3 =	vadd.f32 v52, v51  }
0x159: {  	[tilespmem:$0x6200] =	vst v2;
	v2 =	vadd.f32 v49, v48  }
0x15a: {  	s16 =	sshrl.u32 s0, $0x3;
	[tilespmem:$0x6230] =	vst v3;
	v3 =	vadd.f32 v58, v57  }
0x15b: {  	p1 =	sne.s32 s0, $0xF;
	s5 =	smul.u32 $0x50000, s16;
	[tilespmem:$0x6220] =	vst v2;
	v2 =	vadd.f32 v55, v54  }
.Ltmp6:
0x15c: {  	[tilespmem:$0x6250] =	vst v3;
	v3 =	vadd.f32 v63, v62;
	(pc) =	sbr.rel @p1 .LBB2_14-.Ltmp6, $4  }
0x15d: {  	s5 =	sshra.s32 s5, $0x2;
	[tilespmem:$0x6240] =	vst v2;
	v2 =	vadd.f32 v61, v60  }
0x15e: {  	s16 =	sand.u32 $0x380, s1;
	s5 =	sadd.s32 s5, s10;
	[tilespmem:$0x6270] =	vst v3  }
0x15f: {  	s0 =	sadd.s32 $0x2, s0;
	s1 =	sadd.s32 $0x100, s1;
	s5 =	sadd.s32 s16, s5;
	[tilespmem:$0x6260] =	vst v2  }
0x160: {  	[tilespmem:s25], [sflag:$0x4] =	stream.strided.gather [spmem:s5], $0x280, s22, s21, $0x38;
	[tilespmem:$0x10780] =	vst v63  }
0x161: {  	_ =	swait.ge [sflag:s26], $0x280  }
0x162: {  	[sflag:s26] =	ssyncset.done $0x0  }
0x163: {  	[sflag:s26] =	ssyncadd.s32 $0xFFFFFD80  }
0x164: {  	v2 =	vld [tilespmem:$0x6000]  }
0x165: {  	v3 =	vld [tilespmem:$0x6280]  }
0x166: {  	v4 =	vld [tilespmem:$0x6010]  }
0x167: {  	v5 =	vld [tilespmem:$0x6290]  }
0x168: {  	v6 =	vld [tilespmem:$0x6020]  }
0x169: {  	v7 =	vld [tilespmem:$0x62A0]  }
0x16a: {  	v8 =	vld [tilespmem:$0x6030]  }
0x16b: {  	v9 =	vld [tilespmem:$0x62B0]  }
0x16c: {  	v10 =	vld [tilespmem:$0x6040]  }
0x16d: {  	v11 =	vld [tilespmem:$0x62C0]  }
0x16e: {  	v12 =	vld [tilespmem:$0x6050]  }
0x16f: {  	v13 =	vld [tilespmem:$0x62D0]  }
0x170: {  	v14 =	vld [tilespmem:$0x6060]  }
0x171: {  	v15 =	vld [tilespmem:$0x62E0]  }
0x172: {  	v16 =	vld [tilespmem:$0x6070]  }
0x173: {  	v17 =	vld [tilespmem:$0x62F0]  }
0x174: {  	v18 =	vld [tilespmem:$0x6080]  }
0x175: {  	v19 =	vld [tilespmem:$0x6300]  }
0x176: {  	v20 =	vld [tilespmem:$0x6090]  }
0x177: {  	v21 =	vld [tilespmem:$0x6310]  }
0x178: {  	v22 =	vld [tilespmem:$0x60A0]  }
0x179: {  	v23 =	vld [tilespmem:$0x6320]  }
0x17a: {  	v24 =	vld [tilespmem:$0x60B0]  }
0x17b: {  	v25 =	vld [tilespmem:$0x6330]  }
0x17c: {  	v26 =	vld [tilespmem:$0x60C0]  }
0x17d: {  	v27 =	vld [tilespmem:$0x6340]  }
0x17e: {  	v28 =	vld [tilespmem:$0x60D0]  }
0x17f: {  	v29 =	vld [tilespmem:$0x6350]  }
0x180: {  	v30 =	vld [tilespmem:$0x60E0]  }
0x181: {  	v31 =	vld [tilespmem:$0x6360]  }
0x182: {  	v32 =	vld [tilespmem:$0x60F0]  }
0x183: {  	v33 =	vld [tilespmem:$0x6370]  }
0x184: {  	v34 =	vld [tilespmem:$0x6100]  }
0x185: {  	v35 =	vld [tilespmem:$0x6380]  }
0x186: {  	v36 =	vld [tilespmem:$0x6110]  }
0x187: {  	v37 =	vld [tilespmem:$0x6390]  }
0x188: {  	v38 =	vld [tilespmem:$0x6120]  }
0x189: {  	v39 =	vld [tilespmem:$0x63A0]  }
0x18a: {  	v40 =	vld [tilespmem:$0x6130]  }
0x18b: {  	v41 =	vld [tilespmem:$0x63B0]  }
0x18c: {  	v42 =	vld [tilespmem:$0x6140]  }
0x18d: {  	v43 =	vld [tilespmem:$0x63C0]  }
0x18e: {  	v44 =	vld [tilespmem:$0x6150]  }
0x18f: {  	v45 =	vld [tilespmem:$0x63D0]  }
0x190: {  	v46 =	vld [tilespmem:$0x6160]  }
0x191: {  	v48 =	vld [tilespmem:$0x61B0];
	v2 =	vadd.f32 v3, v2  }
0x192: {  	v49 =	vld [tilespmem:$0x6430];
	v4 =	vadd.f32 v5, v4  }
0x193: {  	v51 =	vld [tilespmem:$0x61C0];
	v63 =	vadd.f32 v9, v8;
	[tilespmem:$0x6000] =	vst v2  }
0x194: {  	v52 =	vld [tilespmem:$0x6440];
	v2 =	vadd.f32 v7, v6;
	[tilespmem:$0x6010] =	vst v4  }
0x195: {  	v54 =	vld [tilespmem:$0x61D0];
	v13 =	vadd.f32 v13, v12;
	[tilespmem:$0x6030] =	vst v63  }
0x196: {  	v55 =	vld [tilespmem:$0x6450];
	[tilespmem:$0x6020] =	vst v2;
	v2 =	vadd.f32 v11, v10  }
0x197: {  	v57 =	vld [tilespmem:$0x61E0];
	v17 =	vadd.f32 v17, v16;
	[tilespmem:$0x6050] =	vst v13  }
0x198: {  	v58 =	vld [tilespmem:$0x6460];
	[tilespmem:$0x6040] =	vst v2;
	v2 =	vadd.f32 v15, v14  }
0x199: {  	v60 =	vld [tilespmem:$0x61F0];
	v47 =	vadd.f32 v21, v20;
	[tilespmem:$0x6070] =	vst v17  }
0x19a: {  	v61 =	vld [tilespmem:$0x6470];
	[tilespmem:$0x6060] =	vst v2;
	v2 =	vadd.f32 v19, v18  }
0x19b: {  	v3 =	vld [tilespmem:$0x63E0];
	v50 =	vadd.f32 v25, v24;
	[tilespmem:$0x6090] =	vst v47  }
0x19c: {  	v5 =	vld [tilespmem:$0x6170];
	[tilespmem:$0x6080] =	vst v2;
	v2 =	vadd.f32 v23, v22  }
0x19d: {  	v8 =	vld [tilespmem:$0x6400];
	v53 =	vadd.f32 v29, v28;
	[tilespmem:$0x60B0] =	vst v50  }
0x19e: {  	v9 =	vld [tilespmem:$0x6190];
	[tilespmem:$0x60A0] =	vst v2;
	v2 =	vadd.f32 v27, v26  }
0x19f: {  	v12 =	vld [tilespmem:$0x6420];
	v56 =	vadd.f32 v33, v32;
	[tilespmem:$0x60D0] =	vst v53  }
0x1a0: {  	v28 =	vld [tilespmem:$0x6480];
	[tilespmem:$0x60C0] =	vst v2;
	v2 =	vadd.f32 v31, v30  }
0x1a1: {  	v59 =	vadd.f32 v37, v36;
	v32 =	vld [tilespmem:$0x6220];
	[tilespmem:$0x60F0] =	vst v56  }
0x1a2: {  	v33 =	vld [tilespmem:$0x64A0];
	[tilespmem:$0x60E0] =	vst v2;
	v2 =	vadd.f32 v35, v34  }
0x1a3: {  	v62 =	vadd.f32 v41, v40;
	v36 =	vld [tilespmem:$0x64B0];
	[tilespmem:$0x6110] =	vst v59  }
0x1a4: {  	v41 =	vld [tilespmem:$0x6250];
	[tilespmem:$0x6100] =	vst v2;
	v2 =	vadd.f32 v39, v38  }
0x1a5: {  	v29 =	vadd.f32 v45, v44;
	v7 =	vld [tilespmem:$0x6180];
	[tilespmem:$0x6130] =	vst v62  }
0x1a6: {  	v6 =	vld [tilespmem:$0x63F0];
	[tilespmem:$0x6120] =	vst v2;
	v2 =	vadd.f32 v43, v42  }
0x1a7: {  	v37 =	vadd.f32 v49, v48;
	[tilespmem:$0x6150] =	vst v29;
	v11 =	vld [tilespmem:$0x61A0]  }
0x1a8: {  	v10 =	vld [tilespmem:$0x6410];
	[tilespmem:$0x6140] =	vst v2;
	v2 =	vadd.f32 v3, v46  }
0x1a9: {  	v40 =	vadd.f32 v55, v54;
	v44 =	vld [tilespmem:$0x6260];
	[tilespmem:$0x61B0] =	vst v37  }
0x1aa: {  	v63 =	vld [tilespmem:$0x6200];
	[tilespmem:$0x6160] =	vst v2;
	v2 =	vadd.f32 v8, v7  }
0x1ab: {  	[tilespmem:$0x61D0] =	vst v40;
	v30 =	vld [tilespmem:$0x6210];
	v31 =	vadd.f32 v6, v5  }
0x1ac: {  	v3 =	vld [tilespmem:$0x6490];
	[tilespmem:$0x6180] =	vst v2;
	v2 =	vadd.f32 v12, v11  }
0x1ad: {  	v47 =	vld [tilespmem:$0x64F0];
	[tilespmem:$0x6170] =	vst v31;
	v34 =	vadd.f32 v10, v9  }
0x1ae: {  	v35 =	vld [tilespmem:$0x6230];
	[tilespmem:$0x61A0] =	vst v2;
	v2 =	vadd.f32 v52, v51  }
0x1af: {  	[tilespmem:$0x6190] =	vst v34;
	v38 =	vld [tilespmem:$0x6240];
	v43 =	vadd.f32 v61, v60  }
0x1b0: {  	v42 =	vld [tilespmem:$0x64D0];
	[tilespmem:$0x61C0] =	vst v2;
	v2 =	vadd.f32 v58, v57  }
0x1b1: {  	v39 =	vld [tilespmem:$0x64C0];
	[tilespmem:$0x61F0] =	vst v43;
	v3 =	vadd.f32 v3, v30  }
0x1b2: {  	v46 =	vld [tilespmem:$0x6270];
	[tilespmem:$0x61E0] =	vst v2;
	v2 =	vadd.f32 v28, v63  }
0x1b3: {  	v45 =	vld [tilespmem:$0x64E0];
	[tilespmem:$0x6210] =	vst v3;
	v3 =	vadd.f32 v36, v35  }
0x1b4: {  	[tilespmem:$0x6200] =	vst v2;
	v2 =	vadd.f32 v33, v32  }
0x1b5: {  	[tilespmem:$0x6230] =	vst v3;
	v3 =	vadd.f32 v42, v41  }
0x1b6: {  	[tilespmem:$0x6220] =	vst v2;
	v2 =	vadd.f32 v39, v38  }
0x1b7: {  	[tilespmem:$0x6250] =	vst v3;
	v3 =	vadd.f32 v47, v46  }
0x1b8: {  	[tilespmem:$0x6240] =	vst v2;
	v2 =	vadd.f32 v45, v44  }
0x1b9: {  	[tilespmem:$0x6270] =	vst v3  }
0x1ba: {  	[tilespmem:$0x6260] =	vst v2  }
0x1bb: {  	_ =	swait.ge [sflag:s28], $0x280  }
0x1bc: {  	[sflag:s28] =	ssyncset.done $0x0  }
0x1bd: {  	[sflag:s28] =	ssyncadd.s32 $0xFFFFFD80  }
0x1be: {  	v2 =	vld [tilespmem:$0x6000]  }
0x1bf: {  	v3 =	vld [tilespmem:$0x6500]  }
0x1c0: {  	v4 =	vld [tilespmem:$0x6010]  }
0x1c1: {  	v5 =	vld [tilespmem:$0x6510]  }
0x1c2: {  	v6 =	vld [tilespmem:$0x6020]  }
0x1c3: {  	v48 =	vld [tilespmem:$0x6520]  }
0x1c4: {  	v49 =	vld [tilespmem:$0x6030]  }
0x1c5: {  	v50 =	vld [tilespmem:$0x6530]  }
0x1c6: {  	v10 =	vld [tilespmem:$0x6040]  }
0x1c7: {  	v51 =	vld [tilespmem:$0x6540]  }
0x1c8: {  	v52 =	vld [tilespmem:$0x6050]  }
0x1c9: {  	v53 =	vld [tilespmem:$0x6550]  }
0x1ca: {  	v14 =	vld [tilespmem:$0x6060]  }
0x1cb: {  	v54 =	vld [tilespmem:$0x6560]  }
0x1cc: {  	v55 =	vld [tilespmem:$0x6070]  }
0x1cd: {  	v56 =	vld [tilespmem:$0x6570]  }
0x1ce: {  	v18 =	vld [tilespmem:$0x6080]  }
0x1cf: {  	v57 =	vld [tilespmem:$0x6580]  }
0x1d0: {  	v58 =	vld [tilespmem:$0x6090]  }
0x1d1: {  	v59 =	vld [tilespmem:$0x6590]  }
0x1d2: {  	v22 =	vld [tilespmem:$0x60A0]  }
0x1d3: {  	v60 =	vld [tilespmem:$0x65A0]  }
0x1d4: {  	v61 =	vld [tilespmem:$0x60B0]  }
0x1d5: {  	v62 =	vld [tilespmem:$0x65B0]  }
0x1d6: {  	v26 =	vld [tilespmem:$0x60C0]  }
0x1d7: {  	v63 =	vld [tilespmem:$0x65C0]  }
0x1d8: {  	v28 =	vld [tilespmem:$0x60D0]  }
0x1d9: {  	v29 =	vld [tilespmem:$0x65D0]  }
0x1da: {  	v30 =	vld [tilespmem:$0x60E0]  }
0x1db: {  	v31 =	vld [tilespmem:$0x65E0]  }
0x1dc: {  	v32 =	vld [tilespmem:$0x60F0]  }
0x1dd: {  	v33 =	vld [tilespmem:$0x65F0]  }
0x1de: {  	v34 =	vld [tilespmem:$0x6100]  }
0x1df: {  	v35 =	vld [tilespmem:$0x6600]  }
0x1e0: {  	v36 =	vld [tilespmem:$0x6110]  }
0x1e1: {  	v37 =	vld [tilespmem:$0x6610]  }
0x1e2: {  	v38 =	vld [tilespmem:$0x6120]  }
0x1e3: {  	v39 =	vld [tilespmem:$0x6620]  }
0x1e4: {  	v40 =	vld [tilespmem:$0x6130]  }
0x1e5: {  	v41 =	vld [tilespmem:$0x6630]  }
0x1e6: {  	v42 =	vld [tilespmem:$0x6140]  }
0x1e7: {  	v43 =	vld [tilespmem:$0x6640]  }
0x1e8: {  	v44 =	vld [tilespmem:$0x6150]  }
0x1e9: {  	v45 =	vld [tilespmem:$0x6650]  }
0x1ea: {  	v46 =	vld [tilespmem:$0x6160]  }
0x1eb: {  	v47 =	vld [tilespmem:$0x6170];
	v2 =	vadd.f32 v3, v2  }
0x1ec: {  	v3 =	vld [tilespmem:$0x6660];
	v4 =	vadd.f32 v5, v4  }
0x1ed: {  	v49 =	vadd.f32 v50, v49;
	v50 =	vld [tilespmem:$0x6180];
	[tilespmem:$0x6000] =	vst v2;
	v2 =	vadd.f32 v48, v6  }
0x1ee: {  	v52 =	vadd.f32 v53, v52;
	v53 =	vld [tilespmem:$0x6190];
	[tilespmem:$0x6010] =	vst v4  }
0x1ef: {  	v55 =	vadd.f32 v56, v55;
	v56 =	vld [tilespmem:$0x61A0];
	[tilespmem:$0x6020] =	vst v2;
	v2 =	vadd.f32 v51, v10  }
0x1f0: {  	v58 =	vadd.f32 v59, v58;
	v59 =	vld [tilespmem:$0x61B0];
	[tilespmem:$0x6030] =	vst v49  }
0x1f1: {  	v61 =	vadd.f32 v62, v61;
	v62 =	vld [tilespmem:$0x61C0];
	[tilespmem:$0x6040] =	vst v2;
	v2 =	vadd.f32 v54, v14  }
0x1f2: {  	v28 =	vadd.f32 v29, v28;
	v29 =	vld [tilespmem:$0x61D0];
	[tilespmem:$0x6050] =	vst v52  }
0x1f3: {  	v32 =	vadd.f32 v33, v32;
	v33 =	vld [tilespmem:$0x61E0];
	[tilespmem:$0x6060] =	vst v2;
	v2 =	vadd.f32 v57, v18  }
0x1f4: {  	v36 =	vadd.f32 v37, v36;
	v37 =	vld [tilespmem:$0x61F0];
	[tilespmem:$0x6070] =	vst v55  }
0x1f5: {  	v40 =	vadd.f32 v41, v40;
	v41 =	vld [tilespmem:$0x6200];
	[tilespmem:$0x6080] =	vst v2;
	v2 =	vadd.f32 v60, v22  }
0x1f6: {  	v44 =	vadd.f32 v45, v44;
	v45 =	vld [tilespmem:$0x6210];
	[tilespmem:$0x6090] =	vst v58  }
0x1f7: {  	v48 =	vld [tilespmem:$0x6670];
	[tilespmem:$0x60A0] =	vst v2;
	v2 =	vadd.f32 v63, v26  }
0x1f8: {  	[tilespmem:$0x60B0] =	vst v61;
	v49 =	vld [tilespmem:$0x6720]  }
0x1f9: {  	v52 =	vld [tilespmem:$0x6730];
	[tilespmem:$0x60C0] =	vst v2;
	v2 =	vadd.f32 v31, v30  }
0x1fa: {  	[tilespmem:$0x60D0] =	vst v28;
	v55 =	vld [tilespmem:$0x6740]  }
0x1fb: {  	v58 =	vld [tilespmem:$0x6750];
	[tilespmem:$0x60E0] =	vst v2;
	v2 =	vadd.f32 v35, v34  }
0x1fc: {  	[tilespmem:$0x60F0] =	vst v32;
	v61 =	vld [tilespmem:$0x6760]  }
0x1fd: {  	v51 =	vld [tilespmem:$0x6680];
	[tilespmem:$0x6100] =	vst v2;
	v2 =	vadd.f32 v39, v38  }
0x1fe: {  	[tilespmem:$0x6110] =	vst v36;
	v54 =	vld [tilespmem:$0x6690]  }
0x1ff: {  	v47 =	vadd.f32 v48, v47;
	v48 =	vld [tilespmem:$0x6220];
	[tilespmem:$0x6120] =	vst v2;
	v2 =	vadd.f32 v43, v42  }
0x200: {  	[tilespmem:$0x6130] =	vst v40;
	v60 =	vld [tilespmem:$0x66B0]  }
0x201: {  	v57 =	vld [tilespmem:$0x66A0];
	[tilespmem:$0x6140] =	vst v2;
	v2 =	vadd.f32 v3, v46  }
0x202: {  	[tilespmem:$0x6150] =	vst v44;
	v39 =	vld [tilespmem:$0x66F0]  }
0x203: {  	v63 =	vld [tilespmem:$0x66C0];
	[tilespmem:$0x6160] =	vst v2;
	v2 =	vadd.f32 v51, v50  }
0x204: {  	[tilespmem:$0x6170] =	vst v47;
	v31 =	vld [tilespmem:$0x66D0];
	v50 =	vadd.f32 v54, v53  }
0x205: {  	v35 =	vld [tilespmem:$0x66E0];
	v53 =	vadd.f32 v60, v59;
	[tilespmem:$0x6180] =	vst v2  }
0x206: {  	v3 =	vld [tilespmem:$0x6710];
	v2 =	vadd.f32 v57, v56;
	[tilespmem:$0x6190] =	vst v50  }
0x207: {  	v43 =	vld [tilespmem:$0x6700];
	v59 =	vadd.f32 v39, v37;
	[tilespmem:$0x61B0] =	vst v53  }
0x208: {  	v51 =	vld [tilespmem:$0x6230];
	[tilespmem:$0x61A0] =	vst v2;
	v2 =	vadd.f32 v63, v62  }
0x209: {  	v54 =	vld [tilespmem:$0x6240];
	v56 =	vadd.f32 v31, v29;
	[tilespmem:$0x61F0] =	vst v59  }
0x20a: {  	v57 =	vld [tilespmem:$0x6250];
	[tilespmem:$0x61C0] =	vst v2;
	v2 =	vadd.f32 v35, v33  }
0x20b: {  	v3 =	vadd.f32 v3, v45;
	[tilespmem:$0x61D0] =	vst v56;
	v62 =	vld [tilespmem:$0x6270]  }
0x20c: {  	v63 =	vld [tilespmem:$0x6770];
	[tilespmem:$0x61E0] =	vst v2;
	v2 =	vadd.f32 v43, v41  }
0x20d: {  	v60 =	vld [tilespmem:$0x6260];
	[tilespmem:$0x6210] =	vst v3;
	v3 =	vadd.f32 v52, v51  }
0x20e: {  	[tilespmem:$0x6200] =	vst v2;
	v2 =	vadd.f32 v49, v48  }
0x20f: {  	[tilespmem:$0x6230] =	vst v3;
	v3 =	vadd.f32 v58, v57  }
0x210: {  	[tilespmem:$0x6220] =	vst v2;
	v2 =	vadd.f32 v55, v54  }
0x211: {  	[tilespmem:$0x6250] =	vst v3;
	v3 =	vadd.f32 v63, v62  }
0x212: {  	[tilespmem:$0x6240] =	vst v2;
	v2 =	vadd.f32 v61, v60  }
0x213: {  	[tilespmem:$0x6270] =	vst v3  }
0x214: {  	s0 =	simm.s32 $0x0;
	s1 =	simm.s32 $0x40;
	[tilespmem:$0x6260] =	vst v2  }
.LBB2_16:
0x215: {  	p1 =	sne.s32 s1, $0x9C0;
	v2 =	vld [tilespmem:s0+$0x6000];
	_ =	sdelay $0x4  }
0x216: {  	v2 =	vadd.f32 $1.000000000e+00, v2;
	_ =	sdelay $0x1  }
0x217: {  	v3 =	vmul.f32 $5.000000000e-01, v2;
	v2 =	vshra.s32 v2, $0x1  }
0x218: {  	v2 =	vsub.s32 $0x5F3759DF, v2  }
0x219: {  	v4 =	vmul.f32 v2, v3;
	_ =	sdelay $0x1  }
0x21a: {  	v4 =	vmul.f32 v2, v4;
	_ =	sdelay $0x1  }
0x21b: {  	v4 =	vsub.f32 $1.500000000e+00, v4;
	_ =	sdelay $0x1  }
0x21c: {  	v2 =	vmul.f32 v2, v4;
	_ =	sdelay $0x1  }
0x21d: {  	v4 =	vmul.f32 v2, v3;
	_ =	sdelay $0x1  }
0x21e: {  	v4 =	vmul.f32 v4, v2;
	_ =	sdelay $0x1  }
0x21f: {  	v4 =	vsub.f32 $1.500000000e+00, v4;
	_ =	sdelay $0x1  }
0x220: {  	v2 =	vmul.f32 v4, v2;
	_ =	sdelay $0x1  }
0x221: {  	v3 =	vmul.f32 v2, v3;
	_ =	sdelay $0x1  }
0x222: {  	v3 =	vmul.f32 v3, v2;
	_ =	sdelay $0x1  }
.Ltmp7:
0x223: {  	v3 =	vsub.f32 $1.500000000e+00, v3;
	(pc) =	sbr.rel @p1 .LBB2_16-.Ltmp7, $3  }
0x224: {  	_ = 	snop  }
0x225: {  	v2 =	vmul.f32 v3, v2;
	_ =	sdelay $0x1  }
0x226: {  	[tilespmem:s0+$0x6000] =	vst v2;
	s0 =	sshra.s32 s1, $0x2;
	s1 =	sadd.s32 $0x40, s1  }
0x227: {  	v2 =	vld [tilespmem:s0+$0x6000];
	_ =	sdelay $0x4  }
0x228: {  	v2 =	vadd.f32 $1.000000000e+00, v2;
	_ =	sdelay $0x1  }
0x229: {  	v3 =	vmul.f32 $5.000000000e-01, v2;
	v2 =	vshra.s32 v2, $0x1  }
0x22a: {  	v2 =	vsub.s32 $0x5F3759DF, v2  }
0x22b: {  	v4 =	vmul.f32 v2, v3;
	_ =	sdelay $0x1  }
0x22c: {  	v4 =	vmul.f32 v2, v4;
	_ =	sdelay $0x1  }
0x22d: {  	v4 =	vsub.f32 $1.500000000e+00, v4;
	_ =	sdelay $0x1  }
0x22e: {  	v2 =	vmul.f32 v2, v4;
	_ =	sdelay $0x1  }
0x22f: {  	v4 =	vmul.f32 v2, v3;
	_ =	sdelay $0x1  }
0x230: {  	v4 =	vmul.f32 v4, v2;
	_ =	sdelay $0x1  }
0x231: {  	v4 =	vsub.f32 $1.500000000e+00, v4;
	_ =	sdelay $0x1  }
0x232: {  	v2 =	vmul.f32 v4, v2;
	_ =	sdelay $0x1  }
0x233: {  	v3 =	vmul.f32 v2, v3;
	_ =	sdelay $0x1  }
0x234: {  	v3 =	vmul.f32 v3, v2;
	_ =	sdelay $0x1  }
0x235: {  	v3 =	vsub.f32 $1.500000000e+00, v3;
	_ =	sdelay $0x1  }
0x236: {  	v2 =	vmul.f32 v3, v2;
	_ =	sdelay $0x1  }
0x237: {  	s1 =	simm.s32 @!p0 $0x6000;
	[tilespmem:s0+$0x6000] =	vst v2;
	s0 =	simm.s32 @!p0 $0x0  }
0x238: {  	[hbm4b:s13+s0] =	stream.linear.scatter @!p0 [tilespmem:s1], [sflag:$0x6], $0x280, $0x38;
	[tilespmem:$0x10780] =	vst v63  }
0x239: {  	s0 =	simm.s32 @!p0 $0x6  }
0x23a: {  	_ =	swait.ge @!p0 [sflag:s0], $0x280  }
0x23b: {  	[sflag:s0] =	ssyncset.done @!p0 $0x0  }
0x23c: {  	[sflag:s0] =	ssyncadd.s32 @!p0 $0xFFFFFD80  }
0x23d: {  	s16 =	sadd.s32 $0x0, s3;
	_ =	swait.ge [sflag:s29], $0xA000  }
0x23e: {  	v2 =	vmov s16;
	[sflag:s29] =	ssyncset.done $0x0  }
0x23f: {  	s0 =	simm.s32 $0x67C0;
	[sflag:s29] =	ssyncadd.s32 $0xFFFF6000  }
0x240: {  	v6 =	vld [tilespmem:s0+$0x30]  }
0x241: {  	v9 =	vld [tilespmem:s0+$0x10]  }
0x242: {  	v7 =	vld [tilespmem:s0+$0xFFFFFFC0]  }
0x243: {  	v3 =	vld.idx.msk [tilespmem:v2+s30+$0x0], $0xffff  }
0x244: {  	v11 =	vld [tilespmem:s0+$0xFFFFFFE0]  }
0x245: {  	v2 =	vld [tilespmem:s0+$0xFFFFFFF0]  }
0x246: {  	v4 =	vld [tilespmem:s0+$0x20]  }
0x247: {  	v5 =	vld [tilespmem:s0+$0xFFFFFFD0]  }
0x248: {  	v10 =	vmul.f32 v6, v3;
	v6 =	vld [tilespmem:s0+$0x0]  }
0x249: {  	v8 =	vmul.f32 v7, v3  }
0x24a: {  	s5 =	simm.s32 $0x67C0;
	s1 =	simm.s32 $0x1;
	v7 =	vmul.f32 v11, v3;
	v9 =	vmul.f32 v9, v3  }
.LBB2_18:
0x24b: {  	p1 =	sne.s32 s1, $0x13F  }
0x24c: {  	v5 =	vmul.f32 v5, v3;
	v4 =	vmul.f32 v4, v3;
	[tilespmem:s0+$0x30] =	vst v10;
	s5 =	sadd.s32 $0x80, s5;
	s16 =	smov.u32 s1;
	s1 =	sadd.s32 $0x1, s1  }
0x24d: {  	[tilespmem:s0+$0xFFFFFFC0] =	vst v8;
	v8 =	vmul.f32 v2, v3;
	v3 =	vmul.f32 v6, v3  }
0x24e: {  	s16 =	sadd.s32 s16, s3;
	[tilespmem:s0+$0x10] =	vst v9  }
0x24f: {  	v6 =	vmov s16;
	[tilespmem:s0+$0xFFFFFFE0] =	vst v7  }
0x250: {  	v2 =	vld [tilespmem:s5+$0xFFFFFFF0];
	[tilespmem:s0+$0xFFFFFFF0] =	vst v8  }
0x251: {  	v7 =	vld [tilespmem:s5+$0x30];
	[tilespmem:s0+$0x0] =	vst v3  }
0x252: {  	v9 =	vld [tilespmem:s5+$0x10];
	[tilespmem:s0+$0x20] =	vst v4  }
0x253: {  	v8 =	vld [tilespmem:s5+$0xFFFFFFC0];
	[tilespmem:s0+$0xFFFFFFD0] =	vst v5;
	s0 =	smov.u32 s5  }
0x254: {  	v3 =	vld.idx.msk [tilespmem:v6+s30+$0x0], $0xffff  }
0x255: {  	v11 =	vld [tilespmem:s5+$0xFFFFFFE0]  }
0x256: {  	v4 =	vld [tilespmem:s5+$0x20]  }
.Ltmp8:
0x257: {  	v5 =	vld [tilespmem:s5+$0xFFFFFFD0];
	(pc) =	sbr.rel @p1 .LBB2_18-.Ltmp8, $3  }
0x258: {  	v6 =	vld [tilespmem:s5+$0x0];
	_ =	sdelay $0x1  }
0x259: {  	v8 =	vmul.f32 v8, v3;
	v10 =	vmul.f32 v7, v3  }
0x25a: {  	v9 =	vmul.f32 v9, v3;
	v7 =	vmul.f32 v11, v3  }
0x25b: {  	[tilespmem:s0+$0x30] =	vst v10  }
0x25c: {  	[tilespmem:s0+$0xFFFFFFC0] =	vst v8  }
0x25d: {  	v2 =	vmul.f32 v2, v3;
	[tilespmem:s0+$0x10] =	vst v9  }
0x25e: {  	v4 =	vmul.f32 v4, v3;
	[tilespmem:s0+$0xFFFFFFE0] =	vst v7  }
0x25f: {  	v6 =	vmul.f32 v6, v3;
	[tilespmem:s0+$0xFFFFFFF0] =	vst v2  }
0x260: {  	s31 =	sadd.s32 $0x1, s31;
	v2 =	vmul.f32 v5, v3;
	[tilespmem:s0+$0x20] =	vst v4  }
0x261: {  	p1 =	sne.s32 s31, s15;
	[tilespmem:s0+$0x0] =	vst v6  }
.Ltmp9:
0x262: {  	s1 =	simm.s32 $0x6780;
	[tilespmem:s0+$0xFFFFFFD0] =	vst v2;
	(pc) =	sbr.rel @p1 .LBB2_1-.Ltmp9, $4  }
0x263: {  	[hbm4b:s14+s2] =	stream.linear.scatter [tilespmem:s1], [sflag:$0x6], $0xA000, $0x38;
	[tilespmem:$0x10780] =	vst v63  }
0x264: {  	_ =	swait.ge [sflag:s23], $0xA000  }
0x265: {  	[sflag:s23] =	ssyncset.done $0x0  }
0x266: {  	[sflag:s23] =	ssyncadd.s32 $0xFFFF6000  }
0x267: {  	_ =	sfence.sel $0x180000  }
0x268: {  	[bflag:$0x0] =	sbarrier.arrive $0xFFFF  }
0x269: {  	_ =	strace $0x90000047  }
0x26a: {  	s0 =	stileid.u32;
	[bflag:$0x2] =	sbarrier.arrive $0xFFFF  }
0x26b: {  	p0 =	sne.s32 s0, $0x0;
	s0 =	rddreg [dreg:$0x2]  }
0x26c: {  	s0 =	sadd.s32 @!p0 $0x100000, s0  }
0x26d: {  	[sflag:s0] =	ssyncadd.tile.s32 @!p0 $0x1;
	_ =	shalt  }
.Lfunc_end2:
_tile_overlayer_lowered:
.L_overlay_start_2:
0x26e: {  	(tag) =	ssettag $0x2  }
0x26f: {  	s0 =	rddreg [dreg:$0x0];
	s2 =	stileid.u32  }
0x270: {  	s1 =	rddreg [dreg:$0x1];
	p0 =	sne.s32 s2, $0x0  }
0x271: {  	s3 =	rddreg [dreg:$0x2];
	[bflag:$0x3] =	sbarrier.arrive $0xFFFF;
	s2 =	simm.s32 @!p0 $0x1C06  }
0x272: {  	[timem:s3], [sflag:s2] =	dma.local @!p0 [hbm:s0], s1  }
0x273: {  	s0 =	simm.s32 @!p0 $0x6  }
0x274: {  	_ =	swait.ge @!p0 [sflag:s0], s1  }
0x275: {  	s1 =	ssub.s32 @!p0 $0x0, s1;
	[sflag:s0] =	ssyncset.done @!p0 $0x0  }
0x276: {  	[sflag:s0] =	ssyncadd.s32 @!p0 s1  }
0x277: {  	[bflag:$0x3] =	sbarrier.arrive $0xFFFF  }
0x278: {  	_ =	shalt  }

// kernel: kernel.8.cloned.1.call-start
scs
__scs_entry_jumppad:
0x0: {  	(pc) =	sbr.rel $0x88, $3  }
0x1: {  	(tag) =	ssettag $0x0;
	lr =	simm.s32 $0x1  }
0x2: {  	[smem:$0x3F9D] =	sst lr;
	_ =	strace $0xD0000000  }
0x3: {  	_ = 	snop  }
0x4: {  	_ = 	snop  }
0x5: {  	_ = 	snop  }
0x6: {  	_ = 	snop  }
0x7: {  	_ = 	snop  }
__scs_overlays_trampoline_lowered:
0x8: {  	[smem:$0x3FAC] =	sst s0  }
0x9: {  	[smem:$0x3FAD] =	sst s1  }
0xa: {  	[smem:$0x3FAE] =	sst s2  }
0xb: {  	[smem:$0x3FAF] =	sst s3  }
0xc: {  	[smem:$0x3FB0] =	sst s4  }
0xd: {  	[smem:$0x3FB1] =	sst s5  }
0xe: {  	[smem:$0x3FB2] =	sst s6  }
0xf: {  	[smem:$0x3FB3] =	sst s7  }
0x10: {  	[smem:$0x3FB4] =	sst s8  }
0x11: {  	[smem:$0x3FB5] =	sst s9;
	s0 =	simm.s32 @!p0 $0x0  }
0x12: {  	s1 =	sld [smem:$0x3F9B];
	s0 =	simm.s32 @p0 $0x1  }
0x13: {  	[smem:$0x3FB6] =	sst s0;
	s0 =	simm.s32 @!p1 $0x0  }
0x14: {  	s2 =	sld [smem:$0x3F9A];
	s0 =	simm.s32 @p1 $0x1  }
0x15: {  	[smem:$0x3FB7] =	sst s0;
	s0 =	simm.s32 @!p2 $0x0  }
0x16: {  	s3 =	sld [smem:$0x3FDB];
	s0 =	simm.s32 @p2 $0x1  }
0x17: {  	s4 =	simm.s32 $0x1BF5;
	[smem:$0x3FB9] =	sst s0  }
0x18: {  	s0 =	sld [smem:$0x3F9C];
	_ =	swait.ge [sflag:s4], $0x0  }
0x19: {  	s7 =	sld [smem:$0x3F9D]  }
0x1a: {  	s8 =	sadd.s32 $0xFFFFE003, lr  }
0x1b: {  	s9 =	sadd.s32 $0xFFFFFEF7, lr;
	s5 =	simm.s32 $0xFFFFFFFF;
	p2 =	slt.u32 s8, $0xFFFFF086  }
0x1c: {  	p1 =	slt.u32 s9, $0xF7A;
	s5 =	simm.s32 @!p2 $0x0  }
0x1d: {  	s5 =	simm.s32 @p1 $0x1;
	p0 =	seq.s32 s7, s2  }
0x1e: {  	s7 =	smul.u32 @!p0 $0xF7A, s2;
	p2 =	seq.s32 @!p0 s5, $0x0  }
0x1f: {  	s9 =	smul.u32 $0xF7A, s1;
	s8 =	simm.s32 @!p0 $0x1BF5;
	p2 =	por !p2, p0  }
0x20: {  	[sflag:s8] =	ssyncset.s32 @!p0 $0xFFFFF086;
	s6 =	sadd.s32 @!p0 s3, s7;
	s7 =	simm.s32 @!p0 $0x108  }
0x21: {  	s3 =	sadd.s32 s3, s9;
	s6 =	sadd.s32 @!p0 $0x88, s6;
	s7 =	simm.s32 @p2 $0x1082  }
0x22: {  	[simem:s7], [sflag:s8] =	dma.local @!p0 [hbm:s6], $0xF7A  }
0x23: {  	s9 =	sor.u32 $0xD0000000, s2;
	s6 =	simm.s32 $0x108;
	_ =	swait.ge @!p0 [sflag:s8], $0x0  }
0x24: {  	s3 =	sadd.s32 $0x88, s3;
	s6 =	simm.s32 @!p1 $0x1082;
	[sflag:s4] =	ssyncset.s32 $0xFFFFF086  }
0x25: {  	[simem:s6], [sflag:s4] =	dma.local [hbm:s3], $0xF7A  }
0x26: {  	[smem:$0x3F9D] =	sst s1;
	(tag) =	ssettag s2;
	_ =	strace s9  }
0x27: {  	s1 =	sld [smem:$0x3FAD]  }
0x28: {  	s2 =	sld [smem:$0x3FAE]  }
0x29: {  	s4 =	sld [smem:$0x3FB0]  }
0x2a: {  	p0 =	seq.s32 s5, $0x0;
	s5 =	sld [smem:$0x3FB1]  }
0x2b: {  	s6 =	sld [smem:$0x3FB2]  }
0x2c: {  	s7 =	sld [smem:$0x3FB3]  }
0x2d: {  	s3 =	simm.s32 $0x108;
	s8 =	sld [smem:$0x3FB4]  }
0x2e: {  	s3 =	simm.s32 @!p0 $0x1082;
	s9 =	sld [smem:$0x3FB5]  }
0x2f: {  	lr =	sadd.s32 s0, s3;
	s0 =	sld [smem:$0x3FAC]  }
0x30: {  	s3 =	sld [smem:$0x3FAF]  }
0x31: {  	[smem:$0x3FB8] =	sst s10  }
0x32: {  	s10 =	sld [smem:$0x3FB6];
	_ =	sdelay $0x3  }
0x33: {  	p0 =	seq.s32 s10, $0x1;
	s10 =	sld [smem:$0x3FB8];
	_ =	sdelay $0x3  }
0x34: {  	[smem:$0x3FB8] =	sst s10  }
0x35: {  	s10 =	sld [smem:$0x3FB7];
	_ =	sdelay $0x3  }
0x36: {  	p1 =	seq.s32 s10, $0x1;
	s10 =	sld [smem:$0x3FB8];
	_ =	sdelay $0x3  }
0x37: {  	[smem:$0x3FB8] =	sst s10  }
0x38: {  	s10 =	sld [smem:$0x3FB9]  }
0x39: {  	_ = 	snop;
	(pc) =	sbr.ind lr, $3  }
0x3a: {  	_ = 	snop  }
0x3b: {  	_ = 	snop  }
0x3c: {  	p2 =	seq.s32 s10, $0x1;
	s10 =	sld [smem:$0x3FB8]  }
0x3d: {  	_ =	shalt  }
0x3e: {  	_ =	shalt  }
0x3f: {  	_ =	shalt  }
0x40: {  	_ =	shalt  }
0x41: {  	_ =	shalt  }
0x42: {  	_ =	shalt  }
0x43: {  	_ =	shalt  }
0x44: {  	_ =	shalt  }
0x45: {  	_ =	shalt  }
0x46: {  	_ =	shalt  }
0x47: {  	_ =	shalt  }
0x48: {  	_ =	shalt  }
0x49: {  	_ =	shalt  }
0x4a: {  	_ =	shalt  }
0x4b: {  	_ =	shalt  }
0x4c: {  	_ =	shalt  }
0x4d: {  	_ =	shalt  }
0x4e: {  	_ =	shalt  }
0x4f: {  	_ =	shalt  }
0x50: {  	_ =	shalt  }
0x51: {  	_ =	shalt  }
0x52: {  	_ =	shalt  }
0x53: {  	_ =	shalt  }
0x54: {  	_ =	shalt  }
0x55: {  	_ =	shalt  }
0x56: {  	_ =	shalt  }
0x57: {  	_ =	shalt  }
0x58: {  	_ =	shalt  }
0x59: {  	_ =	shalt  }
0x5a: {  	_ =	shalt  }
0x5b: {  	_ =	shalt  }
0x5c: {  	_ =	shalt  }
0x5d: {  	_ =	shalt  }
0x5e: {  	_ =	shalt  }
0x5f: {  	_ =	shalt  }
0x60: {  	_ =	shalt  }
0x61: {  	_ =	shalt  }
0x62: {  	_ =	shalt  }
0x63: {  	_ =	shalt  }
0x64: {  	_ =	shalt  }
0x65: {  	_ =	shalt  }
0x66: {  	_ =	shalt  }
0x67: {  	_ =	shalt  }
0x68: {  	_ =	shalt  }
0x69: {  	_ =	shalt  }
0x6a: {  	_ =	shalt  }
0x6b: {  	_ =	shalt  }
0x6c: {  	_ =	shalt  }
0x6d: {  	_ =	shalt  }
0x6e: {  	_ =	shalt  }
0x6f: {  	_ =	shalt  }
0x70: {  	_ =	shalt  }
0x71: {  	_ =	shalt  }
0x72: {  	_ =	shalt  }
0x73: {  	_ =	shalt  }
0x74: {  	_ =	shalt  }
0x75: {  	_ =	shalt  }
0x76: {  	_ =	shalt  }
0x77: {  	_ =	shalt  }
0x78: {  	_ =	shalt  }
0x79: {  	_ =	shalt  }
0x7a: {  	_ =	shalt  }
0x7b: {  	_ =	shalt  }
0x7c: {  	_ =	shalt  }
0x7d: {  	_ =	shalt  }
0x7e: {  	_ =	shalt  }
0x7f: {  	_ =	shalt  }
0x80: {  	_ =	shalt  }
0x81: {  	_ =	shalt  }
0x82: {  	_ =	shalt  }
0x83: {  	_ =	shalt  }
0x84: {  	_ =	shalt  }
0x85: {  	_ =	shalt  }
0x86: {  	_ =	shalt  }
0x87: {  	_ =	shalt  }
.Lfunc_end0:
.L_simem_size_0:
called_computation.1_lowered:
.L_overlay_start_0:
0x88: {  	s2 =	sld [smem:$0x3FD9]  }
0x89: {  	s3 =	sld [smem:$0x3FFE];
	_ =	sdelay $0x1  }
0x8a: {  	s1 =	srdreg.scid  }
0x8b: {  	s0 =	sand.u32 $0x1, s1  }
0x8c: {  	s17 =	sshll.u32 s0, $0xA;
	s2 =	sadd.s32 s3, s2  }
0x8d: {  	s2 =	sadd.s32 s2, s17  }
0x8e: {  	[smem:$0x3FC4] =	sst s2  }
0x8f: {  	_ = 	snop  }
0x90: {  	s2 =	sld [smem:$0x3FD0];
	(tm) =	ssettm $0x1  }
0x91: {  	s18 =	sld [smem:$0x3FFB];
	_ =	sdelay $0x3  }
0x92: {  	_ =	strace s18  }
0x93: {  	s3 =	sld [smem:$0x3FFC];
	_ =	sdelay $0x3  }
0x94: {  	_ =	strace s3  }
0x95: {  	s3 =	sld [smem:$0x3FFD];
	_ =	sdelay $0x3  }
0x96: {  	_ =	strace s3  }
0x97: {  	_ =	strace $0x8FFFFFFF  }
0x98: {  	s19 =	sld [smem:$0x3FDB];
	_ =	sdelay $0x1  }
0x99: {  	s4 =	simm.s32 $_scs_section_size  }
0x9a: {  	s5 =	simm.s32 $_size__tile_overlayer_lowered;
	s6 =	simm.s32 $_tile_overlayer_lowered  }
0x9b: {  	s22 =	simm.s32 $0x1BFF;
	s21 =	sshll.u32 s6, $0x1;
	s3 =	sadd.s32 s4, s19  }
0x9c: {  	s7 =	simm.s32 $0x0;
	s20 =	sshll.u32 s5, $0x1;
	s5 =	sadd.s32 s21, s3  }
0x9d: {  	[timem:s7], [sflag:s22] =	dma.local [hbm:s5], s20  }
0x9e: {  	_ =	swait.ge [sflag:s22], s20  }
0x9f: {  	s4 =	ssub.s32 $0x0, s20;
	[sflag:s22] =	ssyncset.done $0x0  }
0xa0: {  	[sflag:s22] =	ssyncadd.s32 s4;
	_ =	sdelay $0x1  }
0xa1: {  	s23 =	simm.s32 $0x1B8B  }
0xa2: {  	_ =	swait.ge [sflag:s23], $0x1  }
0xa3: {  	[sflag:s23] =	ssyncset.done $0x0  }
0xa4: {  	s25 =	simm.s32 $0x1B8E;
	s24 =	sld [smem:$0x3FFE];
	[sflag:s23] =	ssyncadd.s32 $0xFFFFFFFF  }
0xa5: {  	s26 =	simm.s32 $execute0_lowered;
	[smem:$0x3FD2] =	sst s25  }
0xa6: {  	s5 =	sshll.u32 s26, $0x1;
	_ =	strace $0x80000049;
	[dreg:$0x1] =	wrdreg $0xFFFFFFFF  }
0xa7: {  	s28 =	simm.s32 $_size_execute0_lowered;
	s3 =	sadd.s32 s3, s5;
	[dreg:$0x0] =	wrdreg $0x0  }
0xa8: {  	s5 =	sshll.u32 s28, $0x1;
	[dreg:$0x2] =	wrdreg s3  }
0xa9: {  	[dreg:$0x3] =	wrdreg s5  }
0xaa: {  	[dreg:$0x4] =	wrdreg $0xC0  }
0xab: {  	_ =	task [dreg:s7], $0x5FFFF  }
0xac: {  	[dreg:$0x1] =	wrdreg $0xFFFFFFFF  }
0xad: {  	[dreg:$0x0] =	wrdreg $0x60  }
0xae: {  	[dreg:$0x2] =	wrdreg s24  }
0xaf: {  	[dreg:$0x3] =	wrdreg s2  }
0xb0: {  	[dreg:$0x4] =	wrdreg $0x85000  }
0xb1: {  	[dreg:$0x5] =	wrdreg $0x9  }
0xb2: {  	_ =	task.clear_ibuf [dreg:s7], $0x6FFFF;
	_ =	strace $0x90000049  }
0xb3: {  	s29 =	simm.s32 $0x9;
	_ =	strace $0x8000004B  }
0xb4: {  	_ =	swait.ge [sflag:s29], $0x1  }
0xb5: {  	[sflag:s29] =	ssyncadd.s32 $0xFFFFFFFF  }
0xb6: {  	_ =	strace $0x9000004B  }
0xb7: {  	_ =	sfence  }
0xb8: {  	s30 =	sld [smem:$0x0];
	_ =	sdelay $0x2  }
0xb9: {  	s31 =	sshll.u32 s1, $0xD;
	s1 =	sshrl.u32 s1, $0x2  }
0xba: {  	s3 =	sand.u32 $0x4000, s31;
	s1 =	sadd.s32 s1, s30  }
0xbb: {  	s0 =	sor.u32 s3, s0;
	s1 =	sshll.u32 s1, $0x11  }
0xbc: {  	s0 =	sor.u32 s1, s0  }
0xbd: {  	s0 =	sadd.s32 $0x8F2B, s0  }
0xbe: {  	[sflag:s0] =	ssyncadd.remote.s32 $0x1  }
0xbf: {  	_ =	sfence.sel $0xFFFF  }
0xc0: {  	[dreg:$0x0] =	wrdreg $0xFFFFFFFF;
	(pc) =	sbr.abs _section_cstart, $3  }
0xc1: {  	[dreg:$0x1] =	wrdreg $0xFFFFFFFF  }
0xc2: {  	_ =	task.clear_ibuf [dreg:s7], $0x2FFFF;
	_ =	strace $0x9FFFFFFF  }
0xc3: {  	(tm) =	ssettm $0x7FFFFFFF  }
tec
execute0_lowered:
.L_overlay_start_1:
0x0: {  	(tag) =	ssettag $0x1  }
0x1: {  	s0 =	rddreg [dreg:$0x0]  }
0x2: {  	s10 =	rddreg [dreg:$0x1]  }
0x3: {  	s1 =	rddreg [dreg:$0x2]  }
0x4: {  	s2 =	srdreg.scid;
	s20 =	stileid.u32  }
0x5: {  	s3 =	simm.s32 $0x0;
	s28 =	simm.s32 $0x0;
	s13 =	smul.u32 $0x14000, s20  }
0x6: {  	s11 =	sand.u32 $0x1, s2;
	[smem:$0x7FF] =	sst s3;
	s26 =	smul.u32 $0x2800, s20  }
0x7: {  	s12 =	sadd.s32 $0x5B800, s0;
	s2 =	sshll.u32 s11, $0x4;
	s6 =	smul.u32 $0x28000, s11  }
0x8: {  	_ =	strace $0x8000004A;
	s4 =	ssub.s32 $0x2, s11;
	s11 =	smul.u32 $0x140000, s11  }
0x9: {  	s2 =	sor.u32 s20, s2;
	s5 =	sshrl.u32 s4, $0x1;
	s8 =	sadd.s32 $0xA000, s13  }
0xa: {  	s2 =	smul.u32 $0x2800, s2;
	s4 =	ssub.s32 s4, s5;
	s15 =	sadd.s32 s26, s6  }
0xb: {  	s5 =	sadd.s32 $0x4000, s13;
	s6 =	sadd.s32 $0x6000, s13;
	s9 =	sor.u32 $0x300, s15  }
0xc: {  	s18 =	sor.u32 $0x280, s15;
	s19 =	sor.u32 $0x200, s15;
	s14 =	sshrl.u32 s2, $0x3  }
0xd: {  	s15 =	sor.u32 $0x180, s15;
	s16 =	sshrl.u32 s9, $0x3;
	s7 =	sadd.s32 s12, s14  }
0xe: {  	s9 =	sadd.s32 $0xC000, s13;
	s17 =	sadd.s32 s16, s10;
	[dreg:$0xc] =	wrdreg s7  }
0xf: {  	s30 =	sshrl.u32 s18, $0x3;
	s16 =	sadd.s32 s16, s12;
	[dreg:$0x4] =	wrdreg s17  }
0x10: {  	s23 =	sshrl.u32 s19, $0x3;
	s18 =	sadd.s32 s30, s10;
	[dreg:$0x5] =	wrdreg s16  }
0x11: {  	s15 =	sshrl.u32 s15, $0x3;
	s22 =	sadd.s32 s30, s12;
	[dreg:$0x6] =	wrdreg s18  }
0x12: {  	s2 =	sor.u32 $0x10, s14;
	s24 =	sadd.s32 s23, s10;
	[dreg:$0x7] =	wrdreg s22  }
0x13: {  	s21 =	sadd.s32 s10, s14;
	s25 =	sadd.s32 s23, s12;
	[dreg:$0x8] =	wrdreg s24  }
0x14: {  	s26 =	sadd.s32 s15, s10;
	s19 =	sor.u32 $0x20, s14;
	[dreg:$0x9] =	wrdreg s25  }
0x15: {  	s14 =	sadd.s32 $0x4F0, s14;
	s29 =	sadd.s32 s12, s2;
	[dreg:$0xa] =	wrdreg s26  }
0x16: {  	s2 =	sadd.s32 s10, s2;
	s7 =	sadd.s32 $0x8000, s13;
	[dreg:$0xd] =	wrdreg s21  }
0x17: {  	s17 =	sadd.s32 $0xE000, s13;
	s18 =	sadd.s32 $0x10000, s13;
	[dreg:$0xe] =	wrdreg s29  }
0x18: {  	s30 =	sadd.s32 s10, s19;
	s10 =	sadd.s32 s10, s14;
	[dreg:$0xf] =	wrdreg s2  }
0x19: {  	s14 =	sadd.s32 s12, s14;
	s22 =	sadd.s32 s11, s5;
	[dreg:$0x11] =	wrdreg s30  }
0x1a: {  	s24 =	sadd.s32 s11, s6;
	s2 =	sor.u32 $0x2000, s13;
	[dreg:$0x12] =	wrdreg s10  }
0x1b: {  	s29 =	sadd.s32 s12, s19;
	[dreg:$0x13] =	wrdreg s14;
	s10 =	sadd.s32 s15, s12  }
0x1c: {  	s12 =	sadd.s32 $0x12000, s13;
	s13 =	sadd.s32 s13, s11;
	s14 =	sadd.s32 $0x65800, s0  }
0x1d: {  	s23 =	sshrl.u32 s22, $0x3;
	s25 =	sshrl.u32 s24, $0x3;
	s26 =	sadd.s32 s11, s7  }
0x1e: {  	s30 =	sadd.s32 s11, s8;
	[dreg:$0x10] =	wrdreg s29;
	s13 =	sshrl.u32 s13, $0x3  }
0x1f: {  	s16 =	sadd.s32 s11, s2;
	s29 =	sshrl.u32 s26, $0x3;
	s26 =	smul.u32 $0x50000, s20  }
0x20: {  	[dreg:$0xb] =	wrdreg s10;
	s10 =	sadd.s32 s2, s1;
	s20 =	sadd.s32 s18, s1  }
0x21: {  	s13 =	sadd.s32 s14, s13;
	s19 =	sshrl.u32 s16, $0x3;
	[dreg:$0x1e] =	wrdreg s10  }
0x22: {  	s16 =	sshrl.u32 s30, $0x3;
	[smem:$0x7F7] =	sst s20;
	s10 =	simm.s32 $0x100  }
0x23: {  	s20 =	simm.s32 $0x40;
	[dreg:$0x14] =	wrdreg s13;
	s13 =	sadd.s32 s14, s19  }
0x24: {  	s19 =	sadd.s32 s11, s9;
	s30 =	sshrl.u32 s26, $0x2;
	s26 =	sadd.s32 $0x18, s21  }
0x25: {  	[dreg:$0x15] =	wrdreg s13;
	s13 =	sadd.s32 s14, s23;
	s22 =	sshrl.u32 s19, $0x3  }
0x26: {  	s23 =	sadd.s32 s11, s17;
	s31 =	sadd.s32 s30, s1;
	s19 =	sadd.s32 s17, s1  }
0x27: {  	[smem:$0x7FB] =	sst s26;
	s30 =	sadd.s32 $0x4F8, s21;
	s17 =	simm.s32 $0x1  }
0x28: {  	s26 =	simm.s32 $0x6;
	[dreg:$0x16] =	wrdreg s13;
	s13 =	sadd.s32 s14, s25  }
0x29: {  	s24 =	sshrl.u32 s23, $0x3;
	s25 =	sadd.s32 s11, s18;
	[smem:$0x7F6] =	sst s19  }
0x2a: {  	s11 =	sadd.s32 s11, s12;
	s23 =	sadd.s32 s12, s1;
	[smem:$0x7FD] =	sst s30  }
0x2b: {  	s12 =	simm.s32 $0x80;
	s18 =	simm.s32 $0x500;
	s19 =	simm.s32 $0x3  }
0x2c: {  	[dreg:$0x17] =	wrdreg s13;
	s13 =	sadd.s32 s14, s29;
	s15 =	sshrl.u32 s25, $0x3  }
0x2d: {  	s11 =	sshrl.u32 s11, $0x3;
	[smem:$0x7F8] =	sst s23;
	s25 =	sadd.s32 $0x8, s21  }
0x2e: {  	s23 =	simm.s32 $0x5;
	[dreg:$0x18] =	wrdreg s13;
	s13 =	sadd.s32 s14, s16  }
0x2f: {  	s29 =	sadd.s32 s14, s15;
	s11 =	sadd.s32 s14, s11;
	[smem:$0x7FA] =	sst s25  }
0x30: {  	s15 =	sadd.s32 s8, s1;
	s16 =	sadd.s32 s9, s1;
	[dreg:$0x19] =	wrdreg s13  }
0x31: {  	s8 =	simm.s32 $0x4;
	s9 =	simm.s32 $0x6500;
	[dreg:$0x1c] =	wrdreg s29  }
0x32: {  	s25 =	simm.s32 $0x480;
	s13 =	sadd.s32 s14, s22;
	[dreg:$0x1d] =	wrdreg s11  }
0x33: {  	s22 =	sadd.s32 $0x33800, s0;
	s11 =	sadd.s32 s5, s1;
	[smem:$0x7F4] =	sst s15  }
0x34: {  	[smem:$0x7F5] =	sst s16;
	s29 =	sadd.s32 $0x28, s21;
	s15 =	simm.s32 $0x1C500  }
0x35: {  	s16 =	simm.s32 $0x7;
	s21 =	simm.s32 $0x2500;
	[dreg:$0x1a] =	wrdreg s13  }
0x36: {  	s5 =	simm.s32 $0x300;
	s13 =	sadd.s32 s14, s24;
	[dreg:$0x1f] =	wrdreg s11  }
0x37: {  	s14 =	sadd.s32 s7, s1;
	s24 =	smax.u32 s4, $0x1;
	[smem:$0x7FC] =	sst s29  }
0x38: {  	s11 =	simm.s32 $0x180;
	s4 =	simm.s32 $0x380;
	[dreg:$0x1b] =	wrdreg s13  }
0x39: {  	s7 =	simm.s32 $0x4500;
	s13 =	sadd.s32 s6, s1;
	[smem:$0x7F3] =	sst s14  }
0x3a: {  	[smem:$0x7F9] =	sst s24;
	s14 =	simm.s32 $0x280;
	s6 =	simm.s32 $0x2  }
0x3b: {  	v0 =	vimm.f32 $0.0e+00;
	s24 =	simm.s32 $0x400;
	[smem:$0x7F2] =	sst s13;
	s13 =	simm.s32 $0x200  }
.LBB2_1:
0x3c: {  	s0 =	rddreg [dreg:$0xc]  }
0x3d: {  	[tilespmem:s3], [sflag:$0x1] =	stream.linear.gather [hbm4b:s0+s3], $0x80, $0x38;
	[tilespmem:$0x1E500] =	vst v63  }
0x3e: {  	s2 =	rddreg [dreg:$0xd]  }
0x3f: {  	[tilespmem:s10], [sflag:$0x1] =	stream.linear.gather [hbm4b:s2+s3], $0x40, $0x38;
	[tilespmem:$0x1E500] =	vst v63  }
0x40: {  	s2 =	sld [smem:$0x7FA];
	_ =	sdelay $0x2  }
0x41: {  	[tilespmem:s11], [sflag:$0x1] =	stream.linear.gather [hbm4b:s2+s3], $0x40, $0x38;
	[tilespmem:$0x1E500] =	vst v63  }
0x42: {  	s2 =	rddreg [dreg:$0xe]  }
0x43: {  	[tilespmem:s12], [sflag:$0x2] =	stream.linear.gather [hbm4b:s2+s3], $0x80, $0x38;
	[tilespmem:$0x1E500] =	vst v63  }
0x44: {  	s2 =	rddreg [dreg:$0xf]  }
0x45: {  	[tilespmem:s13], [sflag:$0x2] =	stream.linear.gather [hbm4b:s2+s3], $0x40, $0x38;
	[tilespmem:$0x1E500] =	vst v63  }
0x46: {  	s2 =	sld [smem:$0x7FB];
	_ =	sdelay $0x1  }
0x47: {  	s29 =	simm.s32 $0x0;
	s30 =	simm.s32 $0x200  }
0x48: {  	[tilespmem:s14], [sflag:$0x2] =	stream.linear.gather [hbm4b:s2+s3], $0x40, $0x38;
	[tilespmem:$0x1E500] =	vst v63  }
.LBB2_2:
0x49: {  	p0 =	sne.s32 s30, $0x7E00;
	[tilespmem:s29+$0x1C570] =	vst v0  }
0x4a: {  	[tilespmem:s29+$0x1C500] =	vst v0  }
0x4b: {  	[tilespmem:s29+$0x1C510] =	vst v0  }
.Ltmp0:
0x4c: {  	[tilespmem:s29+$0x1C520] =	vst v0;
	(pc) =	sbr.rel @p0 .LBB2_2-.Ltmp0, $4  }
0x4d: {  	[tilespmem:s29+$0x1C530] =	vst v0  }
0x4e: {  	[tilespmem:s29+$0x1C540] =	vst v0  }
0x4f: {  	[tilespmem:s29+$0x1C550] =	vst v0  }
0x50: {  	[tilespmem:s29+$0x1C560] =	vst v0;
	s29 =	sshra.s32 s30, $0x2;
	s30 =	sadd.s32 $0x200, s30  }
0x51: {  	[tilespmem:s29+$0x1C570] =	vst v0  }
0x52: {  	[tilespmem:s29+$0x1C500] =	vst v0  }
0x53: {  	[tilespmem:s29+$0x1C510] =	vst v0  }
0x54: {  	[tilespmem:s29+$0x1C520] =	vst v0  }
0x55: {  	[tilespmem:s29+$0x1C530] =	vst v0  }
0x56: {  	[tilespmem:s29+$0x1C540] =	vst v0  }
0x57: {  	[tilespmem:s29+$0x1C550] =	vst v0  }
0x58: {  	[tilespmem:s29+$0x1C560] =	vst v0  }
0x59: {  	[spmem:s31] =	stream.linear.scatter [tilespmem:s15], [sflag:$0x7], $0x2000, $0x38;
	[tilespmem:$0x1E500] =	vst v63  }
0x5a: {  	_ =	swait.ge [sflag:s16], $0x2000  }
0x5b: {  	[sflag:s16] =	ssyncset.done $0x0  }
0x5c: {  	s0 =	rddreg [dreg:$0x1e];
	[sflag:s16] =	ssyncadd.s32 $0xFFFFE000  }
0x5d: {  	[spmem:s0] =	stream.linear.scatter [tilespmem:s15], [sflag:$0x7], $0x2000, $0x38;
	[tilespmem:$0x1E500] =	vst v63  }
0x5e: {  	_ =	swait.ge [sflag:s16], $0x2000  }
0x5f: {  	[sflag:s16] =	ssyncset.done $0x0  }
0x60: {  	s30 =	rddreg [dreg:$0x1f];
	[sflag:s16] =	ssyncadd.s32 $0xFFFFE000  }
0x61: {  	[spmem:s30] =	stream.linear.scatter [tilespmem:s15], [sflag:$0x7], $0x2000, $0x38;
	[tilespmem:$0x1E500] =	vst v63  }
0x62: {  	_ =	swait.ge [sflag:s16], $0x2000  }
0x63: {  	s2 =	smov.u32 s31;
	s31 =	sld [smem:$0x7F2]  }
0x64: {  	[sflag:s16] =	ssyncset.done $0x0  }
0x65: {  	[sflag:s16] =	ssyncadd.s32 $0xFFFFE000  }
0x66: {  	[spmem:s31] =	stream.linear.scatter [tilespmem:s15], [sflag:$0x7], $0x2000, $0x38;
	[tilespmem:$0x1E500] =	vst v63  }
0x67: {  	_ =	swait.ge [sflag:s16], $0x2000  }
0x68: {  	s30 =	sld [smem:$0x7F3]  }
0x69: {  	[sflag:s16] =	ssyncset.done $0x0  }
0x6a: {  	[sflag:s16] =	ssyncadd.s32 $0xFFFFE000  }
0x6b: {  	[spmem:s30] =	stream.linear.scatter [tilespmem:s15], [sflag:$0x7], $0x2000, $0x38;
	[tilespmem:$0x1E500] =	vst v63  }
0x6c: {  	_ =	swait.ge [sflag:s16], $0x2000  }
0x6d: {  	s31 =	sld [smem:$0x7F4]  }
0x6e: {  	[sflag:s16] =	ssyncset.done $0x0  }
0x6f: {  	[sflag:s16] =	ssyncadd.s32 $0xFFFFE000  }
0x70: {  	[spmem:s31] =	stream.linear.scatter [tilespmem:s15], [sflag:$0x7], $0x2000, $0x38;
	[tilespmem:$0x1E500] =	vst v63  }
0x71: {  	_ =	swait.ge [sflag:s16], $0x2000  }
0x72: {  	s30 =	sld [smem:$0x7F5]  }
0x73: {  	[sflag:s16] =	ssyncset.done $0x0  }
0x74: {  	[sflag:s16] =	ssyncadd.s32 $0xFFFFE000  }
0x75: {  	[spmem:s30] =	stream.linear.scatter [tilespmem:s15], [sflag:$0x7], $0x2000, $0x38;
	[tilespmem:$0x1E500] =	vst v63  }
0x76: {  	_ =	swait.ge [sflag:s16], $0x2000  }
0x77: {  	s31 =	sld [smem:$0x7F6]  }
0x78: {  	[sflag:s16] =	ssyncset.done $0x0  }
0x79: {  	[sflag:s16] =	ssyncadd.s32 $0xFFFFE000  }
0x7a: {  	[spmem:s31] =	stream.linear.scatter [tilespmem:s15], [sflag:$0x7], $0x2000, $0x38;
	[tilespmem:$0x1E500] =	vst v63  }
0x7b: {  	_ =	swait.ge [sflag:s16], $0x2000  }
0x7c: {  	s30 =	sld [smem:$0x7F7]  }
0x7d: {  	[sflag:s16] =	ssyncset.done $0x0  }
0x7e: {  	[sflag:s16] =	ssyncadd.s32 $0xFFFFE000  }
0x7f: {  	[spmem:s30] =	stream.linear.scatter [tilespmem:s15], [sflag:$0x7], $0x2000, $0x38;
	[tilespmem:$0x1E500] =	vst v63  }
0x80: {  	_ =	swait.ge [sflag:s16], $0x2000  }
0x81: {  	s31 =	sld [smem:$0x7F8]  }
0x82: {  	[sflag:s16] =	ssyncset.done $0x0  }
0x83: {  	[sflag:s16] =	ssyncadd.s32 $0xFFFFE000  }
0x84: {  	[spmem:s31] =	stream.linear.scatter [tilespmem:s15], [sflag:$0x7], $0x2000, $0x38;
	[tilespmem:$0x1E500] =	vst v63  }
0x85: {  	_ =	swait.ge [sflag:s16], $0x2000  }
0x86: {  	[sflag:s16] =	ssyncset.done $0x0  }
0x87: {  	[sflag:s16] =	ssyncadd.s32 $0xFFFFE000  }
0x88: {  	_ =	swait.ge [sflag:s17], $0x80  }
0x89: {  	[sflag:s17] =	ssyncset.done $0x0  }
0x8a: {  	[sflag:s17] =	ssyncadd.s32 $0xFFFFFF80  }
0x8b: {  	_ =	swait.ge [sflag:s17], $0x40  }
0x8c: {  	[sflag:s17] =	ssyncset.done $0x0  }
0x8d: {  	[sflag:s17] =	ssyncadd.s32 $0xFFFFFFC0  }
0x8e: {  	_ =	swait.ge [sflag:s17], $0x40  }
0x8f: {  	[sflag:s17] =	ssyncset.done $0x0  }
0x90: {  	s29 =	simm.s32 $0x0;
	[sflag:s17] =	ssyncadd.s32 $0xFFFFFFC0  }
0x91: {  	[tilespmem:s18], [sflag:$0x3] =	stream.indirect.gather [hbm4b:s22+s12], $0x80, s29, s12, $0xb8;
	[tilespmem:$0x1E500] =	vst v63  }
0x92: {  	[bflag:$0x0] =	sbarrier.arrive $0xFFFF  }
0x93: {  	_ =	swait.ge [sflag:s19], $0x4000  }
0x94: {  	[sflag:s19] =	ssyncset.done $0x0  }
0x95: {  	[sflag:s19] =	ssyncadd.s32 $0xFFFFC000  }
0x96: {  	[spmem:s1] =	stream.indirect.scatter.add.f32 [tilespmem:s18], [sflag:$0x5], $0x80, s10, s20, $0xb8;
	[tilespmem:$0x1E500] =	vst v63  }
0x97: {  	s30 =	rddreg [dreg:$0x10]  }
0x98: {  	[spmem:s1] =	stream.indirect.scatter.add.f32 [tilespmem:s21], [sflag:$0x5], $0x80, s11, s20, $0xb8;
	[tilespmem:$0x1E500] =	vst v63  }
0x99: {  	s31 =	rddreg [dreg:$0x11]  }
0x9a: {  	[tilespmem:s29], [sflag:$0x1] =	stream.linear.gather [hbm4b:s30+s29], $0x80, $0x38;
	[tilespmem:$0x1E500] =	vst v63  }
0x9b: {  	s30 =	sld [smem:$0x7FC]  }
0x9c: {  	[tilespmem:s5], [sflag:$0x1] =	stream.linear.gather [hbm4b:s31+s29], $0x40, $0x38;
	[tilespmem:$0x1E500] =	vst v63  }
0x9d: {  	_ = 	snop  }
0x9e: {  	[tilespmem:s4], [sflag:$0x1] =	stream.linear.gather [hbm4b:s30+s29], $0x40, $0x38;
	[tilespmem:$0x1E500] =	vst v63  }
0x9f: {  	_ =	swait.ge [sflag:s6], $0x80  }
0xa0: {  	[sflag:s6] =	ssyncset.done $0x0  }
0xa1: {  	[sflag:s6] =	ssyncadd.s32 $0xFFFFFF80  }
0xa2: {  	_ =	swait.ge [sflag:s6], $0x40  }
0xa3: {  	[sflag:s6] =	ssyncset.done $0x0  }
0xa4: {  	[sflag:s6] =	ssyncadd.s32 $0xFFFFFFC0  }
0xa5: {  	_ =	swait.ge [sflag:s6], $0x40  }
0xa6: {  	[sflag:s6] =	ssyncset.done $0x0  }
0xa7: {  	[sflag:s6] =	ssyncadd.s32 $0xFFFFFFC0  }
0xa8: {  	[tilespmem:s7], [sflag:$0x4] =	stream.indirect.gather [hbm4b:s22+s12], $0x80, s12, s12, $0xb8;
	[tilespmem:$0x1E500] =	vst v63  }
0xa9: {  	_ =	swait.ge [sflag:s8], $0x4000  }
0xaa: {  	[sflag:s8] =	ssyncset.done $0x0  }
0xab: {  	[sflag:s8] =	ssyncadd.s32 $0xFFFFC000  }
0xac: {  	[spmem:s1] =	stream.indirect.scatter.add.f32 [tilespmem:s7], [sflag:$0x6], $0x80, s13, s20, $0xb8;
	[tilespmem:$0x1E500] =	vst v63  }
0xad: {  	_ = 	snop  }
0xae: {  	[spmem:s1] =	stream.indirect.scatter.add.f32 [tilespmem:s9], [sflag:$0x6], $0x80, s14, s20, $0xb8;
	[tilespmem:$0x1E500] =	vst v63  }
0xaf: {  	_ =	swait.ge [sflag:s23], $0x2000  }
0xb0: {  	[sflag:s23] =	ssyncset.done $0x0  }
0xb1: {  	[sflag:s23] =	ssyncadd.s32 $0xFFFFE000  }
0xb2: {  	_ =	swait.ge [sflag:s23], $0x2000  }
0xb3: {  	s29 =	rddreg [dreg:$0xb];
	[sflag:s23] =	ssyncset.done $0x0  }
0xb4: {  	s30 =	rddreg [dreg:$0xa];
	[sflag:s23] =	ssyncadd.s32 $0xFFFFE000;
	s29 =	sadd.s32 $0x0, s29  }
0xb5: {  	[tilespmem:s12], [sflag:$0x2] =	stream.linear.gather [hbm4b:s29+s3], $0x80, $0x38;
	[tilespmem:$0x1E500] =	vst v63  }
0xb6: {  	s29 =	sadd.s32 $0x0, s30  }
0xb7: {  	[tilespmem:s24], [sflag:$0x2] =	stream.linear.gather [hbm4b:s29+s3], $0x40, $0x38;
	[tilespmem:$0x1E500] =	vst v63  }
0xb8: {  	s29 =	sadd.s32 $0x8, s29  }
0xb9: {  	[tilespmem:s25], [sflag:$0x2] =	stream.linear.gather [hbm4b:s29+s3], $0x40, $0x38;
	[tilespmem:$0x1E500] =	vst v63  }
0xba: {  	_ =	swait.ge [sflag:s17], $0x80  }
0xbb: {  	[sflag:s17] =	ssyncset.done $0x0  }
0xbc: {  	[sflag:s17] =	ssyncadd.s32 $0xFFFFFF80  }
0xbd: {  	_ =	swait.ge [sflag:s17], $0x40  }
0xbe: {  	[sflag:s17] =	ssyncset.done $0x0  }
0xbf: {  	[sflag:s17] =	ssyncadd.s32 $0xFFFFFFC0  }
0xc0: {  	_ =	swait.ge [sflag:s17], $0x40  }
0xc1: {  	[sflag:s17] =	ssyncset.done $0x0  }
0xc2: {  	[sflag:s17] =	ssyncadd.s32 $0xFFFFFFC0  }
0xc3: {  	[tilespmem:s18], [sflag:$0x3] =	stream.indirect.gather [hbm4b:s22+s12], $0x80, s3, s12, $0xb8;
	[tilespmem:$0x1E500] =	vst v63  }
0xc4: {  	_ =	swait.ge [sflag:s19], $0x4000  }
0xc5: {  	[sflag:s19] =	ssyncset.done $0x0  }
0xc6: {  	[sflag:s19] =	ssyncadd.s32 $0xFFFFC000  }
0xc7: {  	[spmem:s1] =	stream.indirect.scatter.add.f32 [tilespmem:s18], [sflag:$0x5], $0x80, s5, s20, $0xb8;
	[tilespmem:$0x1E500] =	vst v63  }
0xc8: {  	_ = 	snop  }
0xc9: {  	[spmem:s1] =	stream.indirect.scatter.add.f32 [tilespmem:s21], [sflag:$0x5], $0x80, s4, s20, $0xb8;
	[tilespmem:$0x1E500] =	vst v63  }
0xca: {  	_ =	swait.ge [sflag:s26], $0x2000  }
0xcb: {  	[sflag:s26] =	ssyncset.done $0x0  }
0xcc: {  	[sflag:s26] =	ssyncadd.s32 $0xFFFFE000  }
0xcd: {  	_ =	swait.ge [sflag:s26], $0x2000  }
0xce: {  	s29 =	rddreg [dreg:$0x9];
	[sflag:s26] =	ssyncset.done $0x0  }
0xcf: {  	s31 =	rddreg [dreg:$0x8];
	[sflag:s26] =	ssyncadd.s32 $0xFFFFE000;
	s29 =	sadd.s32 $0x0, s29  }
0xd0: {  	[tilespmem:s3], [sflag:$0x1] =	stream.linear.gather [hbm4b:s29+s3], $0x80, $0x38;
	[tilespmem:$0x1E500] =	vst v63  }
0xd1: {  	s29 =	sadd.s32 $0x0, s31  }
0xd2: {  	[tilespmem:s10], [sflag:$0x1] =	stream.linear.gather [hbm4b:s29+s3], $0x40, $0x38;
	[tilespmem:$0x1E500] =	vst v63  }
0xd3: {  	s29 =	sadd.s32 $0x8, s29  }
0xd4: {  	[tilespmem:s11], [sflag:$0x1] =	stream.linear.gather [hbm4b:s29+s3], $0x40, $0x38;
	[tilespmem:$0x1E500] =	vst v63  }
0xd5: {  	_ =	swait.ge [sflag:s6], $0x80  }
0xd6: {  	[sflag:s6] =	ssyncset.done $0x0  }
0xd7: {  	[sflag:s6] =	ssyncadd.s32 $0xFFFFFF80  }
0xd8: {  	_ =	swait.ge [sflag:s6], $0x40  }
0xd9: {  	[sflag:s6] =	ssyncset.done $0x0  }
0xda: {  	[sflag:s6] =	ssyncadd.s32 $0xFFFFFFC0  }
0xdb: {  	_ =	swait.ge [sflag:s6], $0x40  }
0xdc: {  	[sflag:s6] =	ssyncset.done $0x0  }
0xdd: {  	[sflag:s6] =	ssyncadd.s32 $0xFFFFFFC0  }
0xde: {  	[tilespmem:s7], [sflag:$0x4] =	stream.indirect.gather [hbm4b:s22+s12], $0x80, s12, s12, $0xb8;
	[tilespmem:$0x1E500] =	vst v63  }
0xdf: {  	_ =	swait.ge [sflag:s8], $0x4000  }
0xe0: {  	[sflag:s8] =	ssyncset.done $0x0  }
0xe1: {  	[sflag:s8] =	ssyncadd.s32 $0xFFFFC000  }
0xe2: {  	[spmem:s1] =	stream.indirect.scatter.add.f32 [tilespmem:s7], [sflag:$0x6], $0x80, s24, s20, $0xb8;
	[tilespmem:$0x1E500] =	vst v63  }
0xe3: {  	_ = 	snop  }
0xe4: {  	[spmem:s1] =	stream.indirect.scatter.add.f32 [tilespmem:s9], [sflag:$0x6], $0x80, s25, s20, $0xb8;
	[tilespmem:$0x1E500] =	vst v63  }
0xe5: {  	_ =	swait.ge [sflag:s23], $0x2000  }
0xe6: {  	[sflag:s23] =	ssyncset.done $0x0  }
0xe7: {  	[sflag:s23] =	ssyncadd.s32 $0xFFFFE000  }
0xe8: {  	_ =	swait.ge [sflag:s23], $0x2000  }
0xe9: {  	s29 =	rddreg [dreg:$0x7];
	[sflag:s23] =	ssyncset.done $0x0  }
0xea: {  	s0 =	rddreg [dreg:$0x6];
	[sflag:s23] =	ssyncadd.s32 $0xFFFFE000;
	s29 =	sadd.s32 $0x0, s29  }
0xeb: {  	[tilespmem:s12], [sflag:$0x2] =	stream.linear.gather [hbm4b:s29+s3], $0x80, $0x38;
	[tilespmem:$0x1E500] =	vst v63  }
0xec: {  	s29 =	sadd.s32 $0x0, s0  }
0xed: {  	[tilespmem:s13], [sflag:$0x2] =	stream.linear.gather [hbm4b:s29+s3], $0x40, $0x38;
	[tilespmem:$0x1E500] =	vst v63  }
0xee: {  	s29 =	sadd.s32 $0x8, s29  }
0xef: {  	[tilespmem:s14], [sflag:$0x2] =	stream.linear.gather [hbm4b:s29+s3], $0x40, $0x38;
	[tilespmem:$0x1E500] =	vst v63  }
0xf0: {  	_ =	swait.ge [sflag:s17], $0x80  }
0xf1: {  	[sflag:s17] =	ssyncset.done $0x0  }
0xf2: {  	[sflag:s17] =	ssyncadd.s32 $0xFFFFFF80  }
0xf3: {  	_ =	swait.ge [sflag:s17], $0x40  }
0xf4: {  	[sflag:s17] =	ssyncset.done $0x0  }
0xf5: {  	[sflag:s17] =	ssyncadd.s32 $0xFFFFFFC0  }
0xf6: {  	_ =	swait.ge [sflag:s17], $0x40  }
0xf7: {  	[sflag:s17] =	ssyncset.done $0x0  }
0xf8: {  	[sflag:s17] =	ssyncadd.s32 $0xFFFFFFC0  }
0xf9: {  	[tilespmem:s18], [sflag:$0x3] =	stream.indirect.gather [hbm4b:s22+s12], $0x80, s3, s12, $0xb8;
	[tilespmem:$0x1E500] =	vst v63  }
0xfa: {  	_ =	swait.ge [sflag:s19], $0x4000  }
0xfb: {  	[sflag:s19] =	ssyncset.done $0x0  }
0xfc: {  	[sflag:s19] =	ssyncadd.s32 $0xFFFFC000  }
0xfd: {  	[spmem:s1] =	stream.indirect.scatter.add.f32 [tilespmem:s18], [sflag:$0x5], $0x80, s10, s20, $0xb8;
	[tilespmem:$0x1E500] =	vst v63  }
0xfe: {  	_ = 	snop  }
0xff: {  	[spmem:s1] =	stream.indirect.scatter.add.f32 [tilespmem:s21], [sflag:$0x5], $0x80, s11, s20, $0xb8;
	[tilespmem:$0x1E500] =	vst v63  }
0x100: {  	_ =	swait.ge [sflag:s26], $0x2000  }
0x101: {  	[sflag:s26] =	ssyncset.done $0x0  }
0x102: {  	[sflag:s26] =	ssyncadd.s32 $0xFFFFE000  }
0x103: {  	_ =	swait.ge [sflag:s26], $0x2000  }
0x104: {  	s29 =	rddreg [dreg:$0x5];
	[sflag:s26] =	ssyncset.done $0x0  }
0x105: {  	s31 =	rddreg [dreg:$0x4];
	[sflag:s26] =	ssyncadd.s32 $0xFFFFE000;
	s29 =	sadd.s32 $0x0, s29  }
0x106: {  	[tilespmem:s3], [sflag:$0x1] =	stream.linear.gather [hbm4b:s29+s3], $0x80, $0x38;
	[tilespmem:$0x1E500] =	vst v63  }
0x107: {  	s29 =	sadd.s32 $0x0, s31  }
0x108: {  	[tilespmem:s5], [sflag:$0x1] =	stream.linear.gather [hbm4b:s29+s3], $0x40, $0x38;
	[tilespmem:$0x1E500] =	vst v63  }
0x109: {  	s29 =	sadd.s32 $0x8, s29  }
0x10a: {  	[tilespmem:s4], [sflag:$0x1] =	stream.linear.gather [hbm4b:s29+s3], $0x40, $0x38;
	[tilespmem:$0x1E500] =	vst v63  }
0x10b: {  	_ =	swait.ge [sflag:s6], $0x80  }
0x10c: {  	[sflag:s6] =	ssyncset.done $0x0  }
0x10d: {  	[sflag:s6] =	ssyncadd.s32 $0xFFFFFF80  }
0x10e: {  	_ =	swait.ge [sflag:s6], $0x40  }
0x10f: {  	[sflag:s6] =	ssyncset.done $0x0  }
0x110: {  	[sflag:s6] =	ssyncadd.s32 $0xFFFFFFC0  }
0x111: {  	_ =	swait.ge [sflag:s6], $0x40  }
0x112: {  	[sflag:s6] =	ssyncset.done $0x0  }
0x113: {  	s29 =	simm.s32 $0x40;
	[sflag:s6] =	ssyncadd.s32 $0xFFFFFFC0  }
.LBB2_4:
0x114: {  	[tilespmem:s7], [sflag:$0x4] =	stream.indirect.gather [hbm4b:s22+s12], $0x80, s12, s12, $0xb8;
	[tilespmem:$0x1E500] =	vst v63  }
0x115: {  	_ =	swait.ge [sflag:s8], $0x4000  }
0x116: {  	[sflag:s8] =	ssyncset.done $0x0  }
0x117: {  	[sflag:s8] =	ssyncadd.s32 $0xFFFFC000  }
0x118: {  	[spmem:s1] =	stream.indirect.scatter.add.f32 [tilespmem:s7], [sflag:$0x6], $0x80, s13, s20, $0xb8;
	[tilespmem:$0x1E500] =	vst v63  }
0x119: {  	_ = 	snop  }
0x11a: {  	[spmem:s1] =	stream.indirect.scatter.add.f32 [tilespmem:s9], [sflag:$0x6], $0x80, s14, s20, $0xb8;
	[tilespmem:$0x1E500] =	vst v63  }
0x11b: {  	_ =	swait.ge [sflag:s23], $0x2000  }
0x11c: {  	[sflag:s23] =	ssyncset.done $0x0  }
0x11d: {  	[sflag:s23] =	ssyncadd.s32 $0xFFFFE000  }
0x11e: {  	_ =	swait.ge [sflag:s23], $0x2000  }
0x11f: {  	s30 =	smov.u32 s29;
	s31 =	rddreg [dreg:$0xb];
	[sflag:s23] =	ssyncset.done $0x0  }
0x120: {  	s0 =	rddreg [dreg:$0xa];
	[sflag:s23] =	ssyncadd.s32 $0xFFFFE000;
	s31 =	sadd.s32 s30, s31  }
0x121: {  	[tilespmem:s12], [sflag:$0x2] =	stream.linear.gather [hbm4b:s31+s3], $0x80, $0x38;
	[tilespmem:$0x1E500] =	vst v63  }
0x122: {  	s0 =	sadd.s32 s30, s0  }
0x123: {  	[tilespmem:s24], [sflag:$0x2] =	stream.linear.gather [hbm4b:s0+s3], $0x40, $0x38;
	[tilespmem:$0x1E500] =	vst v63  }
0x124: {  	s0 =	sadd.s32 $0x8, s0  }
0x125: {  	[tilespmem:s25], [sflag:$0x2] =	stream.linear.gather [hbm4b:s0+s3], $0x40, $0x38;
	[tilespmem:$0x1E500] =	vst v63  }
0x126: {  	_ =	swait.ge [sflag:s17], $0x80  }
0x127: {  	[sflag:s17] =	ssyncset.done $0x0  }
0x128: {  	[sflag:s17] =	ssyncadd.s32 $0xFFFFFF80  }
0x129: {  	_ =	swait.ge [sflag:s17], $0x40  }
0x12a: {  	[sflag:s17] =	ssyncset.done $0x0  }
0x12b: {  	[sflag:s17] =	ssyncadd.s32 $0xFFFFFFC0  }
0x12c: {  	_ =	swait.ge [sflag:s17], $0x40  }
0x12d: {  	[sflag:s17] =	ssyncset.done $0x0  }
0x12e: {  	[sflag:s17] =	ssyncadd.s32 $0xFFFFFFC0  }
0x12f: {  	[tilespmem:s18], [sflag:$0x3] =	stream.indirect.gather [hbm4b:s22+s12], $0x80, s3, s12, $0xb8;
	[tilespmem:$0x1E500] =	vst v63  }
0x130: {  	_ =	swait.ge [sflag:s19], $0x4000  }
0x131: {  	[sflag:s19] =	ssyncset.done $0x0  }
0x132: {  	[sflag:s19] =	ssyncadd.s32 $0xFFFFC000  }
0x133: {  	[spmem:s1] =	stream.indirect.scatter.add.f32 [tilespmem:s18], [sflag:$0x5], $0x80, s5, s20, $0xb8;
	[tilespmem:$0x1E500] =	vst v63  }
0x134: {  	_ = 	snop  }
0x135: {  	[spmem:s1] =	stream.indirect.scatter.add.f32 [tilespmem:s21], [sflag:$0x5], $0x80, s4, s20, $0xb8;
	[tilespmem:$0x1E500] =	vst v63  }
0x136: {  	_ =	swait.ge [sflag:s26], $0x2000  }
0x137: {  	[sflag:s26] =	ssyncset.done $0x0  }
0x138: {  	[sflag:s26] =	ssyncadd.s32 $0xFFFFE000  }
0x139: {  	_ =	swait.ge [sflag:s26], $0x2000  }
0x13a: {  	s0 =	rddreg [dreg:$0x9];
	[sflag:s26] =	ssyncset.done $0x0  }
0x13b: {  	s31 =	rddreg [dreg:$0x8];
	[sflag:s26] =	ssyncadd.s32 $0xFFFFE000;
	s0 =	sadd.s32 s30, s0  }
0x13c: {  	[tilespmem:s3], [sflag:$0x1] =	stream.linear.gather [hbm4b:s0+s3], $0x80, $0x38;
	[tilespmem:$0x1E500] =	vst v63  }
0x13d: {  	s31 =	sadd.s32 s30, s31  }
0x13e: {  	[tilespmem:s10], [sflag:$0x1] =	stream.linear.gather [hbm4b:s31+s3], $0x40, $0x38;
	[tilespmem:$0x1E500] =	vst v63  }
0x13f: {  	s0 =	sadd.s32 $0x8, s31  }
0x140: {  	[tilespmem:s11], [sflag:$0x1] =	stream.linear.gather [hbm4b:s0+s3], $0x40, $0x38;
	[tilespmem:$0x1E500] =	vst v63  }
0x141: {  	_ =	swait.ge [sflag:s6], $0x80  }
0x142: {  	[sflag:s6] =	ssyncset.done $0x0  }
0x143: {  	[sflag:s6] =	ssyncadd.s32 $0xFFFFFF80  }
0x144: {  	_ =	swait.ge [sflag:s6], $0x40  }
0x145: {  	[sflag:s6] =	ssyncset.done $0x0  }
0x146: {  	[sflag:s6] =	ssyncadd.s32 $0xFFFFFFC0  }
0x147: {  	_ =	swait.ge [sflag:s6], $0x40  }
0x148: {  	[sflag:s6] =	ssyncset.done $0x0  }
0x149: {  	[sflag:s6] =	ssyncadd.s32 $0xFFFFFFC0  }
0x14a: {  	[tilespmem:s7], [sflag:$0x4] =	stream.indirect.gather [hbm4b:s22+s12], $0x80, s12, s12, $0xb8;
	[tilespmem:$0x1E500] =	vst v63  }
0x14b: {  	_ =	swait.ge [sflag:s8], $0x4000  }
0x14c: {  	[sflag:s8] =	ssyncset.done $0x0  }
0x14d: {  	[sflag:s8] =	ssyncadd.s32 $0xFFFFC000  }
0x14e: {  	[spmem:s1] =	stream.indirect.scatter.add.f32 [tilespmem:s7], [sflag:$0x6], $0x80, s24, s20, $0xb8;
	[tilespmem:$0x1E500] =	vst v63  }
0x14f: {  	_ = 	snop  }
0x150: {  	[spmem:s1] =	stream.indirect.scatter.add.f32 [tilespmem:s9], [sflag:$0x6], $0x80, s25, s20, $0xb8;
	[tilespmem:$0x1E500] =	vst v63  }
0x151: {  	_ =	swait.ge [sflag:s23], $0x2000  }
0x152: {  	[sflag:s23] =	ssyncset.done $0x0  }
0x153: {  	[sflag:s23] =	ssyncadd.s32 $0xFFFFE000  }
0x154: {  	_ =	swait.ge [sflag:s23], $0x2000  }
0x155: {  	s0 =	rddreg [dreg:$0x7];
	[sflag:s23] =	ssyncset.done $0x0  }
0x156: {  	s31 =	rddreg [dreg:$0x6];
	[sflag:s23] =	ssyncadd.s32 $0xFFFFE000;
	s0 =	sadd.s32 s30, s0  }
0x157: {  	[tilespmem:s12], [sflag:$0x2] =	stream.linear.gather [hbm4b:s0+s3], $0x80, $0x38;
	[tilespmem:$0x1E500] =	vst v63  }
0x158: {  	s31 =	sadd.s32 s30, s31  }
0x159: {  	[tilespmem:s13], [sflag:$0x2] =	stream.linear.gather [hbm4b:s31+s3], $0x40, $0x38;
	[tilespmem:$0x1E500] =	vst v63  }
0x15a: {  	s0 =	sadd.s32 $0x8, s31  }
0x15b: {  	[tilespmem:s14], [sflag:$0x2] =	stream.linear.gather [hbm4b:s0+s3], $0x40, $0x38;
	[tilespmem:$0x1E500] =	vst v63  }
0x15c: {  	_ =	swait.ge [sflag:s17], $0x80  }
0x15d: {  	[sflag:s17] =	ssyncset.done $0x0  }
0x15e: {  	[sflag:s17] =	ssyncadd.s32 $0xFFFFFF80  }
0x15f: {  	_ =	swait.ge [sflag:s17], $0x40  }
0x160: {  	[sflag:s17] =	ssyncset.done $0x0  }
0x161: {  	[sflag:s17] =	ssyncadd.s32 $0xFFFFFFC0  }
0x162: {  	_ =	swait.ge [sflag:s17], $0x40  }
0x163: {  	[sflag:s17] =	ssyncset.done $0x0  }
0x164: {  	[sflag:s17] =	ssyncadd.s32 $0xFFFFFFC0  }
0x165: {  	[tilespmem:s18], [sflag:$0x3] =	stream.indirect.gather [hbm4b:s22+s12], $0x80, s3, s12, $0xb8;
	[tilespmem:$0x1E500] =	vst v63  }
0x166: {  	_ =	swait.ge [sflag:s19], $0x4000  }
0x167: {  	[sflag:s19] =	ssyncset.done $0x0  }
0x168: {  	[sflag:s19] =	ssyncadd.s32 $0xFFFFC000  }
0x169: {  	[spmem:s1] =	stream.indirect.scatter.add.f32 [tilespmem:s18], [sflag:$0x5], $0x80, s10, s20, $0xb8;
	[tilespmem:$0x1E500] =	vst v63  }
0x16a: {  	_ = 	snop  }
0x16b: {  	[spmem:s1] =	stream.indirect.scatter.add.f32 [tilespmem:s21], [sflag:$0x5], $0x80, s11, s20, $0xb8;
	[tilespmem:$0x1E500] =	vst v63  }
0x16c: {  	_ =	swait.ge [sflag:s26], $0x2000  }
0x16d: {  	[sflag:s26] =	ssyncset.done $0x0  }
0x16e: {  	[sflag:s26] =	ssyncadd.s32 $0xFFFFE000  }
0x16f: {  	_ =	swait.ge [sflag:s26], $0x2000  }
0x170: {  	s0 =	rddreg [dreg:$0x5];
	[sflag:s26] =	ssyncset.done $0x0  }
0x171: {  	s31 =	rddreg [dreg:$0x4];
	[sflag:s26] =	ssyncadd.s32 $0xFFFFE000;
	s0 =	sadd.s32 s30, s0  }
0x172: {  	[tilespmem:s3], [sflag:$0x1] =	stream.linear.gather [hbm4b:s0+s3], $0x80, $0x38;
	[tilespmem:$0x1E500] =	vst v63  }
0x173: {  	s31 =	sadd.s32 s30, s31  }
0x174: {  	[tilespmem:s5], [sflag:$0x1] =	stream.linear.gather [hbm4b:s31+s3], $0x40, $0x38;
	[tilespmem:$0x1E500] =	vst v63  }
0x175: {  	s0 =	sadd.s32 $0x8, s31  }
0x176: {  	[tilespmem:s4], [sflag:$0x1] =	stream.linear.gather [hbm4b:s0+s3], $0x40, $0x38;
	[tilespmem:$0x1E500] =	vst v63  }
0x177: {  	_ =	swait.ge [sflag:s6], $0x80  }
0x178: {  	[sflag:s6] =	ssyncset.done $0x0  }
0x179: {  	[sflag:s6] =	ssyncadd.s32 $0xFFFFFF80  }
0x17a: {  	p0 =	sne.s32 s29, $0x480;
	_ =	swait.ge [sflag:s6], $0x40  }
.Ltmp1:
0x17b: {  	[sflag:s6] =	ssyncset.done $0x0;
	(pc) =	sbr.rel @p0 .LBB2_4-.Ltmp1, $4  }
0x17c: {  	[sflag:s6] =	ssyncadd.s32 $0xFFFFFFC0  }
0x17d: {  	_ =	swait.ge [sflag:s6], $0x40  }
0x17e: {  	[sflag:s6] =	ssyncset.done $0x0  }
0x17f: {  	s29 =	sadd.s32 $0x40, s29;
	[sflag:s6] =	ssyncadd.s32 $0xFFFFFFC0  }
0x180: {  	[tilespmem:s7], [sflag:$0x4] =	stream.indirect.gather [hbm4b:s22+s12], $0x80, s12, s12, $0xb8;
	[tilespmem:$0x1E500] =	vst v63  }
0x181: {  	_ =	swait.ge [sflag:s8], $0x4000  }
0x182: {  	[sflag:s8] =	ssyncset.done $0x0  }
0x183: {  	[sflag:s8] =	ssyncadd.s32 $0xFFFFC000  }
0x184: {  	[spmem:s1] =	stream.indirect.scatter.add.f32 [tilespmem:s7], [sflag:$0x6], $0x80, s13, s20, $0xb8;
	[tilespmem:$0x1E500] =	vst v63  }
0x185: {  	_ = 	snop  }
0x186: {  	[spmem:s1] =	stream.indirect.scatter.add.f32 [tilespmem:s9], [sflag:$0x6], $0x80, s14, s20, $0xb8;
	[tilespmem:$0x1E500] =	vst v63  }
0x187: {  	_ =	swait.ge [sflag:s23], $0x2000  }
0x188: {  	[sflag:s23] =	ssyncset.done $0x0  }
0x189: {  	[sflag:s23] =	ssyncadd.s32 $0xFFFFE000  }
0x18a: {  	_ =	swait.ge [sflag:s23], $0x2000  }
0x18b: {  	[sflag:s23] =	ssyncset.done $0x0;
	s0 =	rddreg [dreg:$0x13]  }
0x18c: {  	s29 =	rddreg [dreg:$0x12];
	[sflag:s23] =	ssyncadd.s32 $0xFFFFE000  }
0x18d: {  	[tilespmem:s12], [sflag:$0x2] =	stream.linear.gather [hbm4b:s0+s3], $0x80, $0x38;
	[tilespmem:$0x1E500] =	vst v63  }
0x18e: {  	s30 =	sld [smem:$0x7FD]  }
0x18f: {  	[tilespmem:s24], [sflag:$0x2] =	stream.linear.gather [hbm4b:s29+s3], $0x40, $0x38;
	[tilespmem:$0x1E500] =	vst v63  }
0x190: {  	_ = 	snop  }
0x191: {  	[tilespmem:s25], [sflag:$0x2] =	stream.linear.gather [hbm4b:s30+s3], $0x40, $0x38;
	[tilespmem:$0x1E500] =	vst v63  }
0x192: {  	_ =	swait.ge [sflag:s17], $0x80  }
0x193: {  	[sflag:s17] =	ssyncset.done $0x0  }
0x194: {  	[sflag:s17] =	ssyncadd.s32 $0xFFFFFF80  }
0x195: {  	_ =	swait.ge [sflag:s17], $0x40  }
0x196: {  	[sflag:s17] =	ssyncset.done $0x0  }
0x197: {  	[sflag:s17] =	ssyncadd.s32 $0xFFFFFFC0  }
0x198: {  	_ =	swait.ge [sflag:s17], $0x40  }
0x199: {  	[sflag:s17] =	ssyncset.done $0x0  }
0x19a: {  	[sflag:s17] =	ssyncadd.s32 $0xFFFFFFC0  }
0x19b: {  	[tilespmem:s18], [sflag:$0x3] =	stream.indirect.gather [hbm4b:s22+s12], $0x80, s3, s12, $0xb8;
	[tilespmem:$0x1E500] =	vst v63  }
0x19c: {  	_ =	swait.ge [sflag:s19], $0x4000  }
0x19d: {  	[sflag:s19] =	ssyncset.done $0x0  }
0x19e: {  	[sflag:s19] =	ssyncadd.s32 $0xFFFFC000  }
0x19f: {  	[spmem:s1] =	stream.indirect.scatter.add.f32 [tilespmem:s18], [sflag:$0x5], $0x80, s5, s20, $0xb8;
	[tilespmem:$0x1E500] =	vst v63  }
0x1a0: {  	_ = 	snop  }
0x1a1: {  	[spmem:s1] =	stream.indirect.scatter.add.f32 [tilespmem:s21], [sflag:$0x5], $0x80, s4, s20, $0xb8;
	[tilespmem:$0x1E500] =	vst v63  }
0x1a2: {  	_ =	swait.ge [sflag:s26], $0x2000  }
0x1a3: {  	[sflag:s26] =	ssyncset.done $0x0  }
0x1a4: {  	[sflag:s26] =	ssyncadd.s32 $0xFFFFE000  }
0x1a5: {  	_ =	swait.ge [sflag:s26], $0x2000  }
0x1a6: {  	[sflag:s26] =	ssyncset.done $0x0  }
0x1a7: {  	[sflag:s26] =	ssyncadd.s32 $0xFFFFE000  }
0x1a8: {  	_ =	swait.ge [sflag:s6], $0x80  }
0x1a9: {  	[sflag:s6] =	ssyncset.done $0x0  }
0x1aa: {  	[sflag:s6] =	ssyncadd.s32 $0xFFFFFF80  }
0x1ab: {  	_ =	swait.ge [sflag:s6], $0x40  }
0x1ac: {  	[sflag:s6] =	ssyncset.done $0x0  }
0x1ad: {  	[sflag:s6] =	ssyncadd.s32 $0xFFFFFFC0  }
0x1ae: {  	_ =	swait.ge [sflag:s6], $0x40  }
0x1af: {  	[sflag:s6] =	ssyncset.done $0x0  }
0x1b0: {  	[sflag:s6] =	ssyncadd.s32 $0xFFFFFFC0  }
0x1b1: {  	[tilespmem:s7], [sflag:$0x4] =	stream.indirect.gather [hbm4b:s22+s12], $0x80, s12, s12, $0xb8;
	[tilespmem:$0x1E500] =	vst v63  }
0x1b2: {  	_ =	swait.ge [sflag:s8], $0x4000  }
0x1b3: {  	[sflag:s8] =	ssyncset.done $0x0  }
0x1b4: {  	[sflag:s8] =	ssyncadd.s32 $0xFFFFC000  }
0x1b5: {  	[spmem:s1] =	stream.indirect.scatter.add.f32 [tilespmem:s7], [sflag:$0x6], $0x80, s24, s20, $0xb8;
	[tilespmem:$0x1E500] =	vst v63  }
0x1b6: {  	_ = 	snop  }
0x1b7: {  	[spmem:s1] =	stream.indirect.scatter.add.f32 [tilespmem:s9], [sflag:$0x6], $0x80, s25, s20, $0xb8;
	[tilespmem:$0x1E500] =	vst v63  }
0x1b8: {  	_ =	swait.ge [sflag:s23], $0x2000  }
0x1b9: {  	[sflag:s23] =	ssyncset.done $0x0  }
0x1ba: {  	[sflag:s23] =	ssyncadd.s32 $0xFFFFE000  }
0x1bb: {  	_ =	swait.ge [sflag:s23], $0x2000  }
0x1bc: {  	[sflag:s23] =	ssyncset.done $0x0  }
0x1bd: {  	[sflag:s23] =	ssyncadd.s32 $0xFFFFE000  }
0x1be: {  	_ =	swait.ge [sflag:s26], $0x2000  }
0x1bf: {  	[sflag:s26] =	ssyncset.done $0x0  }
0x1c0: {  	[sflag:s26] =	ssyncadd.s32 $0xFFFFE000  }
0x1c1: {  	_ =	swait.ge [sflag:s26], $0x2000  }
0x1c2: {  	[sflag:s26] =	ssyncset.done $0x0  }
0x1c3: {  	[sflag:s26] =	ssyncadd.s32 $0xFFFFE000  }
0x1c4: {  	[bflag:$0x0] =	sbarrier.arrive $0xFFFF  }
0x1c5: {  	[tilespmem:s15], [sflag:$0x7] =	stream.linear.gather [spmem:s2], $0x2000, $0x38;
	[tilespmem:$0x1E500] =	vst v63  }
0x1c6: {  	_ =	swait.ge [sflag:s16], $0x2000  }
0x1c7: {  	[sflag:s16] =	ssyncset.done $0x0  }
0x1c8: {  	s29 =	rddreg [dreg:$0x14];
	[sflag:s16] =	ssyncadd.s32 $0xFFFFE000  }
0x1c9: {  	[hbm4b:s29+s3] =	stream.linear.scatter [tilespmem:s15], [sflag:$0x7], $0x2000, $0x38;
	[tilespmem:$0x1E500] =	vst v63  }
0x1ca: {  	_ =	swait.ge [sflag:s16], $0x2000  }
0x1cb: {  	[sflag:s16] =	ssyncset.done $0x0  }
0x1cc: {  	s30 =	rddreg [dreg:$0x1e];
	[sflag:s16] =	ssyncadd.s32 $0xFFFFE000  }
0x1cd: {  	[tilespmem:s15], [sflag:$0x7] =	stream.linear.gather [spmem:s30], $0x2000, $0x38;
	[tilespmem:$0x1E500] =	vst v63  }
0x1ce: {  	_ =	swait.ge [sflag:s16], $0x2000  }
0x1cf: {  	[sflag:s16] =	ssyncset.done $0x0  }
0x1d0: {  	s31 =	smov.u32 s2;
	s2 =	rddreg [dreg:$0x15];
	[sflag:s16] =	ssyncadd.s32 $0xFFFFE000  }
0x1d1: {  	[hbm4b:s2+s3] =	stream.linear.scatter [tilespmem:s15], [sflag:$0x7], $0x2000, $0x38;
	[tilespmem:$0x1E500] =	vst v63  }
0x1d2: {  	_ =	swait.ge [sflag:s16], $0x2000  }
0x1d3: {  	[sflag:s16] =	ssyncset.done $0x0  }
0x1d4: {  	s29 =	rddreg [dreg:$0x1f];
	[sflag:s16] =	ssyncadd.s32 $0xFFFFE000  }
0x1d5: {  	[tilespmem:s15], [sflag:$0x7] =	stream.linear.gather [spmem:s29], $0x2000, $0x38;
	[tilespmem:$0x1E500] =	vst v63  }
0x1d6: {  	_ =	swait.ge [sflag:s16], $0x2000  }
0x1d7: {  	[sflag:s16] =	ssyncset.done $0x0  }
0x1d8: {  	s30 =	rddreg [dreg:$0x16];
	[sflag:s16] =	ssyncadd.s32 $0xFFFFE000  }
0x1d9: {  	[hbm4b:s30+s3] =	stream.linear.scatter [tilespmem:s15], [sflag:$0x7], $0x2000, $0x38;
	[tilespmem:$0x1E500] =	vst v63  }
0x1da: {  	_ =	swait.ge [sflag:s16], $0x2000  }
0x1db: {  	s2 =	sld [smem:$0x7F2]  }
0x1dc: {  	[sflag:s16] =	ssyncset.done $0x0  }
0x1dd: {  	[sflag:s16] =	ssyncadd.s32 $0xFFFFE000  }
0x1de: {  	[tilespmem:s15], [sflag:$0x7] =	stream.linear.gather [spmem:s2], $0x2000, $0x38;
	[tilespmem:$0x1E500] =	vst v63  }
0x1df: {  	_ =	swait.ge [sflag:s16], $0x2000  }
0x1e0: {  	[sflag:s16] =	ssyncset.done $0x0  }
0x1e1: {  	s29 =	rddreg [dreg:$0x17];
	[sflag:s16] =	ssyncadd.s32 $0xFFFFE000  }
0x1e2: {  	[hbm4b:s29+s3] =	stream.linear.scatter [tilespmem:s15], [sflag:$0x7], $0x2000, $0x38;
	[tilespmem:$0x1E500] =	vst v63  }
0x1e3: {  	_ =	swait.ge [sflag:s16], $0x2000  }
0x1e4: {  	s30 =	sld [smem:$0x7F3]  }
0x1e5: {  	[sflag:s16] =	ssyncset.done $0x0  }
0x1e6: {  	[sflag:s16] =	ssyncadd.s32 $0xFFFFE000  }
0x1e7: {  	[tilespmem:s15], [sflag:$0x7] =	stream.linear.gather [spmem:s30], $0x2000, $0x38;
	[tilespmem:$0x1E500] =	vst v63  }
0x1e8: {  	_ =	swait.ge [sflag:s16], $0x2000  }
0x1e9: {  	[sflag:s16] =	ssyncset.done $0x0  }
0x1ea: {  	s2 =	rddreg [dreg:$0x18];
	[sflag:s16] =	ssyncadd.s32 $0xFFFFE000  }
0x1eb: {  	[hbm4b:s2+s3] =	stream.linear.scatter [tilespmem:s15], [sflag:$0x7], $0x2000, $0x38;
	[tilespmem:$0x1E500] =	vst v63  }
0x1ec: {  	_ =	swait.ge [sflag:s16], $0x2000  }
0x1ed: {  	s29 =	sld [smem:$0x7F4]  }
0x1ee: {  	[sflag:s16] =	ssyncset.done $0x0  }
0x1ef: {  	[sflag:s16] =	ssyncadd.s32 $0xFFFFE000  }
0x1f0: {  	[tilespmem:s15], [sflag:$0x7] =	stream.linear.gather [spmem:s29], $0x2000, $0x38;
	[tilespmem:$0x1E500] =	vst v63  }
0x1f1: {  	_ =	swait.ge [sflag:s16], $0x2000  }
0x1f2: {  	[sflag:s16] =	ssyncset.done $0x0  }
0x1f3: {  	s30 =	rddreg [dreg:$0x19];
	[sflag:s16] =	ssyncadd.s32 $0xFFFFE000  }
0x1f4: {  	[hbm4b:s30+s3] =	stream.linear.scatter [tilespmem:s15], [sflag:$0x7], $0x2000, $0x38;
	[tilespmem:$0x1E500] =	vst v63  }
0x1f5: {  	_ =	swait.ge [sflag:s16], $0x2000  }
0x1f6: {  	s2 =	sld [smem:$0x7F5]  }
0x1f7: {  	[sflag:s16] =	ssyncset.done $0x0  }
0x1f8: {  	[sflag:s16] =	ssyncadd.s32 $0xFFFFE000  }
0x1f9: {  	[tilespmem:s15], [sflag:$0x7] =	stream.linear.gather [spmem:s2], $0x2000, $0x38;
	[tilespmem:$0x1E500] =	vst v63  }
0x1fa: {  	_ =	swait.ge [sflag:s16], $0x2000  }
0x1fb: {  	[sflag:s16] =	ssyncset.done $0x0  }
0x1fc: {  	s29 =	rddreg [dreg:$0x1a];
	[sflag:s16] =	ssyncadd.s32 $0xFFFFE000  }
0x1fd: {  	[hbm4b:s29+s3] =	stream.linear.scatter [tilespmem:s15], [sflag:$0x7], $0x2000, $0x38;
	[tilespmem:$0x1E500] =	vst v63  }
0x1fe: {  	_ =	swait.ge [sflag:s16], $0x2000  }
0x1ff: {  	s30 =	sld [smem:$0x7F6]  }
0x200: {  	[sflag:s16] =	ssyncset.done $0x0  }
0x201: {  	[sflag:s16] =	ssyncadd.s32 $0xFFFFE000  }
0x202: {  	[tilespmem:s15], [sflag:$0x7] =	stream.linear.gather [spmem:s30], $0x2000, $0x38;
	[tilespmem:$0x1E500] =	vst v63  }
0x203: {  	_ =	swait.ge [sflag:s16], $0x2000  }
0x204: {  	[sflag:s16] =	ssyncset.done $0x0  }
0x205: {  	s2 =	rddreg [dreg:$0x1b];
	[sflag:s16] =	ssyncadd.s32 $0xFFFFE000  }
0x206: {  	[hbm4b:s2+s3] =	stream.linear.scatter [tilespmem:s15], [sflag:$0x7], $0x2000, $0x38;
	[tilespmem:$0x1E500] =	vst v63  }
0x207: {  	_ =	swait.ge [sflag:s16], $0x2000  }
0x208: {  	s29 =	sld [smem:$0x7F7]  }
0x209: {  	[sflag:s16] =	ssyncset.done $0x0  }
0x20a: {  	[sflag:s16] =	ssyncadd.s32 $0xFFFFE000  }
0x20b: {  	[tilespmem:s15], [sflag:$0x7] =	stream.linear.gather [spmem:s29], $0x2000, $0x38;
	[tilespmem:$0x1E500] =	vst v63  }
0x20c: {  	_ =	swait.ge [sflag:s16], $0x2000  }
0x20d: {  	[sflag:s16] =	ssyncset.done $0x0  }
0x20e: {  	s30 =	rddreg [dreg:$0x1c];
	[sflag:s16] =	ssyncadd.s32 $0xFFFFE000  }
0x20f: {  	[hbm4b:s30+s3] =	stream.linear.scatter [tilespmem:s15], [sflag:$0x7], $0x2000, $0x38;
	[tilespmem:$0x1E500] =	vst v63  }
0x210: {  	_ =	swait.ge [sflag:s16], $0x2000  }
0x211: {  	s2 =	sld [smem:$0x7F8]  }
0x212: {  	[sflag:s16] =	ssyncset.done $0x0  }
0x213: {  	[sflag:s16] =	ssyncadd.s32 $0xFFFFE000  }
0x214: {  	[tilespmem:s15], [sflag:$0x7] =	stream.linear.gather [spmem:s2], $0x2000, $0x38;
	[tilespmem:$0x1E500] =	vst v63  }
0x215: {  	_ =	swait.ge [sflag:s16], $0x2000  }
0x216: {  	[sflag:s16] =	ssyncset.done $0x0  }
0x217: {  	s29 =	rddreg [dreg:$0x1d];
	[sflag:s16] =	ssyncadd.s32 $0xFFFFE000  }
0x218: {  	[hbm4b:s29+s3] =	stream.linear.scatter [tilespmem:s15], [sflag:$0x7], $0x2000, $0x38;
	[tilespmem:$0x1E500] =	vst v63  }
0x219: {  	_ =	swait.ge [sflag:s16], $0x2000  }
0x21a: {  	s30 =	sld [smem:$0x7F9];
	_ =	sdelay $0x1  }
0x21b: {  	s28 =	sadd.s32 $0x1, s28  }
0x21c: {  	p0 =	sne.s32 s28, s30  }
.Ltmp2:
0x21d: {  	_ = 	snop;
	(pc) =	sbr.rel @p0 .LBB2_1-.Ltmp2, $3  }
0x21e: {  	_ =	sdelay $0x1  }
0x21f: {  	[sflag:s16] =	ssyncset.done $0x0  }
0x220: {  	[sflag:s16] =	ssyncadd.s32 $0xFFFFE000  }
0x221: {  	_ =	sfence.sel $0x180000  }
0x222: {  	[bflag:$0x0] =	sbarrier.arrive $0xFFFF  }
0x223: {  	_ =	strace $0x9000004A  }
0x224: {  	s0 =	stileid.u32;
	[bflag:$0x2] =	sbarrier.arrive $0xFFFF  }
0x225: {  	p0 =	sne.s32 s0, $0x0;
	s0 =	rddreg [dreg:$0x3]  }
0x226: {  	s0 =	sadd.s32 @!p0 $0x100000, s0  }
0x227: {  	[sflag:s0] =	ssyncadd.tile.s32 @!p0 $0x1;
	_ =	shalt  }
.Lfunc_end2:
_tile_overlayer_lowered:
.L_overlay_start_2:
0x228: {  	(tag) =	ssettag $0x2  }
0x229: {  	s0 =	rddreg [dreg:$0x0];
	s2 =	stileid.u32  }
0x22a: {  	s1 =	rddreg [dreg:$0x1];
	p0 =	sne.s32 s2, $0x0  }
0x22b: {  	s3 =	rddreg [dreg:$0x2];
	[bflag:$0x3] =	sbarrier.arrive $0xFFFF;
	s2 =	simm.s32 @!p0 $0x1C07  }
0x22c: {  	[timem:s3], [sflag:s2] =	dma.local @!p0 [hbm:s0], s1  }
0x22d: {  	s0 =	simm.s32 @!p0 $0x7  }
0x22e: {  	_ =	swait.ge @!p0 [sflag:s0], s1  }
0x22f: {  	s1 =	ssub.s32 @!p0 $0x0, s1;
	[sflag:s0] =	ssyncset.done @!p0 $0x0  }
0x230: {  	[sflag:s0] =	ssyncadd.s32 @!p0 s1  }
0x231: {  	[bflag:$0x3] =	sbarrier.arrive $0xFFFF  }
0x232: {  	_ =	shalt  }

</sc_bundles>
